<compile_context>
chip_gen: v7x
topology: tpu7x:2x2x1
jax: 0.10.2.dev20260603
libtpu: 0.0.44.dev20260713+nightly
codegen_flags: <defaults>
</compile_context>

<pallas_src>
import functools

import jax
import jax.numpy as jnp
from jax import lax
from jax.experimental import pallas as pl
from jax.experimental.pallas import tpu as pltpu
from jax.experimental.pallas import tpu_sc as plsc

N = 10000
NPAD = 10240
E = 320000
EP = 100000
D = 128
H = 128
C = 10

NC = 2
NS = 16
NW = NC * NS
ECH = 128
EROWS = E // ECH
RMAX = 80
PH = 48
ERPAD = 2560
RPS = NPAD // NS
EPPAD = 100352
LCH = EPPAD // NW

_f32 = jnp.float32
_i32 = jnp.int32


def _mesh():
  return plsc.VectorSubcoreMesh(core_axis_name="c", subcore_axis_name="s")


def _tile_rows(wid):
  nrows = jnp.where(wid < 24, 80, jnp.where(wid == 31, 76, 72))
  rbase = jnp.where(wid < 24, wid * 80, 1920 + (wid - 24) * 72)
  return nrows, rbase


def _hist_body(dst_hbm, out_hbm, hist_sh, idx_v, val_v, zrow_v, isem):
  c = lax.axis_index("c")
  s = lax.axis_index("s")
  wid = c * NS + s
  nrows, rbase = _tile_rows(wid)

  icp = pltpu.async_copy(dst_hbm.at[pl.ds(rbase, RMAX)], idx_v, isem)

  ones = jnp.ones((16,), _f32)
  zeros = jnp.zeros((16,), _f32)
  for j in range(ECH // 16):
    val_v[pl.ds(j * 16, 16)] = ones

  def zfill(j, _):
    zrow_v[pl.ds(j * 16, 16)] = zeros
    return 0
  lax.fori_loop(0, RPS // 16, zfill, 0)

  pltpu.sync_copy(zrow_v, hist_sh.at[pl.ds(s * RPS, RPS)])
  icp.wait()
  plsc.subcore_barrier()

  def _drain():
    pltpu.make_async_copy(val_v, hist_sh.at[idx_v.at[0]], isem).wait()

  def chunk(i, _):
    pltpu.async_copy(val_v, hist_sh.at[idx_v.at[i]], isem, add=True)

    @pl.when(i >= 8)
    def _():
      _drain()
    return 0
  lax.fori_loop(0, nrows, chunk, 0)

  def tail(_k, _):
    _drain()
    return 0
  lax.fori_loop(0, jnp.minimum(nrows, 8), tail, 0)

  plsc.subcore_barrier()
  pltpu.sync_copy(hist_sh.at[pl.ds(s * RPS, RPS)], zrow_v)
  pltpu.sync_copy(zrow_v, out_hbm.at[c, pl.ds(s * RPS, RPS)])


def _hist_call(dst2):
  k = pl.kernel(
      _hist_body,
      out_type=jax.ShapeDtypeStruct((NC, NPAD), _f32),
      mesh=_mesh(),
      scratch_types=[
          pltpu.VMEM_SHARED((NPAD,), _f32),
          pltpu.VMEM((RMAX, ECH), _i32),
          pltpu.VMEM((ECH,), _f32),
          pltpu.VMEM((RPS,), _f32),
          pltpu.SemaphoreType.DMA,
      ],
  )
  return k(dst2)


def _seg_body(g_hbm, src_hbm, dst_hbm, out_hbm, s_sh, isrc_v, idst_v,
              rows_a, rows_b, isem, ga_sem, gb_sem, sa_sem, sb_sem):
  c = lax.axis_index("c")
  s = lax.axis_index("s")
  wid = c * NS + s
  nrows, rbase = _tile_rows(wid)

  pltpu.async_copy(src_hbm.at[pl.ds(rbase, PH)], isrc_v, isem)
  pltpu.async_copy(dst_hbm.at[pl.ds(rbase, PH)], idst_v, isem)

  zeros = jnp.zeros((16,), _f32)

  def zfill(t, _):
    rows_a[t // 8, pl.ds((t % 8) * 16, 16)] = zeros
    return 0
  lax.fori_loop(0, 32 * 8, zfill, 0)
  z32 = rows_a.at[pl.ds(0, 32)]
  for p in range(RPS // 32):
    pltpu.async_copy(z32, s_sh.at[pl.ds(s * RPS + p * 32, 32)], isem)
  for p in range(RPS // 32):
    pltpu.make_async_copy(z32, s_sh.at[pl.ds(s * RPS, 32)], isem).wait()
  pltpu.make_async_copy(src_hbm.at[pl.ds(rbase, PH)], isrc_v, isem).wait()
  pltpu.make_async_copy(dst_hbm.at[pl.ds(rbase, PH)], idst_v, isem).wait()
  plsc.subcore_barrier()

  def _gather(i, buf, sem):
    pltpu.async_copy(g_hbm.at[isrc_v.at[i]], buf, sem)

  def _scatter(i, buf, sem):
    pltpu.async_copy(buf, s_sh.at[idst_v.at[i]], sem, add=True)

  def _wait(buf, sem):
    pltpu.make_async_copy(g_hbm.at[isrc_v.at[0]], buf, sem).wait()

  def _run_phase(npairs):
    _gather(0, rows_a, ga_sem)

    def pair(j, _):
      i0 = 2 * j
      i1 = i0 + 1
      _gather(i1, rows_b, gb_sem)
      _wait(rows_a, ga_sem)
      pltpu.sync_copy(rows_a, s_sh.at[idst_v.at[i0]], add=True)

      @pl.when(j < npairs - 1)
      def _():
        _gather(i0 + 2, rows_a, ga_sem)
      _wait(rows_b, gb_sem)
      pltpu.sync_copy(rows_b, s_sh.at[idst_v.at[i1]], add=True)
      return 0
    lax.fori_loop(0, npairs, pair, 0)

  _run_phase(PH // 2)
  pltpu.sync_copy(src_hbm.at[pl.ds(rbase + PH, PH)], isrc_v)
  pltpu.sync_copy(dst_hbm.at[pl.ds(rbase + PH, PH)], idst_v)
  _run_phase((nrows - PH) // 2)

  plsc.subcore_barrier()
  rb = s * RPS
  obufs = ((rows_a, sa_sem), (rows_b, sb_sem))
  npieces = RPS // ECH
  for p in range(npieces):
    buf, ssem = obufs[p % 2]
    if p >= 2:
      pltpu.make_async_copy(buf, out_hbm.at[c, pl.ds(rb, ECH)], ssem).wait()
    pltpu.sync_copy(s_sh.at[pl.ds(rb + p * ECH, ECH)], buf)
    pltpu.async_copy(buf, out_hbm.at[c, pl.ds(rb + p * ECH, ECH)], ssem)
  for p in (npieces - 2, npieces - 1):
    buf, ssem = obufs[p % 2]
    pltpu.make_async_copy(buf, out_hbm.at[c, pl.ds(rb, ECH)], ssem).wait()


def _seg_call(g, src2, dst2):
  k = pl.kernel(
      _seg_body,
      out_type=jax.ShapeDtypeStruct((NC, NPAD, H), _f32),
      mesh=_mesh(),
      scratch_types=[
          pltpu.VMEM_SHARED((NPAD, H), _f32),
          pltpu.VMEM((PH, ECH), _i32),
          pltpu.VMEM((PH, ECH), _i32),
          pltpu.VMEM((ECH, H), _f32),
          pltpu.VMEM((ECH, H), _f32),
          pltpu.SemaphoreType.DMA,
          pltpu.SemaphoreType.DMA,
          pltpu.SemaphoreType.DMA,
          pltpu.SemaphoreType.DMA,
          pltpu.SemaphoreType.DMA,
      ],
  )
  return k(g, src2, dst2)


def _link_body(u_hbm, v_hbm, ps_hbm, pd_hbm, ns_hbm, nd_hbm,
               lp_hbm, ln_hbm, u_v, v_v, is0_v, id0_v, is1_v, id1_v,
               ob_v, ob2_v, lsem):
  c = lax.axis_index("c")
  s = lax.axis_index("s")
  wid = c * NS + s
  base = wid * LCH

  pltpu.async_copy(u_hbm, u_v, lsem)
  pltpu.async_copy(v_hbm, v_v, lsem)
  pltpu.async_copy(ps_hbm.at[pl.ds(base, LCH)], is0_v, lsem)
  pltpu.async_copy(pd_hbm.at[pl.ds(base, LCH)], id0_v, lsem)
  pltpu.async_copy(ns_hbm.at[pl.ds(base, LCH)], is1_v, lsem)
  pltpu.async_copy(nd_hbm.at[pl.ds(base, LCH)], id1_v, lsem)
  for _ in range(2):
    pltpu.make_async_copy(u_hbm, u_v, lsem).wait()
  for _ in range(4):
    pltpu.make_async_copy(ps_hbm.at[pl.ds(base, LCH)], is0_v, lsem).wait()

  for iss, ids, oh, ob in ((is0_v, id0_v, lp_hbm, ob_v),
                           (is1_v, id1_v, ln_hbm, ob2_v)):
    def gath(j, _, iss=iss, ids=ids, ob=ob):
      for t in range(4):
        o = (4 * j + t) * 16
        a = plsc.load_gather(u_v, [iss[pl.ds(o, 16)]])
        b = plsc.load_gather(v_v, [ids[pl.ds(o, 16)]])
        ob[pl.ds(o, 16)] = a + b
      return 0
    lax.fori_loop(0, LCH // 64, gath, 0)
    pltpu.async_copy(ob, oh.at[pl.ds(base, LCH)], lsem)
  for _ in range(2):
    pltpu.make_async_copy(ob_v, lp_hbm.at[pl.ds(base, LCH)], lsem).wait()


def _link_call(u, v, ps, pd, ns_, nd):
  k = pl.kernel(
      _link_body,
      out_type=[jax.ShapeDtypeStruct((EPPAD,), _f32),
                jax.ShapeDtypeStruct((EPPAD,), _f32)],
      mesh=_mesh(),
      scratch_types=[
          pltpu.VMEM((NPAD,), _f32),
          pltpu.VMEM((NPAD,), _f32),
          pltpu.VMEM((LCH,), _i32),
          pltpu.VMEM((LCH,), _i32),
          pltpu.VMEM((LCH,), _i32),
          pltpu.VMEM((LCH,), _i32),
          pltpu.VMEM((LCH,), _f32),
          pltpu.VMEM((LCH,), _f32),
          pltpu.SemaphoreType.DMA,
      ],
      compiler_params=pltpu.CompilerParams(needs_layout_passes=False),
  )
  return k(u, v, ps, pd, ns_, nd)


_BLK = 1024
_GRID = NPAD // _BLK


def _dinv_of(hist_ref):
  return lax.rsqrt(1.0 + hist_ref[0, :] + hist_ref[1, :])[:, None]


def _tc1_body(x_ref, w1_ref, hist_ref, g1_ref):
  h = jnp.dot(x_ref[...], w1_ref[...], preferred_element_type=_f32)
  g1_ref[...] = h * _dinv_of(hist_ref)


def _tc1_call(x_pad, w1, hist):
  return pl.pallas_call(
      _tc1_body,
      grid=(_GRID,),
      in_specs=[
          pl.BlockSpec((_BLK, D), lambda i: (i, 0)),
          pl.BlockSpec((D, H), lambda i: (0, 0)),
          pl.BlockSpec((NC, _BLK), lambda i: (0, i)),
      ],
      out_specs=pl.BlockSpec((_BLK, H), lambda i: (i, 0)),
      out_shape=jax.ShapeDtypeStruct((NPAD, H), _f32),
  )(x_pad, w1, hist)


def _tc2_body(s_ref, g1_ref, hist_ref, b1_ref, w2_ref, g2_ref):
  dinv = _dinv_of(hist_ref)
  o1 = jnp.maximum(
      dinv * (s_ref[0] + s_ref[1] + g1_ref[...]) + b1_ref[...], 0.0)
  h2 = jnp.dot(o1, w2_ref[...], preferred_element_type=_f32)
  g2_ref[...] = h2 * dinv


def _tc2_call(s1, g1, hist, b1, w2):
  return pl.pallas_call(
      _tc2_body,
      grid=(_GRID,),
      in_specs=[
          pl.BlockSpec((NC, _BLK, H), lambda i: (0, i, 0)),
          pl.BlockSpec((_BLK, H), lambda i: (i, 0)),
          pl.BlockSpec((NC, _BLK), lambda i: (0, i)),
          pl.BlockSpec((1, H), lambda i: (0, 0)),
          pl.BlockSpec((H, H), lambda i: (0, 0)),
      ],
      out_specs=pl.BlockSpec((_BLK, H), lambda i: (i, 0)),
      out_shape=jax.ShapeDtypeStruct((NPAD, H), _f32),
  )(s1, g1, hist, b1, w2)


def _tc3_body(s_ref, g2_ref, hist_ref, b2_ref, wc_ref, bc_ref,
              wl_ref, bl_ref, np_ref, u_ref, v_ref):
  dinv = _dinv_of(hist_ref)
  h = dinv * (s_ref[0] + s_ref[1] + g2_ref[...]) + b2_ref[...]
  nh = jnp.maximum(h, 0.0)
  logits = jnp.dot(nh, wc_ref[...], preferred_element_type=_f32) + bc_ref[...]
  m = jnp.max(logits, axis=1, keepdims=True)
  lse = jnp.log(jnp.sum(jnp.exp(logits - m), axis=1, keepdims=True)) + m
  np_ref[...] = logits - lse
  uv = jnp.dot(h, wl_ref[...], preferred_element_type=_f32)
  u_ref[...] = uv[:, 0:1] + bl_ref[...]
  v_ref[...] = uv[:, 1:2]


def _tc3_call(s2, g2, hist, b2, wc, bc, wl2, bl):
  return pl.pallas_call(
      _tc3_body,
      grid=(_GRID,),
      in_specs=[
          pl.BlockSpec((NC, _BLK, H), lambda i: (0, i, 0)),
          pl.BlockSpec((_BLK, H), lambda i: (i, 0)),
          pl.BlockSpec((NC, _BLK), lambda i: (0, i)),
          pl.BlockSpec((1, H), lambda i: (0, 0)),
          pl.BlockSpec((H, C), lambda i: (0, 0)),
          pl.BlockSpec((1, C), lambda i: (0, 0)),
          pl.BlockSpec((H, 2), lambda i: (0, 0)),
          pl.BlockSpec((1, 1), lambda i: (0, 0)),
      ],
      out_specs=[
          pl.BlockSpec((_BLK, C), lambda i: (i, 0)),
          pl.BlockSpec((_BLK, 1), lambda i: (i, 0)),
          pl.BlockSpec((_BLK, 1), lambda i: (i, 0)),
      ],
      out_shape=[
          jax.ShapeDtypeStruct((NPAD, C), _f32),
          jax.ShapeDtypeStruct((NPAD, 1), _f32),
          jax.ShapeDtypeStruct((NPAD, 1), _f32),
      ],
  )(s2, g2, hist, b2, wc, bc, wl2, bl)


def kernel(x, edge_index, edge_index_pos, edge_index_neg,
           W1, b1, W2, b2, Wc, bc, Wl, bl):
  src2 = jnp.pad(edge_index[0].reshape(EROWS, ECH),
                 ((0, ERPAD - EROWS), (0, 0)))
  dst2 = jnp.pad(edge_index[1].reshape(EROWS, ECH),
                 ((0, ERPAD - EROWS), (0, 0)))
  x_pad = jnp.pad(x, ((0, NPAD - N), (0, 0)))

  hist = _hist_call(dst2)

  g1 = _tc1_call(x_pad, W1, hist)
  s1 = _seg_call(g1, src2, dst2)
  g2 = _tc2_call(s1, g1, hist, b1.reshape(1, H), W2)
  s2 = _seg_call(g2, src2, dst2)

  wl2 = jnp.concatenate([Wl[:H], Wl[H:]], axis=1)
  node_pad, u2, v2 = _tc3_call(s2, g2, hist, b2.reshape(1, H), Wc,
                               bc.reshape(1, C), wl2, bl.reshape(1, 1))

  pad = (0, EPPAD - EP)
  lp_pad, ln_pad = _link_call(
      u2[:, 0], v2[:, 0],
      jnp.pad(edge_index_pos[0], pad), jnp.pad(edge_index_pos[1], pad),
      jnp.pad(edge_index_neg[0], pad), jnp.pad(edge_index_neg[1], pad))

  return (node_pad[:N], lp_pad[:EP], ln_pad[:EP])

# --- scband reference (transcript-rebuilt; emitter-appended) ---
"""Pipeline reference for scband-joint-model-60988535603969 (READ-ONLY COPY).

The authoritative reference and input builder live on the scoring server;
editing this copy changes nothing except your own understanding.
"""

import jax, jax.numpy as jnp
import numpy as np

N = 10000
E = 320000
EP = 100000
D = 128
H = 128
C = 10


def setup_inputs(seed: int = 0) -> dict:
    key = jax.random.key(seed)
    ks = jax.random.split(key, 16)
    x = jax.random.normal(ks[0], (N, D), dtype=jnp.float32)
    edge_index = jax.random.randint(ks[1], (2, E), 0, N, dtype=jnp.int32)
    edge_index_pos = jax.random.randint(ks[2], (2, EP), 0, N, dtype=jnp.int32)
    edge_index_neg = jax.random.randint(ks[3], (2, EP), 0, N, dtype=jnp.int32)
    # parameters: conv1 (D->H), conv2 (H->H), node classifier (H->C), link classifier (2H->1)
    W1 = jax.random.normal(ks[4], (D, H), dtype=jnp.float32) * 0.05
    b1 = jnp.zeros((H,), dtype=jnp.float32)
    W2 = jax.random.normal(ks[5], (H, H), dtype=jnp.float32) * 0.05
    b2 = jnp.zeros((H,), dtype=jnp.float32)
    Wc = jax.random.normal(ks[6], (H, C), dtype=jnp.float32) * 0.05
    bc = jnp.zeros((C,), dtype=jnp.float32)
    Wl = jax.random.normal(ks[7], (2 * H, 1), dtype=jnp.float32) * 0.05
    bl = jnp.zeros((1,), dtype=jnp.float32)
    return {"x": x, "edge_index": edge_index, "edge_index_pos": edge_index_pos,
            "edge_index_neg": edge_index_neg, "W1": W1, "b1": b1, "W2": W2, "b2": b2,
            "Wc": Wc, "bc": bc, "Wl": Wl, "bl": bl}


def _gcn_conv(x, src, dst, W, b):
    n = x.shape[0]
    loop = jnp.arange(n, dtype=src.dtype)
    s = jnp.concatenate([src, loop])
    d = jnp.concatenate([dst, loop])
    deg = jnp.zeros((n,), x.dtype).at[d].add(1.0)
    dinv = jnp.where(deg > 0, 1.0 / jnp.sqrt(jnp.maximum(deg, 1e-12)), 0.0)
    norm = dinv[s] * dinv[d]
    h = x @ W
    out = jnp.zeros((n, W.shape[1]), x.dtype).at[d].add(h[s] * norm[:, None])
    return out + b


def _base_gnn(x, src, dst, W1, b1, W2, b2):
    h = _gcn_conv(x, src, dst, W1, b1)
    h = jax.nn.relu(h)
    h = _gcn_conv(h, src, dst, W2, b2)
    return h


def reference(x, edge_index, edge_index_pos, edge_index_neg, W1, b1, W2, b2, Wc, bc, Wl, bl):
    src, dst = edge_index[0], edge_index[1]
    h = _base_gnn(x, src, dst, W1, b1, W2, b2)
    # node prediction head
    node_h = jax.nn.relu(h)
    node_logits = node_h @ Wc + bc
    node_pred = jax.nn.log_softmax(node_logits, axis=1)
    # link prediction head
    x_pos = jnp.concatenate([h[edge_index_pos[0]], h[edge_index_pos[1]]], axis=1)
    x_neg = jnp.concatenate([h[edge_index_neg[0]], h[edge_index_neg[1]]], axis=1)
    link_pos = (x_pos @ Wl + bl)[:, 0]
    link_neg = (x_neg @ Wl + bl)[:, 0]
    return (node_pred, link_pos, link_neg)

if __name__ == "__main__":
    import jax
    _d = setup_inputs()
    print(jax.jit(kernel)(*tuple(_d.values())))

</pallas_src>

<mosaic_0001>
#map = affine_map<(d0, d1) -> (0, 0)>
#map1 = affine_map<(d0, d1) -> (0, 0, 0)>
module attributes {stable_mosaic.version = 14 : i64} {
  func.func @_seg_body(%arg0: i32, %arg1: i32, %arg2: memref<10240x128xf32, #tpu.memory_space<hbm>>, %arg3: memref<2560x128xi32, #tpu.memory_space<hbm>>, %arg4: memref<2560x128xi32, #tpu.memory_space<hbm>>, %arg5: memref<2x10240x128xf32, #tpu.memory_space<hbm>>, %arg6: memref<10240x128xf32, #tpu.memory_space<vmem_shared>>, %arg7: memref<48x128xi32, #tpu.memory_space<vmem>>, %arg8: memref<48x128xi32, #tpu.memory_space<vmem>>, %arg9: memref<128x128xf32, #tpu.memory_space<vmem>>, %arg10: memref<128x128xf32, #tpu.memory_space<vmem>>, %arg11: memref<!tpu.dma_semaphore, #tpu.memory_space<semaphore_mem>>, %arg12: memref<!tpu.dma_semaphore, #tpu.memory_space<semaphore_mem>>, %arg13: memref<!tpu.dma_semaphore, #tpu.memory_space<semaphore_mem>>, %arg14: memref<!tpu.dma_semaphore, #tpu.memory_space<semaphore_mem>>, %arg15: memref<!tpu.dma_semaphore, #tpu.memory_space<semaphore_mem>>) attributes {dimension_semantics = [#tpu.dimension_semantics<core_parallel>, #tpu.dimension_semantics<subcore_parallel>], iteration_bounds = array<i64: 2, 16>, scalar_prefetch = 0 : i64, scratch_operands = 10 : i64, tpu.core_type = #tpu.core_type<sc_vector_subcore>, window_params = [{transform_indices = #map}, {transform_indices = #map}, {transform_indices = #map}, {transform_indices = #map1}]} {
    %mul3A = arith.constant 16 : i32
    %mul3A_0 = arith.muli %arg0, %mul3A : i32
    %add3A = arith.addi %mul3A_0, %arg1 : i32
    %lt3A = arith.constant 24 : i32
    %lt3A_1 = arith.cmpi slt, %add3A, %lt3A : i32
    %eq3A = arith.constant 31 : i32
    %eq3A_2 = arith.cmpi eq, %add3A, %eq3A : i32
    %jit3A = arith.constant 76 : i32
    %jit3A_3 = arith.constant 72 : i32
    %select_n3A = arith.select %eq3A_2, %jit3A, %jit3A_3 : i32
    %jit3A_4 = arith.constant 80 : i32
    %select_n3A_5 = arith.select %lt3A_1, %jit3A_4, %select_n3A : i32
    %lt3A_6 = arith.constant 24 : i32
    %lt3A_7 = arith.cmpi slt, %add3A, %lt3A_6 : i32
    %mul3A_8 = arith.constant 80 : i32
    %mul3A_9 = arith.muli %add3A, %mul3A_8 : i32
    %sub3A = arith.constant 24 : i32
    %sub3A_10 = arith.subi %add3A, %sub3A : i32
    %mul3A_11 = arith.constant 72 : i32
    %mul3A_12 = arith.muli %sub3A_10, %mul3A_11 : i32
    %add3A_13 = arith.constant 1920 : i32
    %add3A_14 = arith.addi %add3A_13, %mul3A_12 : i32
    %select_n3A_15 = arith.select %lt3A_7, %mul3A_9, %add3A_14 : i32
    %dma_start3A = arith.constant 0 : i32
    %dma_start3A_16 = tpu.memref_slice %arg3[%select_n3A_15, %dma_start3A] : memref<2560x128xi32, #tpu.memory_space<hbm>> -> memref<48x128xi32, #tpu.memory_space<hbm>>
    %dma_start3A_17 = arith.constant 0 : i32
    %dma_start3A_18 = tpu.memref_slice %arg3[%select_n3A_15, %dma_start3A_17] : memref<2560x128xi32, #tpu.memory_space<hbm>> -> memref<48x128xi32, #tpu.memory_space<hbm>>
    tpu.enqueue_dma source(%dma_start3A_18 : memref<48x128xi32, #tpu.memory_space<hbm>>) target(%arg7 : memref<48x128xi32, #tpu.memory_space<vmem>>) target_semaphore(%arg11 : memref<!tpu.dma_semaphore, #tpu.memory_space<semaphore_mem>>)
    %dma_start3A_19 = arith.constant 0 : i32
    %dma_start3A_20 = tpu.memref_slice %arg4[%select_n3A_15, %dma_start3A_19] : memref<2560x128xi32, #tpu.memory_space<hbm>> -> memref<48x128xi32, #tpu.memory_space<hbm>>
    %dma_start3A_21 = arith.constant 0 : i32
    %dma_start3A_22 = tpu.memref_slice %arg4[%select_n3A_15, %dma_start3A_21] : memref<2560x128xi32, #tpu.memory_space<hbm>> -> memref<48x128xi32, #tpu.memory_space<hbm>>
    tpu.enqueue_dma source(%dma_start3A_22 : memref<48x128xi32, #tpu.memory_space<hbm>>) target(%arg8 : memref<48x128xi32, #tpu.memory_space<vmem>>) target_semaphore(%arg11 : memref<!tpu.dma_semaphore, #tpu.memory_space<semaphore_mem>>)
    %broadcast_in_dim3A = arith.constant 0.000000e+00 : f32
    %broadcast_in_dim3A_23 = vector.broadcast %broadcast_in_dim3A : f32 to vector<16xf32>
    %scan3A = arith.constant 0 : i32
    %scan3A_24 = arith.constant 0 : i32
    %scan3A_25 = arith.constant 256 : i32
    %scan3A_26 = arith.addi %scan3A_24, %scan3A_25 : i32
    %scan3A_27 = arith.constant 1 : i32
    %scan3A_28 = scf.for %scan3A_697 = %scan3A_24 to %scan3A_26 step %scan3A_27 iter_args(%scan3A_698 = %scan3A) -> (i32)  : i32 {
      %jit3A_699 = arith.constant 8 : i32
      %div3A_700 = arith.divsi %scan3A_697, %jit3A_699 : i32
      %sign3A_701 = arith.constant 0 : i32
      %sign3A_702 = arith.cmpi sgt, %scan3A_697, %sign3A_701 : i32
      %sign3A_703 = arith.extui %sign3A_702 : i1 to i32
      %sign3A_704 = arith.constant 0 : i32
      %sign3A_705 = arith.cmpi slt, %scan3A_697, %sign3A_704 : i32
      %sign3A_706 = arith.extui %sign3A_705 : i1 to i32
      %sign3A_707 = arith.subi %sign3A_703, %sign3A_706 : i32
      %sign3A_708 = arith.constant 0 : i32
      %sign3A_709 = arith.cmpi sgt, %jit3A_699, %sign3A_708 : i32
      %sign3A_710 = arith.extui %sign3A_709 : i1 to i32
      %sign3A_711 = arith.constant 0 : i32
      %sign3A_712 = arith.cmpi slt, %jit3A_699, %sign3A_711 : i32
      %sign3A_713 = arith.extui %sign3A_712 : i1 to i32
      %sign3A_714 = arith.subi %sign3A_710, %sign3A_713 : i32
      %ne3A_715 = arith.cmpi ne, %sign3A_707, %sign3A_714 : i32
      %rem3A_716 = arith.remsi %scan3A_697, %jit3A_699 : i32
      %ne3A_717 = arith.constant 0 : i32
      %ne3A_718 = arith.cmpi ne, %rem3A_716, %ne3A_717 : i32
      %and3A_719 = arith.andi %ne3A_715, %ne3A_718 : i1
      %sub3A_720 = arith.constant 1 : i32
      %sub3A_721 = arith.subi %div3A_700, %sub3A_720 : i32
      %select_n3A_722 = arith.select %and3A_719, %sub3A_721, %div3A_700 : i32
      %jit3A_723 = arith.constant 8 : i32
      %eq3A_724 = arith.constant 0 : i32
      %eq3A_725 = arith.cmpi eq, %jit3A_723, %eq3A_724 : i32
      %jit3A_726 = arith.constant 1 : i32
      %select_n3A_727 = arith.select %eq3A_725, %jit3A_726, %jit3A_723 : i32
      %rem3A_728 = arith.remsi %scan3A_697, %select_n3A_727 : i32
      %ne3A_729 = arith.constant 0 : i32
      %ne3A_730 = arith.cmpi ne, %rem3A_728, %ne3A_729 : i32
      %lt3A_731 = arith.constant 0 : i32
      %lt3A_732 = arith.cmpi slt, %rem3A_728, %lt3A_731 : i32
      %lt3A_733 = arith.constant 0 : i32
      %lt3A_734 = arith.cmpi slt, %select_n3A_727, %lt3A_733 : i32
      %ne3A_735 = arith.xori %lt3A_732, %lt3A_734 : i1
      %and3A_736 = arith.andi %ne3A_735, %ne3A_730 : i1
      %add3A_737 = arith.addi %rem3A_728, %select_n3A_727 : i32
      %select_n3A_738 = arith.select %and3A_736, %add3A_737, %rem3A_728 : i32
      %mul3A_739 = arith.constant 16 : i32
      %mul3A_740 = arith.muli %select_n3A_738, %mul3A_739 : i32
      %swap3A = arith.index_cast %select_n3A_722 : i32 to index
      %swap3A_741 = arith.index_cast %mul3A_740 : i32 to index
      %swap3A_742 = tpu.vector_load %arg9[%swap3A, %swap3A_741] {strides = array<i32>} : memref<128x128xf32, #tpu.memory_space<vmem>>, vector<1x16xf32>,
      %swap3A_743 = vector.shape_cast %swap3A_742 : vector<1x16xf32> to vector<16xf32>
      %swap3A_744 = vector.shape_cast %broadcast_in_dim3A_23 : vector<16xf32> to vector<1x16xf32>
      tpu.vector_store %arg9[%swap3A, %swap3A_741], %swap3A_744 {strides = array<i32>} : memref<128x128xf32, #tpu.memory_space<vmem>>, vector<1x16xf32>,
      %scan3A_745 = arith.constant 0 : i32
      scf.yield %scan3A_745 : i32
    }
    %scan3A_29 = arith.constant 256 : i32
    %mul3A_30 = arith.constant 640 : i32
    %mul3A_31 = arith.muli %arg1, %mul3A_30 : i32
    %add3A_32 = arith.constant 0 : i32
    %add3A_33 = arith.addi %mul3A_31, %add3A_32 : i32
    %dma_start3A_34 = arith.constant 0 : i32
    %dma_start3A_35 = arith.constant 0 : i32
    %dma_start3A_36 = tpu.memref_slice %arg9[%dma_start3A_34, %dma_start3A_35] : memref<128x128xf32, #tpu.memory_space<vmem>> -> memref<32x128xf32, #tpu.memory_space<vmem>>
    %dma_start3A_37 = arith.constant 0 : i32
    %dma_start3A_38 = tpu.memref_slice %arg6[%add3A_33, %dma_start3A_37] : memref<10240x128xf32, #tpu.memory_space<vmem_shared>> -> memref<32x128xf32, #tpu.memory_space<vmem_shared>>
    %dma_start3A_39 = arith.constant 0 : i32
    %dma_start3A_40 = tpu.memref_slice %arg6[%add3A_33, %dma_start3A_39] : memref<10240x128xf32, #tpu.memory_space<vmem_shared>> -> memref<32x128xf32, #tpu.memory_space<vmem_shared>>
    %dma_start3A_41 = arith.constant 0 : i32
    %dma_start3A_42 = arith.constant 0 : i32
    %dma_start3A_43 = tpu.memref_slice %arg9[%dma_start3A_41, %dma_start3A_42] : memref<128x128xf32, #tpu.memory_space<vmem>> -> memref<32x128xf32, #tpu.memory_space<vmem>>
    tpu.enqueue_dma source(%dma_start3A_43 : memref<32x128xf32, #tpu.memory_space<vmem>>) target(%dma_start3A_40 : memref<32x128xf32, #tpu.memory_space<vmem_shared>>) target_semaphore(%arg11 : memref<!tpu.dma_semaphore, #tpu.memory_space<semaphore_mem>>)
    %mul3A_44 = arith.constant 640 : i32
    %mul3A_45 = arith.muli %arg1, %mul3A_44 : i32
    %add3A_46 = arith.constant 32 : i32
    %add3A_47 = arith.addi %mul3A_45, %add3A_46 : i32
    %dma_start3A_48 = arith.constant 0 : i32
    %dma_start3A_49 = arith.constant 0 : i32
    %dma_start3A_50 = tpu.memref_slice %arg9[%dma_start3A_48, %dma_start3A_49] : memref<128x128xf32, #tpu.memory_space<vmem>> -> memref<32x128xf32, #tpu.memory_space<vmem>>
    %dma_start3A_51 = arith.constant 0 : i32
    %dma_start3A_52 = tpu.memref_slice %arg6[%add3A_47, %dma_start3A_51] : memref<10240x128xf32, #tpu.memory_space<vmem_shared>> -> memref<32x128xf32, #tpu.memory_space<vmem_shared>>
    %dma_start3A_53 = arith.constant 0 : i32
    %dma_start3A_54 = tpu.memref_slice %arg6[%add3A_47, %dma_start3A_53] : memref<10240x128xf32, #tpu.memory_space<vmem_shared>> -> memref<32x128xf32, #tpu.memory_space<vmem_shared>>
    %dma_start3A_55 = arith.constant 0 : i32
    %dma_start3A_56 = arith.constant 0 : i32
    %dma_start3A_57 = tpu.memref_slice %arg9[%dma_start3A_55, %dma_start3A_56] : memref<128x128xf32, #tpu.memory_space<vmem>> -> memref<32x128xf32, #tpu.memory_space<vmem>>
    tpu.enqueue_dma source(%dma_start3A_57 : memref<32x128xf32, #tpu.memory_space<vmem>>) target(%dma_start3A_54 : memref<32x128xf32, #tpu.memory_space<vmem_shared>>) target_semaphore(%arg11 : memref<!tpu.dma_semaphore, #tpu.memory_space<semaphore_mem>>)
    %mul3A_58 = arith.constant 640 : i32
    %mul3A_59 = arith.muli %arg1, %mul3A_58 : i32
    %add3A_60 = arith.constant 64 : i32
    %add3A_61 = arith.addi %mul3A_59, %add3A_60 : i32
    %dma_start3A_62 = arith.constant 0 : i32
    %dma_start3A_63 = arith.constant 0 : i32
    %dma_start3A_64 = tpu.memref_slice %arg9[%dma_start3A_62, %dma_start3A_63] : memref<128x128xf32, #tpu.memory_space<vmem>> -> memref<32x128xf32, #tpu.memory_space<vmem>>
    %dma_start3A_65 = arith.constant 0 : i32
    %dma_start3A_66 = tpu.memref_slice %arg6[%add3A_61, %dma_start3A_65] : memref<10240x128xf32, #tpu.memory_space<vmem_shared>> -> memref<32x128xf32, #tpu.memory_space<vmem_shared>>
    %dma_start3A_67 = arith.constant 0 : i32
    %dma_start3A_68 = tpu.memref_slice %arg6[%add3A_61, %dma_start3A_67] : memref<10240x128xf32, #tpu.memory_space<vmem_shared>> -> memref<32x128xf32, #tpu.memory_space<vmem_shared>>
    %dma_start3A_69 = arith.constant 0 : i32
    %dma_start3A_70 = arith.constant 0 : i32
    %dma_start3A_71 = tpu.memref_slice %arg9[%dma_start3A_69, %dma_start3A_70] : memref<128x128xf32, #tpu.memory_space<vmem>> -> memref<32x128xf32, #tpu.memory_space<vmem>>
    tpu.enqueue_dma source(%dma_start3A_71 : memref<32x128xf32, #tpu.memory_space<vmem>>) target(%dma_start3A_68 : memref<32x128xf32, #tpu.memory_space<vmem_shared>>) target_semaphore(%arg11 : memref<!tpu.dma_semaphore, #tpu.memory_space<semaphore_mem>>)
    %mul3A_72 = arith.constant 640 : i32
    %mul3A_73 = arith.muli %arg1, %mul3A_72 : i32
    %add3A_74 = arith.constant 96 : i32
    %add3A_75 = arith.addi %mul3A_73, %add3A_74 : i32
    %dma_start3A_76 = arith.constant 0 : i32
    %dma_start3A_77 = arith.constant 0 : i32
    %dma_start3A_78 = tpu.memref_slice %arg9[%dma_start3A_76, %dma_start3A_77] : memref<128x128xf32, #tpu.memory_space<vmem>> -> memref<32x128xf32, #tpu.memory_space<vmem>>
    %dma_start3A_79 = arith.constant 0 : i32
    %dma_start3A_80 = tpu.memref_slice %arg6[%add3A_75, %dma_start3A_79] : memref<10240x128xf32, #tpu.memory_space<vmem_shared>> -> memref<32x128xf32, #tpu.memory_space<vmem_shared>>
    %dma_start3A_81 = arith.constant 0 : i32
    %dma_start3A_82 = tpu.memref_slice %arg6[%add3A_75, %dma_start3A_81] : memref<10240x128xf32, #tpu.memory_space<vmem_shared>> -> memref<32x128xf32, #tpu.memory_space<vmem_shared>>
    %dma_start3A_83 = arith.constant 0 : i32
    %dma_start3A_84 = arith.constant 0 : i32
    %dma_start3A_85 = tpu.memref_slice %arg9[%dma_start3A_83, %dma_start3A_84] : memref<128x128xf32, #tpu.memory_space<vmem>> -> memref<32x128xf32, #tpu.memory_space<vmem>>
    tpu.enqueue_dma source(%dma_start3A_85 : memref<32x128xf32, #tpu.memory_space<vmem>>) target(%dma_start3A_82 : memref<32x128xf32, #tpu.memory_space<vmem_shared>>) target_semaphore(%arg11 : memref<!tpu.dma_semaphore, #tpu.memory_space<semaphore_mem>>)
    %mul3A_86 = arith.constant 640 : i32
    %mul3A_87 = arith.muli %arg1, %mul3A_86 : i32
    %add3A_88 = arith.constant 128 : i32
    %add3A_89 = arith.addi %mul3A_87, %add3A_88 : i32
    %dma_start3A_90 = arith.constant 0 : i32
    %dma_start3A_91 = arith.constant 0 : i32
    %dma_start3A_92 = tpu.memref_slice %arg9[%dma_start3A_90, %dma_start3A_91] : memref<128x128xf32, #tpu.memory_space<vmem>> -> memref<32x128xf32, #tpu.memory_space<vmem>>
    %dma_start3A_93 = arith.constant 0 : i32
    %dma_start3A_94 = tpu.memref_slice %arg6[%add3A_89, %dma_start3A_93] : memref<10240x128xf32, #tpu.memory_space<vmem_shared>> -> memref<32x128xf32, #tpu.memory_space<vmem_shared>>
    %dma_start3A_95 = arith.constant 0 : i32
    %dma_start3A_96 = tpu.memref_slice %arg6[%add3A_89, %dma_start3A_95] : memref<10240x128xf32, #tpu.memory_space<vmem_shared>> -> memref<32x128xf32, #tpu.memory_space<vmem_shared>>
    %dma_start3A_97 = arith.constant 0 : i32
    %dma_start3A_98 = arith.constant 0 : i32
    %dma_start3A_99 = tpu.memref_slice %arg9[%dma_start3A_97, %dma_start3A_98] : memref<128x128xf32, #tpu.memory_space<vmem>> -> memref<32x128xf32, #tpu.memory_space<vmem>>
    tpu.enqueue_dma source(%dma_start3A_99 : memref<32x128xf32, #tpu.memory_space<vmem>>) target(%dma_start3A_96 : memref<32x128xf32, #tpu.memory_space<vmem_shared>>) target_semaphore(%arg11 : memref<!tpu.dma_semaphore, #tpu.memory_space<semaphore_mem>>)
    %mul3A_100 = arith.constant 640 : i32
    %mul3A_101 = arith.muli %arg1, %mul3A_100 : i32
    %add3A_102 = arith.constant 160 : i32
    %add3A_103 = arith.addi %mul3A_101, %add3A_102 : i32
    %dma_start3A_104 = arith.constant 0 : i32
    %dma_start3A_105 = arith.constant 0 : i32
    %dma_start3A_106 = tpu.memref_slice %arg9[%dma_start3A_104, %dma_start3A_105] : memref<128x128xf32, #tpu.memory_space<vmem>> -> memref<32x128xf32, #tpu.memory_space<vmem>>
    %dma_start3A_107 = arith.constant 0 : i32
    %dma_start3A_108 = tpu.memref_slice %arg6[%add3A_103, %dma_start3A_107] : memref<10240x128xf32, #tpu.memory_space<vmem_shared>> -> memref<32x128xf32, #tpu.memory_space<vmem_shared>>
    %dma_start3A_109 = arith.constant 0 : i32
    %dma_start3A_110 = tpu.memref_slice %arg6[%add3A_103, %dma_start3A_109] : memref<10240x128xf32, #tpu.memory_space<vmem_shared>> -> memref<32x128xf32, #tpu.memory_space<vmem_shared>>
    %dma_start3A_111 = arith.constant 0 : i32
    %dma_start3A_112 = arith.constant 0 : i32
    %dma_start3A_113 = tpu.memref_slice %arg9[%dma_start3A_111, %dma_start3A_112] : memref<128x128xf32, #tpu.memory_space<vmem>> -> memref<32x128xf32, #tpu.memory_space<vmem>>
    tpu.enqueue_dma source(%dma_start3A_113 : memref<32x128xf32, #tpu.memory_space<vmem>>) target(%dma_start3A_110 : memref<32x128xf32, #tpu.memory_space<vmem_shared>>) target_semaphore(%arg11 : memref<!tpu.dma_semaphore, #tpu.memory_space<semaphore_mem>>)
    %mul3A_114 = arith.constant 640 : i32
    %mul3A_115 = arith.muli %arg1, %mul3A_114 : i32
    %add3A_116 = arith.constant 192 : i32
    %add3A_117 = arith.addi %mul3A_115, %add3A_116 : i32
    %dma_start3A_118 = arith.constant 0 : i32
    %dma_start3A_119 = arith.constant 0 : i32
    %dma_start3A_120 = tpu.memref_slice %arg9[%dma_start3A_118, %dma_start3A_119] : memref<128x128xf32, #tpu.memory_space<vmem>> -> memref<32x128xf32, #tpu.memory_space<vmem>>
    %dma_start3A_121 = arith.constant 0 : i32
    %dma_start3A_122 = tpu.memref_slice %arg6[%add3A_117, %dma_start3A_121] : memref<10240x128xf32, #tpu.memory_space<vmem_shared>> -> memref<32x128xf32, #tpu.memory_space<vmem_shared>>
    %dma_start3A_123 = arith.constant 0 : i32
    %dma_start3A_124 = tpu.memref_slice %arg6[%add3A_117, %dma_start3A_123] : memref<10240x128xf32, #tpu.memory_space<vmem_shared>> -> memref<32x128xf32, #tpu.memory_space<vmem_shared>>
    %dma_start3A_125 = arith.constant 0 : i32
    %dma_start3A_126 = arith.constant 0 : i32
    %dma_start3A_127 = tpu.memref_slice %arg9[%dma_start3A_125, %dma_start3A_126] : memref<128x128xf32, #tpu.memory_space<vmem>> -> memref<32x128xf32, #tpu.memory_space<vmem>>
    tpu.enqueue_dma source(%dma_start3A_127 : memref<32x128xf32, #tpu.memory_space<vmem>>) target(%dma_start3A_124 : memref<32x128xf32, #tpu.memory_space<vmem_shared>>) target_semaphore(%arg11 : memref<!tpu.dma_semaphore, #tpu.memory_space<semaphore_mem>>)
    %mul3A_128 = arith.constant 640 : i32
    %mul3A_129 = arith.muli %arg1, %mul3A_128 : i32
    %add3A_130 = arith.constant 224 : i32
    %add3A_131 = arith.addi %mul3A_129, %add3A_130 : i32
    %dma_start3A_132 = arith.constant 0 : i32
    %dma_start3A_133 = arith.constant 0 : i32
    %dma_start3A_134 = tpu.memref_slice %arg9[%dma_start3A_132, %dma_start3A_133] : memref<128x128xf32, #tpu.memory_space<vmem>> -> memref<32x128xf32, #tpu.memory_space<vmem>>
    %dma_start3A_135 = arith.constant 0 : i32
    %dma_start3A_136 = tpu.memref_slice %arg6[%add3A_131, %dma_start3A_135] : memref<10240x128xf32, #tpu.memory_space<vmem_shared>> -> memref<32x128xf32, #tpu.memory_space<vmem_shared>>
    %dma_start3A_137 = arith.constant 0 : i32
    %dma_start3A_138 = tpu.memref_slice %arg6[%add3A_131, %dma_start3A_137] : memref<10240x128xf32, #tpu.memory_space<vmem_shared>> -> memref<32x128xf32, #tpu.memory_space<vmem_shared>>
    %dma_start3A_139 = arith.constant 0 : i32
    %dma_start3A_140 = arith.constant 0 : i32
    %dma_start3A_141 = tpu.memref_slice %arg9[%dma_start3A_139, %dma_start3A_140] : memref<128x128xf32, #tpu.memory_space<vmem>> -> memref<32x128xf32, #tpu.memory_space<vmem>>
    tpu.enqueue_dma source(%dma_start3A_141 : memref<32x128xf32, #tpu.memory_space<vmem>>) target(%dma_start3A_138 : memref<32x128xf32, #tpu.memory_space<vmem_shared>>) target_semaphore(%arg11 : memref<!tpu.dma_semaphore, #tpu.memory_space<semaphore_mem>>)
    %mul3A_142 = arith.constant 640 : i32
    %mul3A_143 = arith.muli %arg1, %mul3A_142 : i32
    %add3A_144 = arith.constant 256 : i32
    %add3A_145 = arith.addi %mul3A_143, %add3A_144 : i32
    %dma_start3A_146 = arith.constant 0 : i32
    %dma_start3A_147 = arith.constant 0 : i32
    %dma_start3A_148 = tpu.memref_slice %arg9[%dma_start3A_146, %dma_start3A_147] : memref<128x128xf32, #tpu.memory_space<vmem>> -> memref<32x128xf32, #tpu.memory_space<vmem>>
    %dma_start3A_149 = arith.constant 0 : i32
    %dma_start3A_150 = tpu.memref_slice %arg6[%add3A_145, %dma_start3A_149] : memref<10240x128xf32, #tpu.memory_space<vmem_shared>> -> memref<32x128xf32, #tpu.memory_space<vmem_shared>>
    %dma_start3A_151 = arith.constant 0 : i32
    %dma_start3A_152 = tpu.memref_slice %arg6[%add3A_145, %dma_start3A_151] : memref<10240x128xf32, #tpu.memory_space<vmem_shared>> -> memref<32x128xf32, #tpu.memory_space<vmem_shared>>
    %dma_start3A_153 = arith.constant 0 : i32
    %dma_start3A_154 = arith.constant 0 : i32
    %dma_start3A_155 = tpu.memref_slice %arg9[%dma_start3A_153, %dma_start3A_154] : memref<128x128xf32, #tpu.memory_space<vmem>> -> memref<32x128xf32, #tpu.memory_space<vmem>>
    tpu.enqueue_dma source(%dma_start3A_155 : memref<32x128xf32, #tpu.memory_space<vmem>>) target(%dma_start3A_152 : memref<32x128xf32, #tpu.memory_space<vmem_shared>>) target_semaphore(%arg11 : memref<!tpu.dma_semaphore, #tpu.memory_space<semaphore_mem>>)
    %mul3A_156 = arith.constant 640 : i32
    %mul3A_157 = arith.muli %arg1, %mul3A_156 : i32
    %add3A_158 = arith.constant 288 : i32
    %add3A_159 = arith.addi %mul3A_157, %add3A_158 : i32
    %dma_start3A_160 = arith.constant 0 : i32
    %dma_start3A_161 = arith.constant 0 : i32
    %dma_start3A_162 = tpu.memref_slice %arg9[%dma_start3A_160, %dma_start3A_161] : memref<128x128xf32, #tpu.memory_space<vmem>> -> memref<32x128xf32, #tpu.memory_space<vmem>>
    %dma_start3A_163 = arith.constant 0 : i32
    %dma_start3A_164 = tpu.memref_slice %arg6[%add3A_159, %dma_start3A_163] : memref<10240x128xf32, #tpu.memory_space<vmem_shared>> -> memref<32x128xf32, #tpu.memory_space<vmem_shared>>
    %dma_start3A_165 = arith.constant 0 : i32
    %dma_start3A_166 = tpu.memref_slice %arg6[%add3A_159, %dma_start3A_165] : memref<10240x128xf32, #tpu.memory_space<vmem_shared>> -> memref<32x128xf32, #tpu.memory_space<vmem_shared>>
    %dma_start3A_167 = arith.constant 0 : i32
    %dma_start3A_168 = arith.constant 0 : i32
    %dma_start3A_169 = tpu.memref_slice %arg9[%dma_start3A_167, %dma_start3A_168] : memref<128x128xf32, #tpu.memory_space<vmem>> -> memref<32x128xf32, #tpu.memory_space<vmem>>
    tpu.enqueue_dma source(%dma_start3A_169 : memref<32x128xf32, #tpu.memory_space<vmem>>) target(%dma_start3A_166 : memref<32x128xf32, #tpu.memory_space<vmem_shared>>) target_semaphore(%arg11 : memref<!tpu.dma_semaphore, #tpu.memory_space<semaphore_mem>>)
    %mul3A_170 = arith.constant 640 : i32
    %mul3A_171 = arith.muli %arg1, %mul3A_170 : i32
    %add3A_172 = arith.constant 320 : i32
    %add3A_173 = arith.addi %mul3A_171, %add3A_172 : i32
    %dma_start3A_174 = arith.constant 0 : i32
    %dma_start3A_175 = arith.constant 0 : i32
    %dma_start3A_176 = tpu.memref_slice %arg9[%dma_start3A_174, %dma_start3A_175] : memref<128x128xf32, #tpu.memory_space<vmem>> -> memref<32x128xf32, #tpu.memory_space<vmem>>
    %dma_start3A_177 = arith.constant 0 : i32
    %dma_start3A_178 = tpu.memref_slice %arg6[%add3A_173, %dma_start3A_177] : memref<10240x128xf32, #tpu.memory_space<vmem_shared>> -> memref<32x128xf32, #tpu.memory_space<vmem_shared>>
    %dma_start3A_179 = arith.constant 0 : i32
    %dma_start3A_180 = tpu.memref_slice %arg6[%add3A_173, %dma_start3A_179] : memref<10240x128xf32, #tpu.memory_space<vmem_shared>> -> memref<32x128xf32, #tpu.memory_space<vmem_shared>>
    %dma_start3A_181 = arith.constant 0 : i32
    %dma_start3A_182 = arith.constant 0 : i32
    %dma_start3A_183 = tpu.memref_slice %arg9[%dma_start3A_181, %dma_start3A_182] : memref<128x128xf32, #tpu.memory_space<vmem>> -> memref<32x128xf32, #tpu.memory_space<vmem>>
    tpu.enqueue_dma source(%dma_start3A_183 : memref<32x128xf32, #tpu.memory_space<vmem>>) target(%dma_start3A_180 : memref<32x128xf32, #tpu.memory_space<vmem_shared>>) target_semaphore(%arg11 : memref<!tpu.dma_semaphore, #tpu.memory_space<semaphore_mem>>)
    %mul3A_184 = arith.constant 640 : i32
    %mul3A_185 = arith.muli %arg1, %mul3A_184 : i32
    %add3A_186 = arith.constant 352 : i32
    %add3A_187 = arith.addi %mul3A_185, %add3A_186 : i32
    %dma_start3A_188 = arith.constant 0 : i32
    %dma_start3A_189 = arith.constant 0 : i32
    %dma_start3A_190 = tpu.memref_slice %arg9[%dma_start3A_188, %dma_start3A_189] : memref<128x128xf32, #tpu.memory_space<vmem>> -> memref<32x128xf32, #tpu.memory_space<vmem>>
    %dma_start3A_191 = arith.constant 0 : i32
    %dma_start3A_192 = tpu.memref_slice %arg6[%add3A_187, %dma_start3A_191] : memref<10240x128xf32, #tpu.memory_space<vmem_shared>> -> memref<32x128xf32, #tpu.memory_space<vmem_shared>>
    %dma_start3A_193 = arith.constant 0 : i32
    %dma_start3A_194 = tpu.memref_slice %arg6[%add3A_187, %dma_start3A_193] : memref<10240x128xf32, #tpu.memory_space<vmem_shared>> -> memref<32x128xf32, #tpu.memory_space<vmem_shared>>
    %dma_start3A_195 = arith.constant 0 : i32
    %dma_start3A_196 = arith.constant 0 : i32
    %dma_start3A_197 = tpu.memref_slice %arg9[%dma_start3A_195, %dma_start3A_196] : memref<128x128xf32, #tpu.memory_space<vmem>> -> memref<32x128xf32, #tpu.memory_space<vmem>>
    tpu.enqueue_dma source(%dma_start3A_197 : memref<32x128xf32, #tpu.memory_space<vmem>>) target(%dma_start3A_194 : memref<32x128xf32, #tpu.memory_space<vmem_shared>>) target_semaphore(%arg11 : memref<!tpu.dma_semaphore, #tpu.memory_space<semaphore_mem>>)
    %mul3A_198 = arith.constant 640 : i32
    %mul3A_199 = arith.muli %arg1, %mul3A_198 : i32
    %add3A_200 = arith.constant 384 : i32
    %add3A_201 = arith.addi %mul3A_199, %add3A_200 : i32
    %dma_start3A_202 = arith.constant 0 : i32
    %dma_start3A_203 = arith.constant 0 : i32
    %dma_start3A_204 = tpu.memref_slice %arg9[%dma_start3A_202, %dma_start3A_203] : memref<128x128xf32, #tpu.memory_space<vmem>> -> memref<32x128xf32, #tpu.memory_space<vmem>>
    %dma_start3A_205 = arith.constant 0 : i32
    %dma_start3A_206 = tpu.memref_slice %arg6[%add3A_201, %dma_start3A_205] : memref<10240x128xf32, #tpu.memory_space<vmem_shared>> -> memref<32x128xf32, #tpu.memory_space<vmem_shared>>
    %dma_start3A_207 = arith.constant 0 : i32
    %dma_start3A_208 = tpu.memref_slice %arg6[%add3A_201, %dma_start3A_207] : memref<10240x128xf32, #tpu.memory_space<vmem_shared>> -> memref<32x128xf32, #tpu.memory_space<vmem_shared>>
    %dma_start3A_209 = arith.constant 0 : i32
    %dma_start3A_210 = arith.constant 0 : i32
    %dma_start3A_211 = tpu.memref_slice %arg9[%dma_start3A_209, %dma_start3A_210] : memref<128x128xf32, #tpu.memory_space<vmem>> -> memref<32x128xf32, #tpu.memory_space<vmem>>
    tpu.enqueue_dma source(%dma_start3A_211 : memref<32x128xf32, #tpu.memory_space<vmem>>) target(%dma_start3A_208 : memref<32x128xf32, #tpu.memory_space<vmem_shared>>) target_semaphore(%arg11 : memref<!tpu.dma_semaphore, #tpu.memory_space<semaphore_mem>>)
    %mul3A_212 = arith.constant 640 : i32
    %mul3A_213 = arith.muli %arg1, %mul3A_212 : i32
    %add3A_214 = arith.constant 416 : i32
    %add3A_215 = arith.addi %mul3A_213, %add3A_214 : i32
    %dma_start3A_216 = arith.constant 0 : i32
    %dma_start3A_217 = arith.constant 0 : i32
    %dma_start3A_218 = tpu.memref_slice %arg9[%dma_start3A_216, %dma_start3A_217] : memref<128x128xf32, #tpu.memory_space<vmem>> -> memref<32x128xf32, #tpu.memory_space<vmem>>
    %dma_start3A_219 = arith.constant 0 : i32
    %dma_start3A_220 = tpu.memref_slice %arg6[%add3A_215, %dma_start3A_219] : memref<10240x128xf32, #tpu.memory_space<vmem_shared>> -> memref<32x128xf32, #tpu.memory_space<vmem_shared>>
    %dma_start3A_221 = arith.constant 0 : i32
    %dma_start3A_222 = tpu.memref_slice %arg6[%add3A_215, %dma_start3A_221] : memref<10240x128xf32, #tpu.memory_space<vmem_shared>> -> memref<32x128xf32, #tpu.memory_space<vmem_shared>>
    %dma_start3A_223 = arith.constant 0 : i32
    %dma_start3A_224 = arith.constant 0 : i32
    %dma_start3A_225 = tpu.memref_slice %arg9[%dma_start3A_223, %dma_start3A_224] : memref<128x128xf32, #tpu.memory_space<vmem>> -> memref<32x128xf32, #tpu.memory_space<vmem>>
    tpu.enqueue_dma source(%dma_start3A_225 : memref<32x128xf32, #tpu.memory_space<vmem>>) target(%dma_start3A_222 : memref<32x128xf32, #tpu.memory_space<vmem_shared>>) target_semaphore(%arg11 : memref<!tpu.dma_semaphore, #tpu.memory_space<semaphore_mem>>)
    %mul3A_226 = arith.constant 640 : i32
    %mul3A_227 = arith.muli %arg1, %mul3A_226 : i32
    %add3A_228 = arith.constant 448 : i32
    %add3A_229 = arith.addi %mul3A_227, %add3A_228 : i32
    %dma_start3A_230 = arith.constant 0 : i32
    %dma_start3A_231 = arith.constant 0 : i32
    %dma_start3A_232 = tpu.memref_slice %arg9[%dma_start3A_230, %dma_start3A_231] : memref<128x128xf32, #tpu.memory_space<vmem>> -> memref<32x128xf32, #tpu.memory_space<vmem>>
    %dma_start3A_233 = arith.constant 0 : i32
    %dma_start3A_234 = tpu.memref_slice %arg6[%add3A_229, %dma_start3A_233] : memref<10240x128xf32, #tpu.memory_space<vmem_shared>> -> memref<32x128xf32, #tpu.memory_space<vmem_shared>>
    %dma_start3A_235 = arith.constant 0 : i32
    %dma_start3A_236 = tpu.memref_slice %arg6[%add3A_229, %dma_start3A_235] : memref<10240x128xf32, #tpu.memory_space<vmem_shared>> -> memref<32x128xf32, #tpu.memory_space<vmem_shared>>
    %dma_start3A_237 = arith.constant 0 : i32
    %dma_start3A_238 = arith.constant 0 : i32
    %dma_start3A_239 = tpu.memref_slice %arg9[%dma_start3A_237, %dma_start3A_238] : memref<128x128xf32, #tpu.memory_space<vmem>> -> memref<32x128xf32, #tpu.memory_space<vmem>>
    tpu.enqueue_dma source(%dma_start3A_239 : memref<32x128xf32, #tpu.memory_space<vmem>>) target(%dma_start3A_236 : memref<32x128xf32, #tpu.memory_space<vmem_shared>>) target_semaphore(%arg11 : memref<!tpu.dma_semaphore, #tpu.memory_space<semaphore_mem>>)
    %mul3A_240 = arith.constant 640 : i32
    %mul3A_241 = arith.muli %arg1, %mul3A_240 : i32
    %add3A_242 = arith.constant 480 : i32
    %add3A_243 = arith.addi %mul3A_241, %add3A_242 : i32
    %dma_start3A_244 = arith.constant 0 : i32
    %dma_start3A_245 = arith.constant 0 : i32
    %dma_start3A_246 = tpu.memref_slice %arg9[%dma_start3A_244, %dma_start3A_245] : memref<128x128xf32, #tpu.memory_space<vmem>> -> memref<32x128xf32, #tpu.memory_space<vmem>>
    %dma_start3A_247 = arith.constant 0 : i32
    %dma_start3A_248 = tpu.memref_slice %arg6[%add3A_243, %dma_start3A_247] : memref<10240x128xf32, #tpu.memory_space<vmem_shared>> -> memref<32x128xf32, #tpu.memory_space<vmem_shared>>
    %dma_start3A_249 = arith.constant 0 : i32
    %dma_start3A_250 = tpu.memref_slice %arg6[%add3A_243, %dma_start3A_249] : memref<10240x128xf32, #tpu.memory_space<vmem_shared>> -> memref<32x128xf32, #tpu.memory_space<vmem_shared>>
    %dma_start3A_251 = arith.constant 0 : i32
    %dma_start3A_252 = arith.constant 0 : i32
    %dma_start3A_253 = tpu.memref_slice %arg9[%dma_start3A_251, %dma_start3A_252] : memref<128x128xf32, #tpu.memory_space<vmem>> -> memref<32x128xf32, #tpu.memory_space<vmem>>
    tpu.enqueue_dma source(%dma_start3A_253 : memref<32x128xf32, #tpu.memory_space<vmem>>) target(%dma_start3A_250 : memref<32x128xf32, #tpu.memory_space<vmem_shared>>) target_semaphore(%arg11 : memref<!tpu.dma_semaphore, #tpu.memory_space<semaphore_mem>>)
    %mul3A_254 = arith.constant 640 : i32
    %mul3A_255 = arith.muli %arg1, %mul3A_254 : i32
    %add3A_256 = arith.constant 512 : i32
    %add3A_257 = arith.addi %mul3A_255, %add3A_256 : i32
    %dma_start3A_258 = arith.constant 0 : i32
    %dma_start3A_259 = arith.constant 0 : i32
    %dma_start3A_260 = tpu.memref_slice %arg9[%dma_start3A_258, %dma_start3A_259] : memref<128x128xf32, #tpu.memory_space<vmem>> -> memref<32x128xf32, #tpu.memory_space<vmem>>
    %dma_start3A_261 = arith.constant 0 : i32
    %dma_start3A_262 = tpu.memref_slice %arg6[%add3A_257, %dma_start3A_261] : memref<10240x128xf32, #tpu.memory_space<vmem_shared>> -> memref<32x128xf32, #tpu.memory_space<vmem_shared>>
    %dma_start3A_263 = arith.constant 0 : i32
    %dma_start3A_264 = tpu.memref_slice %arg6[%add3A_257, %dma_start3A_263] : memref<10240x128xf32, #tpu.memory_space<vmem_shared>> -> memref<32x128xf32, #tpu.memory_space<vmem_shared>>
    %dma_start3A_265 = arith.constant 0 : i32
    %dma_start3A_266 = arith.constant 0 : i32
    %dma_start3A_267 = tpu.memref_slice %arg9[%dma_start3A_265, %dma_start3A_266] : memref<128x128xf32, #tpu.memory_space<vmem>> -> memref<32x128xf32, #tpu.memory_space<vmem>>
    tpu.enqueue_dma source(%dma_start3A_267 : memref<32x128xf32, #tpu.memory_space<vmem>>) target(%dma_start3A_264 : memref<32x128xf32, #tpu.memory_space<vmem_shared>>) target_semaphore(%arg11 : memref<!tpu.dma_semaphore, #tpu.memory_space<semaphore_mem>>)
    %mul3A_268 = arith.constant 640 : i32
    %mul3A_269 = arith.muli %arg1, %mul3A_268 : i32
    %add3A_270 = arith.constant 544 : i32
    %add3A_271 = arith.addi %mul3A_269, %add3A_270 : i32
    %dma_start3A_272 = arith.constant 0 : i32
    %dma_start3A_273 = arith.constant 0 : i32
    %dma_start3A_274 = tpu.memref_slice %arg9[%dma_start3A_272, %dma_start3A_273] : memref<128x128xf32, #tpu.memory_space<vmem>> -> memref<32x128xf32, #tpu.memory_space<vmem>>
    %dma_start3A_275 = arith.constant 0 : i32
    %dma_start3A_276 = tpu.memref_slice %arg6[%add3A_271, %dma_start3A_275] : memref<10240x128xf32, #tpu.memory_space<vmem_shared>> -> memref<32x128xf32, #tpu.memory_space<vmem_shared>>
    %dma_start3A_277 = arith.constant 0 : i32
    %dma_start3A_278 = tpu.memref_slice %arg6[%add3A_271, %dma_start3A_277] : memref<10240x128xf32, #tpu.memory_space<vmem_shared>> -> memref<32x128xf32, #tpu.memory_space<vmem_shared>>
    %dma_start3A_279 = arith.constant 0 : i32
    %dma_start3A_280 = arith.constant 0 : i32
    %dma_start3A_281 = tpu.memref_slice %arg9[%dma_start3A_279, %dma_start3A_280] : memref<128x128xf32, #tpu.memory_space<vmem>> -> memref<32x128xf32, #tpu.memory_space<vmem>>
    tpu.enqueue_dma source(%dma_start3A_281 : memref<32x128xf32, #tpu.memory_space<vmem>>) target(%dma_start3A_278 : memref<32x128xf32, #tpu.memory_space<vmem_shared>>) target_semaphore(%arg11 : memref<!tpu.dma_semaphore, #tpu.memory_space<semaphore_mem>>)
    %mul3A_282 = arith.constant 640 : i32
    %mul3A_283 = arith.muli %arg1, %mul3A_282 : i32
    %add3A_284 = arith.constant 576 : i32
    %add3A_285 = arith.addi %mul3A_283, %add3A_284 : i32
    %dma_start3A_286 = arith.constant 0 : i32
    %dma_start3A_287 = arith.constant 0 : i32
    %dma_start3A_288 = tpu.memref_slice %arg9[%dma_start3A_286, %dma_start3A_287] : memref<128x128xf32, #tpu.memory_space<vmem>> -> memref<32x128xf32, #tpu.memory_space<vmem>>
    %dma_start3A_289 = arith.constant 0 : i32
    %dma_start3A_290 = tpu.memref_slice %arg6[%add3A_285, %dma_start3A_289] : memref<10240x128xf32, #tpu.memory_space<vmem_shared>> -> memref<32x128xf32, #tpu.memory_space<vmem_shared>>
    %dma_start3A_291 = arith.constant 0 : i32
    %dma_start3A_292 = tpu.memref_slice %arg6[%add3A_285, %dma_start3A_291] : memref<10240x128xf32, #tpu.memory_space<vmem_shared>> -> memref<32x128xf32, #tpu.memory_space<vmem_shared>>
    %dma_start3A_293 = arith.constant 0 : i32
    %dma_start3A_294 = arith.constant 0 : i32
    %dma_start3A_295 = tpu.memref_slice %arg9[%dma_start3A_293, %dma_start3A_294] : memref<128x128xf32, #tpu.memory_space<vmem>> -> memref<32x128xf32, #tpu.memory_space<vmem>>
    tpu.enqueue_dma source(%dma_start3A_295 : memref<32x128xf32, #tpu.memory_space<vmem>>) target(%dma_start3A_292 : memref<32x128xf32, #tpu.memory_space<vmem_shared>>) target_semaphore(%arg11 : memref<!tpu.dma_semaphore, #tpu.memory_space<semaphore_mem>>)
    %mul3A_296 = arith.constant 640 : i32
    %mul3A_297 = arith.muli %arg1, %mul3A_296 : i32
    %add3A_298 = arith.constant 608 : i32
    %add3A_299 = arith.addi %mul3A_297, %add3A_298 : i32
    %dma_start3A_300 = arith.constant 0 : i32
    %dma_start3A_301 = arith.constant 0 : i32
    %dma_start3A_302 = tpu.memref_slice %arg9[%dma_start3A_300, %dma_start3A_301] : memref<128x128xf32, #tpu.memory_space<vmem>> -> memref<32x128xf32, #tpu.memory_space<vmem>>
    %dma_start3A_303 = arith.constant 0 : i32
    %dma_start3A_304 = tpu.memref_slice %arg6[%add3A_299, %dma_start3A_303] : memref<10240x128xf32, #tpu.memory_space<vmem_shared>> -> memref<32x128xf32, #tpu.memory_space<vmem_shared>>
    %dma_start3A_305 = arith.constant 0 : i32
    %dma_start3A_306 = tpu.memref_slice %arg6[%add3A_299, %dma_start3A_305] : memref<10240x128xf32, #tpu.memory_space<vmem_shared>> -> memref<32x128xf32, #tpu.memory_space<vmem_shared>>
    %dma_start3A_307 = arith.constant 0 : i32
    %dma_start3A_308 = arith.constant 0 : i32
    %dma_start3A_309 = tpu.memref_slice %arg9[%dma_start3A_307, %dma_start3A_308] : memref<128x128xf32, #tpu.memory_space<vmem>> -> memref<32x128xf32, #tpu.memory_space<vmem>>
    tpu.enqueue_dma source(%dma_start3A_309 : memref<32x128xf32, #tpu.memory_space<vmem>>) target(%dma_start3A_306 : memref<32x128xf32, #tpu.memory_space<vmem_shared>>) target_semaphore(%arg11 : memref<!tpu.dma_semaphore, #tpu.memory_space<semaphore_mem>>)
    %mul3A_310 = arith.constant 640 : i32
    %mul3A_311 = arith.muli %arg1, %mul3A_310 : i32
    %dma_wait3A = arith.constant 0 : i32
    %dma_wait3A_312 = arith.constant 0 : i32
    %dma_wait3A_313 = tpu.memref_slice %arg9[%dma_wait3A, %dma_wait3A_312] : memref<128x128xf32, #tpu.memory_space<vmem>> -> memref<32x128xf32, #tpu.memory_space<vmem>>
    %dma_wait3A_314 = arith.constant 0 : i32
    %dma_wait3A_315 = tpu.memref_slice %arg6[%mul3A_311, %dma_wait3A_314] : memref<10240x128xf32, #tpu.memory_space<vmem_shared>> -> memref<32x128xf32, #tpu.memory_space<vmem_shared>>
    %dma_wait3A_316 = arith.constant 0 : i32
    %dma_wait3A_317 = tpu.memref_slice %arg6[%mul3A_311, %dma_wait3A_316] : memref<10240x128xf32, #tpu.memory_space<vmem_shared>> -> memref<32x128xf32, #tpu.memory_space<vmem_shared>>
    %dma_wait3A_318 = arith.constant 0 : i32
    %dma_wait3A_319 = arith.constant 0 : i32
    %dma_wait3A_320 = tpu.memref_slice %arg9[%dma_wait3A_318, %dma_wait3A_319] : memref<128x128xf32, #tpu.memory_space<vmem>> -> memref<32x128xf32, #tpu.memory_space<vmem>>
    tpu.wait_dma2 semaphore(%arg11 : memref<!tpu.dma_semaphore, #tpu.memory_space<semaphore_mem>>) src(%dma_wait3A_320 : memref<32x128xf32, #tpu.memory_space<vmem>>) dst(%dma_wait3A_317 : memref<32x128xf32, #tpu.memory_space<vmem_shared>>)
    %mul3A_321 = arith.constant 640 : i32
    %mul3A_322 = arith.muli %arg1, %mul3A_321 : i32
    %dma_wait3A_323 = arith.constant 0 : i32
    %dma_wait3A_324 = arith.constant 0 : i32
    %dma_wait3A_325 = tpu.memref_slice %arg9[%dma_wait3A_323, %dma_wait3A_324] : memref<128x128xf32, #tpu.memory_space<vmem>> -> memref<32x128xf32, #tpu.memory_space<vmem>>
    %dma_wait3A_326 = arith.constant 0 : i32
    %dma_wait3A_327 = tpu.memref_slice %arg6[%mul3A_322, %dma_wait3A_326] : memref<10240x128xf32, #tpu.memory_space<vmem_shared>> -> memref<32x128xf32, #tpu.memory_space<vmem_shared>>
    %dma_wait3A_328 = arith.constant 0 : i32
    %dma_wait3A_329 = tpu.memref_slice %arg6[%mul3A_322, %dma_wait3A_328] : memref<10240x128xf32, #tpu.memory_space<vmem_shared>> -> memref<32x128xf32, #tpu.memory_space<vmem_shared>>
    %dma_wait3A_330 = arith.constant 0 : i32
    %dma_wait3A_331 = arith.constant 0 : i32
    %dma_wait3A_332 = tpu.memref_slice %arg9[%dma_wait3A_330, %dma_wait3A_331] : memref<128x128xf32, #tpu.memory_space<vmem>> -> memref<32x128xf32, #tpu.memory_space<vmem>>
    tpu.wait_dma2 semaphore(%arg11 : memref<!tpu.dma_semaphore, #tpu.memory_space<semaphore_mem>>) src(%dma_wait3A_332 : memref<32x128xf32, #tpu.memory_space<vmem>>) dst(%dma_wait3A_329 : memref<32x128xf32, #tpu.memory_space<vmem_shared>>)
    %mul3A_333 = arith.constant 640 : i32
    %mul3A_334 = arith.muli %arg1, %mul3A_333 : i32
    %dma_wait3A_335 = arith.constant 0 : i32
    %dma_wait3A_336 = arith.constant 0 : i32
    %dma_wait3A_337 = tpu.memref_slice %arg9[%dma_wait3A_335, %dma_wait3A_336] : memref<128x128xf32, #tpu.memory_space<vmem>> -> memref<32x128xf32, #tpu.memory_space<vmem>>
    %dma_wait3A_338 = arith.constant 0 : i32
    %dma_wait3A_339 = tpu.memref_slice %arg6[%mul3A_334, %dma_wait3A_338] : memref<10240x128xf32, #tpu.memory_space<vmem_shared>> -> memref<32x128xf32, #tpu.memory_space<vmem_shared>>
    %dma_wait3A_340 = arith.constant 0 : i32
    %dma_wait3A_341 = tpu.memref_slice %arg6[%mul3A_334, %dma_wait3A_340] : memref<10240x128xf32, #tpu.memory_space<vmem_shared>> -> memref<32x128xf32, #tpu.memory_space<vmem_shared>>
    %dma_wait3A_342 = arith.constant 0 : i32
    %dma_wait3A_343 = arith.constant 0 : i32
    %dma_wait3A_344 = tpu.memref_slice %arg9[%dma_wait3A_342, %dma_wait3A_343] : memref<128x128xf32, #tpu.memory_space<vmem>> -> memref<32x128xf32, #tpu.memory_space<vmem>>
    tpu.wait_dma2 semaphore(%arg11 : memref<!tpu.dma_semaphore, #tpu.memory_space<semaphore_mem>>) src(%dma_wait3A_344 : memref<32x128xf32, #tpu.memory_space<vmem>>) dst(%dma_wait3A_341 : memref<32x128xf32, #tpu.memory_space<vmem_shared>>)
    %mul3A_345 = arith.constant 640 : i32
    %mul3A_346 = arith.muli %arg1, %mul3A_345 : i32
    %dma_wait3A_347 = arith.constant 0 : i32
    %dma_wait3A_348 = arith.constant 0 : i32
    %dma_wait3A_349 = tpu.memref_slice %arg9[%dma_wait3A_347, %dma_wait3A_348] : memref<128x128xf32, #tpu.memory_space<vmem>> -> memref<32x128xf32, #tpu.memory_space<vmem>>
    %dma_wait3A_350 = arith.constant 0 : i32
    %dma_wait3A_351 = tpu.memref_slice %arg6[%mul3A_346, %dma_wait3A_350] : memref<10240x128xf32, #tpu.memory_space<vmem_shared>> -> memref<32x128xf32, #tpu.memory_space<vmem_shared>>
    %dma_wait3A_352 = arith.constant 0 : i32
    %dma_wait3A_353 = tpu.memref_slice %arg6[%mul3A_346, %dma_wait3A_352] : memref<10240x128xf32, #tpu.memory_space<vmem_shared>> -> memref<32x128xf32, #tpu.memory_space<vmem_shared>>
    %dma_wait3A_354 = arith.constant 0 : i32
    %dma_wait3A_355 = arith.constant 0 : i32
    %dma_wait3A_356 = tpu.memref_slice %arg9[%dma_wait3A_354, %dma_wait3A_355] : memref<128x128xf32, #tpu.memory_space<vmem>> -> memref<32x128xf32, #tpu.memory_space<vmem>>
    tpu.wait_dma2 semaphore(%arg11 : memref<!tpu.dma_semaphore, #tpu.memory_space<semaphore_mem>>) src(%dma_wait3A_356 : memref<32x128xf32, #tpu.memory_space<vmem>>) dst(%dma_wait3A_353 : memref<32x128xf32, #tpu.memory_space<vmem_shared>>)
    %mul3A_357 = arith.constant 640 : i32
    %mul3A_358 = arith.muli %arg1, %mul3A_357 : i32
    %dma_wait3A_359 = arith.constant 0 : i32
    %dma_wait3A_360 = arith.constant 0 : i32
    %dma_wait3A_361 = tpu.memref_slice %arg9[%dma_wait3A_359, %dma_wait3A_360] : memref<128x128xf32, #tpu.memory_space<vmem>> -> memref<32x128xf32, #tpu.memory_space<vmem>>
    %dma_wait3A_362 = arith.constant 0 : i32
    %dma_wait3A_363 = tpu.memref_slice %arg6[%mul3A_358, %dma_wait3A_362] : memref<10240x128xf32, #tpu.memory_space<vmem_shared>> -> memref<32x128xf32, #tpu.memory_space<vmem_shared>>
    %dma_wait3A_364 = arith.constant 0 : i32
    %dma_wait3A_365 = tpu.memref_slice %arg6[%mul3A_358, %dma_wait3A_364] : memref<10240x128xf32, #tpu.memory_space<vmem_shared>> -> memref<32x128xf32, #tpu.memory_space<vmem_shared>>
    %dma_wait3A_366 = arith.constant 0 : i32
    %dma_wait3A_367 = arith.constant 0 : i32
    %dma_wait3A_368 = tpu.memref_slice %arg9[%dma_wait3A_366, %dma_wait3A_367] : memref<128x128xf32, #tpu.memory_space<vmem>> -> memref<32x128xf32, #tpu.memory_space<vmem>>
    tpu.wait_dma2 semaphore(%arg11 : memref<!tpu.dma_semaphore, #tpu.memory_space<semaphore_mem>>) src(%dma_wait3A_368 : memref<32x128xf32, #tpu.memory_space<vmem>>) dst(%dma_wait3A_365 : memref<32x128xf32, #tpu.memory_space<vmem_shared>>)
    %mul3A_369 = arith.constant 640 : i32
    %mul3A_370 = arith.muli %arg1, %mul3A_369 : i32
    %dma_wait3A_371 = arith.constant 0 : i32
    %dma_wait3A_372 = arith.constant 0 : i32
    %dma_wait3A_373 = tpu.memref_slice %arg9[%dma_wait3A_371, %dma_wait3A_372] : memref<128x128xf32, #tpu.memory_space<vmem>> -> memref<32x128xf32, #tpu.memory_space<vmem>>
    %dma_wait3A_374 = arith.constant 0 : i32
    %dma_wait3A_375 = tpu.memref_slice %arg6[%mul3A_370, %dma_wait3A_374] : memref<10240x128xf32, #tpu.memory_space<vmem_shared>> -> memref<32x128xf32, #tpu.memory_space<vmem_shared>>
    %dma_wait3A_376 = arith.constant 0 : i32
    %dma_wait3A_377 = tpu.memref_slice %arg6[%mul3A_370, %dma_wait3A_376] : memref<10240x128xf32, #tpu.memory_space<vmem_shared>> -> memref<32x128xf32, #tpu.memory_space<vmem_shared>>
    %dma_wait3A_378 = arith.constant 0 : i32
    %dma_wait3A_379 = arith.constant 0 : i32
    %dma_wait3A_380 = tpu.memref_slice %arg9[%dma_wait3A_378, %dma_wait3A_379] : memref<128x128xf32, #tpu.memory_space<vmem>> -> memref<32x128xf32, #tpu.memory_space<vmem>>
    tpu.wait_dma2 semaphore(%arg11 : memref<!tpu.dma_semaphore, #tpu.memory_space<semaphore_mem>>) src(%dma_wait3A_380 : memref<32x128xf32, #tpu.memory_space<vmem>>) dst(%dma_wait3A_377 : memref<32x128xf32, #tpu.memory_space<vmem_shared>>)
    %mul3A_381 = arith.constant 640 : i32
    %mul3A_382 = arith.muli %arg1, %mul3A_381 : i32
    %dma_wait3A_383 = arith.constant 0 : i32
    %dma_wait3A_384 = arith.constant 0 : i32
    %dma_wait3A_385 = tpu.memref_slice %arg9[%dma_wait3A_383, %dma_wait3A_384] : memref<128x128xf32, #tpu.memory_space<vmem>> -> memref<32x128xf32, #tpu.memory_space<vmem>>
    %dma_wait3A_386 = arith.constant 0 : i32
    %dma_wait3A_387 = tpu.memref_slice %arg6[%mul3A_382, %dma_wait3A_386] : memref<10240x128xf32, #tpu.memory_space<vmem_shared>> -> memref<32x128xf32, #tpu.memory_space<vmem_shared>>
    %dma_wait3A_388 = arith.constant 0 : i32
    %dma_wait3A_389 = tpu.memref_slice %arg6[%mul3A_382, %dma_wait3A_388] : memref<10240x128xf32, #tpu.memory_space<vmem_shared>> -> memref<32x128xf32, #tpu.memory_space<vmem_shared>>
    %dma_wait3A_390 = arith.constant 0 : i32
    %dma_wait3A_391 = arith.constant 0 : i32
    %dma_wait3A_392 = tpu.memref_slice %arg9[%dma_wait3A_390, %dma_wait3A_391] : memref<128x128xf32, #tpu.memory_space<vmem>> -> memref<32x128xf32, #tpu.memory_space<vmem>>
    tpu.wait_dma2 semaphore(%arg11 : memref<!tpu.dma_semaphore, #tpu.memory_space<semaphore_mem>>) src(%dma_wait3A_392 : memref<32x128xf32, #tpu.memory_space<vmem>>) dst(%dma_wait3A_389 : memref<32x128xf32, #tpu.memory_space<vmem_shared>>)
    %mul3A_393 = arith.constant 640 : i32
    %mul3A_394 = arith.muli %arg1, %mul3A_393 : i32
    %dma_wait3A_395 = arith.constant 0 : i32
    %dma_wait3A_396 = arith.constant 0 : i32
    %dma_wait3A_397 = tpu.memref_slice %arg9[%dma_wait3A_395, %dma_wait3A_396] : memref<128x128xf32, #tpu.memory_space<vmem>> -> memref<32x128xf32, #tpu.memory_space<vmem>>
    %dma_wait3A_398 = arith.constant 0 : i32
    %dma_wait3A_399 = tpu.memref_slice %arg6[%mul3A_394, %dma_wait3A_398] : memref<10240x128xf32, #tpu.memory_space<vmem_shared>> -> memref<32x128xf32, #tpu.memory_space<vmem_shared>>
    %dma_wait3A_400 = arith.constant 0 : i32
    %dma_wait3A_401 = tpu.memref_slice %arg6[%mul3A_394, %dma_wait3A_400] : memref<10240x128xf32, #tpu.memory_space<vmem_shared>> -> memref<32x128xf32, #tpu.memory_space<vmem_shared>>
    %dma_wait3A_402 = arith.constant 0 : i32
    %dma_wait3A_403 = arith.constant 0 : i32
    %dma_wait3A_404 = tpu.memref_slice %arg9[%dma_wait3A_402, %dma_wait3A_403] : memref<128x128xf32, #tpu.memory_space<vmem>> -> memref<32x128xf32, #tpu.memory_space<vmem>>
    tpu.wait_dma2 semaphore(%arg11 : memref<!tpu.dma_semaphore, #tpu.memory_space<semaphore_mem>>) src(%dma_wait3A_404 : memref<32x128xf32, #tpu.memory_space<vmem>>) dst(%dma_wait3A_401 : memref<32x128xf32, #tpu.memory_space<vmem_shared>>)
    %mul3A_405 = arith.constant 640 : i32
    %mul3A_406 = arith.muli %arg1, %mul3A_405 : i32
    %dma_wait3A_407 = arith.constant 0 : i32
    %dma_wait3A_408 = arith.constant 0 : i32
    %dma_wait3A_409 = tpu.memref_slice %arg9[%dma_wait3A_407, %dma_wait3A_408] : memref<128x128xf32, #tpu.memory_space<vmem>> -> memref<32x128xf32, #tpu.memory_space<vmem>>
    %dma_wait3A_410 = arith.constant 0 : i32
    %dma_wait3A_411 = tpu.memref_slice %arg6[%mul3A_406, %dma_wait3A_410] : memref<10240x128xf32, #tpu.memory_space<vmem_shared>> -> memref<32x128xf32, #tpu.memory_space<vmem_shared>>
    %dma_wait3A_412 = arith.constant 0 : i32
    %dma_wait3A_413 = tpu.memref_slice %arg6[%mul3A_406, %dma_wait3A_412] : memref<10240x128xf32, #tpu.memory_space<vmem_shared>> -> memref<32x128xf32, #tpu.memory_space<vmem_shared>>
    %dma_wait3A_414 = arith.constant 0 : i32
    %dma_wait3A_415 = arith.constant 0 : i32
    %dma_wait3A_416 = tpu.memref_slice %arg9[%dma_wait3A_414, %dma_wait3A_415] : memref<128x128xf32, #tpu.memory_space<vmem>> -> memref<32x128xf32, #tpu.memory_space<vmem>>
    tpu.wait_dma2 semaphore(%arg11 : memref<!tpu.dma_semaphore, #tpu.memory_space<semaphore_mem>>) src(%dma_wait3A_416 : memref<32x128xf32, #tpu.memory_space<vmem>>) dst(%dma_wait3A_413 : memref<32x128xf32, #tpu.memory_space<vmem_shared>>)
    %mul3A_417 = arith.constant 640 : i32
    %mul3A_418 = arith.muli %arg1, %mul3A_417 : i32
    %dma_wait3A_419 = arith.constant 0 : i32
    %dma_wait3A_420 = arith.constant 0 : i32
    %dma_wait3A_421 = tpu.memref_slice %arg9[%dma_wait3A_419, %dma_wait3A_420] : memref<128x128xf32, #tpu.memory_space<vmem>> -> memref<32x128xf32, #tpu.memory_space<vmem>>
    %dma_wait3A_422 = arith.constant 0 : i32
    %dma_wait3A_423 = tpu.memref_slice %arg6[%mul3A_418, %dma_wait3A_422] : memref<10240x128xf32, #tpu.memory_space<vmem_shared>> -> memref<32x128xf32, #tpu.memory_space<vmem_shared>>
    %dma_wait3A_424 = arith.constant 0 : i32
    %dma_wait3A_425 = tpu.memref_slice %arg6[%mul3A_418, %dma_wait3A_424] : memref<10240x128xf32, #tpu.memory_space<vmem_shared>> -> memref<32x128xf32, #tpu.memory_space<vmem_shared>>
    %dma_wait3A_426 = arith.constant 0 : i32
    %dma_wait3A_427 = arith.constant 0 : i32
    %dma_wait3A_428 = tpu.memref_slice %arg9[%dma_wait3A_426, %dma_wait3A_427] : memref<128x128xf32, #tpu.memory_space<vmem>> -> memref<32x128xf32, #tpu.memory_space<vmem>>
    tpu.wait_dma2 semaphore(%arg11 : memref<!tpu.dma_semaphore, #tpu.memory_space<semaphore_mem>>) src(%dma_wait3A_428 : memref<32x128xf32, #tpu.memory_space<vmem>>) dst(%dma_wait3A_425 : memref<32x128xf32, #tpu.memory_space<vmem_shared>>)
    %mul3A_429 = arith.constant 640 : i32
    %mul3A_430 = arith.muli %arg1, %mul3A_429 : i32
    %dma_wait3A_431 = arith.constant 0 : i32
    %dma_wait3A_432 = arith.constant 0 : i32
    %dma_wait3A_433 = tpu.memref_slice %arg9[%dma_wait3A_431, %dma_wait3A_432] : memref<128x128xf32, #tpu.memory_space<vmem>> -> memref<32x128xf32, #tpu.memory_space<vmem>>
    %dma_wait3A_434 = arith.constant 0 : i32
    %dma_wait3A_435 = tpu.memref_slice %arg6[%mul3A_430, %dma_wait3A_434] : memref<10240x128xf32, #tpu.memory_space<vmem_shared>> -> memref<32x128xf32, #tpu.memory_space<vmem_shared>>
    %dma_wait3A_436 = arith.constant 0 : i32
    %dma_wait3A_437 = tpu.memref_slice %arg6[%mul3A_430, %dma_wait3A_436] : memref<10240x128xf32, #tpu.memory_space<vmem_shared>> -> memref<32x128xf32, #tpu.memory_space<vmem_shared>>
    %dma_wait3A_438 = arith.constant 0 : i32
    %dma_wait3A_439 = arith.constant 0 : i32
    %dma_wait3A_440 = tpu.memref_slice %arg9[%dma_wait3A_438, %dma_wait3A_439] : memref<128x128xf32, #tpu.memory_space<vmem>> -> memref<32x128xf32, #tpu.memory_space<vmem>>
    tpu.wait_dma2 semaphore(%arg11 : memref<!tpu.dma_semaphore, #tpu.memory_space<semaphore_mem>>) src(%dma_wait3A_440 : memref<32x128xf32, #tpu.memory_space<vmem>>) dst(%dma_wait3A_437 : memref<32x128xf32, #tpu.memory_space<vmem_shared>>)
    %mul3A_441 = arith.constant 640 : i32
    %mul3A_442 = arith.muli %arg1, %mul3A_441 : i32
    %dma_wait3A_443 = arith.constant 0 : i32
    %dma_wait3A_444 = arith.constant 0 : i32
    %dma_wait3A_445 = tpu.memref_slice %arg9[%dma_wait3A_443, %dma_wait3A_444] : memref<128x128xf32, #tpu.memory_space<vmem>> -> memref<32x128xf32, #tpu.memory_space<vmem>>
    %dma_wait3A_446 = arith.constant 0 : i32
    %dma_wait3A_447 = tpu.memref_slice %arg6[%mul3A_442, %dma_wait3A_446] : memref<10240x128xf32, #tpu.memory_space<vmem_shared>> -> memref<32x128xf32, #tpu.memory_space<vmem_shared>>
    %dma_wait3A_448 = arith.constant 0 : i32
    %dma_wait3A_449 = tpu.memref_slice %arg6[%mul3A_442, %dma_wait3A_448] : memref<10240x128xf32, #tpu.memory_space<vmem_shared>> -> memref<32x128xf32, #tpu.memory_space<vmem_shared>>
    %dma_wait3A_450 = arith.constant 0 : i32
    %dma_wait3A_451 = arith.constant 0 : i32
    %dma_wait3A_452 = tpu.memref_slice %arg9[%dma_wait3A_450, %dma_wait3A_451] : memref<128x128xf32, #tpu.memory_space<vmem>> -> memref<32x128xf32, #tpu.memory_space<vmem>>
    tpu.wait_dma2 semaphore(%arg11 : memref<!tpu.dma_semaphore, #tpu.memory_space<semaphore_mem>>) src(%dma_wait3A_452 : memref<32x128xf32, #tpu.memory_space<vmem>>) dst(%dma_wait3A_449 : memref<32x128xf32, #tpu.memory_space<vmem_shared>>)
    %mul3A_453 = arith.constant 640 : i32
    %mul3A_454 = arith.muli %arg1, %mul3A_453 : i32
    %dma_wait3A_455 = arith.constant 0 : i32
    %dma_wait3A_456 = arith.constant 0 : i32
    %dma_wait3A_457 = tpu.memref_slice %arg9[%dma_wait3A_455, %dma_wait3A_456] : memref<128x128xf32, #tpu.memory_space<vmem>> -> memref<32x128xf32, #tpu.memory_space<vmem>>
    %dma_wait3A_458 = arith.constant 0 : i32
    %dma_wait3A_459 = tpu.memref_slice %arg6[%mul3A_454, %dma_wait3A_458] : memref<10240x128xf32, #tpu.memory_space<vmem_shared>> -> memref<32x128xf32, #tpu.memory_space<vmem_shared>>
    %dma_wait3A_460 = arith.constant 0 : i32
    %dma_wait3A_461 = tpu.memref_slice %arg6[%mul3A_454, %dma_wait3A_460] : memref<10240x128xf32, #tpu.memory_space<vmem_shared>> -> memref<32x128xf32, #tpu.memory_space<vmem_shared>>
    %dma_wait3A_462 = arith.constant 0 : i32
    %dma_wait3A_463 = arith.constant 0 : i32
    %dma_wait3A_464 = tpu.memref_slice %arg9[%dma_wait3A_462, %dma_wait3A_463] : memref<128x128xf32, #tpu.memory_space<vmem>> -> memref<32x128xf32, #tpu.memory_space<vmem>>
    tpu.wait_dma2 semaphore(%arg11 : memref<!tpu.dma_semaphore, #tpu.memory_space<semaphore_mem>>) src(%dma_wait3A_464 : memref<32x128xf32, #tpu.memory_space<vmem>>) dst(%dma_wait3A_461 : memref<32x128xf32, #tpu.memory_space<vmem_shared>>)
    %mul3A_465 = arith.constant 640 : i32
    %mul3A_466 = arith.muli %arg1, %mul3A_465 : i32
    %dma_wait3A_467 = arith.constant 0 : i32
    %dma_wait3A_468 = arith.constant 0 : i32
    %dma_wait3A_469 = tpu.memref_slice %arg9[%dma_wait3A_467, %dma_wait3A_468] : memref<128x128xf32, #tpu.memory_space<vmem>> -> memref<32x128xf32, #tpu.memory_space<vmem>>
    %dma_wait3A_470 = arith.constant 0 : i32
    %dma_wait3A_471 = tpu.memref_slice %arg6[%mul3A_466, %dma_wait3A_470] : memref<10240x128xf32, #tpu.memory_space<vmem_shared>> -> memref<32x128xf32, #tpu.memory_space<vmem_shared>>
    %dma_wait3A_472 = arith.constant 0 : i32
    %dma_wait3A_473 = tpu.memref_slice %arg6[%mul3A_466, %dma_wait3A_472] : memref<10240x128xf32, #tpu.memory_space<vmem_shared>> -> memref<32x128xf32, #tpu.memory_space<vmem_shared>>
    %dma_wait3A_474 = arith.constant 0 : i32
    %dma_wait3A_475 = arith.constant 0 : i32
    %dma_wait3A_476 = tpu.memref_slice %arg9[%dma_wait3A_474, %dma_wait3A_475] : memref<128x128xf32, #tpu.memory_space<vmem>> -> memref<32x128xf32, #tpu.memory_space<vmem>>
    tpu.wait_dma2 semaphore(%arg11 : memref<!tpu.dma_semaphore, #tpu.memory_space<semaphore_mem>>) src(%dma_wait3A_476 : memref<32x128xf32, #tpu.memory_space<vmem>>) dst(%dma_wait3A_473 : memref<32x128xf32, #tpu.memory_space<vmem_shared>>)
    %mul3A_477 = arith.constant 640 : i32
    %mul3A_478 = arith.muli %arg1, %mul3A_477 : i32
    %dma_wait3A_479 = arith.constant 0 : i32
    %dma_wait3A_480 = arith.constant 0 : i32
    %dma_wait3A_481 = tpu.memref_slice %arg9[%dma_wait3A_479, %dma_wait3A_480] : memref<128x128xf32, #tpu.memory_space<vmem>> -> memref<32x128xf32, #tpu.memory_space<vmem>>
    %dma_wait3A_482 = arith.constant 0 : i32
    %dma_wait3A_483 = tpu.memref_slice %arg6[%mul3A_478, %dma_wait3A_482] : memref<10240x128xf32, #tpu.memory_space<vmem_shared>> -> memref<32x128xf32, #tpu.memory_space<vmem_shared>>
    %dma_wait3A_484 = arith.constant 0 : i32
    %dma_wait3A_485 = tpu.memref_slice %arg6[%mul3A_478, %dma_wait3A_484] : memref<10240x128xf32, #tpu.memory_space<vmem_shared>> -> memref<32x128xf32, #tpu.memory_space<vmem_shared>>
    %dma_wait3A_486 = arith.constant 0 : i32
    %dma_wait3A_487 = arith.constant 0 : i32
    %dma_wait3A_488 = tpu.memref_slice %arg9[%dma_wait3A_486, %dma_wait3A_487] : memref<128x128xf32, #tpu.memory_space<vmem>> -> memref<32x128xf32, #tpu.memory_space<vmem>>
    tpu.wait_dma2 semaphore(%arg11 : memref<!tpu.dma_semaphore, #tpu.memory_space<semaphore_mem>>) src(%dma_wait3A_488 : memref<32x128xf32, #tpu.memory_space<vmem>>) dst(%dma_wait3A_485 : memref<32x128xf32, #tpu.memory_space<vmem_shared>>)
    %mul3A_489 = arith.constant 640 : i32
    %mul3A_490 = arith.muli %arg1, %mul3A_489 : i32
    %dma_wait3A_491 = arith.constant 0 : i32
    %dma_wait3A_492 = arith.constant 0 : i32
    %dma_wait3A_493 = tpu.memref_slice %arg9[%dma_wait3A_491, %dma_wait3A_492] : memref<128x128xf32, #tpu.memory_space<vmem>> -> memref<32x128xf32, #tpu.memory_space<vmem>>
    %dma_wait3A_494 = arith.constant 0 : i32
    %dma_wait3A_495 = tpu.memref_slice %arg6[%mul3A_490, %dma_wait3A_494] : memref<10240x128xf32, #tpu.memory_space<vmem_shared>> -> memref<32x128xf32, #tpu.memory_space<vmem_shared>>
    %dma_wait3A_496 = arith.constant 0 : i32
    %dma_wait3A_497 = tpu.memref_slice %arg6[%mul3A_490, %dma_wait3A_496] : memref<10240x128xf32, #tpu.memory_space<vmem_shared>> -> memref<32x128xf32, #tpu.memory_space<vmem_shared>>
    %dma_wait3A_498 = arith.constant 0 : i32
    %dma_wait3A_499 = arith.constant 0 : i32
    %dma_wait3A_500 = tpu.memref_slice %arg9[%dma_wait3A_498, %dma_wait3A_499] : memref<128x128xf32, #tpu.memory_space<vmem>> -> memref<32x128xf32, #tpu.memory_space<vmem>>
    tpu.wait_dma2 semaphore(%arg11 : memref<!tpu.dma_semaphore, #tpu.memory_space<semaphore_mem>>) src(%dma_wait3A_500 : memref<32x128xf32, #tpu.memory_space<vmem>>) dst(%dma_wait3A_497 : memref<32x128xf32, #tpu.memory_space<vmem_shared>>)
    %mul3A_501 = arith.constant 640 : i32
    %mul3A_502 = arith.muli %arg1, %mul3A_501 : i32
    %dma_wait3A_503 = arith.constant 0 : i32
    %dma_wait3A_504 = arith.constant 0 : i32
    %dma_wait3A_505 = tpu.memref_slice %arg9[%dma_wait3A_503, %dma_wait3A_504] : memref<128x128xf32, #tpu.memory_space<vmem>> -> memref<32x128xf32, #tpu.memory_space<vmem>>
    %dma_wait3A_506 = arith.constant 0 : i32
    %dma_wait3A_507 = tpu.memref_slice %arg6[%mul3A_502, %dma_wait3A_506] : memref<10240x128xf32, #tpu.memory_space<vmem_shared>> -> memref<32x128xf32, #tpu.memory_space<vmem_shared>>
    %dma_wait3A_508 = arith.constant 0 : i32
    %dma_wait3A_509 = tpu.memref_slice %arg6[%mul3A_502, %dma_wait3A_508] : memref<10240x128xf32, #tpu.memory_space<vmem_shared>> -> memref<32x128xf32, #tpu.memory_space<vmem_shared>>
    %dma_wait3A_510 = arith.constant 0 : i32
    %dma_wait3A_511 = arith.constant 0 : i32
    %dma_wait3A_512 = tpu.memref_slice %arg9[%dma_wait3A_510, %dma_wait3A_511] : memref<128x128xf32, #tpu.memory_space<vmem>> -> memref<32x128xf32, #tpu.memory_space<vmem>>
    tpu.wait_dma2 semaphore(%arg11 : memref<!tpu.dma_semaphore, #tpu.memory_space<semaphore_mem>>) src(%dma_wait3A_512 : memref<32x128xf32, #tpu.memory_space<vmem>>) dst(%dma_wait3A_509 : memref<32x128xf32, #tpu.memory_space<vmem_shared>>)
    %mul3A_513 = arith.constant 640 : i32
    %mul3A_514 = arith.muli %arg1, %mul3A_513 : i32
    %dma_wait3A_515 = arith.constant 0 : i32
    %dma_wait3A_516 = arith.constant 0 : i32
    %dma_wait3A_517 = tpu.memref_slice %arg9[%dma_wait3A_515, %dma_wait3A_516] : memref<128x128xf32, #tpu.memory_space<vmem>> -> memref<32x128xf32, #tpu.memory_space<vmem>>
    %dma_wait3A_518 = arith.constant 0 : i32
    %dma_wait3A_519 = tpu.memref_slice %arg6[%mul3A_514, %dma_wait3A_518] : memref<10240x128xf32, #tpu.memory_space<vmem_shared>> -> memref<32x128xf32, #tpu.memory_space<vmem_shared>>
    %dma_wait3A_520 = arith.constant 0 : i32
    %dma_wait3A_521 = tpu.memref_slice %arg6[%mul3A_514, %dma_wait3A_520] : memref<10240x128xf32, #tpu.memory_space<vmem_shared>> -> memref<32x128xf32, #tpu.memory_space<vmem_shared>>
    %dma_wait3A_522 = arith.constant 0 : i32
    %dma_wait3A_523 = arith.constant 0 : i32
    %dma_wait3A_524 = tpu.memref_slice %arg9[%dma_wait3A_522, %dma_wait3A_523] : memref<128x128xf32, #tpu.memory_space<vmem>> -> memref<32x128xf32, #tpu.memory_space<vmem>>
    tpu.wait_dma2 semaphore(%arg11 : memref<!tpu.dma_semaphore, #tpu.memory_space<semaphore_mem>>) src(%dma_wait3A_524 : memref<32x128xf32, #tpu.memory_space<vmem>>) dst(%dma_wait3A_521 : memref<32x128xf32, #tpu.memory_space<vmem_shared>>)
    %mul3A_525 = arith.constant 640 : i32
    %mul3A_526 = arith.muli %arg1, %mul3A_525 : i32
    %dma_wait3A_527 = arith.constant 0 : i32
    %dma_wait3A_528 = arith.constant 0 : i32
    %dma_wait3A_529 = tpu.memref_slice %arg9[%dma_wait3A_527, %dma_wait3A_528] : memref<128x128xf32, #tpu.memory_space<vmem>> -> memref<32x128xf32, #tpu.memory_space<vmem>>
    %dma_wait3A_530 = arith.constant 0 : i32
    %dma_wait3A_531 = tpu.memref_slice %arg6[%mul3A_526, %dma_wait3A_530] : memref<10240x128xf32, #tpu.memory_space<vmem_shared>> -> memref<32x128xf32, #tpu.memory_space<vmem_shared>>
    %dma_wait3A_532 = arith.constant 0 : i32
    %dma_wait3A_533 = tpu.memref_slice %arg6[%mul3A_526, %dma_wait3A_532] : memref<10240x128xf32, #tpu.memory_space<vmem_shared>> -> memref<32x128xf32, #tpu.memory_space<vmem_shared>>
    %dma_wait3A_534 = arith.constant 0 : i32
    %dma_wait3A_535 = arith.constant 0 : i32
    %dma_wait3A_536 = tpu.memref_slice %arg9[%dma_wait3A_534, %dma_wait3A_535] : memref<128x128xf32, #tpu.memory_space<vmem>> -> memref<32x128xf32, #tpu.memory_space<vmem>>
    tpu.wait_dma2 semaphore(%arg11 : memref<!tpu.dma_semaphore, #tpu.memory_space<semaphore_mem>>) src(%dma_wait3A_536 : memref<32x128xf32, #tpu.memory_space<vmem>>) dst(%dma_wait3A_533 : memref<32x128xf32, #tpu.memory_space<vmem_shared>>)
    %mul3A_537 = arith.constant 640 : i32
    %mul3A_538 = arith.muli %arg1, %mul3A_537 : i32
    %dma_wait3A_539 = arith.constant 0 : i32
    %dma_wait3A_540 = arith.constant 0 : i32
    %dma_wait3A_541 = tpu.memref_slice %arg9[%dma_wait3A_539, %dma_wait3A_540] : memref<128x128xf32, #tpu.memory_space<vmem>> -> memref<32x128xf32, #tpu.memory_space<vmem>>
    %dma_wait3A_542 = arith.constant 0 : i32
    %dma_wait3A_543 = tpu.memref_slice %arg6[%mul3A_538, %dma_wait3A_542] : memref<10240x128xf32, #tpu.memory_space<vmem_shared>> -> memref<32x128xf32, #tpu.memory_space<vmem_shared>>
    %dma_wait3A_544 = arith.constant 0 : i32
    %dma_wait3A_545 = tpu.memref_slice %arg6[%mul3A_538, %dma_wait3A_544] : memref<10240x128xf32, #tpu.memory_space<vmem_shared>> -> memref<32x128xf32, #tpu.memory_space<vmem_shared>>
    %dma_wait3A_546 = arith.constant 0 : i32
    %dma_wait3A_547 = arith.constant 0 : i32
    %dma_wait3A_548 = tpu.memref_slice %arg9[%dma_wait3A_546, %dma_wait3A_547] : memref<128x128xf32, #tpu.memory_space<vmem>> -> memref<32x128xf32, #tpu.memory_space<vmem>>
    tpu.wait_dma2 semaphore(%arg11 : memref<!tpu.dma_semaphore, #tpu.memory_space<semaphore_mem>>) src(%dma_wait3A_548 : memref<32x128xf32, #tpu.memory_space<vmem>>) dst(%dma_wait3A_545 : memref<32x128xf32, #tpu.memory_space<vmem_shared>>)
    %dma_wait3A_549 = arith.constant 0 : i32
    %dma_wait3A_550 = tpu.memref_slice %arg3[%select_n3A_15, %dma_wait3A_549] : memref<2560x128xi32, #tpu.memory_space<hbm>> -> memref<48x128xi32, #tpu.memory_space<hbm>>
    %dma_wait3A_551 = arith.constant 0 : i32
    %dma_wait3A_552 = tpu.memref_slice %arg3[%select_n3A_15, %dma_wait3A_551] : memref<2560x128xi32, #tpu.memory_space<hbm>> -> memref<48x128xi32, #tpu.memory_space<hbm>>
    tpu.wait_dma2 semaphore(%arg11 : memref<!tpu.dma_semaphore, #tpu.memory_space<semaphore_mem>>) src(%dma_wait3A_552 : memref<48x128xi32, #tpu.memory_space<hbm>>) dst(%arg7 : memref<48x128xi32, #tpu.memory_space<vmem>>)
    %dma_wait3A_553 = arith.constant 0 : i32
    %dma_wait3A_554 = tpu.memref_slice %arg4[%select_n3A_15, %dma_wait3A_553] : memref<2560x128xi32, #tpu.memory_space<hbm>> -> memref<48x128xi32, #tpu.memory_space<hbm>>
    %dma_wait3A_555 = arith.constant 0 : i32
    %dma_wait3A_556 = tpu.memref_slice %arg4[%select_n3A_15, %dma_wait3A_555] : memref<2560x128xi32, #tpu.memory_space<hbm>> -> memref<48x128xi32, #tpu.memory_space<hbm>>
    tpu.wait_dma2 semaphore(%arg11 : memref<!tpu.dma_semaphore, #tpu.memory_space<semaphore_mem>>) src(%dma_wait3A_556 : memref<48x128xi32, #tpu.memory_space<hbm>>) dst(%arg8 : memref<48x128xi32, #tpu.memory_space<vmem>>)
    %barrier3A = arith.constant 0 : index
    tpu.barrier barrier_id(%barrier3A)
    %dma_start3A_557 = arith.constant 0 : i32
    %dma_start3A_558 = arith.constant 0 : i32
    %dma_start3A_559 = tpu.memref_slice %arg7[%dma_start3A_557, %dma_start3A_558] : memref<48x128xi32, #tpu.memory_space<vmem>> -> memref<1x128xi32, #tpu.memory_space<vmem>>
    %dma_start3A_560 = tpu.memref_squeeze %dma_start3A_559 : memref<1x128xi32, #tpu.memory_space<vmem>> -> memref<128xi32, #tpu.memory_space<vmem>>
    %dma_start3A_561 = arith.constant 0 : i32
    %dma_start3A_562 = arith.constant 0 : i32
    %dma_start3A_563 = tpu.memref_slice %arg2[%dma_start3A_561, %dma_start3A_562] : memref<10240x128xf32, #tpu.memory_space<hbm>> -> memref<10240x128xf32, #tpu.memory_space<hbm>>
    tpu.enqueue_indirect_dma source(%dma_start3A_563 : memref<10240x128xf32, #tpu.memory_space<hbm>>) target(%arg9 : memref<128x128xf32, #tpu.memory_space<vmem>>) offsets(%dma_start3A_560 : memref<128xi32, #tpu.memory_space<vmem>>) semaphore(%arg12 : memref<!tpu.dma_semaphore, #tpu.memory_space<semaphore_mem>>)
    %scan3A_564 = arith.constant 0 : i32
    %scan3A_565 = arith.constant 0 : i32
    %scan3A_566 = arith.constant 24 : i32
    %scan3A_567 = arith.addi %scan3A_565, %scan3A_566 : i32
    %scan3A_568 = arith.constant 1 : i32
    %scan3A_569 = scf.for %scan3A_697 = %scan3A_565 to %scan3A_567 step %scan3A_568 iter_args(%scan3A_698 = %scan3A_564) -> (i32)  : i32 {
      %mul3A_699 = arith.constant 2 : i32
      %mul3A_700 = arith.muli %mul3A_699, %scan3A_697 : i32
      %add3A_701 = arith.constant 1 : i32
      %add3A_702 = arith.addi %mul3A_700, %add3A_701 : i32
      %dma_start3A_703 = arith.constant 0 : i32
      %dma_start3A_704 = tpu.memref_slice %arg7[%add3A_702, %dma_start3A_703] : memref<48x128xi32, #tpu.memory_space<vmem>> -> memref<1x128xi32, #tpu.memory_space<vmem>>
      %dma_start3A_705 = tpu.memref_squeeze %dma_start3A_704 : memref<1x128xi32, #tpu.memory_space<vmem>> -> memref<128xi32, #tpu.memory_space<vmem>>
      %dma_start3A_706 = arith.constant 0 : i32
      %dma_start3A_707 = arith.constant 0 : i32
      %dma_start3A_708 = tpu.memref_slice %arg2[%dma_start3A_706, %dma_start3A_707] : memref<10240x128xf32, #tpu.memory_space<hbm>> -> memref<10240x128xf32, #tpu.memory_space<hbm>>
      tpu.enqueue_indirect_dma source(%dma_start3A_708 : memref<10240x128xf32, #tpu.memory_space<hbm>>) target(%arg10 : memref<128x128xf32, #tpu.memory_space<vmem>>) offsets(%dma_start3A_705 : memref<128xi32, #tpu.memory_space<vmem>>) semaphore(%arg13 : memref<!tpu.dma_semaphore, #tpu.memory_space<semaphore_mem>>)
      %dma_wait3A_709 = arith.constant 0 : i32
      %dma_wait3A_710 = arith.constant 0 : i32
      %dma_wait3A_711 = tpu.memref_slice %arg7[%dma_wait3A_709, %dma_wait3A_710] : memref<48x128xi32, #tpu.memory_space<vmem>> -> memref<1x128xi32, #tpu.memory_space<vmem>>
      %dma_wait3A_712 = tpu.memref_squeeze %dma_wait3A_711 : memref<1x128xi32, #tpu.memory_space<vmem>> -> memref<128xi32, #tpu.memory_space<vmem>>
      %dma_wait3A_713 = arith.constant 0 : i32
      %dma_wait3A_714 = arith.constant 0 : i32
      %dma_wait3A_715 = tpu.memref_slice %arg2[%dma_wait3A_713, %dma_wait3A_714] : memref<10240x128xf32, #tpu.memory_space<hbm>> -> memref<10240x128xf32, #tpu.memory_space<hbm>>
      tpu.wait_indirect_dma semaphore(%arg12 : memref<!tpu.dma_semaphore, #tpu.memory_space<semaphore_mem>>) src(%dma_wait3A_715 : memref<10240x128xf32, #tpu.memory_space<hbm>>) dst(%arg9 : memref<128x128xf32, #tpu.memory_space<vmem>>)
      "tpu.region"() ({
        %run_scoped3A = tpu.sem_alloc : memref<!tpu.dma_semaphore, #tpu.memory_space<semaphore_mem>>
        %dma_start3A_727 = arith.constant 0 : i32
        %dma_start3A_728 = tpu.memref_slice %arg8[%mul3A_700, %dma_start3A_727] : memref<48x128xi32, #tpu.memory_space<vmem>> -> memref<1x128xi32, #tpu.memory_space<vmem>>
        %dma_start3A_729 = tpu.memref_squeeze %dma_start3A_728 : memref<1x128xi32, #tpu.memory_space<vmem>> -> memref<128xi32, #tpu.memory_space<vmem>>
        %dma_start3A_730 = arith.constant 0 : i32
        %dma_start3A_731 = arith.constant 0 : i32
        %dma_start3A_732 = tpu.memref_slice %arg6[%dma_start3A_730, %dma_start3A_731] : memref<10240x128xf32, #tpu.memory_space<vmem_shared>> -> memref<10240x128xf32, #tpu.memory_space<vmem_shared>>
        tpu.enqueue_indirect_dma source(%arg9 : memref<128x128xf32, #tpu.memory_space<vmem>>) target(%dma_start3A_732 : memref<10240x128xf32, #tpu.memory_space<vmem_shared>>) offsets(%dma_start3A_729 : memref<128xi32, #tpu.memory_space<vmem>>) semaphore(%run_scoped3A : memref<!tpu.dma_semaphore, #tpu.memory_space<semaphore_mem>>) {add = true}
        %dma_wait3A_733 = arith.constant 0 : i32
        %dma_wait3A_734 = tpu.memref_slice %arg8[%mul3A_700, %dma_wait3A_733] : memref<48x128xi32, #tpu.memory_space<vmem>> -> memref<1x128xi32, #tpu.memory_space<vmem>>
        %dma_wait3A_735 = tpu.memref_squeeze %dma_wait3A_734 : memref<1x128xi32, #tpu.memory_space<vmem>> -> memref<128xi32, #tpu.memory_space<vmem>>
        %dma_wait3A_736 = arith.constant 0 : i32
        %dma_wait3A_737 = arith.constant 0 : i32
        %dma_wait3A_738 = tpu.memref_slice %arg6[%dma_wait3A_736, %dma_wait3A_737] : memref<10240x128xf32, #tpu.memory_space<vmem_shared>> -> memref<10240x128xf32, #tpu.memory_space<vmem_shared>>
        tpu.wait_indirect_dma semaphore(%run_scoped3A : memref<!tpu.dma_semaphore, #tpu.memory_space<semaphore_mem>>) src(%arg9 : memref<128x128xf32, #tpu.memory_space<vmem>>) dst(%dma_wait3A_738 : memref<10240x128xf32, #tpu.memory_space<vmem_shared>>)
        tpu.yield
      }) : () -> ()
      %lt3A_716 = arith.constant 23 : i32
      %lt3A_717 = arith.cmpi slt, %scan3A_697, %lt3A_716 : i32
      %convert_element_type3A = arith.extui %lt3A_717 : i1 to i32
      %cond3A = arith.constant 0 : i32
      %cond3A_718 = arith.cmpi ne, %convert_element_type3A, %cond3A : i32
      scf.if %cond3A_718 {
        %add3A_727 = arith.constant 2 : i32
        %add3A_728 = arith.addi %mul3A_700, %add3A_727 : i32
        %dma_start3A_729 = arith.constant 0 : i32
        %dma_start3A_730 = tpu.memref_slice %arg7[%add3A_728, %dma_start3A_729] : memref<48x128xi32, #tpu.memory_space<vmem>> -> memref<1x128xi32, #tpu.memory_space<vmem>>
        %dma_start3A_731 = tpu.memref_squeeze %dma_start3A_730 : memref<1x128xi32, #tpu.memory_space<vmem>> -> memref<128xi32, #tpu.memory_space<vmem>>
        %dma_start3A_732 = arith.constant 0 : i32
        %dma_start3A_733 = arith.constant 0 : i32
        %dma_start3A_734 = tpu.memref_slice %arg2[%dma_start3A_732, %dma_start3A_733] : memref<10240x128xf32, #tpu.memory_space<hbm>> -> memref<10240x128xf32, #tpu.memory_space<hbm>>
        tpu.enqueue_indirect_dma source(%dma_start3A_734 : memref<10240x128xf32, #tpu.memory_space<hbm>>) target(%arg9 : memref<128x128xf32, #tpu.memory_space<vmem>>) offsets(%dma_start3A_731 : memref<128xi32, #tpu.memory_space<vmem>>) semaphore(%arg12 : memref<!tpu.dma_semaphore, #tpu.memory_space<semaphore_mem>>)
      } else {
      }
      %dma_wait3A_719 = arith.constant 0 : i32
      %dma_wait3A_720 = arith.constant 0 : i32
      %dma_wait3A_721 = tpu.memref_slice %arg7[%dma_wait3A_719, %dma_wait3A_720] : memref<48x128xi32, #tpu.memory_space<vmem>> -> memref<1x128xi32, #tpu.memory_space<vmem>>
      %dma_wait3A_722 = tpu.memref_squeeze %dma_wait3A_721 : memref<1x128xi32, #tpu.memory_space<vmem>> -> memref<128xi32, #tpu.memory_space<vmem>>
      %dma_wait3A_723 = arith.constant 0 : i32
      %dma_wait3A_724 = arith.constant 0 : i32
      %dma_wait3A_725 = tpu.memref_slice %arg2[%dma_wait3A_723, %dma_wait3A_724] : memref<10240x128xf32, #tpu.memory_space<hbm>> -> memref<10240x128xf32, #tpu.memory_space<hbm>>
      tpu.wait_indirect_dma semaphore(%arg13 : memref<!tpu.dma_semaphore, #tpu.memory_space<semaphore_mem>>) src(%dma_wait3A_725 : memref<10240x128xf32, #tpu.memory_space<hbm>>) dst(%arg10 : memref<128x128xf32, #tpu.memory_space<vmem>>)
      "tpu.region"() ({
        %run_scoped3A = tpu.sem_alloc : memref<!tpu.dma_semaphore, #tpu.memory_space<semaphore_mem>>
        %dma_start3A_727 = arith.constant 0 : i32
        %dma_start3A_728 = tpu.memref_slice %arg8[%add3A_702, %dma_start3A_727] : memref<48x128xi32, #tpu.memory_space<vmem>> -> memref<1x128xi32, #tpu.memory_space<vmem>>
        %dma_start3A_729 = tpu.memref_squeeze %dma_start3A_728 : memref<1x128xi32, #tpu.memory_space<vmem>> -> memref<128xi32, #tpu.memory_space<vmem>>
        %dma_start3A_730 = arith.constant 0 : i32
        %dma_start3A_731 = arith.constant 0 : i32
        %dma_start3A_732 = tpu.memref_slice %arg6[%dma_start3A_730, %dma_start3A_731] : memref<10240x128xf32, #tpu.memory_space<vmem_shared>> -> memref<10240x128xf32, #tpu.memory_space<vmem_shared>>
        tpu.enqueue_indirect_dma source(%arg10 : memref<128x128xf32, #tpu.memory_space<vmem>>) target(%dma_start3A_732 : memref<10240x128xf32, #tpu.memory_space<vmem_shared>>) offsets(%dma_start3A_729 : memref<128xi32, #tpu.memory_space<vmem>>) semaphore(%run_scoped3A : memref<!tpu.dma_semaphore, #tpu.memory_space<semaphore_mem>>) {add = true}
        %dma_wait3A_733 = arith.constant 0 : i32
        %dma_wait3A_734 = tpu.memref_slice %arg8[%add3A_702, %dma_wait3A_733] : memref<48x128xi32, #tpu.memory_space<vmem>> -> memref<1x128xi32, #tpu.memory_space<vmem>>
        %dma_wait3A_735 = tpu.memref_squeeze %dma_wait3A_734 : memref<1x128xi32, #tpu.memory_space<vmem>> -> memref<128xi32, #tpu.memory_space<vmem>>
        %dma_wait3A_736 = arith.constant 0 : i32
        %dma_wait3A_737 = arith.constant 0 : i32
        %dma_wait3A_738 = tpu.memref_slice %arg6[%dma_wait3A_736, %dma_wait3A_737] : memref<10240x128xf32, #tpu.memory_space<vmem_shared>> -> memref<10240x128xf32, #tpu.memory_space<vmem_shared>>
        tpu.wait_indirect_dma semaphore(%run_scoped3A : memref<!tpu.dma_semaphore, #tpu.memory_space<semaphore_mem>>) src(%arg10 : memref<128x128xf32, #tpu.memory_space<vmem>>) dst(%dma_wait3A_738 : memref<10240x128xf32, #tpu.memory_space<vmem_shared>>)
        tpu.yield
      }) : () -> ()
      %scan3A_726 = arith.constant 0 : i32
      scf.yield %scan3A_726 : i32
    }
    %scan3A_570 = arith.constant 24 : i32
    %add3A_571 = arith.constant 48 : i32
    %add3A_572 = arith.addi %select_n3A_15, %add3A_571 : i32
    "tpu.region"() ({
      %run_scoped3A = tpu.sem_alloc : memref<!tpu.dma_semaphore, #tpu.memory_space<semaphore_mem>>
      %dma_start3A_697 = arith.constant 0 : i32
      %dma_start3A_698 = tpu.memref_slice %arg3[%add3A_572, %dma_start3A_697] : memref<2560x128xi32, #tpu.memory_space<hbm>> -> memref<48x128xi32, #tpu.memory_space<hbm>>
      %dma_start3A_699 = arith.constant 0 : i32
      %dma_start3A_700 = tpu.memref_slice %arg3[%add3A_572, %dma_start3A_699] : memref<2560x128xi32, #tpu.memory_space<hbm>> -> memref<48x128xi32, #tpu.memory_space<hbm>>
      tpu.enqueue_dma source(%dma_start3A_700 : memref<48x128xi32, #tpu.memory_space<hbm>>) target(%arg7 : memref<48x128xi32, #tpu.memory_space<vmem>>) target_semaphore(%run_scoped3A : memref<!tpu.dma_semaphore, #tpu.memory_space<semaphore_mem>>)
      %dma_wait3A_701 = arith.constant 0 : i32
      %dma_wait3A_702 = tpu.memref_slice %arg3[%add3A_572, %dma_wait3A_701] : memref<2560x128xi32, #tpu.memory_space<hbm>> -> memref<48x128xi32, #tpu.memory_space<hbm>>
      %dma_wait3A_703 = arith.constant 0 : i32
      %dma_wait3A_704 = tpu.memref_slice %arg3[%add3A_572, %dma_wait3A_703] : memref<2560x128xi32, #tpu.memory_space<hbm>> -> memref<48x128xi32, #tpu.memory_space<hbm>>
      tpu.wait_dma2 semaphore(%run_scoped3A : memref<!tpu.dma_semaphore, #tpu.memory_space<semaphore_mem>>) src(%dma_wait3A_704 : memref<48x128xi32, #tpu.memory_space<hbm>>) dst(%arg7 : memref<48x128xi32, #tpu.memory_space<vmem>>)
      tpu.yield
    }) : () -> ()
    %add3A_573 = arith.constant 48 : i32
    %add3A_574 = arith.addi %select_n3A_15, %add3A_573 : i32
    "tpu.region"() ({
      %run_scoped3A = tpu.sem_alloc : memref<!tpu.dma_semaphore, #tpu.memory_space<semaphore_mem>>
      %dma_start3A_697 = arith.constant 0 : i32
      %dma_start3A_698 = tpu.memref_slice %arg4[%add3A_574, %dma_start3A_697] : memref<2560x128xi32, #tpu.memory_space<hbm>> -> memref<48x128xi32, #tpu.memory_space<hbm>>
      %dma_start3A_699 = arith.constant 0 : i32
      %dma_start3A_700 = tpu.memref_slice %arg4[%add3A_574, %dma_start3A_699] : memref<2560x128xi32, #tpu.memory_space<hbm>> -> memref<48x128xi32, #tpu.memory_space<hbm>>
      tpu.enqueue_dma source(%dma_start3A_700 : memref<48x128xi32, #tpu.memory_space<hbm>>) target(%arg8 : memref<48x128xi32, #tpu.memory_space<vmem>>) target_semaphore(%run_scoped3A : memref<!tpu.dma_semaphore, #tpu.memory_space<semaphore_mem>>)
      %dma_wait3A_701 = arith.constant 0 : i32
      %dma_wait3A_702 = tpu.memref_slice %arg4[%add3A_574, %dma_wait3A_701] : memref<2560x128xi32, #tpu.memory_space<hbm>> -> memref<48x128xi32, #tpu.memory_space<hbm>>
      %dma_wait3A_703 = arith.constant 0 : i32
      %dma_wait3A_704 = tpu.memref_slice %arg4[%add3A_574, %dma_wait3A_703] : memref<2560x128xi32, #tpu.memory_space<hbm>> -> memref<48x128xi32, #tpu.memory_space<hbm>>
      tpu.wait_dma2 semaphore(%run_scoped3A : memref<!tpu.dma_semaphore, #tpu.memory_space<semaphore_mem>>) src(%dma_wait3A_704 : memref<48x128xi32, #tpu.memory_space<hbm>>) dst(%arg8 : memref<48x128xi32, #tpu.memory_space<vmem>>)
      tpu.yield
    }) : () -> ()
    %sub3A_575 = arith.constant 48 : i32
    %sub3A_576 = arith.subi %select_n3A_5, %sub3A_575 : i32
    %jit3A_577 = arith.constant 2 : i32
    %div3A = arith.divsi %sub3A_576, %jit3A_577 : i32
    %sign3A = arith.constant 0 : i32
    %sign3A_578 = arith.cmpi sgt, %sub3A_576, %sign3A : i32
    %sign3A_579 = arith.extui %sign3A_578 : i1 to i32
    %sign3A_580 = arith.constant 0 : i32
    %sign3A_581 = arith.cmpi slt, %sub3A_576, %sign3A_580 : i32
    %sign3A_582 = arith.extui %sign3A_581 : i1 to i32
    %sign3A_583 = arith.subi %sign3A_579, %sign3A_582 : i32
    %sign3A_584 = arith.constant 0 : i32
    %sign3A_585 = arith.cmpi sgt, %jit3A_577, %sign3A_584 : i32
    %sign3A_586 = arith.extui %sign3A_585 : i1 to i32
    %sign3A_587 = arith.constant 0 : i32
    %sign3A_588 = arith.cmpi slt, %jit3A_577, %sign3A_587 : i32
    %sign3A_589 = arith.extui %sign3A_588 : i1 to i32
    %sign3A_590 = arith.subi %sign3A_586, %sign3A_589 : i32
    %ne3A = arith.cmpi ne, %sign3A_583, %sign3A_590 : i32
    %rem3A = arith.remsi %sub3A_576, %jit3A_577 : i32
    %ne3A_591 = arith.constant 0 : i32
    %ne3A_592 = arith.cmpi ne, %rem3A, %ne3A_591 : i32
    %and3A = arith.andi %ne3A, %ne3A_592 : i1
    %sub3A_593 = arith.constant 1 : i32
    %sub3A_594 = arith.subi %div3A, %sub3A_593 : i32
    %select_n3A_595 = arith.select %and3A, %sub3A_594, %div3A : i32
    %dma_start3A_596 = arith.constant 0 : i32
    %dma_start3A_597 = arith.constant 0 : i32
    %dma_start3A_598 = tpu.memref_slice %arg7[%dma_start3A_596, %dma_start3A_597] : memref<48x128xi32, #tpu.memory_space<vmem>> -> memref<1x128xi32, #tpu.memory_space<vmem>>
    %dma_start3A_599 = tpu.memref_squeeze %dma_start3A_598 : memref<1x128xi32, #tpu.memory_space<vmem>> -> memref<128xi32, #tpu.memory_space<vmem>>
    %dma_start3A_600 = arith.constant 0 : i32
    %dma_start3A_601 = arith.constant 0 : i32
    %dma_start3A_602 = tpu.memref_slice %arg2[%dma_start3A_600, %dma_start3A_601] : memref<10240x128xf32, #tpu.memory_space<hbm>> -> memref<10240x128xf32, #tpu.memory_space<hbm>>
    tpu.enqueue_indirect_dma source(%dma_start3A_602 : memref<10240x128xf32, #tpu.memory_space<hbm>>) target(%arg9 : memref<128x128xf32, #tpu.memory_space<vmem>>) offsets(%dma_start3A_599 : memref<128xi32, #tpu.memory_space<vmem>>) semaphore(%arg12 : memref<!tpu.dma_semaphore, #tpu.memory_space<semaphore_mem>>)
    %while3A = arith.constant 0 : i32
    %while3A_603 = arith.constant 0 : i32
    %while3A_604 = arith.subi %select_n3A_595, %while3A : i32
    %while3A_605 = arith.addi %while3A, %while3A_604 : i32
    %while3A_606 = arith.constant 1 : i32
    %while3A_607 = arith.divsi %while3A_604, %while3A_606 : i32
    %while3A_608 = arith.muli %while3A_607, %while3A_606 : i32
    %while3A_609 = arith.addi %while3A, %while3A_608 : i32
    %while3A_610 = arith.constant 1 : i32
    %while3A_611 = scf.for %while3A_697 = %while3A to %while3A_609 step %while3A_610 iter_args(%while3A_698 = %while3A_603) -> (i32)  : i32 {
      %mul3A_699 = arith.constant 2 : i32
      %mul3A_700 = arith.muli %mul3A_699, %while3A_697 : i32
      %add3A_701 = arith.constant 1 : i32
      %add3A_702 = arith.addi %mul3A_700, %add3A_701 : i32
      %dma_start3A_703 = arith.constant 0 : i32
      %dma_start3A_704 = tpu.memref_slice %arg7[%add3A_702, %dma_start3A_703] : memref<48x128xi32, #tpu.memory_space<vmem>> -> memref<1x128xi32, #tpu.memory_space<vmem>>
      %dma_start3A_705 = tpu.memref_squeeze %dma_start3A_704 : memref<1x128xi32, #tpu.memory_space<vmem>> -> memref<128xi32, #tpu.memory_space<vmem>>
      %dma_start3A_706 = arith.constant 0 : i32
      %dma_start3A_707 = arith.constant 0 : i32
      %dma_start3A_708 = tpu.memref_slice %arg2[%dma_start3A_706, %dma_start3A_707] : memref<10240x128xf32, #tpu.memory_space<hbm>> -> memref<10240x128xf32, #tpu.memory_space<hbm>>
      tpu.enqueue_indirect_dma source(%dma_start3A_708 : memref<10240x128xf32, #tpu.memory_space<hbm>>) target(%arg10 : memref<128x128xf32, #tpu.memory_space<vmem>>) offsets(%dma_start3A_705 : memref<128xi32, #tpu.memory_space<vmem>>) semaphore(%arg13 : memref<!tpu.dma_semaphore, #tpu.memory_space<semaphore_mem>>)
      %dma_wait3A_709 = arith.constant 0 : i32
      %dma_wait3A_710 = arith.constant 0 : i32
      %dma_wait3A_711 = tpu.memref_slice %arg7[%dma_wait3A_709, %dma_wait3A_710] : memref<48x128xi32, #tpu.memory_space<vmem>> -> memref<1x128xi32, #tpu.memory_space<vmem>>
      %dma_wait3A_712 = tpu.memref_squeeze %dma_wait3A_711 : memref<1x128xi32, #tpu.memory_space<vmem>> -> memref<128xi32, #tpu.memory_space<vmem>>
      %dma_wait3A_713 = arith.constant 0 : i32
      %dma_wait3A_714 = arith.constant 0 : i32
      %dma_wait3A_715 = tpu.memref_slice %arg2[%dma_wait3A_713, %dma_wait3A_714] : memref<10240x128xf32, #tpu.memory_space<hbm>> -> memref<10240x128xf32, #tpu.memory_space<hbm>>
      tpu.wait_indirect_dma semaphore(%arg12 : memref<!tpu.dma_semaphore, #tpu.memory_space<semaphore_mem>>) src(%dma_wait3A_715 : memref<10240x128xf32, #tpu.memory_space<hbm>>) dst(%arg9 : memref<128x128xf32, #tpu.memory_space<vmem>>)
      "tpu.region"() ({
        %run_scoped3A = tpu.sem_alloc : memref<!tpu.dma_semaphore, #tpu.memory_space<semaphore_mem>>
        %dma_start3A_728 = arith.constant 0 : i32
        %dma_start3A_729 = tpu.memref_slice %arg8[%mul3A_700, %dma_start3A_728] : memref<48x128xi32, #tpu.memory_space<vmem>> -> memref<1x128xi32, #tpu.memory_space<vmem>>
        %dma_start3A_730 = tpu.memref_squeeze %dma_start3A_729 : memref<1x128xi32, #tpu.memory_space<vmem>> -> memref<128xi32, #tpu.memory_space<vmem>>
        %dma_start3A_731 = arith.constant 0 : i32
        %dma_start3A_732 = arith.constant 0 : i32
        %dma_start3A_733 = tpu.memref_slice %arg6[%dma_start3A_731, %dma_start3A_732] : memref<10240x128xf32, #tpu.memory_space<vmem_shared>> -> memref<10240x128xf32, #tpu.memory_space<vmem_shared>>
        tpu.enqueue_indirect_dma source(%arg9 : memref<128x128xf32, #tpu.memory_space<vmem>>) target(%dma_start3A_733 : memref<10240x128xf32, #tpu.memory_space<vmem_shared>>) offsets(%dma_start3A_730 : memref<128xi32, #tpu.memory_space<vmem>>) semaphore(%run_scoped3A : memref<!tpu.dma_semaphore, #tpu.memory_space<semaphore_mem>>) {add = true}
        %dma_wait3A_734 = arith.constant 0 : i32
        %dma_wait3A_735 = tpu.memref_slice %arg8[%mul3A_700, %dma_wait3A_734] : memref<48x128xi32, #tpu.memory_space<vmem>> -> memref<1x128xi32, #tpu.memory_space<vmem>>
        %dma_wait3A_736 = tpu.memref_squeeze %dma_wait3A_735 : memref<1x128xi32, #tpu.memory_space<vmem>> -> memref<128xi32, #tpu.memory_space<vmem>>
        %dma_wait3A_737 = arith.constant 0 : i32
        %dma_wait3A_738 = arith.constant 0 : i32
        %dma_wait3A_739 = tpu.memref_slice %arg6[%dma_wait3A_737, %dma_wait3A_738] : memref<10240x128xf32, #tpu.memory_space<vmem_shared>> -> memref<10240x128xf32, #tpu.memory_space<vmem_shared>>
        tpu.wait_indirect_dma semaphore(%run_scoped3A : memref<!tpu.dma_semaphore, #tpu.memory_space<semaphore_mem>>) src(%arg9 : memref<128x128xf32, #tpu.memory_space<vmem>>) dst(%dma_wait3A_739 : memref<10240x128xf32, #tpu.memory_space<vmem_shared>>)
        tpu.yield
      }) : () -> ()
      %sub3A_716 = arith.constant 1 : i32
      %sub3A_717 = arith.subi %select_n3A_595, %sub3A_716 : i32
      %lt3A_718 = arith.cmpi slt, %while3A_697, %sub3A_717 : i32
      %convert_element_type3A = arith.extui %lt3A_718 : i1 to i32
      %cond3A = arith.constant 0 : i32
      %cond3A_719 = arith.cmpi ne, %convert_element_type3A, %cond3A : i32
      scf.if %cond3A_719 {
        %add3A_728 = arith.constant 2 : i32
        %add3A_729 = arith.addi %mul3A_700, %add3A_728 : i32
        %dma_start3A_730 = arith.constant 0 : i32
        %dma_start3A_731 = tpu.memref_slice %arg7[%add3A_729, %dma_start3A_730] : memref<48x128xi32, #tpu.memory_space<vmem>> -> memref<1x128xi32, #tpu.memory_space<vmem>>
        %dma_start3A_732 = tpu.memref_squeeze %dma_start3A_731 : memref<1x128xi32, #tpu.memory_space<vmem>> -> memref<128xi32, #tpu.memory_space<vmem>>
        %dma_start3A_733 = arith.constant 0 : i32
        %dma_start3A_734 = arith.constant 0 : i32
        %dma_start3A_735 = tpu.memref_slice %arg2[%dma_start3A_733, %dma_start3A_734] : memref<10240x128xf32, #tpu.memory_space<hbm>> -> memref<10240x128xf32, #tpu.memory_space<hbm>>
        tpu.enqueue_indirect_dma source(%dma_start3A_735 : memref<10240x128xf32, #tpu.memory_space<hbm>>) target(%arg9 : memref<128x128xf32, #tpu.memory_space<vmem>>) offsets(%dma_start3A_732 : memref<128xi32, #tpu.memory_space<vmem>>) semaphore(%arg12 : memref<!tpu.dma_semaphore, #tpu.memory_space<semaphore_mem>>)
      } else {
      }
      %dma_wait3A_720 = arith.constant 0 : i32
      %dma_wait3A_721 = arith.constant 0 : i32
      %dma_wait3A_722 = tpu.memref_slice %arg7[%dma_wait3A_720, %dma_wait3A_721] : memref<48x128xi32, #tpu.memory_space<vmem>> -> memref<1x128xi32, #tpu.memory_space<vmem>>
      %dma_wait3A_723 = tpu.memref_squeeze %dma_wait3A_722 : memref<1x128xi32, #tpu.memory_space<vmem>> -> memref<128xi32, #tpu.memory_space<vmem>>
      %dma_wait3A_724 = arith.constant 0 : i32
      %dma_wait3A_725 = arith.constant 0 : i32
      %dma_wait3A_726 = tpu.memref_slice %arg2[%dma_wait3A_724, %dma_wait3A_725] : memref<10240x128xf32, #tpu.memory_space<hbm>> -> memref<10240x128xf32, #tpu.memory_space<hbm>>
      tpu.wait_indirect_dma semaphore(%arg13 : memref<!tpu.dma_semaphore, #tpu.memory_space<semaphore_mem>>) src(%dma_wait3A_726 : memref<10240x128xf32, #tpu.memory_space<hbm>>) dst(%arg10 : memref<128x128xf32, #tpu.memory_space<vmem>>)
      "tpu.region"() ({
        %run_scoped3A = tpu.sem_alloc : memref<!tpu.dma_semaphore, #tpu.memory_space<semaphore_mem>>
        %dma_start3A_728 = arith.constant 0 : i32
        %dma_start3A_729 = tpu.memref_slice %arg8[%add3A_702, %dma_start3A_728] : memref<48x128xi32, #tpu.memory_space<vmem>> -> memref<1x128xi32, #tpu.memory_space<vmem>>
        %dma_start3A_730 = tpu.memref_squeeze %dma_start3A_729 : memref<1x128xi32, #tpu.memory_space<vmem>> -> memref<128xi32, #tpu.memory_space<vmem>>
        %dma_start3A_731 = arith.constant 0 : i32
        %dma_start3A_732 = arith.constant 0 : i32
        %dma_start3A_733 = tpu.memref_slice %arg6[%dma_start3A_731, %dma_start3A_732] : memref<10240x128xf32, #tpu.memory_space<vmem_shared>> -> memref<10240x128xf32, #tpu.memory_space<vmem_shared>>
        tpu.enqueue_indirect_dma source(%arg10 : memref<128x128xf32, #tpu.memory_space<vmem>>) target(%dma_start3A_733 : memref<10240x128xf32, #tpu.memory_space<vmem_shared>>) offsets(%dma_start3A_730 : memref<128xi32, #tpu.memory_space<vmem>>) semaphore(%run_scoped3A : memref<!tpu.dma_semaphore, #tpu.memory_space<semaphore_mem>>) {add = true}
        %dma_wait3A_734 = arith.constant 0 : i32
        %dma_wait3A_735 = tpu.memref_slice %arg8[%add3A_702, %dma_wait3A_734] : memref<48x128xi32, #tpu.memory_space<vmem>> -> memref<1x128xi32, #tpu.memory_space<vmem>>
        %dma_wait3A_736 = tpu.memref_squeeze %dma_wait3A_735 : memref<1x128xi32, #tpu.memory_space<vmem>> -> memref<128xi32, #tpu.memory_space<vmem>>
        %dma_wait3A_737 = arith.constant 0 : i32
        %dma_wait3A_738 = arith.constant 0 : i32
        %dma_wait3A_739 = tpu.memref_slice %arg6[%dma_wait3A_737, %dma_wait3A_738] : memref<10240x128xf32, #tpu.memory_space<vmem_shared>> -> memref<10240x128xf32, #tpu.memory_space<vmem_shared>>
        tpu.wait_indirect_dma semaphore(%run_scoped3A : memref<!tpu.dma_semaphore, #tpu.memory_space<semaphore_mem>>) src(%arg10 : memref<128x128xf32, #tpu.memory_space<vmem>>) dst(%dma_wait3A_739 : memref<10240x128xf32, #tpu.memory_space<vmem_shared>>)
        tpu.yield
      }) : () -> ()
      %while3A_727 = arith.constant 0 : i32
      scf.yield %while3A_727 : i32
    }
    %while3A_612 = arith.constant 1 : i32
    %while3A_613 = scf.for %while3A_697 = %while3A_609 to %while3A_605 step %while3A_612 iter_args(%while3A_698 = %while3A_611) -> (i32)  : i32 {
      %mul3A_699 = arith.constant 2 : i32
      %mul3A_700 = arith.muli %mul3A_699, %while3A_697 : i32
      %add3A_701 = arith.constant 1 : i32
      %add3A_702 = arith.addi %mul3A_700, %add3A_701 : i32
      %dma_start3A_703 = arith.constant 0 : i32
      %dma_start3A_704 = tpu.memref_slice %arg7[%add3A_702, %dma_start3A_703] : memref<48x128xi32, #tpu.memory_space<vmem>> -> memref<1x128xi32, #tpu.memory_space<vmem>>
      %dma_start3A_705 = tpu.memref_squeeze %dma_start3A_704 : memref<1x128xi32, #tpu.memory_space<vmem>> -> memref<128xi32, #tpu.memory_space<vmem>>
      %dma_start3A_706 = arith.constant 0 : i32
      %dma_start3A_707 = arith.constant 0 : i32
      %dma_start3A_708 = tpu.memref_slice %arg2[%dma_start3A_706, %dma_start3A_707] : memref<10240x128xf32, #tpu.memory_space<hbm>> -> memref<10240x128xf32, #tpu.memory_space<hbm>>
      tpu.enqueue_indirect_dma source(%dma_start3A_708 : memref<10240x128xf32, #tpu.memory_space<hbm>>) target(%arg10 : memref<128x128xf32, #tpu.memory_space<vmem>>) offsets(%dma_start3A_705 : memref<128xi32, #tpu.memory_space<vmem>>) semaphore(%arg13 : memref<!tpu.dma_semaphore, #tpu.memory_space<semaphore_mem>>)
      %dma_wait3A_709 = arith.constant 0 : i32
      %dma_wait3A_710 = arith.constant 0 : i32
      %dma_wait3A_711 = tpu.memref_slice %arg7[%dma_wait3A_709, %dma_wait3A_710] : memref<48x128xi32, #tpu.memory_space<vmem>> -> memref<1x128xi32, #tpu.memory_space<vmem>>
      %dma_wait3A_712 = tpu.memref_squeeze %dma_wait3A_711 : memref<1x128xi32, #tpu.memory_space<vmem>> -> memref<128xi32, #tpu.memory_space<vmem>>
      %dma_wait3A_713 = arith.constant 0 : i32
      %dma_wait3A_714 = arith.constant 0 : i32
      %dma_wait3A_715 = tpu.memref_slice %arg2[%dma_wait3A_713, %dma_wait3A_714] : memref<10240x128xf32, #tpu.memory_space<hbm>> -> memref<10240x128xf32, #tpu.memory_space<hbm>>
      tpu.wait_indirect_dma semaphore(%arg12 : memref<!tpu.dma_semaphore, #tpu.memory_space<semaphore_mem>>) src(%dma_wait3A_715 : memref<10240x128xf32, #tpu.memory_space<hbm>>) dst(%arg9 : memref<128x128xf32, #tpu.memory_space<vmem>>)
      "tpu.region"() ({
        %run_scoped3A = tpu.sem_alloc : memref<!tpu.dma_semaphore, #tpu.memory_space<semaphore_mem>>
        %dma_start3A_728 = arith.constant 0 : i32
        %dma_start3A_729 = tpu.memref_slice %arg8[%mul3A_700, %dma_start3A_728] : memref<48x128xi32, #tpu.memory_space<vmem>> -> memref<1x128xi32, #tpu.memory_space<vmem>>
        %dma_start3A_730 = tpu.memref_squeeze %dma_start3A_729 : memref<1x128xi32, #tpu.memory_space<vmem>> -> memref<128xi32, #tpu.memory_space<vmem>>
        %dma_start3A_731 = arith.constant 0 : i32
        %dma_start3A_732 = arith.constant 0 : i32
        %dma_start3A_733 = tpu.memref_slice %arg6[%dma_start3A_731, %dma_start3A_732] : memref<10240x128xf32, #tpu.memory_space<vmem_shared>> -> memref<10240x128xf32, #tpu.memory_space<vmem_shared>>
        tpu.enqueue_indirect_dma source(%arg9 : memref<128x128xf32, #tpu.memory_space<vmem>>) target(%dma_start3A_733 : memref<10240x128xf32, #tpu.memory_space<vmem_shared>>) offsets(%dma_start3A_730 : memref<128xi32, #tpu.memory_space<vmem>>) semaphore(%run_scoped3A : memref<!tpu.dma_semaphore, #tpu.memory_space<semaphore_mem>>) {add = true}
        %dma_wait3A_734 = arith.constant 0 : i32
        %dma_wait3A_735 = tpu.memref_slice %arg8[%mul3A_700, %dma_wait3A_734] : memref<48x128xi32, #tpu.memory_space<vmem>> -> memref<1x128xi32, #tpu.memory_space<vmem>>
        %dma_wait3A_736 = tpu.memref_squeeze %dma_wait3A_735 : memref<1x128xi32, #tpu.memory_space<vmem>> -> memref<128xi32, #tpu.memory_space<vmem>>
        %dma_wait3A_737 = arith.constant 0 : i32
        %dma_wait3A_738 = arith.constant 0 : i32
        %dma_wait3A_739 = tpu.memref_slice %arg6[%dma_wait3A_737, %dma_wait3A_738] : memref<10240x128xf32, #tpu.memory_space<vmem_shared>> -> memref<10240x128xf32, #tpu.memory_space<vmem_shared>>
        tpu.wait_indirect_dma semaphore(%run_scoped3A : memref<!tpu.dma_semaphore, #tpu.memory_space<semaphore_mem>>) src(%arg9 : memref<128x128xf32, #tpu.memory_space<vmem>>) dst(%dma_wait3A_739 : memref<10240x128xf32, #tpu.memory_space<vmem_shared>>)
        tpu.yield
      }) : () -> ()
      %sub3A_716 = arith.constant 1 : i32
      %sub3A_717 = arith.subi %select_n3A_595, %sub3A_716 : i32
      %lt3A_718 = arith.cmpi slt, %while3A_697, %sub3A_717 : i32
      %convert_element_type3A = arith.extui %lt3A_718 : i1 to i32
      %cond3A = arith.constant 0 : i32
      %cond3A_719 = arith.cmpi ne, %convert_element_type3A, %cond3A : i32
      scf.if %cond3A_719 {
        %add3A_728 = arith.constant 2 : i32
        %add3A_729 = arith.addi %mul3A_700, %add3A_728 : i32
        %dma_start3A_730 = arith.constant 0 : i32
        %dma_start3A_731 = tpu.memref_slice %arg7[%add3A_729, %dma_start3A_730] : memref<48x128xi32, #tpu.memory_space<vmem>> -> memref<1x128xi32, #tpu.memory_space<vmem>>
        %dma_start3A_732 = tpu.memref_squeeze %dma_start3A_731 : memref<1x128xi32, #tpu.memory_space<vmem>> -> memref<128xi32, #tpu.memory_space<vmem>>
        %dma_start3A_733 = arith.constant 0 : i32
        %dma_start3A_734 = arith.constant 0 : i32
        %dma_start3A_735 = tpu.memref_slice %arg2[%dma_start3A_733, %dma_start3A_734] : memref<10240x128xf32, #tpu.memory_space<hbm>> -> memref<10240x128xf32, #tpu.memory_space<hbm>>
        tpu.enqueue_indirect_dma source(%dma_start3A_735 : memref<10240x128xf32, #tpu.memory_space<hbm>>) target(%arg9 : memref<128x128xf32, #tpu.memory_space<vmem>>) offsets(%dma_start3A_732 : memref<128xi32, #tpu.memory_space<vmem>>) semaphore(%arg12 : memref<!tpu.dma_semaphore, #tpu.memory_space<semaphore_mem>>)
      } else {
      }
      %dma_wait3A_720 = arith.constant 0 : i32
      %dma_wait3A_721 = arith.constant 0 : i32
      %dma_wait3A_722 = tpu.memref_slice %arg7[%dma_wait3A_720, %dma_wait3A_721] : memref<48x128xi32, #tpu.memory_space<vmem>> -> memref<1x128xi32, #tpu.memory_space<vmem>>
      %dma_wait3A_723 = tpu.memref_squeeze %dma_wait3A_722 : memref<1x128xi32, #tpu.memory_space<vmem>> -> memref<128xi32, #tpu.memory_space<vmem>>
      %dma_wait3A_724 = arith.constant 0 : i32
      %dma_wait3A_725 = arith.constant 0 : i32
      %dma_wait3A_726 = tpu.memref_slice %arg2[%dma_wait3A_724, %dma_wait3A_725] : memref<10240x128xf32, #tpu.memory_space<hbm>> -> memref<10240x128xf32, #tpu.memory_space<hbm>>
      tpu.wait_indirect_dma semaphore(%arg13 : memref<!tpu.dma_semaphore, #tpu.memory_space<semaphore_mem>>) src(%dma_wait3A_726 : memref<10240x128xf32, #tpu.memory_space<hbm>>) dst(%arg10 : memref<128x128xf32, #tpu.memory_space<vmem>>)
      "tpu.region"() ({
        %run_scoped3A = tpu.sem_alloc : memref<!tpu.dma_semaphore, #tpu.memory_space<semaphore_mem>>
        %dma_start3A_728 = arith.constant 0 : i32
        %dma_start3A_729 = tpu.memref_slice %arg8[%add3A_702, %dma_start3A_728] : memref<48x128xi32, #tpu.memory_space<vmem>> -> memref<1x128xi32, #tpu.memory_space<vmem>>
        %dma_start3A_730 = tpu.memref_squeeze %dma_start3A_729 : memref<1x128xi32, #tpu.memory_space<vmem>> -> memref<128xi32, #tpu.memory_space<vmem>>
        %dma_start3A_731 = arith.constant 0 : i32
        %dma_start3A_732 = arith.constant 0 : i32
        %dma_start3A_733 = tpu.memref_slice %arg6[%dma_start3A_731, %dma_start3A_732] : memref<10240x128xf32, #tpu.memory_space<vmem_shared>> -> memref<10240x128xf32, #tpu.memory_space<vmem_shared>>
        tpu.enqueue_indirect_dma source(%arg10 : memref<128x128xf32, #tpu.memory_space<vmem>>) target(%dma_start3A_733 : memref<10240x128xf32, #tpu.memory_space<vmem_shared>>) offsets(%dma_start3A_730 : memref<128xi32, #tpu.memory_space<vmem>>) semaphore(%run_scoped3A : memref<!tpu.dma_semaphore, #tpu.memory_space<semaphore_mem>>) {add = true}
        %dma_wait3A_734 = arith.constant 0 : i32
        %dma_wait3A_735 = tpu.memref_slice %arg8[%add3A_702, %dma_wait3A_734] : memref<48x128xi32, #tpu.memory_space<vmem>> -> memref<1x128xi32, #tpu.memory_space<vmem>>
        %dma_wait3A_736 = tpu.memref_squeeze %dma_wait3A_735 : memref<1x128xi32, #tpu.memory_space<vmem>> -> memref<128xi32, #tpu.memory_space<vmem>>
        %dma_wait3A_737 = arith.constant 0 : i32
        %dma_wait3A_738 = arith.constant 0 : i32
        %dma_wait3A_739 = tpu.memref_slice %arg6[%dma_wait3A_737, %dma_wait3A_738] : memref<10240x128xf32, #tpu.memory_space<vmem_shared>> -> memref<10240x128xf32, #tpu.memory_space<vmem_shared>>
        tpu.wait_indirect_dma semaphore(%run_scoped3A : memref<!tpu.dma_semaphore, #tpu.memory_space<semaphore_mem>>) src(%arg10 : memref<128x128xf32, #tpu.memory_space<vmem>>) dst(%dma_wait3A_739 : memref<10240x128xf32, #tpu.memory_space<vmem_shared>>)
        tpu.yield
      }) : () -> ()
      %while3A_727 = arith.constant 0 : i32
      scf.yield %while3A_727 : i32
    }
    %barrier3A_614 = arith.constant 0 : index
    tpu.barrier barrier_id(%barrier3A_614)
    %mul3A_615 = arith.constant 640 : i32
    %mul3A_616 = arith.muli %arg1, %mul3A_615 : i32
    %add3A_617 = arith.constant 0 : i32
    %add3A_618 = arith.addi %mul3A_616, %add3A_617 : i32
    "tpu.region"() ({
      %run_scoped3A = tpu.sem_alloc : memref<!tpu.dma_semaphore, #tpu.memory_space<semaphore_mem>>
      %dma_start3A_697 = arith.constant 0 : i32
      %dma_start3A_698 = tpu.memref_slice %arg6[%add3A_618, %dma_start3A_697] : memref<10240x128xf32, #tpu.memory_space<vmem_shared>> -> memref<128x128xf32, #tpu.memory_space<vmem_shared>>
      %dma_start3A_699 = arith.constant 0 : i32
      %dma_start3A_700 = tpu.memref_slice %arg6[%add3A_618, %dma_start3A_699] : memref<10240x128xf32, #tpu.memory_space<vmem_shared>> -> memref<128x128xf32, #tpu.memory_space<vmem_shared>>
      tpu.enqueue_dma source(%dma_start3A_700 : memref<128x128xf32, #tpu.memory_space<vmem_shared>>) target(%arg9 : memref<128x128xf32, #tpu.memory_space<vmem>>) target_semaphore(%run_scoped3A : memref<!tpu.dma_semaphore, #tpu.memory_space<semaphore_mem>>)
      %dma_wait3A_701 = arith.constant 0 : i32
      %dma_wait3A_702 = tpu.memref_slice %arg6[%add3A_618, %dma_wait3A_701] : memref<10240x128xf32, #tpu.memory_space<vmem_shared>> -> memref<128x128xf32, #tpu.memory_space<vmem_shared>>
      %dma_wait3A_703 = arith.constant 0 : i32
      %dma_wait3A_704 = tpu.memref_slice %arg6[%add3A_618, %dma_wait3A_703] : memref<10240x128xf32, #tpu.memory_space<vmem_shared>> -> memref<128x128xf32, #tpu.memory_space<vmem_shared>>
      tpu.wait_dma2 semaphore(%run_scoped3A : memref<!tpu.dma_semaphore, #tpu.memory_space<semaphore_mem>>) src(%dma_wait3A_704 : memref<128x128xf32, #tpu.memory_space<vmem_shared>>) dst(%arg9 : memref<128x128xf32, #tpu.memory_space<vmem>>)
      tpu.yield
    }) : () -> ()
    %add3A_619 = arith.constant 0 : i32
    %add3A_620 = arith.addi %mul3A_616, %add3A_619 : i32
    %dma_start3A_621 = arith.constant 0 : i32
    %dma_start3A_622 = tpu.memref_slice %arg5[%arg0, %add3A_620, %dma_start3A_621] : memref<2x10240x128xf32, #tpu.memory_space<hbm>> -> memref<1x128x128xf32, #tpu.memory_space<hbm>>
    %dma_start3A_623 = tpu.memref_squeeze %dma_start3A_622 : memref<1x128x128xf32, #tpu.memory_space<hbm>> -> memref<128x128xf32, #tpu.memory_space<hbm>>
    %dma_start3A_624 = arith.constant 0 : i32
    %dma_start3A_625 = tpu.memref_slice %arg5[%arg0, %add3A_620, %dma_start3A_624] : memref<2x10240x128xf32, #tpu.memory_space<hbm>> -> memref<1x128x128xf32, #tpu.memory_space<hbm>>
    %dma_start3A_626 = tpu.memref_squeeze %dma_start3A_625 : memref<1x128x128xf32, #tpu.memory_space<hbm>> -> memref<128x128xf32, #tpu.memory_space<hbm>>
    tpu.enqueue_dma source(%arg9 : memref<128x128xf32, #tpu.memory_space<vmem>>) target(%dma_start3A_626 : memref<128x128xf32, #tpu.memory_space<hbm>>) target_semaphore(%arg14 : memref<!tpu.dma_semaphore, #tpu.memory_space<semaphore_mem>>)
    %add3A_627 = arith.constant 128 : i32
    %add3A_628 = arith.addi %mul3A_616, %add3A_627 : i32
    "tpu.region"() ({
      %run_scoped3A = tpu.sem_alloc : memref<!tpu.dma_semaphore, #tpu.memory_space<semaphore_mem>>
      %dma_start3A_697 = arith.constant 0 : i32
      %dma_start3A_698 = tpu.memref_slice %arg6[%add3A_628, %dma_start3A_697] : memref<10240x128xf32, #tpu.memory_space<vmem_shared>> -> memref<128x128xf32, #tpu.memory_space<vmem_shared>>
      %dma_start3A_699 = arith.constant 0 : i32
      %dma_start3A_700 = tpu.memref_slice %arg6[%add3A_628, %dma_start3A_699] : memref<10240x128xf32, #tpu.memory_space<vmem_shared>> -> memref<128x128xf32, #tpu.memory_space<vmem_shared>>
      tpu.enqueue_dma source(%dma_start3A_700 : memref<128x128xf32, #tpu.memory_space<vmem_shared>>) target(%arg10 : memref<128x128xf32, #tpu.memory_space<vmem>>) target_semaphore(%run_scoped3A : memref<!tpu.dma_semaphore, #tpu.memory_space<semaphore_mem>>)
      %dma_wait3A_701 = arith.constant 0 : i32
      %dma_wait3A_702 = tpu.memref_slice %arg6[%add3A_628, %dma_wait3A_701] : memref<10240x128xf32, #tpu.memory_space<vmem_shared>> -> memref<128x128xf32, #tpu.memory_space<vmem_shared>>
      %dma_wait3A_703 = arith.constant 0 : i32
      %dma_wait3A_704 = tpu.memref_slice %arg6[%add3A_628, %dma_wait3A_703] : memref<10240x128xf32, #tpu.memory_space<vmem_shared>> -> memref<128x128xf32, #tpu.memory_space<vmem_shared>>
      tpu.wait_dma2 semaphore(%run_scoped3A : memref<!tpu.dma_semaphore, #tpu.memory_space<semaphore_mem>>) src(%dma_wait3A_704 : memref<128x128xf32, #tpu.memory_space<vmem_shared>>) dst(%arg10 : memref<128x128xf32, #tpu.memory_space<vmem>>)
      tpu.yield
    }) : () -> ()
    %add3A_629 = arith.constant 128 : i32
    %add3A_630 = arith.addi %mul3A_616, %add3A_629 : i32
    %dma_start3A_631 = arith.constant 0 : i32
    %dma_start3A_632 = tpu.memref_slice %arg5[%arg0, %add3A_630, %dma_start3A_631] : memref<2x10240x128xf32, #tpu.memory_space<hbm>> -> memref<1x128x128xf32, #tpu.memory_space<hbm>>
    %dma_start3A_633 = tpu.memref_squeeze %dma_start3A_632 : memref<1x128x128xf32, #tpu.memory_space<hbm>> -> memref<128x128xf32, #tpu.memory_space<hbm>>
    %dma_start3A_634 = arith.constant 0 : i32
    %dma_start3A_635 = tpu.memref_slice %arg5[%arg0, %add3A_630, %dma_start3A_634] : memref<2x10240x128xf32, #tpu.memory_space<hbm>> -> memref<1x128x128xf32, #tpu.memory_space<hbm>>
    %dma_start3A_636 = tpu.memref_squeeze %dma_start3A_635 : memref<1x128x128xf32, #tpu.memory_space<hbm>> -> memref<128x128xf32, #tpu.memory_space<hbm>>
    tpu.enqueue_dma source(%arg10 : memref<128x128xf32, #tpu.memory_space<vmem>>) target(%dma_start3A_636 : memref<128x128xf32, #tpu.memory_space<hbm>>) target_semaphore(%arg15 : memref<!tpu.dma_semaphore, #tpu.memory_space<semaphore_mem>>)
    %dma_wait3A_637 = arith.constant 0 : i32
    %dma_wait3A_638 = tpu.memref_slice %arg5[%arg0, %mul3A_616, %dma_wait3A_637] : memref<2x10240x128xf32, #tpu.memory_space<hbm>> -> memref<1x128x128xf32, #tpu.memory_space<hbm>>
    %dma_wait3A_639 = tpu.memref_squeeze %dma_wait3A_638 : memref<1x128x128xf32, #tpu.memory_space<hbm>> -> memref<128x128xf32, #tpu.memory_space<hbm>>
    %dma_wait3A_640 = arith.constant 0 : i32
    %dma_wait3A_641 = tpu.memref_slice %arg5[%arg0, %mul3A_616, %dma_wait3A_640] : memref<2x10240x128xf32, #tpu.memory_space<hbm>> -> memref<1x128x128xf32, #tpu.memory_space<hbm>>
    %dma_wait3A_642 = tpu.memref_squeeze %dma_wait3A_641 : memref<1x128x128xf32, #tpu.memory_space<hbm>> -> memref<128x128xf32, #tpu.memory_space<hbm>>
    tpu.wait_dma2 semaphore(%arg14 : memref<!tpu.dma_semaphore, #tpu.memory_space<semaphore_mem>>) src(%arg9 : memref<128x128xf32, #tpu.memory_space<vmem>>) dst(%dma_wait3A_642 : memref<128x128xf32, #tpu.memory_space<hbm>>)
    %add3A_643 = arith.constant 256 : i32
    %add3A_644 = arith.addi %mul3A_616, %add3A_643 : i32
    "tpu.region"() ({
      %run_scoped3A = tpu.sem_alloc : memref<!tpu.dma_semaphore, #tpu.memory_space<semaphore_mem>>
      %dma_start3A_697 = arith.constant 0 : i32
      %dma_start3A_698 = tpu.memref_slice %arg6[%add3A_644, %dma_start3A_697] : memref<10240x128xf32, #tpu.memory_space<vmem_shared>> -> memref<128x128xf32, #tpu.memory_space<vmem_shared>>
      %dma_start3A_699 = arith.constant 0 : i32
      %dma_start3A_700 = tpu.memref_slice %arg6[%add3A_644, %dma_start3A_699] : memref<10240x128xf32, #tpu.memory_space<vmem_shared>> -> memref<128x128xf32, #tpu.memory_space<vmem_shared>>
      tpu.enqueue_dma source(%dma_start3A_700 : memref<128x128xf32, #tpu.memory_space<vmem_shared>>) target(%arg9 : memref<128x128xf32, #tpu.memory_space<vmem>>) target_semaphore(%run_scoped3A : memref<!tpu.dma_semaphore, #tpu.memory_space<semaphore_mem>>)
      %dma_wait3A_701 = arith.constant 0 : i32
      %dma_wait3A_702 = tpu.memref_slice %arg6[%add3A_644, %dma_wait3A_701] : memref<10240x128xf32, #tpu.memory_space<vmem_shared>> -> memref<128x128xf32, #tpu.memory_space<vmem_shared>>
      %dma_wait3A_703 = arith.constant 0 : i32
      %dma_wait3A_704 = tpu.memref_slice %arg6[%add3A_644, %dma_wait3A_703] : memref<10240x128xf32, #tpu.memory_space<vmem_shared>> -> memref<128x128xf32, #tpu.memory_space<vmem_shared>>
      tpu.wait_dma2 semaphore(%run_scoped3A : memref<!tpu.dma_semaphore, #tpu.memory_space<semaphore_mem>>) src(%dma_wait3A_704 : memref<128x128xf32, #tpu.memory_space<vmem_shared>>) dst(%arg9 : memref<128x128xf32, #tpu.memory_space<vmem>>)
      tpu.yield
    }) : () -> ()
    %add3A_645 = arith.constant 256 : i32
    %add3A_646 = arith.addi %mul3A_616, %add3A_645 : i32
    %dma_start3A_647 = arith.constant 0 : i32
    %dma_start3A_648 = tpu.memref_slice %arg5[%arg0, %add3A_646, %dma_start3A_647] : memref<2x10240x128xf32, #tpu.memory_space<hbm>> -> memref<1x128x128xf32, #tpu.memory_space<hbm>>
    %dma_start3A_649 = tpu.memref_squeeze %dma_start3A_648 : memref<1x128x128xf32, #tpu.memory_space<hbm>> -> memref<128x128xf32, #tpu.memory_space<hbm>>
    %dma_start3A_650 = arith.constant 0 : i32
    %dma_start3A_651 = tpu.memref_slice %arg5[%arg0, %add3A_646, %dma_start3A_650] : memref<2x10240x128xf32, #tpu.memory_space<hbm>> -> memref<1x128x128xf32, #tpu.memory_space<hbm>>
    %dma_start3A_652 = tpu.memref_squeeze %dma_start3A_651 : memref<1x128x128xf32, #tpu.memory_space<hbm>> -> memref<128x128xf32, #tpu.memory_space<hbm>>
    tpu.enqueue_dma source(%arg9 : memref<128x128xf32, #tpu.memory_space<vmem>>) target(%dma_start3A_652 : memref<128x128xf32, #tpu.memory_space<hbm>>) target_semaphore(%arg14 : memref<!tpu.dma_semaphore, #tpu.memory_space<semaphore_mem>>)
    %dma_wait3A_653 = arith.constant 0 : i32
    %dma_wait3A_654 = tpu.memref_slice %arg5[%arg0, %mul3A_616, %dma_wait3A_653] : memref<2x10240x128xf32, #tpu.memory_space<hbm>> -> memref<1x128x128xf32, #tpu.memory_space<hbm>>
    %dma_wait3A_655 = tpu.memref_squeeze %dma_wait3A_654 : memref<1x128x128xf32, #tpu.memory_space<hbm>> -> memref<128x128xf32, #tpu.memory_space<hbm>>
    %dma_wait3A_656 = arith.constant 0 : i32
    %dma_wait3A_657 = tpu.memref_slice %arg5[%arg0, %mul3A_616, %dma_wait3A_656] : memref<2x10240x128xf32, #tpu.memory_space<hbm>> -> memref<1x128x128xf32, #tpu.memory_space<hbm>>
    %dma_wait3A_658 = tpu.memref_squeeze %dma_wait3A_657 : memref<1x128x128xf32, #tpu.memory_space<hbm>> -> memref<128x128xf32, #tpu.memory_space<hbm>>
    tpu.wait_dma2 semaphore(%arg15 : memref<!tpu.dma_semaphore, #tpu.memory_space<semaphore_mem>>) src(%arg10 : memref<128x128xf32, #tpu.memory_space<vmem>>) dst(%dma_wait3A_658 : memref<128x128xf32, #tpu.memory_space<hbm>>)
    %add3A_659 = arith.constant 384 : i32
    %add3A_660 = arith.addi %mul3A_616, %add3A_659 : i32
    "tpu.region"() ({
      %run_scoped3A = tpu.sem_alloc : memref<!tpu.dma_semaphore, #tpu.memory_space<semaphore_mem>>
      %dma_start3A_697 = arith.constant 0 : i32
      %dma_start3A_698 = tpu.memref_slice %arg6[%add3A_660, %dma_start3A_697] : memref<10240x128xf32, #tpu.memory_space<vmem_shared>> -> memref<128x128xf32, #tpu.memory_space<vmem_shared>>
      %dma_start3A_699 = arith.constant 0 : i32
      %dma_start3A_700 = tpu.memref_slice %arg6[%add3A_660, %dma_start3A_699] : memref<10240x128xf32, #tpu.memory_space<vmem_shared>> -> memref<128x128xf32, #tpu.memory_space<vmem_shared>>
      tpu.enqueue_dma source(%dma_start3A_700 : memref<128x128xf32, #tpu.memory_space<vmem_shared>>) target(%arg10 : memref<128x128xf32, #tpu.memory_space<vmem>>) target_semaphore(%run_scoped3A : memref<!tpu.dma_semaphore, #tpu.memory_space<semaphore_mem>>)
      %dma_wait3A_701 = arith.constant 0 : i32
      %dma_wait3A_702 = tpu.memref_slice %arg6[%add3A_660, %dma_wait3A_701] : memref<10240x128xf32, #tpu.memory_space<vmem_shared>> -> memref<128x128xf32, #tpu.memory_space<vmem_shared>>
      %dma_wait3A_703 = arith.constant 0 : i32
      %dma_wait3A_704 = tpu.memref_slice %arg6[%add3A_660, %dma_wait3A_703] : memref<10240x128xf32, #tpu.memory_space<vmem_shared>> -> memref<128x128xf32, #tpu.memory_space<vmem_shared>>
      tpu.wait_dma2 semaphore(%run_scoped3A : memref<!tpu.dma_semaphore, #tpu.memory_space<semaphore_mem>>) src(%dma_wait3A_704 : memref<128x128xf32, #tpu.memory_space<vmem_shared>>) dst(%arg10 : memref<128x128xf32, #tpu.memory_space<vmem>>)
      tpu.yield
    }) : () -> ()
    %add3A_661 = arith.constant 384 : i32
    %add3A_662 = arith.addi %mul3A_616, %add3A_661 : i32
    %dma_start3A_663 = arith.constant 0 : i32
    %dma_start3A_664 = tpu.memref_slice %arg5[%arg0, %add3A_662, %dma_start3A_663] : memref<2x10240x128xf32, #tpu.memory_space<hbm>> -> memref<1x128x128xf32, #tpu.memory_space<hbm>>
    %dma_start3A_665 = tpu.memref_squeeze %dma_start3A_664 : memref<1x128x128xf32, #tpu.memory_space<hbm>> -> memref<128x128xf32, #tpu.memory_space<hbm>>
    %dma_start3A_666 = arith.constant 0 : i32
    %dma_start3A_667 = tpu.memref_slice %arg5[%arg0, %add3A_662, %dma_start3A_666] : memref<2x10240x128xf32, #tpu.memory_space<hbm>> -> memref<1x128x128xf32, #tpu.memory_space<hbm>>
    %dma_start3A_668 = tpu.memref_squeeze %dma_start3A_667 : memref<1x128x128xf32, #tpu.memory_space<hbm>> -> memref<128x128xf32, #tpu.memory_space<hbm>>
    tpu.enqueue_dma source(%arg10 : memref<128x128xf32, #tpu.memory_space<vmem>>) target(%dma_start3A_668 : memref<128x128xf32, #tpu.memory_space<hbm>>) target_semaphore(%arg15 : memref<!tpu.dma_semaphore, #tpu.memory_space<semaphore_mem>>)
    %dma_wait3A_669 = arith.constant 0 : i32
    %dma_wait3A_670 = tpu.memref_slice %arg5[%arg0, %mul3A_616, %dma_wait3A_669] : memref<2x10240x128xf32, #tpu.memory_space<hbm>> -> memref<1x128x128xf32, #tpu.memory_space<hbm>>
    %dma_wait3A_671 = tpu.memref_squeeze %dma_wait3A_670 : memref<1x128x128xf32, #tpu.memory_space<hbm>> -> memref<128x128xf32, #tpu.memory_space<hbm>>
    %dma_wait3A_672 = arith.constant 0 : i32
    %dma_wait3A_673 = tpu.memref_slice %arg5[%arg0, %mul3A_616, %dma_wait3A_672] : memref<2x10240x128xf32, #tpu.memory_space<hbm>> -> memref<1x128x128xf32, #tpu.memory_space<hbm>>
    %dma_wait3A_674 = tpu.memref_squeeze %dma_wait3A_673 : memref<1x128x128xf32, #tpu.memory_space<hbm>> -> memref<128x128xf32, #tpu.memory_space<hbm>>
    tpu.wait_dma2 semaphore(%arg14 : memref<!tpu.dma_semaphore, #tpu.memory_space<semaphore_mem>>) src(%arg9 : memref<128x128xf32, #tpu.memory_space<vmem>>) dst(%dma_wait3A_674 : memref<128x128xf32, #tpu.memory_space<hbm>>)
    %add3A_675 = arith.constant 512 : i32
    %add3A_676 = arith.addi %mul3A_616, %add3A_675 : i32
    "tpu.region"() ({
      %run_scoped3A = tpu.sem_alloc : memref<!tpu.dma_semaphore, #tpu.memory_space<semaphore_mem>>
      %dma_start3A_697 = arith.constant 0 : i32
      %dma_start3A_698 = tpu.memref_slice %arg6[%add3A_676, %dma_start3A_697] : memref<10240x128xf32, #tpu.memory_space<vmem_shared>> -> memref<128x128xf32, #tpu.memory_space<vmem_shared>>
      %dma_start3A_699 = arith.constant 0 : i32
      %dma_start3A_700 = tpu.memref_slice %arg6[%add3A_676, %dma_start3A_699] : memref<10240x128xf32, #tpu.memory_space<vmem_shared>> -> memref<128x128xf32, #tpu.memory_space<vmem_shared>>
      tpu.enqueue_dma source(%dma_start3A_700 : memref<128x128xf32, #tpu.memory_space<vmem_shared>>) target(%arg9 : memref<128x128xf32, #tpu.memory_space<vmem>>) target_semaphore(%run_scoped3A : memref<!tpu.dma_semaphore, #tpu.memory_space<semaphore_mem>>)
      %dma_wait3A_701 = arith.constant 0 : i32
      %dma_wait3A_702 = tpu.memref_slice %arg6[%add3A_676, %dma_wait3A_701] : memref<10240x128xf32, #tpu.memory_space<vmem_shared>> -> memref<128x128xf32, #tpu.memory_space<vmem_shared>>
      %dma_wait3A_703 = arith.constant 0 : i32
      %dma_wait3A_704 = tpu.memref_slice %arg6[%add3A_676, %dma_wait3A_703] : memref<10240x128xf32, #tpu.memory_space<vmem_shared>> -> memref<128x128xf32, #tpu.memory_space<vmem_shared>>
      tpu.wait_dma2 semaphore(%run_scoped3A : memref<!tpu.dma_semaphore, #tpu.memory_space<semaphore_mem>>) src(%dma_wait3A_704 : memref<128x128xf32, #tpu.memory_space<vmem_shared>>) dst(%arg9 : memref<128x128xf32, #tpu.memory_space<vmem>>)
      tpu.yield
    }) : () -> ()
    %add3A_677 = arith.constant 512 : i32
    %add3A_678 = arith.addi %mul3A_616, %add3A_677 : i32
    %dma_start3A_679 = arith.constant 0 : i32
    %dma_start3A_680 = tpu.memref_slice %arg5[%arg0, %add3A_678, %dma_start3A_679] : memref<2x10240x128xf32, #tpu.memory_space<hbm>> -> memref<1x128x128xf32, #tpu.memory_space<hbm>>
    %dma_start3A_681 = tpu.memref_squeeze %dma_start3A_680 : memref<1x128x128xf32, #tpu.memory_space<hbm>> -> memref<128x128xf32, #tpu.memory_space<hbm>>
    %dma_start3A_682 = arith.constant 0 : i32
    %dma_start3A_683 = tpu.memref_slice %arg5[%arg0, %add3A_678, %dma_start3A_682] : memref<2x10240x128xf32, #tpu.memory_space<hbm>> -> memref<1x128x128xf32, #tpu.memory_space<hbm>>
    %dma_start3A_684 = tpu.memref_squeeze %dma_start3A_683 : memref<1x128x128xf32, #tpu.memory_space<hbm>> -> memref<128x128xf32, #tpu.memory_space<hbm>>
    tpu.enqueue_dma source(%arg9 : memref<128x128xf32, #tpu.memory_space<vmem>>) target(%dma_start3A_684 : memref<128x128xf32, #tpu.memory_space<hbm>>) target_semaphore(%arg14 : memref<!tpu.dma_semaphore, #tpu.memory_space<semaphore_mem>>)
    %dma_wait3A_685 = arith.constant 0 : i32
    %dma_wait3A_686 = tpu.memref_slice %arg5[%arg0, %mul3A_616, %dma_wait3A_685] : memref<2x10240x128xf32, #tpu.memory_space<hbm>> -> memref<1x128x128xf32, #tpu.memory_space<hbm>>
    %dma_wait3A_687 = tpu.memref_squeeze %dma_wait3A_686 : memref<1x128x128xf32, #tpu.memory_space<hbm>> -> memref<128x128xf32, #tpu.memory_space<hbm>>
    %dma_wait3A_688 = arith.constant 0 : i32
    %dma_wait3A_689 = tpu.memref_slice %arg5[%arg0, %mul3A_616, %dma_wait3A_688] : memref<2x10240x128xf32, #tpu.memory_space<hbm>> -> memref<1x128x128xf32, #tpu.memory_space<hbm>>
    %dma_wait3A_690 = tpu.memref_squeeze %dma_wait3A_689 : memref<1x128x128xf32, #tpu.memory_space<hbm>> -> memref<128x128xf32, #tpu.memory_space<hbm>>
    tpu.wait_dma2 semaphore(%arg15 : memref<!tpu.dma_semaphore, #tpu.memory_space<semaphore_mem>>) src(%arg10 : memref<128x128xf32, #tpu.memory_space<vmem>>) dst(%dma_wait3A_690 : memref<128x128xf32, #tpu.memory_space<hbm>>)
    %dma_wait3A_691 = arith.constant 0 : i32
    %dma_wait3A_692 = tpu.memref_slice %arg5[%arg0, %mul3A_616, %dma_wait3A_691] : memref<2x10240x128xf32, #tpu.memory_space<hbm>> -> memref<1x128x128xf32, #tpu.memory_space<hbm>>
    %dma_wait3A_693 = tpu.memref_squeeze %dma_wait3A_692 : memref<1x128x128xf32, #tpu.memory_space<hbm>> -> memref<128x128xf32, #tpu.memory_space<hbm>>
    %dma_wait3A_694 = arith.constant 0 : i32
    %dma_wait3A_695 = tpu.memref_slice %arg5[%arg0, %mul3A_616, %dma_wait3A_694] : memref<2x10240x128xf32, #tpu.memory_space<hbm>> -> memref<1x128x128xf32, #tpu.memory_space<hbm>>
    %dma_wait3A_696 = tpu.memref_squeeze %dma_wait3A_695 : memref<1x128x128xf32, #tpu.memory_space<hbm>> -> memref<128x128xf32, #tpu.memory_space<hbm>>
    tpu.wait_dma2 semaphore(%arg14 : memref<!tpu.dma_semaphore, #tpu.memory_space<semaphore_mem>>) src(%arg9 : memref<128x128xf32, #tpu.memory_space<vmem>>) dst(%dma_wait3A_696 : memref<128x128xf32, #tpu.memory_space<hbm>>)
    return
  }
}

#map = affine_map<(d0, d1) -> (0, 0)>
#map1 = affine_map<(d0, d1) -> (0, 0, 0)>
module attributes {stable_mosaic.version = 14 : i64} {
  func.func @_seg_body(%arg0: i32, %arg1: i32, %arg2: memref<10240x128xf32, #tpu.memory_space<hbm>>, %arg3: memref<2560x128xi32, #tpu.memory_space<hbm>>, %arg4: memref<2560x128xi32, #tpu.memory_space<hbm>>, %arg5: memref<2x10240x128xf32, #tpu.memory_space<hbm>>, %arg6: memref<10240x128xf32, #tpu.memory_space<vmem_shared>>, %arg7: memref<48x128xi32, #tpu.memory_space<vmem>>, %arg8: memref<48x128xi32, #tpu.memory_space<vmem>>, %arg9: memref<128x128xf32, #tpu.memory_space<vmem>>, %arg10: memref<128x128xf32, #tpu.memory_space<vmem>>, %arg11: memref<!tpu.dma_semaphore, #tpu.memory_space<semaphore_mem>>, %arg12: memref<!tpu.dma_semaphore, #tpu.memory_space<semaphore_mem>>, %arg13: memref<!tpu.dma_semaphore, #tpu.memory_space<semaphore_mem>>, %arg14: memref<!tpu.dma_semaphore, #tpu.memory_space<semaphore_mem>>, %arg15: memref<!tpu.dma_semaphore, #tpu.memory_space<semaphore_mem>>) attributes {dimension_semantics = [#tpu.dimension_semantics<core_parallel>, #tpu.dimension_semantics<subcore_parallel>], iteration_bounds = array<i64: 2, 16>, scalar_prefetch = 0 : i64, scratch_operands = 10 : i64, tpu.core_type = #tpu.core_type<sc_vector_subcore>, window_params = [{transform_indices = #map}, {transform_indices = #map}, {transform_indices = #map}, {transform_indices = #map1}]} {
    %mul3A = arith.constant 16 : i32
    %mul3A_0 = arith.muli %arg0, %mul3A : i32
    %add3A = arith.addi %mul3A_0, %arg1 : i32
    %lt3A = arith.constant 24 : i32
    %lt3A_1 = arith.cmpi slt, %add3A, %lt3A : i32
    %eq3A = arith.constant 31 : i32
    %eq3A_2 = arith.cmpi eq, %add3A, %eq3A : i32
    %jit3A = arith.constant 76 : i32
    %jit3A_3 = arith.constant 72 : i32
    %select_n3A = arith.select %eq3A_2, %jit3A, %jit3A_3 : i32
    %jit3A_4 = arith.constant 80 : i32
    %select_n3A_5 = arith.select %lt3A_1, %jit3A_4, %select_n3A : i32
    %lt3A_6 = arith.constant 24 : i32
    %lt3A_7 = arith.cmpi slt, %add3A, %lt3A_6 : i32
    %mul3A_8 = arith.constant 80 : i32
    %mul3A_9 = arith.muli %add3A, %mul3A_8 : i32
    %sub3A = arith.constant 24 : i32
    %sub3A_10 = arith.subi %add3A, %sub3A : i32
    %mul3A_11 = arith.constant 72 : i32
    %mul3A_12 = arith.muli %sub3A_10, %mul3A_11 : i32
    %add3A_13 = arith.constant 1920 : i32
    %add3A_14 = arith.addi %add3A_13, %mul3A_12 : i32
    %select_n3A_15 = arith.select %lt3A_7, %mul3A_9, %add3A_14 : i32
    %dma_start3A = arith.constant 0 : i32
    %dma_start3A_16 = tpu.memref_slice %arg3[%select_n3A_15, %dma_start3A] : memref<2560x128xi32, #tpu.memory_space<hbm>> -> memref<48x128xi32, #tpu.memory_space<hbm>>
    %dma_start3A_17 = arith.constant 0 : i32
    %dma_start3A_18 = tpu.memref_slice %arg3[%select_n3A_15, %dma_start3A_17] : memref<2560x128xi32, #tpu.memory_space<hbm>> -> memref<48x128xi32, #tpu.memory_space<hbm>>
    tpu.enqueue_dma source(%dma_start3A_18 : memref<48x128xi32, #tpu.memory_space<hbm>>) target(%arg7 : memref<48x128xi32, #tpu.memory_space<vmem>>) target_semaphore(%arg11 : memref<!tpu.dma_semaphore, #tpu.memory_space<semaphore_mem>>)
    %dma_start3A_19 = arith.constant 0 : i32
    %dma_start3A_20 = tpu.memref_slice %arg4[%select_n3A_15, %dma_start3A_19] : memref<2560x128xi32, #tpu.memory_space<hbm>> -> memref<48x128xi32, #tpu.memory_space<hbm>>
    %dma_start3A_21 = arith.constant 0 : i32
    %dma_start3A_22 = tpu.memref_slice %arg4[%select_n3A_15, %dma_start3A_21] : memref<2560x128xi32, #tpu.memory_space<hbm>> -> memref<48x128xi32, #tpu.memory_space<hbm>>
    tpu.enqueue_dma source(%dma_start3A_22 : memref<48x128xi32, #tpu.memory_space<hbm>>) target(%arg8 : memref<48x128xi32, #tpu.memory_space<vmem>>) target_semaphore(%arg11 : memref<!tpu.dma_semaphore, #tpu.memory_space<semaphore_mem>>)
    %broadcast_in_dim3A = arith.constant 0.000000e+00 : f32
    %broadcast_in_dim3A_23 = vector.broadcast %broadcast_in_dim3A : f32 to vector<16xf32>
    %scan3A = arith.constant 0 : i32
    %scan3A_24 = arith.constant 0 : i32
    %scan3A_25 = arith.constant 256 : i32
    %scan3A_26 = arith.addi %scan3A_24, %scan3A_25 : i32
    %scan3A_27 = arith.constant 1 : i32
    %scan3A_28 = scf.for %scan3A_697 = %scan3A_24 to %scan3A_26 step %scan3A_27 iter_args(%scan3A_698 = %scan3A) -> (i32)  : i32 {
      %jit3A_699 = arith.constant 8 : i32
      %div3A_700 = arith.divsi %scan3A_697, %jit3A_699 : i32
      %sign3A_701 = arith.constant 0 : i32
      %sign3A_702 = arith.cmpi sgt, %scan3A_697, %sign3A_701 : i32
      %sign3A_703 = arith.extui %sign3A_702 : i1 to i32
      %sign3A_704 = arith.constant 0 : i32
      %sign3A_705 = arith.cmpi slt, %scan3A_697, %sign3A_704 : i32
      %sign3A_706 = arith.extui %sign3A_705 : i1 to i32
      %sign3A_707 = arith.subi %sign3A_703, %sign3A_706 : i32
      %sign3A_708 = arith.constant 0 : i32
      %sign3A_709 = arith.cmpi sgt, %jit3A_699, %sign3A_708 : i32
      %sign3A_710 = arith.extui %sign3A_709 : i1 to i32
      %sign3A_711 = arith.constant 0 : i32
      %sign3A_712 = arith.cmpi slt, %jit3A_699, %sign3A_711 : i32
      %sign3A_713 = arith.extui %sign3A_712 : i1 to i32
      %sign3A_714 = arith.subi %sign3A_710, %sign3A_713 : i32
      %ne3A_715 = arith.cmpi ne, %sign3A_707, %sign3A_714 : i32
      %rem3A_716 = arith.remsi %scan3A_697, %jit3A_699 : i32
      %ne3A_717 = arith.constant 0 : i32
      %ne3A_718 = arith.cmpi ne, %rem3A_716, %ne3A_717 : i32
      %and3A_719 = arith.andi %ne3A_715, %ne3A_718 : i1
      %sub3A_720 = arith.constant 1 : i32
      %sub3A_721 = arith.subi %div3A_700, %sub3A_720 : i32
      %select_n3A_722 = arith.select %and3A_719, %sub3A_721, %div3A_700 : i32
      %jit3A_723 = arith.constant 8 : i32
      %eq3A_724 = arith.constant 0 : i32
      %eq3A_725 = arith.cmpi eq, %jit3A_723, %eq3A_724 : i32
      %jit3A_726 = arith.constant 1 : i32
      %select_n3A_727 = arith.select %eq3A_725, %jit3A_726, %jit3A_723 : i32
      %rem3A_728 = arith.remsi %scan3A_697, %select_n3A_727 : i32
      %ne3A_729 = arith.constant 0 : i32
      %ne3A_730 = arith.cmpi ne, %rem3A_728, %ne3A_729 : i32
      %lt3A_731 = arith.constant 0 : i32
      %lt3A_732 = arith.cmpi slt, %rem3A_728, %lt3A_731 : i32
      %lt3A_733 = arith.constant 0 : i32
      %lt3A_734 = arith.cmpi slt, %select_n3A_727, %lt3A_733 : i32
      %ne3A_735 = arith.xori %lt3A_732, %lt3A_734 : i1
      %and3A_736 = arith.andi %ne3A_735, %ne3A_730 : i1
      %add3A_737 = arith.addi %rem3A_728, %select_n3A_727 : i32
      %select_n3A_738 = arith.select %and3A_736, %add3A_737, %rem3A_728 : i32
      %mul3A_739 = arith.constant 16 : i32
      %mul3A_740 = arith.muli %select_n3A_738, %mul3A_739 : i32
      %swap3A = arith.index_cast %select_n3A_722 : i32 to index
      %swap3A_741 = arith.index_cast %mul3A_740 : i32 to index
      %swap3A_742 = tpu.vector_load %arg9[%swap3A, %swap3A_741] {strides = array<i32>} : memref<128x128xf32, #tpu.memory_space<vmem>>, vector<1x16xf32>,
      %swap3A_743 = vector.shape_cast %swap3A_742 : vector<1x16xf32> to vector<16xf32>
      %swap3A_744 = vector.shape_cast %broadcast_in_dim3A_23 : vector<16xf32> to vector<1x16xf32>
      tpu.vector_store %arg9[%swap3A, %swap3A_741], %swap3A_744 {strides = array<i32>} : memref<128x128xf32, #tpu.memory_space<vmem>>, vector<1x16xf32>,
      %scan3A_745 = arith.constant 0 : i32
      scf.yield %scan3A_745 : i32
    }
    %scan3A_29 = arith.constant 256 : i32
    %mul3A_30 = arith.constant 640 : i32
    %mul3A_31 = arith.muli %arg1, %mul3A_30 : i32
    %add3A_32 = arith.constant 0 : i32
    %add3A_33 = arith.addi %mul3A_31, %add3A_32 : i32
    %dma_start3A_34 = arith.constant 0 : i32
    %dma_start3A_35 = arith.constant 0 : i32
    %dma_start3A_36 = tpu.memref_slice %arg9[%dma_start3A_34, %dma_start3A_35] : memref<128x128xf32, #tpu.memory_space<vmem>> -> memref<32x128xf32, #tpu.memory_space<vmem>>
    %dma_start3A_37 = arith.constant 0 : i32
    %dma_start3A_38 = tpu.memref_slice %arg6[%add3A_33, %dma_start3A_37] : memref<10240x128xf32, #tpu.memory_space<vmem_shared>> -> memref<32x128xf32, #tpu.memory_space<vmem_shared>>
    %dma_start3A_39 = arith.constant 0 : i32
    %dma_start3A_40 = tpu.memref_slice %arg6[%add3A_33, %dma_start3A_39] : memref<10240x128xf32, #tpu.memory_space<vmem_shared>> -> memref<32x128xf32, #tpu.memory_space<vmem_shared>>
    %dma_start3A_41 = arith.constant 0 : i32
    %dma_start3A_42 = arith.constant 0 : i32
    %dma_start3A_43 = tpu.memref_slice %arg9[%dma_start3A_41, %dma_start3A_42] : memref<128x128xf32, #tpu.memory_space<vmem>> -> memref<32x128xf32, #tpu.memory_space<vmem>>
    tpu.enqueue_dma source(%dma_start3A_43 : memref<32x128xf32, #tpu.memory_space<vmem>>) target(%dma_start3A_40 : memref<32x128xf32, #tpu.memory_space<vmem_shared>>) target_semaphore(%arg11 : memref<!tpu.dma_semaphore, #tpu.memory_space<semaphore_mem>>)
    %mul3A_44 = arith.constant 640 : i32
    %mul3A_45 = arith.muli %arg1, %mul3A_44 : i32
    %add3A_46 = arith.constant 32 : i32
    %add3A_47 = arith.addi %mul3A_45, %add3A_46 : i32
    %dma_start3A_48 = arith.constant 0 : i32
    %dma_start3A_49 = arith.constant 0 : i32
    %dma_start3A_50 = tpu.memref_slice %arg9[%dma_start3A_48, %dma_start3A_49] : memref<128x128xf32, #tpu.memory_space<vmem>> -> memref<32x128xf32, #tpu.memory_space<vmem>>
    %dma_start3A_51 = arith.constant 0 : i32
    %dma_start3A_52 = tpu.memref_slice %arg6[%add3A_47, %dma_start3A_51] : memref<10240x128xf32, #tpu.memory_space<vmem_shared>> -> memref<32x128xf32, #tpu.memory_space<vmem_shared>>
    %dma_start3A_53 = arith.constant 0 : i32
    %dma_start3A_54 = tpu.memref_slice %arg6[%add3A_47, %dma_start3A_53] : memref<10240x128xf32, #tpu.memory_space<vmem_shared>> -> memref<32x128xf32, #tpu.memory_space<vmem_shared>>
    %dma_start3A_55 = arith.constant 0 : i32
    %dma_start3A_56 = arith.constant 0 : i32
    %dma_start3A_57 = tpu.memref_slice %arg9[%dma_start3A_55, %dma_start3A_56] : memref<128x128xf32, #tpu.memory_space<vmem>> -> memref<32x128xf32, #tpu.memory_space<vmem>>
    tpu.enqueue_dma source(%dma_start3A_57 : memref<32x128xf32, #tpu.memory_space<vmem>>) target(%dma_start3A_54 : memref<32x128xf32, #tpu.memory_space<vmem_shared>>) target_semaphore(%arg11 : memref<!tpu.dma_semaphore, #tpu.memory_space<semaphore_mem>>)
    %mul3A_58 = arith.constant 640 : i32
    %mul3A_59 = arith.muli %arg1, %mul3A_58 : i32
    %add3A_60 = arith.constant 64 : i32
    %add3A_61 = arith.addi %mul3A_59, %add3A_60 : i32
    %dma_start3A_62 = arith.constant 0 : i32
    %dma_start3A_63 = arith.constant 0 : i32
    %dma_start3A_64 = tpu.memref_slice %arg9[%dma_start3A_62, %dma_start3A_63] : memref<128x128xf32, #tpu.memory_space<vmem>> -> memref<32x128xf32, #tpu.memory_space<vmem>>
    %dma_start3A_65 = arith.constant 0 : i32
    %dma_start3A_66 = tpu.memref_slice %arg6[%add3A_61, %dma_start3A_65] : memref<10240x128xf32, #tpu.memory_space<vmem_shared>> -> memref<32x128xf32, #tpu.memory_space<vmem_shared>>
    %dma_start3A_67 = arith.constant 0 : i32
    %dma_start3A_68 = tpu.memref_slice %arg6[%add3A_61, %dma_start3A_67] : memref<10240x128xf32, #tpu.memory_space<vmem_shared>> -> memref<32x128xf32, #tpu.memory_space<vmem_shared>>
    %dma_start3A_69 = arith.constant 0 : i32
    %dma_start3A_70 = arith.constant 0 : i32
    %dma_start3A_71 = tpu.memref_slice %arg9[%dma_start3A_69, %dma_start3A_70] : memref<128x128xf32, #tpu.memory_space<vmem>> -> memref<32x128xf32, #tpu.memory_space<vmem>>
    tpu.enqueue_dma source(%dma_start3A_71 : memref<32x128xf32, #tpu.memory_space<vmem>>) target(%dma_start3A_68 : memref<32x128xf32, #tpu.memory_space<vmem_shared>>) target_semaphore(%arg11 : memref<!tpu.dma_semaphore, #tpu.memory_space<semaphore_mem>>)
    %mul3A_72 = arith.constant 640 : i32
    %mul3A_73 = arith.muli %arg1, %mul3A_72 : i32
    %add3A_74 = arith.constant 96 : i32
    %add3A_75 = arith.addi %mul3A_73, %add3A_74 : i32
    %dma_start3A_76 = arith.constant 0 : i32
    %dma_start3A_77 = arith.constant 0 : i32
    %dma_start3A_78 = tpu.memref_slice %arg9[%dma_start3A_76, %dma_start3A_77] : memref<128x128xf32, #tpu.memory_space<vmem>> -> memref<32x128xf32, #tpu.memory_space<vmem>>
    %dma_start3A_79 = arith.constant 0 : i32
    %dma_start3A_80 = tpu.memref_slice %arg6[%add3A_75, %dma_start3A_79] : memref<10240x128xf32, #tpu.memory_space<vmem_shared>> -> memref<32x128xf32, #tpu.memory_space<vmem_shared>>
    %dma_start3A_81 = arith.constant 0 : i32
    %dma_start3A_82 = tpu.memref_slice %arg6[%add3A_75, %dma_start3A_81] : memref<10240x128xf32, #tpu.memory_space<vmem_shared>> -> memref<32x128xf32, #tpu.memory_space<vmem_shared>>
    %dma_start3A_83 = arith.constant 0 : i32
    %dma_start3A_84 = arith.constant 0 : i32
    %dma_start3A_85 = tpu.memref_slice %arg9[%dma_start3A_83, %dma_start3A_84] : memref<128x128xf32, #tpu.memory_space<vmem>> -> memref<32x128xf32, #tpu.memory_space<vmem>>
    tpu.enqueue_dma source(%dma_start3A_85 : memref<32x128xf32, #tpu.memory_space<vmem>>) target(%dma_start3A_82 : memref<32x128xf32, #tpu.memory_space<vmem_shared>>) target_semaphore(%arg11 : memref<!tpu.dma_semaphore, #tpu.memory_space<semaphore_mem>>)
    %mul3A_86 = arith.constant 640 : i32
    %mul3A_87 = arith.muli %arg1, %mul3A_86 : i32
    %add3A_88 = arith.constant 128 : i32
    %add3A_89 = arith.addi %mul3A_87, %add3A_88 : i32
    %dma_start3A_90 = arith.constant 0 : i32
    %dma_start3A_91 = arith.constant 0 : i32
    %dma_start3A_92 = tpu.memref_slice %arg9[%dma_start3A_90, %dma_start3A_91] : memref<128x128xf32, #tpu.memory_space<vmem>> -> memref<32x128xf32, #tpu.memory_space<vmem>>
    %dma_start3A_93 = arith.constant 0 : i32
    %dma_start3A_94 = tpu.memref_slice %arg6[%add3A_89, %dma_start3A_93] : memref<10240x128xf32, #tpu.memory_space<vmem_shared>> -> memref<32x128xf32, #tpu.memory_space<vmem_shared>>
    %dma_start3A_95 = arith.constant 0 : i32
    %dma_start3A_96 = tpu.memref_slice %arg6[%add3A_89, %dma_start3A_95] : memref<10240x128xf32, #tpu.memory_space<vmem_shared>> -> memref<32x128xf32, #tpu.memory_space<vmem_shared>>
    %dma_start3A_97 = arith.constant 0 : i32
    %dma_start3A_98 = arith.constant 0 : i32
    %dma_start3A_99 = tpu.memref_slice %arg9[%dma_start3A_97, %dma_start3A_98] : memref<128x128xf32, #tpu.memory_space<vmem>> -> memref<32x128xf32, #tpu.memory_space<vmem>>
    tpu.enqueue_dma source(%dma_start3A_99 : memref<32x128xf32, #tpu.memory_space<vmem>>) target(%dma_start3A_96 : memref<32x128xf32, #tpu.memory_space<vmem_shared>>) target_semaphore(%arg11 : memref<!tpu.dma_semaphore, #tpu.memory_space<semaphore_mem>>)
    %mul3A_100 = arith.constant 640 : i32
    %mul3A_101 = arith.muli %arg1, %mul3A_100 : i32
    %add3A_102 = arith.constant 160 : i32
    %add3A_103 = arith.addi %mul3A_101, %add3A_102 : i32
    %dma_start3A_104 = arith.constant 0 : i32
    %dma_start3A_105 = arith.constant 0 : i32
    %dma_start3A_106 = tpu.memref_slice %arg9[%dma_start3A_104, %dma_start3A_105] : memref<128x128xf32, #tpu.memory_space<vmem>> -> memref<32x128xf32, #tpu.memory_space<vmem>>
    %dma_start3A_107 = arith.constant 0 : i32
    %dma_start3A_108 = tpu.memref_slice %arg6[%add3A_103, %dma_start3A_107] : memref<10240x128xf32, #tpu.memory_space<vmem_shared>> -> memref<32x128xf32, #tpu.memory_space<vmem_shared>>
    %dma_start3A_109 = arith.constant 0 : i32
    %dma_start3A_110 = tpu.memref_slice %arg6[%add3A_103, %dma_start3A_109] : memref<10240x128xf32, #tpu.memory_space<vmem_shared>> -> memref<32x128xf32, #tpu.memory_space<vmem_shared>>
    %dma_start3A_111 = arith.constant 0 : i32
    %dma_start3A_112 = arith.constant 0 : i32
    %dma_start3A_113 = tpu.memref_slice %arg9[%dma_start3A_111, %dma_start3A_112] : memref<128x128xf32, #tpu.memory_space<vmem>> -> memref<32x128xf32, #tpu.memory_space<vmem>>
    tpu.enqueue_dma source(%dma_start3A_113 : memref<32x128xf32, #tpu.memory_space<vmem>>) target(%dma_start3A_110 : memref<32x128xf32, #tpu.memory_space<vmem_shared>>) target_semaphore(%arg11 : memref<!tpu.dma_semaphore, #tpu.memory_space<semaphore_mem>>)
    %mul3A_114 = arith.constant 640 : i32
    %mul3A_115 = arith.muli %arg1, %mul3A_114 : i32
    %add3A_116 = arith.constant 192 : i32
    %add3A_117 = arith.addi %mul3A_115, %add3A_116 : i32
    %dma_start3A_118 = arith.constant 0 : i32
    %dma_start3A_119 = arith.constant 0 : i32
    %dma_start3A_120 = tpu.memref_slice %arg9[%dma_start3A_118, %dma_start3A_119] : memref<128x128xf32, #tpu.memory_space<vmem>> -> memref<32x128xf32, #tpu.memory_space<vmem>>
    %dma_start3A_121 = arith.constant 0 : i32
    %dma_start3A_122 = tpu.memref_slice %arg6[%add3A_117, %dma_start3A_121] : memref<10240x128xf32, #tpu.memory_space<vmem_shared>> -> memref<32x128xf32, #tpu.memory_space<vmem_shared>>
    %dma_start3A_123 = arith.constant 0 : i32
    %dma_start3A_124 = tpu.memref_slice %arg6[%add3A_117, %dma_start3A_123] : memref<10240x128xf32, #tpu.memory_space<vmem_shared>> -> memref<32x128xf32, #tpu.memory_space<vmem_shared>>
    %dma_start3A_125 = arith.constant 0 : i32
    %dma_start3A_126 = arith.constant 0 : i32
    %dma_start3A_127 = tpu.memref_slice %arg9[%dma_start3A_125, %dma_start3A_126] : memref<128x128xf32, #tpu.memory_space<vmem>> -> memref<32x128xf32, #tpu.memory_space<vmem>>
    tpu.enqueue_dma source(%dma_start3A_127 : memref<32x128xf32, #tpu.memory_space<vmem>>) target(%dma_start3A_124 : memref<32x128xf32, #tpu.memory_space<vmem_shared>>) target_semaphore(%arg11 : memref<!tpu.dma_semaphore, #tpu.memory_space<semaphore_mem>>)
    %mul3A_128 = arith.constant 640 : i32
    %mul3A_129 = arith.muli %arg1, %mul3A_128 : i32
    %add3A_130 = arith.constant 224 : i32
    %add3A_131 = arith.addi %mul3A_129, %add3A_130 : i32
    %dma_start3A_132 = arith.constant 0 : i32
    %dma_start3A_133 = arith.constant 0 : i32
    %dma_start3A_134 = tpu.memref_slice %arg9[%dma_start3A_132, %dma_start3A_133] : memref<128x128xf32, #tpu.memory_space<vmem>> -> memref<32x128xf32, #tpu.memory_space<vmem>>
    %dma_start3A_135 = arith.constant 0 : i32
    %dma_start3A_136 = tpu.memref_slice %arg6[%add3A_131, %dma_start3A_135] : memref<10240x128xf32, #tpu.memory_space<vmem_shared>> -> memref<32x128xf32, #tpu.memory_space<vmem_shared>>
    %dma_start3A_137 = arith.constant 0 : i32
    %dma_start3A_138 = tpu.memref_slice %arg6[%add3A_131, %dma_start3A_137] : memref<10240x128xf32, #tpu.memory_space<vmem_shared>> -> memref<32x128xf32, #tpu.memory_space<vmem_shared>>
    %dma_start3A_139 = arith.constant 0 : i32
    %dma_start3A_140 = arith.constant 0 : i32
    %dma_start3A_141 = tpu.memref_slice %arg9[%dma_start3A_139, %dma_start3A_140] : memref<128x128xf32, #tpu.memory_space<vmem>> -> memref<32x128xf32, #tpu.memory_space<vmem>>
    tpu.enqueue_dma source(%dma_start3A_141 : memref<32x128xf32, #tpu.memory_space<vmem>>) target(%dma_start3A_138 : memref<32x128xf32, #tpu.memory_space<vmem_shared>>) target_semaphore(%arg11 : memref<!tpu.dma_semaphore, #tpu.memory_space<semaphore_mem>>)
    %mul3A_142 = arith.constant 640 : i32
    %mul3A_143 = arith.muli %arg1, %mul3A_142 : i32
    %add3A_144 = arith.constant 256 : i32
    %add3A_145 = arith.addi %mul3A_143, %add3A_144 : i32
    %dma_start3A_146 = arith.constant 0 : i32
    %dma_start3A_147 = arith.constant 0 : i32
    %dma_start3A_148 = tpu.memref_slice %arg9[%dma_start3A_146, %dma_start3A_147] : memref<128x128xf32, #tpu.memory_space<vmem>> -> memref<32x128xf32, #tpu.memory_space<vmem>>
    %dma_start3A_149 = arith.constant 0 : i32
    %dma_start3A_150 = tpu.memref_slice %arg6[%add3A_145, %dma_start3A_149] : memref<10240x128xf32, #tpu.memory_space<vmem_shared>> -> memref<32x128xf32, #tpu.memory_space<vmem_shared>>
    %dma_start3A_151 = arith.constant 0 : i32
    %dma_start3A_152 = tpu.memref_slice %arg6[%add3A_145, %dma_start3A_151] : memref<10240x128xf32, #tpu.memory_space<vmem_shared>> -> memref<32x128xf32, #tpu.memory_space<vmem_shared>>
    %dma_start3A_153 = arith.constant 0 : i32
    %dma_start3A_154 = arith.constant 0 : i32
    %dma_start3A_155 = tpu.memref_slice %arg9[%dma_start3A_153, %dma_start3A_154] : memref<128x128xf32, #tpu.memory_space<vmem>> -> memref<32x128xf32, #tpu.memory_space<vmem>>
    tpu.enqueue_dma source(%dma_start3A_155 : memref<32x128xf32, #tpu.memory_space<vmem>>) target(%dma_start3A_152 : memref<32x128xf32, #tpu.memory_space<vmem_shared>>) target_semaphore(%arg11 : memref<!tpu.dma_semaphore, #tpu.memory_space<semaphore_mem>>)
    %mul3A_156 = arith.constant 640 : i32
    %mul3A_157 = arith.muli %arg1, %mul3A_156 : i32
    %add3A_158 = arith.constant 288 : i32
    %add3A_159 = arith.addi %mul3A_157, %add3A_158 : i32
    %dma_start3A_160 = arith.constant 0 : i32
    %dma_start3A_161 = arith.constant 0 : i32
    %dma_start3A_162 = tpu.memref_slice %arg9[%dma_start3A_160, %dma_start3A_161] : memref<128x128xf32, #tpu.memory_space<vmem>> -> memref<32x128xf32, #tpu.memory_space<vmem>>
    %dma_start3A_163 = arith.constant 0 : i32
    %dma_start3A_164 = tpu.memref_slice %arg6[%add3A_159, %dma_start3A_163] : memref<10240x128xf32, #tpu.memory_space<vmem_shared>> -> memref<32x128xf32, #tpu.memory_space<vmem_shared>>
    %dma_start3A_165 = arith.constant 0 : i32
    %dma_start3A_166 = tpu.memref_slice %arg6[%add3A_159, %dma_start3A_165] : memref<10240x128xf32, #tpu.memory_space<vmem_shared>> -> memref<32x128xf32, #tpu.memory_space<vmem_shared>>
    %dma_start3A_167 = arith.constant 0 : i32
    %dma_start3A_168 = arith.constant 0 : i32
    %dma_start3A_169 = tpu.memref_slice %arg9[%dma_start3A_167, %dma_start3A_168] : memref<128x128xf32, #tpu.memory_space<vmem>> -> memref<32x128xf32, #tpu.memory_space<vmem>>
    tpu.enqueue_dma source(%dma_start3A_169 : memref<32x128xf32, #tpu.memory_space<vmem>>) target(%dma_start3A_166 : memref<32x128xf32, #tpu.memory_space<vmem_shared>>) target_semaphore(%arg11 : memref<!tpu.dma_semaphore, #tpu.memory_space<semaphore_mem>>)
    %mul3A_170 = arith.constant 640 : i32
    %mul3A_171 = arith.muli %arg1, %mul3A_170 : i32
    %add3A_172 = arith.constant 320 : i32
    %add3A_173 = arith.addi %mul3A_171, %add3A_172 : i32
    %dma_start3A_174 = arith.constant 0 : i32
    %dma_start3A_175 = arith.constant 0 : i32
    %dma_start3A_176 = tpu.memref_slice %arg9[%dma_start3A_174, %dma_start3A_175] : memref<128x128xf32, #tpu.memory_space<vmem>> -> memref<32x128xf32, #tpu.memory_space<vmem>>
    %dma_start3A_177 = arith.constant 0 : i32
    %dma_start3A_178 = tpu.memref_slice %arg6[%add3A_173, %dma_start3A_177] : memref<10240x128xf32, #tpu.memory_space<vmem_shared>> -> memref<32x128xf32, #tpu.memory_space<vmem_shared>>
    %dma_start3A_179 = arith.constant 0 : i32
    %dma_start3A_180 = tpu.memref_slice %arg6[%add3A_173, %dma_start3A_179] : memref<10240x128xf32, #tpu.memory_space<vmem_shared>> -> memref<32x128xf32, #tpu.memory_space<vmem_shared>>
    %dma_start3A_181 = arith.constant 0 : i32
    %dma_start3A_182 = arith.constant 0 : i32
    %dma_start3A_183 = tpu.memref_slice %arg9[%dma_start3A_181, %dma_start3A_182] : memref<128x128xf32, #tpu.memory_space<vmem>> -> memref<32x128xf32, #tpu.memory_space<vmem>>
    tpu.enqueue_dma source(%dma_start3A_183 : memref<32x128xf32, #tpu.memory_space<vmem>>) target(%dma_start3A_180 : memref<32x128xf32, #tpu.memory_space<vmem_shared>>) target_semaphore(%arg11 : memref<!tpu.dma_semaphore, #tpu.memory_space<semaphore_mem>>)
    %mul3A_184 = arith.constant 640 : i32
    %mul3A_185 = arith.muli %arg1, %mul3A_184 : i32
    %add3A_186 = arith.constant 352 : i32
    %add3A_187 = arith.addi %mul3A_185, %add3A_186 : i32
    %dma_start3A_188 = arith.constant 0 : i32
    %dma_start3A_189 = arith.constant 0 : i32
    %dma_start3A_190 = tpu.memref_slice %arg9[%dma_start3A_188, %dma_start3A_189] : memref<128x128xf32, #tpu.memory_space<vmem>> -> memref<32x128xf32, #tpu.memory_space<vmem>>
    %dma_start3A_191 = arith.constant 0 : i32
    %dma_start3A_192 = tpu.memref_slice %arg6[%add3A_187, %dma_start3A_191] : memref<10240x128xf32, #tpu.memory_space<vmem_shared>> -> memref<32x128xf32, #tpu.memory_space<vmem_shared>>
    %dma_start3A_193 = arith.constant 0 : i32
    %dma_start3A_194 = tpu.memref_slice %arg6[%add3A_187, %dma_start3A_193] : memref<10240x128xf32, #tpu.memory_space<vmem_shared>> -> memref<32x128xf32, #tpu.memory_space<vmem_shared>>
    %dma_start3A_195 = arith.constant 0 : i32
    %dma_start3A_196 = arith.constant 0 : i32
    %dma_start3A_197 = tpu.memref_slice %arg9[%dma_start3A_195, %dma_start3A_196] : memref<128x128xf32, #tpu.memory_space<vmem>> -> memref<32x128xf32, #tpu.memory_space<vmem>>
    tpu.enqueue_dma source(%dma_start3A_197 : memref<32x128xf32, #tpu.memory_space<vmem>>) target(%dma_start3A_194 : memref<32x128xf32, #tpu.memory_space<vmem_shared>>) target_semaphore(%arg11 : memref<!tpu.dma_semaphore, #tpu.memory_space<semaphore_mem>>)
    %mul3A_198 = arith.constant 640 : i32
    %mul3A_199 = arith.muli %arg1, %mul3A_198 : i32
    %add3A_200 = arith.constant 384 : i32
    %add3A_201 = arith.addi %mul3A_199, %add3A_200 : i32
    %dma_start3A_202 = arith.constant 0 : i32
    %dma_start3A_203 = arith.constant 0 : i32
    %dma_start3A_204 = tpu.memref_slice %arg9[%dma_start3A_202, %dma_start3A_203] : memref<128x128xf32, #tpu.memory_space<vmem>> -> memref<32x128xf32, #tpu.memory_space<vmem>>
    %dma_start3A_205 = arith.constant 0 : i32
    %dma_start3A_206 = tpu.memref_slice %arg6[%add3A_201, %dma_start3A_205] : memref<10240x128xf32, #tpu.memory_space<vmem_shared>> -> memref<32x128xf32, #tpu.memory_space<vmem_shared>>
    %dma_start3A_207 = arith.constant 0 : i32
    %dma_start3A_208 = tpu.memref_slice %arg6[%add3A_201, %dma_start3A_207] : memref<10240x128xf32, #tpu.memory_space<vmem_shared>> -> memref<32x128xf32, #tpu.memory_space<vmem_shared>>
    %dma_start3A_209 = arith.constant 0 : i32
    %dma_start3A_210 = arith.constant 0 : i32
    %dma_start3A_211 = tpu.memref_slice %arg9[%dma_start3A_209, %dma_start3A_210] : memref<128x128xf32, #tpu.memory_space<vmem>> -> memref<32x128xf32, #tpu.memory_space<vmem>>
    tpu.enqueue_dma source(%dma_start3A_211 : memref<32x128xf32, #tpu.memory_space<vmem>>) target(%dma_start3A_208 : memref<32x128xf32, #tpu.memory_space<vmem_shared>>) target_semaphore(%arg11 : memref<!tpu.dma_semaphore, #tpu.memory_space<semaphore_mem>>)
    %mul3A_212 = arith.constant 640 : i32
    %mul3A_213 = arith.muli %arg1, %mul3A_212 : i32
    %add3A_214 = arith.constant 416 : i32
    %add3A_215 = arith.addi %mul3A_213, %add3A_214 : i32
    %dma_start3A_216 = arith.constant 0 : i32
    %dma_start3A_217 = arith.constant 0 : i32
    %dma_start3A_218 = tpu.memref_slice %arg9[%dma_start3A_216, %dma_start3A_217] : memref<128x128xf32, #tpu.memory_space<vmem>> -> memref<32x128xf32, #tpu.memory_space<vmem>>
    %dma_start3A_219 = arith.constant 0 : i32
    %dma_start3A_220 = tpu.memref_slice %arg6[%add3A_215, %dma_start3A_219] : memref<10240x128xf32, #tpu.memory_space<vmem_shared>> -> memref<32x128xf32, #tpu.memory_space<vmem_shared>>
    %dma_start3A_221 = arith.constant 0 : i32
    %dma_start3A_222 = tpu.memref_slice %arg6[%add3A_215, %dma_start3A_221] : memref<10240x128xf32, #tpu.memory_space<vmem_shared>> -> memref<32x128xf32, #tpu.memory_space<vmem_shared>>
    %dma_start3A_223 = arith.constant 0 : i32
    %dma_start3A_224 = arith.constant 0 : i32
    %dma_start3A_225 = tpu.memref_slice %arg9[%dma_start3A_223, %dma_start3A_224] : memref<128x128xf32, #tpu.memory_space<vmem>> -> memref<32x128xf32, #tpu.memory_space<vmem>>
    tpu.enqueue_dma source(%dma_start3A_225 : memref<32x128xf32, #tpu.memory_space<vmem>>) target(%dma_start3A_222 : memref<32x128xf32, #tpu.memory_space<vmem_shared>>) target_semaphore(%arg11 : memref<!tpu.dma_semaphore, #tpu.memory_space<semaphore_mem>>)
    %mul3A_226 = arith.constant 640 : i32
    %mul3A_227 = arith.muli %arg1, %mul3A_226 : i32
    %add3A_228 = arith.constant 448 : i32
    %add3A_229 = arith.addi %mul3A_227, %add3A_228 : i32
    %dma_start3A_230 = arith.constant 0 : i32
    %dma_start3A_231 = arith.constant 0 : i32
    %dma_start3A_232 = tpu.memref_slice %arg9[%dma_start3A_230, %dma_start3A_231] : memref<128x128xf32, #tpu.memory_space<vmem>> -> memref<32x128xf32, #tpu.memory_space<vmem>>
    %dma_start3A_233 = arith.constant 0 : i32
    %dma_start3A_234 = tpu.memref_slice %arg6[%add3A_229, %dma_start3A_233] : memref<10240x128xf32, #tpu.memory_space<vmem_shared>> -> memref<32x128xf32, #tpu.memory_space<vmem_shared>>
    %dma_start3A_235 = arith.constant 0 : i32
    %dma_start3A_236 = tpu.memref_slice %arg6[%add3A_229, %dma_start3A_235] : memref<10240x128xf32, #tpu.memory_space<vmem_shared>> -> memref<32x128xf32, #tpu.memory_space<vmem_shared>>
    %dma_start3A_237 = arith.constant 0 : i32
    %dma_start3A_238 = arith.constant 0 : i32
    %dma_start3A_239 = tpu.memref_slice %arg9[%dma_start3A_237, %dma_start3A_238] : memref<128x128xf32, #tpu.memory_space<vmem>> -> memref<32x128xf32, #tpu.memory_space<vmem>>
    tpu.enqueue_dma source(%dma_start3A_239 : memref<32x128xf32, #tpu.memory_space<vmem>>) target(%dma_start3A_236 : memref<32x128xf32, #tpu.memory_space<vmem_shared>>) target_semaphore(%arg11 : memref<!tpu.dma_semaphore, #tpu.memory_space<semaphore_mem>>)
    %mul3A_240 = arith.constant 640 : i32
    %mul3A_241 = arith.muli %arg1, %mul3A_240 : i32
    %add3A_242 = arith.constant 480 : i32
    %add3A_243 = arith.addi %mul3A_241, %add3A_242 : i32
    %dma_start3A_244 = arith.constant 0 : i32
    %dma_start3A_245 = arith.constant 0 : i32
    %dma_start3A_246 = tpu.memref_slice %arg9[%dma_start3A_244, %dma_start3A_245] : memref<128x128xf32, #tpu.memory_space<vmem>> -> memref<32x128xf32, #tpu.memory_space<vmem>>
    %dma_start3A_247 = arith.constant 0 : i32
    %dma_start3A_248 = tpu.memref_slice %arg6[%add3A_243, %dma_start3A_247] : memref<10240x128xf32, #tpu.memory_space<vmem_shared>> -> memref<32x128xf32, #tpu.memory_space<vmem_shared>>
    %dma_start3A_249 = arith.constant 0 : i32
    %dma_start3A_250 = tpu.memref_slice %arg6[%add3A_243, %dma_start3A_249] : memref<10240x128xf32, #tpu.memory_space<vmem_shared>> -> memref<32x128xf32, #tpu.memory_space<vmem_shared>>
    %dma_start3A_251 = arith.constant 0 : i32
    %dma_start3A_252 = arith.constant 0 : i32
    %dma_start3A_253 = tpu.memref_slice %arg9[%dma_start3A_251, %dma_start3A_252] : memref<128x128xf32, #tpu.memory_space<vmem>> -> memref<32x128xf32, #tpu.memory_space<vmem>>
    tpu.enqueue_dma source(%dma_start3A_253 : memref<32x128xf32, #tpu.memory_space<vmem>>) target(%dma_start3A_250 : memref<32x128xf32, #tpu.memory_space<vmem_shared>>) target_semaphore(%arg11 : memref<!tpu.dma_semaphore, #tpu.memory_space<semaphore_mem>>)
    %mul3A_254 = arith.constant 640 : i32
    %mul3A_255 = arith.muli %arg1, %mul3A_254 : i32
    %add3A_256 = arith.constant 512 : i32
    %add3A_257 = arith.addi %mul3A_255, %add3A_256 : i32
    %dma_start3A_258 = arith.constant 0 : i32
    %dma_start3A_259 = arith.constant 0 : i32
    %dma_start3A_260 = tpu.memref_slice %arg9[%dma_start3A_258, %dma_start3A_259] : memref<128x128xf32, #tpu.memory_space<vmem>> -> memref<32x128xf32, #tpu.memory_space<vmem>>
    %dma_start3A_261 = arith.constant 0 : i32
    %dma_start3A_262 = tpu.memref_slice %arg6[%add3A_257, %dma_start3A_261] : memref<10240x128xf32, #tpu.memory_space<vmem_shared>> -> memref<32x128xf32, #tpu.memory_space<vmem_shared>>
    %dma_start3A_263 = arith.constant 0 : i32
    %dma_start3A_264 = tpu.memref_slice %arg6[%add3A_257, %dma_start3A_263] : memref<10240x128xf32, #tpu.memory_space<vmem_shared>> -> memref<32x128xf32, #tpu.memory_space<vmem_shared>>
    %dma_start3A_265 = arith.constant 0 : i32
    %dma_start3A_266 = arith.constant 0 : i32
    %dma_start3A_267 = tpu.memref_slice %arg9[%dma_start3A_265, %dma_start3A_266] : memref<128x128xf32, #tpu.memory_space<vmem>> -> memref<32x128xf32, #tpu.memory_space<vmem>>
    tpu.enqueue_dma source(%dma_start3A_267 : memref<32x128xf32, #tpu.memory_space<vmem>>) target(%dma_start3A_264 : memref<32x128xf32, #tpu.memory_space<vmem_shared>>) target_semaphore(%arg11 : memref<!tpu.dma_semaphore, #tpu.memory_space<semaphore_mem>>)
    %mul3A_268 = arith.constant 640 : i32
    %mul3A_269 = arith.muli %arg1, %mul3A_268 : i32
    %add3A_270 = arith.constant 544 : i32
    %add3A_271 = arith.addi %mul3A_269, %add3A_270 : i32
    %dma_start3A_272 = arith.constant 0 : i32
    %dma_start3A_273 = arith.constant 0 : i32
    %dma_start3A_274 = tpu.memref_slice %arg9[%dma_start3A_272, %dma_start3A_273] : memref<128x128xf32, #tpu.memory_space<vmem>> -> memref<32x128xf32, #tpu.memory_space<vmem>>
    %dma_start3A_275 = arith.constant 0 : i32
    %dma_start3A_276 = tpu.memref_slice %arg6[%add3A_271, %dma_start3A_275] : memref<10240x128xf32, #tpu.memory_space<vmem_shared>> -> memref<32x128xf32, #tpu.memory_space<vmem_shared>>
    %dma_start3A_277 = arith.constant 0 : i32
    %dma_start3A_278 = tpu.memref_slice %arg6[%add3A_271, %dma_start3A_277] : memref<10240x128xf32, #tpu.memory_space<vmem_shared>> -> memref<32x128xf32, #tpu.memory_space<vmem_shared>>
    %dma_start3A_279 = arith.constant 0 : i32
    %dma_start3A_280 = arith.constant 0 : i32
    %dma_start3A_281 = tpu.memref_slice %arg9[%dma_start3A_279, %dma_start3A_280] : memref<128x128xf32, #tpu.memory_space<vmem>> -> memref<32x128xf32, #tpu.memory_space<vmem>>
    tpu.enqueue_dma source(%dma_start3A_281 : memref<32x128xf32, #tpu.memory_space<vmem>>) target(%dma_start3A_278 : memref<32x128xf32, #tpu.memory_space<vmem_shared>>) target_semaphore(%arg11 : memref<!tpu.dma_semaphore, #tpu.memory_space<semaphore_mem>>)
    %mul3A_282 = arith.constant 640 : i32
    %mul3A_283 = arith.muli %arg1, %mul3A_282 : i32
    %add3A_284 = arith.constant 576 : i32
    %add3A_285 = arith.addi %mul3A_283, %add3A_284 : i32
    %dma_start3A_286 = arith.constant 0 : i32
    %dma_start3A_287 = arith.constant 0 : i32
    %dma_start3A_288 = tpu.memref_slice %arg9[%dma_start3A_286, %dma_start3A_287] : memref<128x128xf32, #tpu.memory_space<vmem>> -> memref<32x128xf32, #tpu.memory_space<vmem>>
    %dma_start3A_289 = arith.constant 0 : i32
    %dma_start3A_290 = tpu.memref_slice %arg6[%add3A_285, %dma_start3A_289] : memref<10240x128xf32, #tpu.memory_space<vmem_shared>> -> memref<32x128xf32, #tpu.memory_space<vmem_shared>>
    %dma_start3A_291 = arith.constant 0 : i32
    %dma_start3A_292 = tpu.memref_slice %arg6[%add3A_285, %dma_start3A_291] : memref<10240x128xf32, #tpu.memory_space<vmem_shared>> -> memref<32x128xf32, #tpu.memory_space<vmem_shared>>
    %dma_start3A_293 = arith.constant 0 : i32
    %dma_start3A_294 = arith.constant 0 : i32
    %dma_start3A_295 = tpu.memref_slice %arg9[%dma_start3A_293, %dma_start3A_294] : memref<128x128xf32, #tpu.memory_space<vmem>> -> memref<32x128xf32, #tpu.memory_space<vmem>>
    tpu.enqueue_dma source(%dma_start3A_295 : memref<32x128xf32, #tpu.memory_space<vmem>>) target(%dma_start3A_292 : memref<32x128xf32, #tpu.memory_space<vmem_shared>>) target_semaphore(%arg11 : memref<!tpu.dma_semaphore, #tpu.memory_space<semaphore_mem>>)
    %mul3A_296 = arith.constant 640 : i32
    %mul3A_297 = arith.muli %arg1, %mul3A_296 : i32
    %add3A_298 = arith.constant 608 : i32
    %add3A_299 = arith.addi %mul3A_297, %add3A_298 : i32
    %dma_start3A_300 = arith.constant 0 : i32
    %dma_start3A_301 = arith.constant 0 : i32
    %dma_start3A_302 = tpu.memref_slice %arg9[%dma_start3A_300, %dma_start3A_301] : memref<128x128xf32, #tpu.memory_space<vmem>> -> memref<32x128xf32, #tpu.memory_space<vmem>>
    %dma_start3A_303 = arith.constant 0 : i32
    %dma_start3A_304 = tpu.memref_slice %arg6[%add3A_299, %dma_start3A_303] : memref<10240x128xf32, #tpu.memory_space<vmem_shared>> -> memref<32x128xf32, #tpu.memory_space<vmem_shared>>
    %dma_start3A_305 = arith.constant 0 : i32
    %dma_start3A_306 = tpu.memref_slice %arg6[%add3A_299, %dma_start3A_305] : memref<10240x128xf32, #tpu.memory_space<vmem_shared>> -> memref<32x128xf32, #tpu.memory_space<vmem_shared>>
    %dma_start3A_307 = arith.constant 0 : i32
    %dma_start3A_308 = arith.constant 0 : i32
    %dma_start3A_309 = tpu.memref_slice %arg9[%dma_start3A_307, %dma_start3A_308] : memref<128x128xf32, #tpu.memory_space<vmem>> -> memref<32x128xf32, #tpu.memory_space<vmem>>
    tpu.enqueue_dma source(%dma_start3A_309 : memref<32x128xf32, #tpu.memory_space<vmem>>) target(%dma_start3A_306 : memref<32x128xf32, #tpu.memory_space<vmem_shared>>) target_semaphore(%arg11 : memref<!tpu.dma_semaphore, #tpu.memory_space<semaphore_mem>>)
    %mul3A_310 = arith.constant 640 : i32
    %mul3A_311 = arith.muli %arg1, %mul3A_310 : i32
    %dma_wait3A = arith.constant 0 : i32
    %dma_wait3A_312 = arith.constant 0 : i32
    %dma_wait3A_313 = tpu.memref_slice %arg9[%dma_wait3A, %dma_wait3A_312] : memref<128x128xf32, #tpu.memory_space<vmem>> -> memref<32x128xf32, #tpu.memory_space<vmem>>
    %dma_wait3A_314 = arith.constant 0 : i32
    %dma_wait3A_315 = tpu.memref_slice %arg6[%mul3A_311, %dma_wait3A_314] : memref<10240x128xf32, #tpu.memory_space<vmem_shared>> -> memref<32x128xf32, #tpu.memory_space<vmem_shared>>
    %dma_wait3A_316 = arith.constant 0 : i32
    %dma_wait3A_317 = tpu.memref_slice %arg6[%mul3A_311, %dma_wait3A_316] : memref<10240x128xf32, #tpu.memory_space<vmem_shared>> -> memref<32x128xf32, #tpu.memory_space<vmem_shared>>
    %dma_wait3A_318 = arith.constant 0 : i32
    %dma_wait3A_319 = arith.constant 0 : i32
    %dma_wait3A_320 = tpu.memref_slice %arg9[%dma_wait3A_318, %dma_wait3A_319] : memref<128x128xf32, #tpu.memory_space<vmem>> -> memref<32x128xf32, #tpu.memory_space<vmem>>
    tpu.wait_dma2 semaphore(%arg11 : memref<!tpu.dma_semaphore, #tpu.memory_space<semaphore_mem>>) src(%dma_wait3A_320 : memref<32x128xf32, #tpu.memory_space<vmem>>) dst(%dma_wait3A_317 : memref<32x128xf32, #tpu.memory_space<vmem_shared>>)
    %mul3A_321 = arith.constant 640 : i32
    %mul3A_322 = arith.muli %arg1, %mul3A_321 : i32
    %dma_wait3A_323 = arith.constant 0 : i32
    %dma_wait3A_324 = arith.constant 0 : i32
    %dma_wait3A_325 = tpu.memref_slice %arg9[%dma_wait3A_323, %dma_wait3A_324] : memref<128x128xf32, #tpu.memory_space<vmem>> -> memref<32x128xf32, #tpu.memory_space<vmem>>
    %dma_wait3A_326 = arith.constant 0 : i32
    %dma_wait3A_327 = tpu.memref_slice %arg6[%mul3A_322, %dma_wait3A_326] : memref<10240x128xf32, #tpu.memory_space<vmem_shared>> -> memref<32x128xf32, #tpu.memory_space<vmem_shared>>
    %dma_wait3A_328 = arith.constant 0 : i32
    %dma_wait3A_329 = tpu.memref_slice %arg6[%mul3A_322, %dma_wait3A_328] : memref<10240x128xf32, #tpu.memory_space<vmem_shared>> -> memref<32x128xf32, #tpu.memory_space<vmem_shared>>
    %dma_wait3A_330 = arith.constant 0 : i32
    %dma_wait3A_331 = arith.constant 0 : i32
    %dma_wait3A_332 = tpu.memref_slice %arg9[%dma_wait3A_330, %dma_wait3A_331] : memref<128x128xf32, #tpu.memory_space<vmem>> -> memref<32x128xf32, #tpu.memory_space<vmem>>
    tpu.wait_dma2 semaphore(%arg11 : memref<!tpu.dma_semaphore, #tpu.memory_space<semaphore_mem>>) src(%dma_wait3A_332 : memref<32x128xf32, #tpu.memory_space<vmem>>) dst(%dma_wait3A_329 : memref<32x128xf32, #tpu.memory_space<vmem_shared>>)
    %mul3A_333 = arith.constant 640 : i32
    %mul3A_334 = arith.muli %arg1, %mul3A_333 : i32
    %dma_wait3A_335 = arith.constant 0 : i32
    %dma_wait3A_336 = arith.constant 0 : i32
    %dma_wait3A_337 = tpu.memref_slice %arg9[%dma_wait3A_335, %dma_wait3A_336] : memref<128x128xf32, #tpu.memory_space<vmem>> -> memref<32x128xf32, #tpu.memory_space<vmem>>
    %dma_wait3A_338 = arith.constant 0 : i32
    %dma_wait3A_339 = tpu.memref_slice %arg6[%mul3A_334, %dma_wait3A_338] : memref<10240x128xf32, #tpu.memory_space<vmem_shared>> -> memref<32x128xf32, #tpu.memory_space<vmem_shared>>
    %dma_wait3A_340 = arith.constant 0 : i32
    %dma_wait3A_341 = tpu.memref_slice %arg6[%mul3A_334, %dma_wait3A_340] : memref<10240x128xf32, #tpu.memory_space<vmem_shared>> -> memref<32x128xf32, #tpu.memory_space<vmem_shared>>
    %dma_wait3A_342 = arith.constant 0 : i32
    %dma_wait3A_343 = arith.constant 0 : i32
    %dma_wait3A_344 = tpu.memref_slice %arg9[%dma_wait3A_342, %dma_wait3A_343] : memref<128x128xf32, #tpu.memory_space<vmem>> -> memref<32x128xf32, #tpu.memory_space<vmem>>
    tpu.wait_dma2 semaphore(%arg11 : memref<!tpu.dma_semaphore, #tpu.memory_space<semaphore_mem>>) src(%dma_wait3A_344 : memref<32x128xf32, #tpu.memory_space<vmem>>) dst(%dma_wait3A_341 : memref<32x128xf32, #tpu.memory_space<vmem_shared>>)
    %mul3A_345 = arith.constant 640 : i32
    %mul3A_346 = arith.muli %arg1, %mul3A_345 : i32
    %dma_wait3A_347 = arith.constant 0 : i32
    %dma_wait3A_348 = arith.constant 0 : i32
    %dma_wait3A_349 = tpu.memref_slice %arg9[%dma_wait3A_347, %dma_wait3A_348] : memref<128x128xf32, #tpu.memory_space<vmem>> -> memref<32x128xf32, #tpu.memory_space<vmem>>
    %dma_wait3A_350 = arith.constant 0 : i32
    %dma_wait3A_351 = tpu.memref_slice %arg6[%mul3A_346, %dma_wait3A_350] : memref<10240x128xf32, #tpu.memory_space<vmem_shared>> -> memref<32x128xf32, #tpu.memory_space<vmem_shared>>
    %dma_wait3A_352 = arith.constant 0 : i32
    %dma_wait3A_353 = tpu.memref_slice %arg6[%mul3A_346, %dma_wait3A_352] : memref<10240x128xf32, #tpu.memory_space<vmem_shared>> -> memref<32x128xf32, #tpu.memory_space<vmem_shared>>
    %dma_wait3A_354 = arith.constant 0 : i32
    %dma_wait3A_355 = arith.constant 0 : i32
    %dma_wait3A_356 = tpu.memref_slice %arg9[%dma_wait3A_354, %dma_wait3A_355] : memref<128x128xf32, #tpu.memory_space<vmem>> -> memref<32x128xf32, #tpu.memory_space<vmem>>
    tpu.wait_dma2 semaphore(%arg11 : memref<!tpu.dma_semaphore, #tpu.memory_space<semaphore_mem>>) src(%dma_wait3A_356 : memref<32x128xf32, #tpu.memory_space<vmem>>) dst(%dma_wait3A_353 : memref<32x128xf32, #tpu.memory_space<vmem_shared>>)
    %mul3A_357 = arith.constant 640 : i32
    %mul3A_358 = arith.muli %arg1, %mul3A_357 : i32
    %dma_wait3A_359 = arith.constant 0 : i32
    %dma_wait3A_360 = arith.constant 0 : i32
    %dma_wait3A_361 = tpu.memref_slice %arg9[%dma_wait3A_359, %dma_wait3A_360] : memref<128x128xf32, #tpu.memory_space<vmem>> -> memref<32x128xf32, #tpu.memory_space<vmem>>
    %dma_wait3A_362 = arith.constant 0 : i32
    %dma_wait3A_363 = tpu.memref_slice %arg6[%mul3A_358, %dma_wait3A_362] : memref<10240x128xf32, #tpu.memory_space<vmem_shared>> -> memref<32x128xf32, #tpu.memory_space<vmem_shared>>
    %dma_wait3A_364 = arith.constant 0 : i32
    %dma_wait3A_365 = tpu.memref_slice %arg6[%mul3A_358, %dma_wait3A_364] : memref<10240x128xf32, #tpu.memory_space<vmem_shared>> -> memref<32x128xf32, #tpu.memory_space<vmem_shared>>
    %dma_wait3A_366 = arith.constant 0 : i32
    %dma_wait3A_367 = arith.constant 0 : i32
    %dma_wait3A_368 = tpu.memref_slice %arg9[%dma_wait3A_366, %dma_wait3A_367] : memref<128x128xf32, #tpu.memory_space<vmem>> -> memref<32x128xf32, #tpu.memory_space<vmem>>
    tpu.wait_dma2 semaphore(%arg11 : memref<!tpu.dma_semaphore, #tpu.memory_space<semaphore_mem>>) src(%dma_wait3A_368 : memref<32x128xf32, #tpu.memory_space<vmem>>) dst(%dma_wait3A_365 : memref<32x128xf32, #tpu.memory_space<vmem_shared>>)
    %mul3A_369 = arith.constant 640 : i32
    %mul3A_370 = arith.muli %arg1, %mul3A_369 : i32
    %dma_wait3A_371 = arith.constant 0 : i32
    %dma_wait3A_372 = arith.constant 0 : i32
    %dma_wait3A_373 = tpu.memref_slice %arg9[%dma_wait3A_371, %dma_wait3A_372] : memref<128x128xf32, #tpu.memory_space<vmem>> -> memref<32x128xf32, #tpu.memory_space<vmem>>
    %dma_wait3A_374 = arith.constant 0 : i32
    %dma_wait3A_375 = tpu.memref_slice %arg6[%mul3A_370, %dma_wait3A_374] : memref<10240x128xf32, #tpu.memory_space<vmem_shared>> -> memref<32x128xf32, #tpu.memory_space<vmem_shared>>
    %dma_wait3A_376 = arith.constant 0 : i32
    %dma_wait3A_377 = tpu.memref_slice %arg6[%mul3A_370, %dma_wait3A_376] : memref<10240x128xf32, #tpu.memory_space<vmem_shared>> -> memref<32x128xf32, #tpu.memory_space<vmem_shared>>
    %dma_wait3A_378 = arith.constant 0 : i32
    %dma_wait3A_379 = arith.constant 0 : i32
    %dma_wait3A_380 = tpu.memref_slice %arg9[%dma_wait3A_378, %dma_wait3A_379] : memref<128x128xf32, #tpu.memory_space<vmem>> -> memref<32x128xf32, #tpu.memory_space<vmem>>
    tpu.wait_dma2 semaphore(%arg11 : memref<!tpu.dma_semaphore, #tpu.memory_space<semaphore_mem>>) src(%dma_wait3A_380 : memref<32x128xf32, #tpu.memory_space<vmem>>) dst(%dma_wait3A_377 : memref<32x128xf32, #tpu.memory_space<vmem_shared>>)
    %mul3A_381 = arith.constant 640 : i32
    %mul3A_382 = arith.muli %arg1, %mul3A_381 : i32
    %dma_wait3A_383 = arith.constant 0 : i32
    %dma_wait3A_384 = arith.constant 0 : i32
    %dma_wait3A_385 = tpu.memref_slice %arg9[%dma_wait3A_383, %dma_wait3A_384] : memref<128x128xf32, #tpu.memory_space<vmem>> -> memref<32x128xf32, #tpu.memory_space<vmem>>
    %dma_wait3A_386 = arith.constant 0 : i32
    %dma_wait3A_387 = tpu.memref_slice %arg6[%mul3A_382, %dma_wait3A_386] : memref<10240x128xf32, #tpu.memory_space<vmem_shared>> -> memref<32x128xf32, #tpu.memory_space<vmem_shared>>
    %dma_wait3A_388 = arith.constant 0 : i32
    %dma_wait3A_389 = tpu.memref_slice %arg6[%mul3A_382, %dma_wait3A_388] : memref<10240x128xf32, #tpu.memory_space<vmem_shared>> -> memref<32x128xf32, #tpu.memory_space<vmem_shared>>
    %dma_wait3A_390 = arith.constant 0 : i32
    %dma_wait3A_391 = arith.constant 0 : i32
    %dma_wait3A_392 = tpu.memref_slice %arg9[%dma_wait3A_390, %dma_wait3A_391] : memref<128x128xf32, #tpu.memory_space<vmem>> -> memref<32x128xf32, #tpu.memory_space<vmem>>
    tpu.wait_dma2 semaphore(%arg11 : memref<!tpu.dma_semaphore, #tpu.memory_space<semaphore_mem>>) src(%dma_wait3A_392 : memref<32x128xf32, #tpu.memory_space<vmem>>) dst(%dma_wait3A_389 : memref<32x128xf32, #tpu.memory_space<vmem_shared>>)
    %mul3A_393 = arith.constant 640 : i32
    %mul3A_394 = arith.muli %arg1, %mul3A_393 : i32
    %dma_wait3A_395 = arith.constant 0 : i32
    %dma_wait3A_396 = arith.constant 0 : i32
    %dma_wait3A_397 = tpu.memref_slice %arg9[%dma_wait3A_395, %dma_wait3A_396] : memref<128x128xf32, #tpu.memory_space<vmem>> -> memref<32x128xf32, #tpu.memory_space<vmem>>
    %dma_wait3A_398 = arith.constant 0 : i32
    %dma_wait3A_399 = tpu.memref_slice %arg6[%mul3A_394, %dma_wait3A_398] : memref<10240x128xf32, #tpu.memory_space<vmem_shared>> -> memref<32x128xf32, #tpu.memory_space<vmem_shared>>
    %dma_wait3A_400 = arith.constant 0 : i32
    %dma_wait3A_401 = tpu.memref_slice %arg6[%mul3A_394, %dma_wait3A_400] : memref<10240x128xf32, #tpu.memory_space<vmem_shared>> -> memref<32x128xf32, #tpu.memory_space<vmem_shared>>
    %dma_wait3A_402 = arith.constant 0 : i32
    %dma_wait3A_403 = arith.constant 0 : i32
    %dma_wait3A_404 = tpu.memref_slice %arg9[%dma_wait3A_402, %dma_wait3A_403] : memref<128x128xf32, #tpu.memory_space<vmem>> -> memref<32x128xf32, #tpu.memory_space<vmem>>
    tpu.wait_dma2 semaphore(%arg11 : memref<!tpu.dma_semaphore, #tpu.memory_space<semaphore_mem>>) src(%dma_wait3A_404 : memref<32x128xf32, #tpu.memory_space<vmem>>) dst(%dma_wait3A_401 : memref<32x128xf32, #tpu.memory_space<vmem_shared>>)
    %mul3A_405 = arith.constant 640 : i32
    %mul3A_406 = arith.muli %arg1, %mul3A_405 : i32
    %dma_wait3A_407 = arith.constant 0 : i32
    %dma_wait3A_408 = arith.constant 0 : i32
    %dma_wait3A_409 = tpu.memref_slice %arg9[%dma_wait3A_407, %dma_wait3A_408] : memref<128x128xf32, #tpu.memory_space<vmem>> -> memref<32x128xf32, #tpu.memory_space<vmem>>
    %dma_wait3A_410 = arith.constant 0 : i32
    %dma_wait3A_411 = tpu.memref_slice %arg6[%mul3A_406, %dma_wait3A_410] : memref<10240x128xf32, #tpu.memory_space<vmem_shared>> -> memref<32x128xf32, #tpu.memory_space<vmem_shared>>
    %dma_wait3A_412 = arith.constant 0 : i32
    %dma_wait3A_413 = tpu.memref_slice %arg6[%mul3A_406, %dma_wait3A_412] : memref<10240x128xf32, #tpu.memory_space<vmem_shared>> -> memref<32x128xf32, #tpu.memory_space<vmem_shared>>
    %dma_wait3A_414 = arith.constant 0 : i32
    %dma_wait3A_415 = arith.constant 0 : i32
    %dma_wait3A_416 = tpu.memref_slice %arg9[%dma_wait3A_414, %dma_wait3A_415] : memref<128x128xf32, #tpu.memory_space<vmem>> -> memref<32x128xf32, #tpu.memory_space<vmem>>
    tpu.wait_dma2 semaphore(%arg11 : memref<!tpu.dma_semaphore, #tpu.memory_space<semaphore_mem>>) src(%dma_wait3A_416 : memref<32x128xf32, #tpu.memory_space<vmem>>) dst(%dma_wait3A_413 : memref<32x128xf32, #tpu.memory_space<vmem_shared>>)
    %mul3A_417 = arith.constant 640 : i32
    %mul3A_418 = arith.muli %arg1, %mul3A_417 : i32
    %dma_wait3A_419 = arith.constant 0 : i32
    %dma_wait3A_420 = arith.constant 0 : i32
    %dma_wait3A_421 = tpu.memref_slice %arg9[%dma_wait3A_419, %dma_wait3A_420] : memref<128x128xf32, #tpu.memory_space<vmem>> -> memref<32x128xf32, #tpu.memory_space<vmem>>
    %dma_wait3A_422 = arith.constant 0 : i32
    %dma_wait3A_423 = tpu.memref_slice %arg6[%mul3A_418, %dma_wait3A_422] : memref<10240x128xf32, #tpu.memory_space<vmem_shared>> -> memref<32x128xf32, #tpu.memory_space<vmem_shared>>
    %dma_wait3A_424 = arith.constant 0 : i32
    %dma_wait3A_425 = tpu.memref_slice %arg6[%mul3A_418, %dma_wait3A_424] : memref<10240x128xf32, #tpu.memory_space<vmem_shared>> -> memref<32x128xf32, #tpu.memory_space<vmem_shared>>
    %dma_wait3A_426 = arith.constant 0 : i32
    %dma_wait3A_427 = arith.constant 0 : i32
    %dma_wait3A_428 = tpu.memref_slice %arg9[%dma_wait3A_426, %dma_wait3A_427] : memref<128x128xf32, #tpu.memory_space<vmem>> -> memref<32x128xf32, #tpu.memory_space<vmem>>
    tpu.wait_dma2 semaphore(%arg11 : memref<!tpu.dma_semaphore, #tpu.memory_space<semaphore_mem>>) src(%dma_wait3A_428 : memref<32x128xf32, #tpu.memory_space<vmem>>) dst(%dma_wait3A_425 : memref<32x128xf32, #tpu.memory_space<vmem_shared>>)
    %mul3A_429 = arith.constant 640 : i32
    %mul3A_430 = arith.muli %arg1, %mul3A_429 : i32
    %dma_wait3A_431 = arith.constant 0 : i32
    %dma_wait3A_432 = arith.constant 0 : i32
    %dma_wait3A_433 = tpu.memref_slice %arg9[%dma_wait3A_431, %dma_wait3A_432] : memref<128x128xf32, #tpu.memory_space<vmem>> -> memref<32x128xf32, #tpu.memory_space<vmem>>
    %dma_wait3A_434 = arith.constant 0 : i32
    %dma_wait3A_435 = tpu.memref_slice %arg6[%mul3A_430, %dma_wait3A_434] : memref<10240x128xf32, #tpu.memory_space<vmem_shared>> -> memref<32x128xf32, #tpu.memory_space<vmem_shared>>
    %dma_wait3A_436 = arith.constant 0 : i32
    %dma_wait3A_437 = tpu.memref_slice %arg6[%mul3A_430, %dma_wait3A_436] : memref<10240x128xf32, #tpu.memory_space<vmem_shared>> -> memref<32x128xf32, #tpu.memory_space<vmem_shared>>
    %dma_wait3A_438 = arith.constant 0 : i32
    %dma_wait3A_439 = arith.constant 0 : i32
    %dma_wait3A_440 = tpu.memref_slice %arg9[%dma_wait3A_438, %dma_wait3A_439] : memref<128x128xf32, #tpu.memory_space<vmem>> -> memref<32x128xf32, #tpu.memory_space<vmem>>
    tpu.wait_dma2 semaphore(%arg11 : memref<!tpu.dma_semaphore, #tpu.memory_space<semaphore_mem>>) src(%dma_wait3A_440 : memref<32x128xf32, #tpu.memory_space<vmem>>) dst(%dma_wait3A_437 : memref<32x128xf32, #tpu.memory_space<vmem_shared>>)
    %mul3A_441 = arith.constant 640 : i32
    %mul3A_442 = arith.muli %arg1, %mul3A_441 : i32
    %dma_wait3A_443 = arith.constant 0 : i32
    %dma_wait3A_444 = arith.constant 0 : i32
    %dma_wait3A_445 = tpu.memref_slice %arg9[%dma_wait3A_443, %dma_wait3A_444] : memref<128x128xf32, #tpu.memory_space<vmem>> -> memref<32x128xf32, #tpu.memory_space<vmem>>
    %dma_wait3A_446 = arith.constant 0 : i32
    %dma_wait3A_447 = tpu.memref_slice %arg6[%mul3A_442, %dma_wait3A_446] : memref<10240x128xf32, #tpu.memory_space<vmem_shared>> -> memref<32x128xf32, #tpu.memory_space<vmem_shared>>
    %dma_wait3A_448 = arith.constant 0 : i32
    %dma_wait3A_449 = tpu.memref_slice %arg6[%mul3A_442, %dma_wait3A_448] : memref<10240x128xf32, #tpu.memory_space<vmem_shared>> -> memref<32x128xf32, #tpu.memory_space<vmem_shared>>
    %dma_wait3A_450 = arith.constant 0 : i32
    %dma_wait3A_451 = arith.constant 0 : i32
    %dma_wait3A_452 = tpu.memref_slice %arg9[%dma_wait3A_450, %dma_wait3A_451] : memref<128x128xf32, #tpu.memory_space<vmem>> -> memref<32x128xf32, #tpu.memory_space<vmem>>
    tpu.wait_dma2 semaphore(%arg11 : memref<!tpu.dma_semaphore, #tpu.memory_space<semaphore_mem>>) src(%dma_wait3A_452 : memref<32x128xf32, #tpu.memory_space<vmem>>) dst(%dma_wait3A_449 : memref<32x128xf32, #tpu.memory_space<vmem_shared>>)
    %mul3A_453 = arith.constant 640 : i32
    %mul3A_454 = arith.muli %arg1, %mul3A_453 : i32
    %dma_wait3A_455 = arith.constant 0 : i32
    %dma_wait3A_456 = arith.constant 0 : i32
    %dma_wait3A_457 = tpu.memref_slice %arg9[%dma_wait3A_455, %dma_wait3A_456] : memref<128x128xf32, #tpu.memory_space<vmem>> -> memref<32x128xf32, #tpu.memory_space<vmem>>
    %dma_wait3A_458 = arith.constant 0 : i32
    %dma_wait3A_459 = tpu.memref_slice %arg6[%mul3A_454, %dma_wait3A_458] : memref<10240x128xf32, #tpu.memory_space<vmem_shared>> -> memref<32x128xf32, #tpu.memory_space<vmem_shared>>
    %dma_wait3A_460 = arith.constant 0 : i32
    %dma_wait3A_461 = tpu.memref_slice %arg6[%mul3A_454, %dma_wait3A_460] : memref<10240x128xf32, #tpu.memory_space<vmem_shared>> -> memref<32x128xf32, #tpu.memory_space<vmem_shared>>
    %dma_wait3A_462 = arith.constant 0 : i32
    %dma_wait3A_463 = arith.constant 0 : i32
    %dma_wait3A_464 = tpu.memref_slice %arg9[%dma_wait3A_462, %dma_wait3A_463] : memref<128x128xf32, #tpu.memory_space<vmem>> -> memref<32x128xf32, #tpu.memory_space<vmem>>
    tpu.wait_dma2 semaphore(%arg11 : memref<!tpu.dma_semaphore, #tpu.memory_space<semaphore_mem>>) src(%dma_wait3A_464 : memref<32x128xf32, #tpu.memory_space<vmem>>) dst(%dma_wait3A_461 : memref<32x128xf32, #tpu.memory_space<vmem_shared>>)
    %mul3A_465 = arith.constant 640 : i32
    %mul3A_466 = arith.muli %arg1, %mul3A_465 : i32
    %dma_wait3A_467 = arith.constant 0 : i32
    %dma_wait3A_468 = arith.constant 0 : i32
    %dma_wait3A_469 = tpu.memref_slice %arg9[%dma_wait3A_467, %dma_wait3A_468] : memref<128x128xf32, #tpu.memory_space<vmem>> -> memref<32x128xf32, #tpu.memory_space<vmem>>
    %dma_wait3A_470 = arith.constant 0 : i32
    %dma_wait3A_471 = tpu.memref_slice %arg6[%mul3A_466, %dma_wait3A_470] : memref<10240x128xf32, #tpu.memory_space<vmem_shared>> -> memref<32x128xf32, #tpu.memory_space<vmem_shared>>
    %dma_wait3A_472 = arith.constant 0 : i32
    %dma_wait3A_473 = tpu.memref_slice %arg6[%mul3A_466, %dma_wait3A_472] : memref<10240x128xf32, #tpu.memory_space<vmem_shared>> -> memref<32x128xf32, #tpu.memory_space<vmem_shared>>
    %dma_wait3A_474 = arith.constant 0 : i32
    %dma_wait3A_475 = arith.constant 0 : i32
    %dma_wait3A_476 = tpu.memref_slice %arg9[%dma_wait3A_474, %dma_wait3A_475] : memref<128x128xf32, #tpu.memory_space<vmem>> -> memref<32x128xf32, #tpu.memory_space<vmem>>
    tpu.wait_dma2 semaphore(%arg11 : memref<!tpu.dma_semaphore, #tpu.memory_space<semaphore_mem>>) src(%dma_wait3A_476 : memref<32x128xf32, #tpu.memory_space<vmem>>) dst(%dma_wait3A_473 : memref<32x128xf32, #tpu.memory_space<vmem_shared>>)
    %mul3A_477 = arith.constant 640 : i32
    %mul3A_478 = arith.muli %arg1, %mul3A_477 : i32
    %dma_wait3A_479 = arith.constant 0 : i32
    %dma_wait3A_480 = arith.constant 0 : i32
    %dma_wait3A_481 = tpu.memref_slice %arg9[%dma_wait3A_479, %dma_wait3A_480] : memref<128x128xf32, #tpu.memory_space<vmem>> -> memref<32x128xf32, #tpu.memory_space<vmem>>
    %dma_wait3A_482 = arith.constant 0 : i32
    %dma_wait3A_483 = tpu.memref_slice %arg6[%mul3A_478, %dma_wait3A_482] : memref<10240x128xf32, #tpu.memory_space<vmem_shared>> -> memref<32x128xf32, #tpu.memory_space<vmem_shared>>
    %dma_wait3A_484 = arith.constant 0 : i32
    %dma_wait3A_485 = tpu.memref_slice %arg6[%mul3A_478, %dma_wait3A_484] : memref<10240x128xf32, #tpu.memory_space<vmem_shared>> -> memref<32x128xf32, #tpu.memory_space<vmem_shared>>
    %dma_wait3A_486 = arith.constant 0 : i32
    %dma_wait3A_487 = arith.constant 0 : i32
    %dma_wait3A_488 = tpu.memref_slice %arg9[%dma_wait3A_486, %dma_wait3A_487] : memref<128x128xf32, #tpu.memory_space<vmem>> -> memref<32x128xf32, #tpu.memory_space<vmem>>
    tpu.wait_dma2 semaphore(%arg11 : memref<!tpu.dma_semaphore, #tpu.memory_space<semaphore_mem>>) src(%dma_wait3A_488 : memref<32x128xf32, #tpu.memory_space<vmem>>) dst(%dma_wait3A_485 : memref<32x128xf32, #tpu.memory_space<vmem_shared>>)
    %mul3A_489 = arith.constant 640 : i32
    %mul3A_490 = arith.muli %arg1, %mul3A_489 : i32
    %dma_wait3A_491 = arith.constant 0 : i32
    %dma_wait3A_492 = arith.constant 0 : i32
    %dma_wait3A_493 = tpu.memref_slice %arg9[%dma_wait3A_491, %dma_wait3A_492] : memref<128x128xf32, #tpu.memory_space<vmem>> -> memref<32x128xf32, #tpu.memory_space<vmem>>
    %dma_wait3A_494 = arith.constant 0 : i32
    %dma_wait3A_495 = tpu.memref_slice %arg6[%mul3A_490, %dma_wait3A_494] : memref<10240x128xf32, #tpu.memory_space<vmem_shared>> -> memref<32x128xf32, #tpu.memory_space<vmem_shared>>
    %dma_wait3A_496 = arith.constant 0 : i32
    %dma_wait3A_497 = tpu.memref_slice %arg6[%mul3A_490, %dma_wait3A_496] : memref<10240x128xf32, #tpu.memory_space<vmem_shared>> -> memref<32x128xf32, #tpu.memory_space<vmem_shared>>
    %dma_wait3A_498 = arith.constant 0 : i32
    %dma_wait3A_499 = arith.constant 0 : i32
    %dma_wait3A_500 = tpu.memref_slice %arg9[%dma_wait3A_498, %dma_wait3A_499] : memref<128x128xf32, #tpu.memory_space<vmem>> -> memref<32x128xf32, #tpu.memory_space<vmem>>
    tpu.wait_dma2 semaphore(%arg11 : memref<!tpu.dma_semaphore, #tpu.memory_space<semaphore_mem>>) src(%dma_wait3A_500 : memref<32x128xf32, #tpu.memory_space<vmem>>) dst(%dma_wait3A_497 : memref<32x128xf32, #tpu.memory_space<vmem_shared>>)
    %mul3A_501 = arith.constant 640 : i32
    %mul3A_502 = arith.muli %arg1, %mul3A_501 : i32
    %dma_wait3A_503 = arith.constant 0 : i32
    %dma_wait3A_504 = arith.constant 0 : i32
    %dma_wait3A_505 = tpu.memref_slice %arg9[%dma_wait3A_503, %dma_wait3A_504] : memref<128x128xf32, #tpu.memory_space<vmem>> -> memref<32x128xf32, #tpu.memory_space<vmem>>
    %dma_wait3A_506 = arith.constant 0 : i32
    %dma_wait3A_507 = tpu.memref_slice %arg6[%mul3A_502, %dma_wait3A_506] : memref<10240x128xf32, #tpu.memory_space<vmem_shared>> -> memref<32x128xf32, #tpu.memory_space<vmem_shared>>
    %dma_wait3A_508 = arith.constant 0 : i32
    %dma_wait3A_509 = tpu.memref_slice %arg6[%mul3A_502, %dma_wait3A_508] : memref<10240x128xf32, #tpu.memory_space<vmem_shared>> -> memref<32x128xf32, #tpu.memory_space<vmem_shared>>
    %dma_wait3A_510 = arith.constant 0 : i32
    %dma_wait3A_511 = arith.constant 0 : i32
    %dma_wait3A_512 = tpu.memref_slice %arg9[%dma_wait3A_510, %dma_wait3A_511] : memref<128x128xf32, #tpu.memory_space<vmem>> -> memref<32x128xf32, #tpu.memory_space<vmem>>
    tpu.wait_dma2 semaphore(%arg11 : memref<!tpu.dma_semaphore, #tpu.memory_space<semaphore_mem>>) src(%dma_wait3A_512 : memref<32x128xf32, #tpu.memory_space<vmem>>) dst(%dma_wait3A_509 : memref<32x128xf32, #tpu.memory_space<vmem_shared>>)
    %mul3A_513 = arith.constant 640 : i32
    %mul3A_514 = arith.muli %arg1, %mul3A_513 : i32
    %dma_wait3A_515 = arith.constant 0 : i32
    %dma_wait3A_516 = arith.constant 0 : i32
    %dma_wait3A_517 = tpu.memref_slice %arg9[%dma_wait3A_515, %dma_wait3A_516] : memref<128x128xf32, #tpu.memory_space<vmem>> -> memref<32x128xf32, #tpu.memory_space<vmem>>
    %dma_wait3A_518 = arith.constant 0 : i32
    %dma_wait3A_519 = tpu.memref_slice %arg6[%mul3A_514, %dma_wait3A_518] : memref<10240x128xf32, #tpu.memory_space<vmem_shared>> -> memref<32x128xf32, #tpu.memory_space<vmem_shared>>
    %dma_wait3A_520 = arith.constant 0 : i32
    %dma_wait3A_521 = tpu.memref_slice %arg6[%mul3A_514, %dma_wait3A_520] : memref<10240x128xf32, #tpu.memory_space<vmem_shared>> -> memref<32x128xf32, #tpu.memory_space<vmem_shared>>
    %dma_wait3A_522 = arith.constant 0 : i32
    %dma_wait3A_523 = arith.constant 0 : i32
    %dma_wait3A_524 = tpu.memref_slice %arg9[%dma_wait3A_522, %dma_wait3A_523] : memref<128x128xf32, #tpu.memory_space<vmem>> -> memref<32x128xf32, #tpu.memory_space<vmem>>
    tpu.wait_dma2 semaphore(%arg11 : memref<!tpu.dma_semaphore, #tpu.memory_space<semaphore_mem>>) src(%dma_wait3A_524 : memref<32x128xf32, #tpu.memory_space<vmem>>) dst(%dma_wait3A_521 : memref<32x128xf32, #tpu.memory_space<vmem_shared>>)
    %mul3A_525 = arith.constant 640 : i32
    %mul3A_526 = arith.muli %arg1, %mul3A_525 : i32
    %dma_wait3A_527 = arith.constant 0 : i32
    %dma_wait3A_528 = arith.constant 0 : i32
    %dma_wait3A_529 = tpu.memref_slice %arg9[%dma_wait3A_527, %dma_wait3A_528] : memref<128x128xf32, #tpu.memory_space<vmem>> -> memref<32x128xf32, #tpu.memory_space<vmem>>
    %dma_wait3A_530 = arith.constant 0 : i32
    %dma_wait3A_531 = tpu.memref_slice %arg6[%mul3A_526, %dma_wait3A_530] : memref<10240x128xf32, #tpu.memory_space<vmem_shared>> -> memref<32x128xf32, #tpu.memory_space<vmem_shared>>
    %dma_wait3A_532 = arith.constant 0 : i32
    %dma_wait3A_533 = tpu.memref_slice %arg6[%mul3A_526, %dma_wait3A_532] : memref<10240x128xf32, #tpu.memory_space<vmem_shared>> -> memref<32x128xf32, #tpu.memory_space<vmem_shared>>
    %dma_wait3A_534 = arith.constant 0 : i32
    %dma_wait3A_535 = arith.constant 0 : i32
    %dma_wait3A_536 = tpu.memref_slice %arg9[%dma_wait3A_534, %dma_wait3A_535] : memref<128x128xf32, #tpu.memory_space<vmem>> -> memref<32x128xf32, #tpu.memory_space<vmem>>
    tpu.wait_dma2 semaphore(%arg11 : memref<!tpu.dma_semaphore, #tpu.memory_space<semaphore_mem>>) src(%dma_wait3A_536 : memref<32x128xf32, #tpu.memory_space<vmem>>) dst(%dma_wait3A_533 : memref<32x128xf32, #tpu.memory_space<vmem_shared>>)
    %mul3A_537 = arith.constant 640 : i32
    %mul3A_538 = arith.muli %arg1, %mul3A_537 : i32
    %dma_wait3A_539 = arith.constant 0 : i32
    %dma_wait3A_540 = arith.constant 0 : i32
    %dma_wait3A_541 = tpu.memref_slice %arg9[%dma_wait3A_539, %dma_wait3A_540] : memref<128x128xf32, #tpu.memory_space<vmem>> -> memref<32x128xf32, #tpu.memory_space<vmem>>
    %dma_wait3A_542 = arith.constant 0 : i32
    %dma_wait3A_543 = tpu.memref_slice %arg6[%mul3A_538, %dma_wait3A_542] : memref<10240x128xf32, #tpu.memory_space<vmem_shared>> -> memref<32x128xf32, #tpu.memory_space<vmem_shared>>
    %dma_wait3A_544 = arith.constant 0 : i32
    %dma_wait3A_545 = tpu.memref_slice %arg6[%mul3A_538, %dma_wait3A_544] : memref<10240x128xf32, #tpu.memory_space<vmem_shared>> -> memref<32x128xf32, #tpu.memory_space<vmem_shared>>
    %dma_wait3A_546 = arith.constant 0 : i32
    %dma_wait3A_547 = arith.constant 0 : i32
    %dma_wait3A_548 = tpu.memref_slice %arg9[%dma_wait3A_546, %dma_wait3A_547] : memref<128x128xf32, #tpu.memory_space<vmem>> -> memref<32x128xf32, #tpu.memory_space<vmem>>
    tpu.wait_dma2 semaphore(%arg11 : memref<!tpu.dma_semaphore, #tpu.memory_space<semaphore_mem>>) src(%dma_wait3A_548 : memref<32x128xf32, #tpu.memory_space<vmem>>) dst(%dma_wait3A_545 : memref<32x128xf32, #tpu.memory_space<vmem_shared>>)
    %dma_wait3A_549 = arith.constant 0 : i32
    %dma_wait3A_550 = tpu.memref_slice %arg3[%select_n3A_15, %dma_wait3A_549] : memref<2560x128xi32, #tpu.memory_space<hbm>> -> memref<48x128xi32, #tpu.memory_space<hbm>>
    %dma_wait3A_551 = arith.constant 0 : i32
    %dma_wait3A_552 = tpu.memref_slice %arg3[%select_n3A_15, %dma_wait3A_551] : memref<2560x128xi32, #tpu.memory_space<hbm>> -> memref<48x128xi32, #tpu.memory_space<hbm>>
    tpu.wait_dma2 semaphore(%arg11 : memref<!tpu.dma_semaphore, #tpu.memory_space<semaphore_mem>>) src(%dma_wait3A_552 : memref<48x128xi32, #tpu.memory_space<hbm>>) dst(%arg7 : memref<48x128xi32, #tpu.memory_space<vmem>>)
    %dma_wait3A_553 = arith.constant 0 : i32
    %dma_wait3A_554 = tpu.memref_slice %arg4[%select_n3A_15, %dma_wait3A_553] : memref<2560x128xi32, #tpu.memory_space<hbm>> -> memref<48x128xi32, #tpu.memory_space<hbm>>
    %dma_wait3A_555 = arith.constant 0 : i32
    %dma_wait3A_556 = tpu.memref_slice %arg4[%select_n3A_15, %dma_wait3A_555] : memref<2560x128xi32, #tpu.memory_space<hbm>> -> memref<48x128xi32, #tpu.memory_space<hbm>>
    tpu.wait_dma2 semaphore(%arg11 : memref<!tpu.dma_semaphore, #tpu.memory_space<semaphore_mem>>) src(%dma_wait3A_556 : memref<48x128xi32, #tpu.memory_space<hbm>>) dst(%arg8 : memref<48x128xi32, #tpu.memory_space<vmem>>)
    %barrier3A = arith.constant 0 : index
    tpu.barrier barrier_id(%barrier3A)
    %dma_start3A_557 = arith.constant 0 : i32
    %dma_start3A_558 = arith.constant 0 : i32
    %dma_start3A_559 = tpu.memref_slice %arg7[%dma_start3A_557, %dma_start3A_558] : memref<48x128xi32, #tpu.memory_space<vmem>> -> memref<1x128xi32, #tpu.memory_space<vmem>>
    %dma_start3A_560 = tpu.memref_squeeze %dma_start3A_559 : memref<1x128xi32, #tpu.memory_space<vmem>> -> memref<128xi32, #tpu.memory_space<vmem>>
    %dma_start3A_561 = arith.constant 0 : i32
    %dma_start3A_562 = arith.constant 0 : i32
    %dma_start3A_563 = tpu.memref_slice %arg2[%dma_start3A_561, %dma_start3A_562] : memref<10240x128xf32, #tpu.memory_space<hbm>> -> memref<10240x128xf32, #tpu.memory_space<hbm>>
    tpu.enqueue_indirect_dma source(%dma_start3A_563 : memref<10240x128xf32, #tpu.memory_space<hbm>>) target(%arg9 : memref<128x128xf32, #tpu.memory_space<vmem>>) offsets(%dma_start3A_560 : memref<128xi32, #tpu.memory_space<vmem>>) semaphore(%arg12 : memref<!tpu.dma_semaphore, #tpu.memory_space<semaphore_mem>>)
    %scan3A_564 = arith.constant 0 : i32
    %scan3A_565 = arith.constant 0 : i32
    %scan3A_566 = arith.constant 24 : i32
    %scan3A_567 = arith.addi %scan3A_565, %scan3A_566 : i32
    %scan3A_568 = arith.constant 1 : i32
    %scan3A_569 = scf.for %scan3A_697 = %scan3A_565 to %scan3A_567 step %scan3A_568 iter_args(%scan3A_698 = %scan3A_564) -> (i32)  : i32 {
      %mul3A_699 = arith.constant 2 : i32
      %mul3A_700 = arith.muli %mul3A_699, %scan3A_697 : i32
      %add3A_701 = arith.constant 1 : i32
      %add3A_702 = arith.addi %mul3A_700, %add3A_701 : i32
      %dma_start3A_703 = arith.constant 0 : i32
      %dma_start3A_704 = tpu.memref_slice %arg7[%add3A_702, %dma_start3A_703] : memref<48x128xi32, #tpu.memory_space<vmem>> -> memref<1x128xi32, #tpu.memory_space<vmem>>
      %dma_start3A_705 = tpu.memref_squeeze %dma_start3A_704 : memref<1x128xi32, #tpu.memory_space<vmem>> -> memref<128xi32, #tpu.memory_space<vmem>>
      %dma_start3A_706 = arith.constant 0 : i32
      %dma_start3A_707 = arith.constant 0 : i32
      %dma_start3A_708 = tpu.memref_slice %arg2[%dma_start3A_706, %dma_start3A_707] : memref<10240x128xf32, #tpu.memory_space<hbm>> -> memref<10240x128xf32, #tpu.memory_space<hbm>>
      tpu.enqueue_indirect_dma source(%dma_start3A_708 : memref<10240x128xf32, #tpu.memory_space<hbm>>) target(%arg10 : memref<128x128xf32, #tpu.memory_space<vmem>>) offsets(%dma_start3A_705 : memref<128xi32, #tpu.memory_space<vmem>>) semaphore(%arg13 : memref<!tpu.dma_semaphore, #tpu.memory_space<semaphore_mem>>)
      %dma_wait3A_709 = arith.constant 0 : i32
      %dma_wait3A_710 = arith.constant 0 : i32
      %dma_wait3A_711 = tpu.memref_slice %arg7[%dma_wait3A_709, %dma_wait3A_710] : memref<48x128xi32, #tpu.memory_space<vmem>> -> memref<1x128xi32, #tpu.memory_space<vmem>>
      %dma_wait3A_712 = tpu.memref_squeeze %dma_wait3A_711 : memref<1x128xi32, #tpu.memory_space<vmem>> -> memref<128xi32, #tpu.memory_space<vmem>>
      %dma_wait3A_713 = arith.constant 0 : i32
      %dma_wait3A_714 = arith.constant 0 : i32
      %dma_wait3A_715 = tpu.memref_slice %arg2[%dma_wait3A_713, %dma_wait3A_714] : memref<10240x128xf32, #tpu.memory_space<hbm>> -> memref<10240x128xf32, #tpu.memory_space<hbm>>
      tpu.wait_indirect_dma semaphore(%arg12 : memref<!tpu.dma_semaphore, #tpu.memory_space<semaphore_mem>>) src(%dma_wait3A_715 : memref<10240x128xf32, #tpu.memory_space<hbm>>) dst(%arg9 : memref<128x128xf32, #tpu.memory_space<vmem>>)
      "tpu.region"() ({
        %run_scoped3A = tpu.sem_alloc : memref<!tpu.dma_semaphore, #tpu.memory_space<semaphore_mem>>
        %dma_start3A_727 = arith.constant 0 : i32
        %dma_start3A_728 = tpu.memref_slice %arg8[%mul3A_700, %dma_start3A_727] : memref<48x128xi32, #tpu.memory_space<vmem>> -> memref<1x128xi32, #tpu.memory_space<vmem>>
        %dma_start3A_729 = tpu.memref_squeeze %dma_start3A_728 : memref<1x128xi32, #tpu.memory_space<vmem>> -> memref<128xi32, #tpu.memory_space<vmem>>
        %dma_start3A_730 = arith.constant 0 : i32
        %dma_start3A_731 = arith.constant 0 : i32
        %dma_start3A_732 = tpu.memref_slice %arg6[%dma_start3A_730, %dma_start3A_731] : memref<10240x128xf32, #tpu.memory_space<vmem_shared>> -> memref<10240x128xf32, #tpu.memory_space<vmem_shared>>
        tpu.enqueue_indirect_dma source(%arg9 : memref<128x128xf32, #tpu.memory_space<vmem>>) target(%dma_start3A_732 : memref<10240x128xf32, #tpu.memory_space<vmem_shared>>) offsets(%dma_start3A_729 : memref<128xi32, #tpu.memory_space<vmem>>) semaphore(%run_scoped3A : memref<!tpu.dma_semaphore, #tpu.memory_space<semaphore_mem>>) {add = true}
        %dma_wait3A_733 = arith.constant 0 : i32
        %dma_wait3A_734 = tpu.memref_slice %arg8[%mul3A_700, %dma_wait3A_733] : memref<48x128xi32, #tpu.memory_space<vmem>> -> memref<1x128xi32, #tpu.memory_space<vmem>>
        %dma_wait3A_735 = tpu.memref_squeeze %dma_wait3A_734 : memref<1x128xi32, #tpu.memory_space<vmem>> -> memref<128xi32, #tpu.memory_space<vmem>>
        %dma_wait3A_736 = arith.constant 0 : i32
        %dma_wait3A_737 = arith.constant 0 : i32
        %dma_wait3A_738 = tpu.memref_slice %arg6[%dma_wait3A_736, %dma_wait3A_737] : memref<10240x128xf32, #tpu.memory_space<vmem_shared>> -> memref<10240x128xf32, #tpu.memory_space<vmem_shared>>
        tpu.wait_indirect_dma semaphore(%run_scoped3A : memref<!tpu.dma_semaphore, #tpu.memory_space<semaphore_mem>>) src(%arg9 : memref<128x128xf32, #tpu.memory_space<vmem>>) dst(%dma_wait3A_738 : memref<10240x128xf32, #tpu.memory_space<vmem_shared>>)
        tpu.yield
      }) : () -> ()
      %lt3A_716 = arith.constant 23 : i32
      %lt3A_717 = arith.cmpi slt, %scan3A_697, %lt3A_716 : i32
      %convert_element_type3A = arith.extui %lt3A_717 : i1 to i32
      %cond3A = arith.constant 0 : i32
      %cond3A_718 = arith.cmpi ne, %convert_element_type3A, %cond3A : i32
      scf.if %cond3A_718 {
        %add3A_727 = arith.constant 2 : i32
        %add3A_728 = arith.addi %mul3A_700, %add3A_727 : i32
        %dma_start3A_729 = arith.constant 0 : i32
        %dma_start3A_730 = tpu.memref_slice %arg7[%add3A_728, %dma_start3A_729] : memref<48x128xi32, #tpu.memory_space<vmem>> -> memref<1x128xi32, #tpu.memory_space<vmem>>
        %dma_start3A_731 = tpu.memref_squeeze %dma_start3A_730 : memref<1x128xi32, #tpu.memory_space<vmem>> -> memref<128xi32, #tpu.memory_space<vmem>>
        %dma_start3A_732 = arith.constant 0 : i32
        %dma_start3A_733 = arith.constant 0 : i32
        %dma_start3A_734 = tpu.memref_slice %arg2[%dma_start3A_732, %dma_start3A_733] : memref<10240x128xf32, #tpu.memory_space<hbm>> -> memref<10240x128xf32, #tpu.memory_space<hbm>>
        tpu.enqueue_indirect_dma source(%dma_start3A_734 : memref<10240x128xf32, #tpu.memory_space<hbm>>) target(%arg9 : memref<128x128xf32, #tpu.memory_space<vmem>>) offsets(%dma_start3A_731 : memref<128xi32, #tpu.memory_space<vmem>>) semaphore(%arg12 : memref<!tpu.dma_semaphore, #tpu.memory_space<semaphore_mem>>)
      } else {
      }
      %dma_wait3A_719 = arith.constant 0 : i32
      %dma_wait3A_720 = arith.constant 0 : i32
      %dma_wait3A_721 = tpu.memref_slice %arg7[%dma_wait3A_719, %dma_wait3A_720] : memref<48x128xi32, #tpu.memory_space<vmem>> -> memref<1x128xi32, #tpu.memory_space<vmem>>
      %dma_wait3A_722 = tpu.memref_squeeze %dma_wait3A_721 : memref<1x128xi32, #tpu.memory_space<vmem>> -> memref<128xi32, #tpu.memory_space<vmem>>
      %dma_wait3A_723 = arith.constant 0 : i32
      %dma_wait3A_724 = arith.constant 0 : i32
      %dma_wait3A_725 = tpu.memref_slice %arg2[%dma_wait3A_723, %dma_wait3A_724] : memref<10240x128xf32, #tpu.memory_space<hbm>> -> memref<10240x128xf32, #tpu.memory_space<hbm>>
      tpu.wait_indirect_dma semaphore(%arg13 : memref<!tpu.dma_semaphore, #tpu.memory_space<semaphore_mem>>) src(%dma_wait3A_725 : memref<10240x128xf32, #tpu.memory_space<hbm>>) dst(%arg10 : memref<128x128xf32, #tpu.memory_space<vmem>>)
      "tpu.region"() ({
        %run_scoped3A = tpu.sem_alloc : memref<!tpu.dma_semaphore, #tpu.memory_space<semaphore_mem>>
        %dma_start3A_727 = arith.constant 0 : i32
        %dma_start3A_728 = tpu.memref_slice %arg8[%add3A_702, %dma_start3A_727] : memref<48x128xi32, #tpu.memory_space<vmem>> -> memref<1x128xi32, #tpu.memory_space<vmem>>
        %dma_start3A_729 = tpu.memref_squeeze %dma_start3A_728 : memref<1x128xi32, #tpu.memory_space<vmem>> -> memref<128xi32, #tpu.memory_space<vmem>>
        %dma_start3A_730 = arith.constant 0 : i32
        %dma_start3A_731 = arith.constant 0 : i32
        %dma_start3A_732 = tpu.memref_slice %arg6[%dma_start3A_730, %dma_start3A_731] : memref<10240x128xf32, #tpu.memory_space<vmem_shared>> -> memref<10240x128xf32, #tpu.memory_space<vmem_shared>>
        tpu.enqueue_indirect_dma source(%arg10 : memref<128x128xf32, #tpu.memory_space<vmem>>) target(%dma_start3A_732 : memref<10240x128xf32, #tpu.memory_space<vmem_shared>>) offsets(%dma_start3A_729 : memref<128xi32, #tpu.memory_space<vmem>>) semaphore(%run_scoped3A : memref<!tpu.dma_semaphore, #tpu.memory_space<semaphore_mem>>) {add = true}
        %dma_wait3A_733 = arith.constant 0 : i32
        %dma_wait3A_734 = tpu.memref_slice %arg8[%add3A_702, %dma_wait3A_733] : memref<48x128xi32, #tpu.memory_space<vmem>> -> memref<1x128xi32, #tpu.memory_space<vmem>>
        %dma_wait3A_735 = tpu.memref_squeeze %dma_wait3A_734 : memref<1x128xi32, #tpu.memory_space<vmem>> -> memref<128xi32, #tpu.memory_space<vmem>>
        %dma_wait3A_736 = arith.constant 0 : i32
        %dma_wait3A_737 = arith.constant 0 : i32
        %dma_wait3A_738 = tpu.memref_slice %arg6[%dma_wait3A_736, %dma_wait3A_737] : memref<10240x128xf32, #tpu.memory_space<vmem_shared>> -> memref<10240x128xf32, #tpu.memory_space<vmem_shared>>
        tpu.wait_indirect_dma semaphore(%run_scoped3A : memref<!tpu.dma_semaphore, #tpu.memory_space<semaphore_mem>>) src(%arg10 : memref<128x128xf32, #tpu.memory_space<vmem>>) dst(%dma_wait3A_738 : memref<10240x128xf32, #tpu.memory_space<vmem_shared>>)
        tpu.yield
      }) : () -> ()
      %scan3A_726 = arith.constant 0 : i32
      scf.yield %scan3A_726 : i32
    }
    %scan3A_570 = arith.constant 24 : i32
    %add3A_571 = arith.constant 48 : i32
    %add3A_572 = arith.addi %select_n3A_15, %add3A_571 : i32
    "tpu.region"() ({
      %run_scoped3A = tpu.sem_alloc : memref<!tpu.dma_semaphore, #tpu.memory_space<semaphore_mem>>
      %dma_start3A_697 = arith.constant 0 : i32
      %dma_start3A_698 = tpu.memref_slice %arg3[%add3A_572, %dma_start3A_697] : memref<2560x128xi32, #tpu.memory_space<hbm>> -> memref<48x128xi32, #tpu.memory_space<hbm>>
      %dma_start3A_699 = arith.constant 0 : i32
      %dma_start3A_700 = tpu.memref_slice %arg3[%add3A_572, %dma_start3A_699] : memref<2560x128xi32, #tpu.memory_space<hbm>> -> memref<48x128xi32, #tpu.memory_space<hbm>>
      tpu.enqueue_dma source(%dma_start3A_700 : memref<48x128xi32, #tpu.memory_space<hbm>>) target(%arg7 : memref<48x128xi32, #tpu.memory_space<vmem>>) target_semaphore(%run_scoped3A : memref<!tpu.dma_semaphore, #tpu.memory_space<semaphore_mem>>)
      %dma_wait3A_701 = arith.constant 0 : i32
      %dma_wait3A_702 = tpu.memref_slice %arg3[%add3A_572, %dma_wait3A_701] : memref<2560x128xi32, #tpu.memory_space<hbm>> -> memref<48x128xi32, #tpu.memory_space<hbm>>
      %dma_wait3A_703 = arith.constant 0 : i32
      %dma_wait3A_704 = tpu.memref_slice %arg3[%add3A_572, %dma_wait3A_703] : memref<2560x128xi32, #tpu.memory_space<hbm>> -> memref<48x128xi32, #tpu.memory_space<hbm>>
      tpu.wait_dma2 semaphore(%run_scoped3A : memref<!tpu.dma_semaphore, #tpu.memory_space<semaphore_mem>>) src(%dma_wait3A_704 : memref<48x128xi32, #tpu.memory_space<hbm>>) dst(%arg7 : memref<48x128xi32, #tpu.memory_space<vmem>>)
      tpu.yield
    }) : () -> ()
    %add3A_573 = arith.constant 48 : i32
    %add3A_574 = arith.addi %select_n3A_15, %add3A_573 : i32
    "tpu.region"() ({
      %run_scoped3A = tpu.sem_alloc : memref<!tpu.dma_semaphore, #tpu.memory_space<semaphore_mem>>
      %dma_start3A_697 = arith.constant 0 : i32
      %dma_start3A_698 = tpu.memref_slice %arg4[%add3A_574, %dma_start3A_697] : memref<2560x128xi32, #tpu.memory_space<hbm>> -> memref<48x128xi32, #tpu.memory_space<hbm>>
      %dma_start3A_699 = arith.constant 0 : i32
      %dma_start3A_700 = tpu.memref_slice %arg4[%add3A_574, %dma_start3A_699] : memref<2560x128xi32, #tpu.memory_space<hbm>> -> memref<48x128xi32, #tpu.memory_space<hbm>>
      tpu.enqueue_dma source(%dma_start3A_700 : memref<48x128xi32, #tpu.memory_space<hbm>>) target(%arg8 : memref<48x128xi32, #tpu.memory_space<vmem>>) target_semaphore(%run_scoped3A : memref<!tpu.dma_semaphore, #tpu.memory_space<semaphore_mem>>)
      %dma_wait3A_701 = arith.constant 0 : i32
      %dma_wait3A_702 = tpu.memref_slice %arg4[%add3A_574, %dma_wait3A_701] : memref<2560x128xi32, #tpu.memory_space<hbm>> -> memref<48x128xi32, #tpu.memory_space<hbm>>
      %dma_wait3A_703 = arith.constant 0 : i32
      %dma_wait3A_704 = tpu.memref_slice %arg4[%add3A_574, %dma_wait3A_703] : memref<2560x128xi32, #tpu.memory_space<hbm>> -> memref<48x128xi32, #tpu.memory_space<hbm>>
      tpu.wait_dma2 semaphore(%run_scoped3A : memref<!tpu.dma_semaphore, #tpu.memory_space<semaphore_mem>>) src(%dma_wait3A_704 : memref<48x128xi32, #tpu.memory_space<hbm>>) dst(%arg8 : memref<48x128xi32, #tpu.memory_space<vmem>>)
      tpu.yield
    }) : () -> ()
    %sub3A_575 = arith.constant 48 : i32
    %sub3A_576 = arith.subi %select_n3A_5, %sub3A_575 : i32
    %jit3A_577 = arith.constant 2 : i32
    %div3A = arith.divsi %sub3A_576, %jit3A_577 : i32
    %sign3A = arith.constant 0 : i32
    %sign3A_578 = arith.cmpi sgt, %sub3A_576, %sign3A : i32
    %sign3A_579 = arith.extui %sign3A_578 : i1 to i32
    %sign3A_580 = arith.constant 0 : i32
    %sign3A_581 = arith.cmpi slt, %sub3A_576, %sign3A_580 : i32
    %sign3A_582 = arith.extui %sign3A_581 : i1 to i32
    %sign3A_583 = arith.subi %sign3A_579, %sign3A_582 : i32
    %sign3A_584 = arith.constant 0 : i32
    %sign3A_585 = arith.cmpi sgt, %jit3A_577, %sign3A_584 : i32
    %sign3A_586 = arith.extui %sign3A_585 : i1 to i32
    %sign3A_587 = arith.constant 0 : i32
    %sign3A_588 = arith.cmpi slt, %jit3A_577, %sign3A_587 : i32
    %sign3A_589 = arith.extui %sign3A_588 : i1 to i32
    %sign3A_590 = arith.subi %sign3A_586, %sign3A_589 : i32
    %ne3A = arith.cmpi ne, %sign3A_583, %sign3A_590 : i32
    %rem3A = arith.remsi %sub3A_576, %jit3A_577 : i32
    %ne3A_591 = arith.constant 0 : i32
    %ne3A_592 = arith.cmpi ne, %rem3A, %ne3A_591 : i32
    %and3A = arith.andi %ne3A, %ne3A_592 : i1
    %sub3A_593 = arith.constant 1 : i32
    %sub3A_594 = arith.subi %div3A, %sub3A_593 : i32
    %select_n3A_595 = arith.select %and3A, %sub3A_594, %div3A : i32
    %dma_start3A_596 = arith.constant 0 : i32
    %dma_start3A_597 = arith.constant 0 : i32
    %dma_start3A_598 = tpu.memref_slice %arg7[%dma_start3A_596, %dma_start3A_597] : memref<48x128xi32, #tpu.memory_space<vmem>> -> memref<1x128xi32, #tpu.memory_space<vmem>>
    %dma_start3A_599 = tpu.memref_squeeze %dma_start3A_598 : memref<1x128xi32, #tpu.memory_space<vmem>> -> memref<128xi32, #tpu.memory_space<vmem>>
    %dma_start3A_600 = arith.constant 0 : i32
    %dma_start3A_601 = arith.constant 0 : i32
    %dma_start3A_602 = tpu.memref_slice %arg2[%dma_start3A_600, %dma_start3A_601] : memref<10240x128xf32, #tpu.memory_space<hbm>> -> memref<10240x128xf32, #tpu.memory_space<hbm>>
    tpu.enqueue_indirect_dma source(%dma_start3A_602 : memref<10240x128xf32, #tpu.memory_space<hbm>>) target(%arg9 : memref<128x128xf32, #tpu.memory_space<vmem>>) offsets(%dma_start3A_599 : memref<128xi32, #tpu.memory_space<vmem>>) semaphore(%arg12 : memref<!tpu.dma_semaphore, #tpu.memory_space<semaphore_mem>>)
    %while3A = arith.constant 0 : i32
    %while3A_603 = arith.constant 0 : i32
    %while3A_604 = arith.subi %select_n3A_595, %while3A : i32
    %while3A_605 = arith.addi %while3A, %while3A_604 : i32
    %while3A_606 = arith.constant 1 : i32
    %while3A_607 = arith.divsi %while3A_604, %while3A_606 : i32
    %while3A_608 = arith.muli %while3A_607, %while3A_606 : i32
    %while3A_609 = arith.addi %while3A, %while3A_608 : i32
    %while3A_610 = arith.constant 1 : i32
    %while3A_611 = scf.for %while3A_697 = %while3A to %while3A_609 step %while3A_610 iter_args(%while3A_698 = %while3A_603) -> (i32)  : i32 {
      %mul3A_699 = arith.constant 2 : i32
      %mul3A_700 = arith.muli %mul3A_699, %while3A_697 : i32
      %add3A_701 = arith.constant 1 : i32
      %add3A_702 = arith.addi %mul3A_700, %add3A_701 : i32
      %dma_start3A_703 = arith.constant 0 : i32
      %dma_start3A_704 = tpu.memref_slice %arg7[%add3A_702, %dma_start3A_703] : memref<48x128xi32, #tpu.memory_space<vmem>> -> memref<1x128xi32, #tpu.memory_space<vmem>>
      %dma_start3A_705 = tpu.memref_squeeze %dma_start3A_704 : memref<1x128xi32, #tpu.memory_space<vmem>> -> memref<128xi32, #tpu.memory_space<vmem>>
      %dma_start3A_706 = arith.constant 0 : i32
      %dma_start3A_707 = arith.constant 0 : i32
      %dma_start3A_708 = tpu.memref_slice %arg2[%dma_start3A_706, %dma_start3A_707] : memref<10240x128xf32, #tpu.memory_space<hbm>> -> memref<10240x128xf32, #tpu.memory_space<hbm>>
      tpu.enqueue_indirect_dma source(%dma_start3A_708 : memref<10240x128xf32, #tpu.memory_space<hbm>>) target(%arg10 : memref<128x128xf32, #tpu.memory_space<vmem>>) offsets(%dma_start3A_705 : memref<128xi32, #tpu.memory_space<vmem>>) semaphore(%arg13 : memref<!tpu.dma_semaphore, #tpu.memory_space<semaphore_mem>>)
      %dma_wait3A_709 = arith.constant 0 : i32
      %dma_wait3A_710 = arith.constant 0 : i32
      %dma_wait3A_711 = tpu.memref_slice %arg7[%dma_wait3A_709, %dma_wait3A_710] : memref<48x128xi32, #tpu.memory_space<vmem>> -> memref<1x128xi32, #tpu.memory_space<vmem>>
      %dma_wait3A_712 = tpu.memref_squeeze %dma_wait3A_711 : memref<1x128xi32, #tpu.memory_space<vmem>> -> memref<128xi32, #tpu.memory_space<vmem>>
      %dma_wait3A_713 = arith.constant 0 : i32
      %dma_wait3A_714 = arith.constant 0 : i32
      %dma_wait3A_715 = tpu.memref_slice %arg2[%dma_wait3A_713, %dma_wait3A_714] : memref<10240x128xf32, #tpu.memory_space<hbm>> -> memref<10240x128xf32, #tpu.memory_space<hbm>>
      tpu.wait_indirect_dma semaphore(%arg12 : memref<!tpu.dma_semaphore, #tpu.memory_space<semaphore_mem>>) src(%dma_wait3A_715 : memref<10240x128xf32, #tpu.memory_space<hbm>>) dst(%arg9 : memref<128x128xf32, #tpu.memory_space<vmem>>)
      "tpu.region"() ({
        %run_scoped3A = tpu.sem_alloc : memref<!tpu.dma_semaphore, #tpu.memory_space<semaphore_mem>>
        %dma_start3A_728 = arith.constant 0 : i32
        %dma_start3A_729 = tpu.memref_slice %arg8[%mul3A_700, %dma_start3A_728] : memref<48x128xi32, #tpu.memory_space<vmem>> -> memref<1x128xi32, #tpu.memory_space<vmem>>
        %dma_start3A_730 = tpu.memref_squeeze %dma_start3A_729 : memref<1x128xi32, #tpu.memory_space<vmem>> -> memref<128xi32, #tpu.memory_space<vmem>>
        %dma_start3A_731 = arith.constant 0 : i32
        %dma_start3A_732 = arith.constant 0 : i32
        %dma_start3A_733 = tpu.memref_slice %arg6[%dma_start3A_731, %dma_start3A_732] : memref<10240x128xf32, #tpu.memory_space<vmem_shared>> -> memref<10240x128xf32, #tpu.memory_space<vmem_shared>>
        tpu.enqueue_indirect_dma source(%arg9 : memref<128x128xf32, #tpu.memory_space<vmem>>) target(%dma_start3A_733 : memref<10240x128xf32, #tpu.memory_space<vmem_shared>>) offsets(%dma_start3A_730 : memref<128xi32, #tpu.memory_space<vmem>>) semaphore(%run_scoped3A : memref<!tpu.dma_semaphore, #tpu.memory_space<semaphore_mem>>) {add = true}
        %dma_wait3A_734 = arith.constant 0 : i32
        %dma_wait3A_735 = tpu.memref_slice %arg8[%mul3A_700, %dma_wait3A_734] : memref<48x128xi32, #tpu.memory_space<vmem>> -> memref<1x128xi32, #tpu.memory_space<vmem>>
        %dma_wait3A_736 = tpu.memref_squeeze %dma_wait3A_735 : memref<1x128xi32, #tpu.memory_space<vmem>> -> memref<128xi32, #tpu.memory_space<vmem>>
        %dma_wait3A_737 = arith.constant 0 : i32
        %dma_wait3A_738 = arith.constant 0 : i32
        %dma_wait3A_739 = tpu.memref_slice %arg6[%dma_wait3A_737, %dma_wait3A_738] : memref<10240x128xf32, #tpu.memory_space<vmem_shared>> -> memref<10240x128xf32, #tpu.memory_space<vmem_shared>>
        tpu.wait_indirect_dma semaphore(%run_scoped3A : memref<!tpu.dma_semaphore, #tpu.memory_space<semaphore_mem>>) src(%arg9 : memref<128x128xf32, #tpu.memory_space<vmem>>) dst(%dma_wait3A_739 : memref<10240x128xf32, #tpu.memory_space<vmem_shared>>)
        tpu.yield
      }) : () -> ()
      %sub3A_716 = arith.constant 1 : i32
      %sub3A_717 = arith.subi %select_n3A_595, %sub3A_716 : i32
      %lt3A_718 = arith.cmpi slt, %while3A_697, %sub3A_717 : i32
      %convert_element_type3A = arith.extui %lt3A_718 : i1 to i32
      %cond3A = arith.constant 0 : i32
      %cond3A_719 = arith.cmpi ne, %convert_element_type3A, %cond3A : i32
      scf.if %cond3A_719 {
        %add3A_728 = arith.constant 2 : i32
        %add3A_729 = arith.addi %mul3A_700, %add3A_728 : i32
        %dma_start3A_730 = arith.constant 0 : i32
        %dma_start3A_731 = tpu.memref_slice %arg7[%add3A_729, %dma_start3A_730] : memref<48x128xi32, #tpu.memory_space<vmem>> -> memref<1x128xi32, #tpu.memory_space<vmem>>
        %dma_start3A_732 = tpu.memref_squeeze %dma_start3A_731 : memref<1x128xi32, #tpu.memory_space<vmem>> -> memref<128xi32, #tpu.memory_space<vmem>>
        %dma_start3A_733 = arith.constant 0 : i32
        %dma_start3A_734 = arith.constant 0 : i32
        %dma_start3A_735 = tpu.memref_slice %arg2[%dma_start3A_733, %dma_start3A_734] : memref<10240x128xf32, #tpu.memory_space<hbm>> -> memref<10240x128xf32, #tpu.memory_space<hbm>>
        tpu.enqueue_indirect_dma source(%dma_start3A_735 : memref<10240x128xf32, #tpu.memory_space<hbm>>) target(%arg9 : memref<128x128xf32, #tpu.memory_space<vmem>>) offsets(%dma_start3A_732 : memref<128xi32, #tpu.memory_space<vmem>>) semaphore(%arg12 : memref<!tpu.dma_semaphore, #tpu.memory_space<semaphore_mem>>)
      } else {
      }
      %dma_wait3A_720 = arith.constant 0 : i32
      %dma_wait3A_721 = arith.constant 0 : i32
      %dma_wait3A_722 = tpu.memref_slice %arg7[%dma_wait3A_720, %dma_wait3A_721] : memref<48x128xi32, #tpu.memory_space<vmem>> -> memref<1x128xi32, #tpu.memory_space<vmem>>
      %dma_wait3A_723 = tpu.memref_squeeze %dma_wait3A_722 : memref<1x128xi32, #tpu.memory_space<vmem>> -> memref<128xi32, #tpu.memory_space<vmem>>
      %dma_wait3A_724 = arith.constant 0 : i32
      %dma_wait3A_725 = arith.constant 0 : i32
      %dma_wait3A_726 = tpu.memref_slice %arg2[%dma_wait3A_724, %dma_wait3A_725] : memref<10240x128xf32, #tpu.memory_space<hbm>> -> memref<10240x128xf32, #tpu.memory_space<hbm>>
      tpu.wait_indirect_dma semaphore(%arg13 : memref<!tpu.dma_semaphore, #tpu.memory_space<semaphore_mem>>) src(%dma_wait3A_726 : memref<10240x128xf32, #tpu.memory_space<hbm>>) dst(%arg10 : memref<128x128xf32, #tpu.memory_space<vmem>>)
      "tpu.region"() ({
        %run_scoped3A = tpu.sem_alloc : memref<!tpu.dma_semaphore, #tpu.memory_space<semaphore_mem>>
        %dma_start3A_728 = arith.constant 0 : i32
        %dma_start3A_729 = tpu.memref_slice %arg8[%add3A_702, %dma_start3A_728] : memref<48x128xi32, #tpu.memory_space<vmem>> -> memref<1x128xi32, #tpu.memory_space<vmem>>
        %dma_start3A_730 = tpu.memref_squeeze %dma_start3A_729 : memref<1x128xi32, #tpu.memory_space<vmem>> -> memref<128xi32, #tpu.memory_space<vmem>>
        %dma_start3A_731 = arith.constant 0 : i32
        %dma_start3A_732 = arith.constant 0 : i32
        %dma_start3A_733 = tpu.memref_slice %arg6[%dma_start3A_731, %dma_start3A_732] : memref<10240x128xf32, #tpu.memory_space<vmem_shared>> -> memref<10240x128xf32, #tpu.memory_space<vmem_shared>>
        tpu.enqueue_indirect_dma source(%arg10 : memref<128x128xf32, #tpu.memory_space<vmem>>) target(%dma_start3A_733 : memref<10240x128xf32, #tpu.memory_space<vmem_shared>>) offsets(%dma_start3A_730 : memref<128xi32, #tpu.memory_space<vmem>>) semaphore(%run_scoped3A : memref<!tpu.dma_semaphore, #tpu.memory_space<semaphore_mem>>) {add = true}
        %dma_wait3A_734 = arith.constant 0 : i32
        %dma_wait3A_735 = tpu.memref_slice %arg8[%add3A_702, %dma_wait3A_734] : memref<48x128xi32, #tpu.memory_space<vmem>> -> memref<1x128xi32, #tpu.memory_space<vmem>>
        %dma_wait3A_736 = tpu.memref_squeeze %dma_wait3A_735 : memref<1x128xi32, #tpu.memory_space<vmem>> -> memref<128xi32, #tpu.memory_space<vmem>>
        %dma_wait3A_737 = arith.constant 0 : i32
        %dma_wait3A_738 = arith.constant 0 : i32
        %dma_wait3A_739 = tpu.memref_slice %arg6[%dma_wait3A_737, %dma_wait3A_738] : memref<10240x128xf32, #tpu.memory_space<vmem_shared>> -> memref<10240x128xf32, #tpu.memory_space<vmem_shared>>
        tpu.wait_indirect_dma semaphore(%run_scoped3A : memref<!tpu.dma_semaphore, #tpu.memory_space<semaphore_mem>>) src(%arg10 : memref<128x128xf32, #tpu.memory_space<vmem>>) dst(%dma_wait3A_739 : memref<10240x128xf32, #tpu.memory_space<vmem_shared>>)
        tpu.yield
      }) : () -> ()
      %while3A_727 = arith.constant 0 : i32
      scf.yield %while3A_727 : i32
    }
    %while3A_612 = arith.constant 1 : i32
    %while3A_613 = scf.for %while3A_697 = %while3A_609 to %while3A_605 step %while3A_612 iter_args(%while3A_698 = %while3A_611) -> (i32)  : i32 {
      %mul3A_699 = arith.constant 2 : i32
      %mul3A_700 = arith.muli %mul3A_699, %while3A_697 : i32
      %add3A_701 = arith.constant 1 : i32
      %add3A_702 = arith.addi %mul3A_700, %add3A_701 : i32
      %dma_start3A_703 = arith.constant 0 : i32
      %dma_start3A_704 = tpu.memref_slice %arg7[%add3A_702, %dma_start3A_703] : memref<48x128xi32, #tpu.memory_space<vmem>> -> memref<1x128xi32, #tpu.memory_space<vmem>>
      %dma_start3A_705 = tpu.memref_squeeze %dma_start3A_704 : memref<1x128xi32, #tpu.memory_space<vmem>> -> memref<128xi32, #tpu.memory_space<vmem>>
      %dma_start3A_706 = arith.constant 0 : i32
      %dma_start3A_707 = arith.constant 0 : i32
      %dma_start3A_708 = tpu.memref_slice %arg2[%dma_start3A_706, %dma_start3A_707] : memref<10240x128xf32, #tpu.memory_space<hbm>> -> memref<10240x128xf32, #tpu.memory_space<hbm>>
      tpu.enqueue_indirect_dma source(%dma_start3A_708 : memref<10240x128xf32, #tpu.memory_space<hbm>>) target(%arg10 : memref<128x128xf32, #tpu.memory_space<vmem>>) offsets(%dma_start3A_705 : memref<128xi32, #tpu.memory_space<vmem>>) semaphore(%arg13 : memref<!tpu.dma_semaphore, #tpu.memory_space<semaphore_mem>>)
      %dma_wait3A_709 = arith.constant 0 : i32
      %dma_wait3A_710 = arith.constant 0 : i32
      %dma_wait3A_711 = tpu.memref_slice %arg7[%dma_wait3A_709, %dma_wait3A_710] : memref<48x128xi32, #tpu.memory_space<vmem>> -> memref<1x128xi32, #tpu.memory_space<vmem>>
      %dma_wait3A_712 = tpu.memref_squeeze %dma_wait3A_711 : memref<1x128xi32, #tpu.memory_space<vmem>> -> memref<128xi32, #tpu.memory_space<vmem>>
      %dma_wait3A_713 = arith.constant 0 : i32
      %dma_wait3A_714 = arith.constant 0 : i32
      %dma_wait3A_715 = tpu.memref_slice %arg2[%dma_wait3A_713, %dma_wait3A_714] : memref<10240x128xf32, #tpu.memory_space<hbm>> -> memref<10240x128xf32, #tpu.memory_space<hbm>>
      tpu.wait_indirect_dma semaphore(%arg12 : memref<!tpu.dma_semaphore, #tpu.memory_space<semaphore_mem>>) src(%dma_wait3A_715 : memref<10240x128xf32, #tpu.memory_space<hbm>>) dst(%arg9 : memref<128x128xf32, #tpu.memory_space<vmem>>)
      "tpu.region"() ({
        %run_scoped3A = tpu.sem_alloc : memref<!tpu.dma_semaphore, #tpu.memory_space<semaphore_mem>>
        %dma_start3A_728 = arith.constant 0 : i32
        %dma_start3A_729 = tpu.memref_slice %arg8[%mul3A_700, %dma_start3A_728] : memref<48x128xi32, #tpu.memory_space<vmem>> -> memref<1x128xi32, #tpu.memory_space<vmem>>
        %dma_start3A_730 = tpu.memref_squeeze %dma_start3A_729 : memref<1x128xi32, #tpu.memory_space<vmem>> -> memref<128xi32, #tpu.memory_space<vmem>>
        %dma_start3A_731 = arith.constant 0 : i32
        %dma_start3A_732 = arith.constant 0 : i32
        %dma_start3A_733 = tpu.memref_slice %arg6[%dma_start3A_731, %dma_start3A_732] : memref<10240x128xf32, #tpu.memory_space<vmem_shared>> -> memref<10240x128xf32, #tpu.memory_space<vmem_shared>>
        tpu.enqueue_indirect_dma source(%arg9 : memref<128x128xf32, #tpu.memory_space<vmem>>) target(%dma_start3A_733 : memref<10240x128xf32, #tpu.memory_space<vmem_shared>>) offsets(%dma_start3A_730 : memref<128xi32, #tpu.memory_space<vmem>>) semaphore(%run_scoped3A : memref<!tpu.dma_semaphore, #tpu.memory_space<semaphore_mem>>) {add = true}
        %dma_wait3A_734 = arith.constant 0 : i32
        %dma_wait3A_735 = tpu.memref_slice %arg8[%mul3A_700, %dma_wait3A_734] : memref<48x128xi32, #tpu.memory_space<vmem>> -> memref<1x128xi32, #tpu.memory_space<vmem>>
        %dma_wait3A_736 = tpu.memref_squeeze %dma_wait3A_735 : memref<1x128xi32, #tpu.memory_space<vmem>> -> memref<128xi32, #tpu.memory_space<vmem>>
        %dma_wait3A_737 = arith.constant 0 : i32
        %dma_wait3A_738 = arith.constant 0 : i32
        %dma_wait3A_739 = tpu.memref_slice %arg6[%dma_wait3A_737, %dma_wait3A_738] : memref<10240x128xf32, #tpu.memory_space<vmem_shared>> -> memref<10240x128xf32, #tpu.memory_space<vmem_shared>>
        tpu.wait_indirect_dma semaphore(%run_scoped3A : memref<!tpu.dma_semaphore, #tpu.memory_space<semaphore_mem>>) src(%arg9 : memref<128x128xf32, #tpu.memory_space<vmem>>) dst(%dma_wait3A_739 : memref<10240x128xf32, #tpu.memory_space<vmem_shared>>)
        tpu.yield
      }) : () -> ()
      %sub3A_716 = arith.constant 1 : i32
      %sub3A_717 = arith.subi %select_n3A_595, %sub3A_716 : i32
      %lt3A_718 = arith.cmpi slt, %while3A_697, %sub3A_717 : i32
      %convert_element_type3A = arith.extui %lt3A_718 : i1 to i32
      %cond3A = arith.constant 0 : i32
      %cond3A_719 = arith.cmpi ne, %convert_element_type3A, %cond3A : i32
      scf.if %cond3A_719 {
        %add3A_728 = arith.constant 2 : i32
        %add3A_729 = arith.addi %mul3A_700, %add3A_728 : i32
        %dma_start3A_730 = arith.constant 0 : i32
        %dma_start3A_731 = tpu.memref_slice %arg7[%add3A_729, %dma_start3A_730] : memref<48x128xi32, #tpu.memory_space<vmem>> -> memref<1x128xi32, #tpu.memory_space<vmem>>
        %dma_start3A_732 = tpu.memref_squeeze %dma_start3A_731 : memref<1x128xi32, #tpu.memory_space<vmem>> -> memref<128xi32, #tpu.memory_space<vmem>>
        %dma_start3A_733 = arith.constant 0 : i32
        %dma_start3A_734 = arith.constant 0 : i32
        %dma_start3A_735 = tpu.memref_slice %arg2[%dma_start3A_733, %dma_start3A_734] : memref<10240x128xf32, #tpu.memory_space<hbm>> -> memref<10240x128xf32, #tpu.memory_space<hbm>>
        tpu.enqueue_indirect_dma source(%dma_start3A_735 : memref<10240x128xf32, #tpu.memory_space<hbm>>) target(%arg9 : memref<128x128xf32, #tpu.memory_space<vmem>>) offsets(%dma_start3A_732 : memref<128xi32, #tpu.memory_space<vmem>>) semaphore(%arg12 : memref<!tpu.dma_semaphore, #tpu.memory_space<semaphore_mem>>)
      } else {
      }
      %dma_wait3A_720 = arith.constant 0 : i32
      %dma_wait3A_721 = arith.constant 0 : i32
      %dma_wait3A_722 = tpu.memref_slice %arg7[%dma_wait3A_720, %dma_wait3A_721] : memref<48x128xi32, #tpu.memory_space<vmem>> -> memref<1x128xi32, #tpu.memory_space<vmem>>
      %dma_wait3A_723 = tpu.memref_squeeze %dma_wait3A_722 : memref<1x128xi32, #tpu.memory_space<vmem>> -> memref<128xi32, #tpu.memory_space<vmem>>
      %dma_wait3A_724 = arith.constant 0 : i32
      %dma_wait3A_725 = arith.constant 0 : i32
      %dma_wait3A_726 = tpu.memref_slice %arg2[%dma_wait3A_724, %dma_wait3A_725] : memref<10240x128xf32, #tpu.memory_space<hbm>> -> memref<10240x128xf32, #tpu.memory_space<hbm>>
      tpu.wait_indirect_dma semaphore(%arg13 : memref<!tpu.dma_semaphore, #tpu.memory_space<semaphore_mem>>) src(%dma_wait3A_726 : memref<10240x128xf32, #tpu.memory_space<hbm>>) dst(%arg10 : memref<128x128xf32, #tpu.memory_space<vmem>>)
      "tpu.region"() ({
        %run_scoped3A = tpu.sem_alloc : memref<!tpu.dma_semaphore, #tpu.memory_space<semaphore_mem>>
        %dma_start3A_728 = arith.constant 0 : i32
        %dma_start3A_729 = tpu.memref_slice %arg8[%add3A_702, %dma_start3A_728] : memref<48x128xi32, #tpu.memory_space<vmem>> -> memref<1x128xi32, #tpu.memory_space<vmem>>
        %dma_start3A_730 = tpu.memref_squeeze %dma_start3A_729 : memref<1x128xi32, #tpu.memory_space<vmem>> -> memref<128xi32, #tpu.memory_space<vmem>>
        %dma_start3A_731 = arith.constant 0 : i32
        %dma_start3A_732 = arith.constant 0 : i32
        %dma_start3A_733 = tpu.memref_slice %arg6[%dma_start3A_731, %dma_start3A_732] : memref<10240x128xf32, #tpu.memory_space<vmem_shared>> -> memref<10240x128xf32, #tpu.memory_space<vmem_shared>>
        tpu.enqueue_indirect_dma source(%arg10 : memref<128x128xf32, #tpu.memory_space<vmem>>) target(%dma_start3A_733 : memref<10240x128xf32, #tpu.memory_space<vmem_shared>>) offsets(%dma_start3A_730 : memref<128xi32, #tpu.memory_space<vmem>>) semaphore(%run_scoped3A : memref<!tpu.dma_semaphore, #tpu.memory_space<semaphore_mem>>) {add = true}
        %dma_wait3A_734 = arith.constant 0 : i32
        %dma_wait3A_735 = tpu.memref_slice %arg8[%add3A_702, %dma_wait3A_734] : memref<48x128xi32, #tpu.memory_space<vmem>> -> memref<1x128xi32, #tpu.memory_space<vmem>>
        %dma_wait3A_736 = tpu.memref_squeeze %dma_wait3A_735 : memref<1x128xi32, #tpu.memory_space<vmem>> -> memref<128xi32, #tpu.memory_space<vmem>>
        %dma_wait3A_737 = arith.constant 0 : i32
        %dma_wait3A_738 = arith.constant 0 : i32
        %dma_wait3A_739 = tpu.memref_slice %arg6[%dma_wait3A_737, %dma_wait3A_738] : memref<10240x128xf32, #tpu.memory_space<vmem_shared>> -> memref<10240x128xf32, #tpu.memory_space<vmem_shared>>
        tpu.wait_indirect_dma semaphore(%run_scoped3A : memref<!tpu.dma_semaphore, #tpu.memory_space<semaphore_mem>>) src(%arg10 : memref<128x128xf32, #tpu.memory_space<vmem>>) dst(%dma_wait3A_739 : memref<10240x128xf32, #tpu.memory_space<vmem_shared>>)
        tpu.yield
      }) : () -> ()
      %while3A_727 = arith.constant 0 : i32
      scf.yield %while3A_727 : i32
    }
    %barrier3A_614 = arith.constant 0 : index
    tpu.barrier barrier_id(%barrier3A_614)
    %mul3A_615 = arith.constant 640 : i32
    %mul3A_616 = arith.muli %arg1, %mul3A_615 : i32
    %add3A_617 = arith.constant 0 : i32
    %add3A_618 = arith.addi %mul3A_616, %add3A_617 : i32
    "tpu.region"() ({
      %run_scoped3A = tpu.sem_alloc : memref<!tpu.dma_semaphore, #tpu.memory_space<semaphore_mem>>
      %dma_start3A_697 = arith.constant 0 : i32
      %dma_start3A_698 = tpu.memref_slice %arg6[%add3A_618, %dma_start3A_697] : memref<10240x128xf32, #tpu.memory_space<vmem_shared>> -> memref<128x128xf32, #tpu.memory_space<vmem_shared>>
      %dma_start3A_699 = arith.constant 0 : i32
      %dma_start3A_700 = tpu.memref_slice %arg6[%add3A_618, %dma_start3A_699] : memref<10240x128xf32, #tpu.memory_space<vmem_shared>> -> memref<128x128xf32, #tpu.memory_space<vmem_shared>>
      tpu.enqueue_dma source(%dma_start3A_700 : memref<128x128xf32, #tpu.memory_space<vmem_shared>>) target(%arg9 : memref<128x128xf32, #tpu.memory_space<vmem>>) target_semaphore(%run_scoped3A : memref<!tpu.dma_semaphore, #tpu.memory_space<semaphore_mem>>)
      %dma_wait3A_701 = arith.constant 0 : i32
      %dma_wait3A_702 = tpu.memref_slice %arg6[%add3A_618, %dma_wait3A_701] : memref<10240x128xf32, #tpu.memory_space<vmem_shared>> -> memref<128x128xf32, #tpu.memory_space<vmem_shared>>
      %dma_wait3A_703 = arith.constant 0 : i32
      %dma_wait3A_704 = tpu.memref_slice %arg6[%add3A_618, %dma_wait3A_703] : memref<10240x128xf32, #tpu.memory_space<vmem_shared>> -> memref<128x128xf32, #tpu.memory_space<vmem_shared>>
      tpu.wait_dma2 semaphore(%run_scoped3A : memref<!tpu.dma_semaphore, #tpu.memory_space<semaphore_mem>>) src(%dma_wait3A_704 : memref<128x128xf32, #tpu.memory_space<vmem_shared>>) dst(%arg9 : memref<128x128xf32, #tpu.memory_space<vmem>>)
      tpu.yield
    }) : () -> ()
    %add3A_619 = arith.constant 0 : i32
    %add3A_620 = arith.addi %mul3A_616, %add3A_619 : i32
    %dma_start3A_621 = arith.constant 0 : i32
    %dma_start3A_622 = tpu.memref_slice %arg5[%arg0, %add3A_620, %dma_start3A_621] : memref<2x10240x128xf32, #tpu.memory_space<hbm>> -> memref<1x128x128xf32, #tpu.memory_space<hbm>>
    %dma_start3A_623 = tpu.memref_squeeze %dma_start3A_622 : memref<1x128x128xf32, #tpu.memory_space<hbm>> -> memref<128x128xf32, #tpu.memory_space<hbm>>
    %dma_start3A_624 = arith.constant 0 : i32
    %dma_start3A_625 = tpu.memref_slice %arg5[%arg0, %add3A_620, %dma_start3A_624] : memref<2x10240x128xf32, #tpu.memory_space<hbm>> -> memref<1x128x128xf32, #tpu.memory_space<hbm>>
    %dma_start3A_626 = tpu.memref_squeeze %dma_start3A_625 : memref<1x128x128xf32, #tpu.memory_space<hbm>> -> memref<128x128xf32, #tpu.memory_space<hbm>>
    tpu.enqueue_dma source(%arg9 : memref<128x128xf32, #tpu.memory_space<vmem>>) target(%dma_start3A_626 : memref<128x128xf32, #tpu.memory_space<hbm>>) target_semaphore(%arg14 : memref<!tpu.dma_semaphore, #tpu.memory_space<semaphore_mem>>)
    %add3A_627 = arith.constant 128 : i32
    %add3A_628 = arith.addi %mul3A_616, %add3A_627 : i32
    "tpu.region"() ({
      %run_scoped3A = tpu.sem_alloc : memref<!tpu.dma_semaphore, #tpu.memory_space<semaphore_mem>>
      %dma_start3A_697 = arith.constant 0 : i32
      %dma_start3A_698 = tpu.memref_slice %arg6[%add3A_628, %dma_start3A_697] : memref<10240x128xf32, #tpu.memory_space<vmem_shared>> -> memref<128x128xf32, #tpu.memory_space<vmem_shared>>
      %dma_start3A_699 = arith.constant 0 : i32
      %dma_start3A_700 = tpu.memref_slice %arg6[%add3A_628, %dma_start3A_699] : memref<10240x128xf32, #tpu.memory_space<vmem_shared>> -> memref<128x128xf32, #tpu.memory_space<vmem_shared>>
      tpu.enqueue_dma source(%dma_start3A_700 : memref<128x128xf32, #tpu.memory_space<vmem_shared>>) target(%arg10 : memref<128x128xf32, #tpu.memory_space<vmem>>) target_semaphore(%run_scoped3A : memref<!tpu.dma_semaphore, #tpu.memory_space<semaphore_mem>>)
      %dma_wait3A_701 = arith.constant 0 : i32
      %dma_wait3A_702 = tpu.memref_slice %arg6[%add3A_628, %dma_wait3A_701] : memref<10240x128xf32, #tpu.memory_space<vmem_shared>> -> memref<128x128xf32, #tpu.memory_space<vmem_shared>>
      %dma_wait3A_703 = arith.constant 0 : i32
      %dma_wait3A_704 = tpu.memref_slice %arg6[%add3A_628, %dma_wait3A_703] : memref<10240x128xf32, #tpu.memory_space<vmem_shared>> -> memref<128x128xf32, #tpu.memory_space<vmem_shared>>
      tpu.wait_dma2 semaphore(%run_scoped3A : memref<!tpu.dma_semaphore, #tpu.memory_space<semaphore_mem>>) src(%dma_wait3A_704 : memref<128x128xf32, #tpu.memory_space<vmem_shared>>) dst(%arg10 : memref<128x128xf32, #tpu.memory_space<vmem>>)
      tpu.yield
    }) : () -> ()
    %add3A_629 = arith.constant 128 : i32
    %add3A_630 = arith.addi %mul3A_616, %add3A_629 : i32
    %dma_start3A_631 = arith.constant 0 : i32
    %dma_start3A_632 = tpu.memref_slice %arg5[%arg0, %add3A_630, %dma_start3A_631] : memref<2x10240x128xf32, #tpu.memory_space<hbm>> -> memref<1x128x128xf32, #tpu.memory_space<hbm>>
    %dma_start3A_633 = tpu.memref_squeeze %dma_start3A_632 : memref<1x128x128xf32, #tpu.memory_space<hbm>> -> memref<128x128xf32, #tpu.memory_space<hbm>>
    %dma_start3A_634 = arith.constant 0 : i32
    %dma_start3A_635 = tpu.memref_slice %arg5[%arg0, %add3A_630, %dma_start3A_634] : memref<2x10240x128xf32, #tpu.memory_space<hbm>> -> memref<1x128x128xf32, #tpu.memory_space<hbm>>
    %dma_start3A_636 = tpu.memref_squeeze %dma_start3A_635 : memref<1x128x128xf32, #tpu.memory_space<hbm>> -> memref<128x128xf32, #tpu.memory_space<hbm>>
    tpu.enqueue_dma source(%arg10 : memref<128x128xf32, #tpu.memory_space<vmem>>) target(%dma_start3A_636 : memref<128x128xf32, #tpu.memory_space<hbm>>) target_semaphore(%arg15 : memref<!tpu.dma_semaphore, #tpu.memory_space<semaphore_mem>>)
    %dma_wait3A_637 = arith.constant 0 : i32
    %dma_wait3A_638 = tpu.memref_slice %arg5[%arg0, %mul3A_616, %dma_wait3A_637] : memref<2x10240x128xf32, #tpu.memory_space<hbm>> -> memref<1x128x128xf32, #tpu.memory_space<hbm>>
    %dma_wait3A_639 = tpu.memref_squeeze %dma_wait3A_638 : memref<1x128x128xf32, #tpu.memory_space<hbm>> -> memref<128x128xf32, #tpu.memory_space<hbm>>
    %dma_wait3A_640 = arith.constant 0 : i32
    %dma_wait3A_641 = tpu.memref_slice %arg5[%arg0, %mul3A_616, %dma_wait3A_640] : memref<2x10240x128xf32, #tpu.memory_space<hbm>> -> memref<1x128x128xf32, #tpu.memory_space<hbm>>
    %dma_wait3A_642 = tpu.memref_squeeze %dma_wait3A_641 : memref<1x128x128xf32, #tpu.memory_space<hbm>> -> memref<128x128xf32, #tpu.memory_space<hbm>>
    tpu.wait_dma2 semaphore(%arg14 : memref<!tpu.dma_semaphore, #tpu.memory_space<semaphore_mem>>) src(%arg9 : memref<128x128xf32, #tpu.memory_space<vmem>>) dst(%dma_wait3A_642 : memref<128x128xf32, #tpu.memory_space<hbm>>)
    %add3A_643 = arith.constant 256 : i32
    %add3A_644 = arith.addi %mul3A_616, %add3A_643 : i32
    "tpu.region"() ({
      %run_scoped3A = tpu.sem_alloc : memref<!tpu.dma_semaphore, #tpu.memory_space<semaphore_mem>>
      %dma_start3A_697 = arith.constant 0 : i32
      %dma_start3A_698 = tpu.memref_slice %arg6[%add3A_644, %dma_start3A_697] : memref<10240x128xf32, #tpu.memory_space<vmem_shared>> -> memref<128x128xf32, #tpu.memory_space<vmem_shared>>
      %dma_start3A_699 = arith.constant 0 : i32
      %dma_start3A_700 = tpu.memref_slice %arg6[%add3A_644, %dma_start3A_699] : memref<10240x128xf32, #tpu.memory_space<vmem_shared>> -> memref<128x128xf32, #tpu.memory_space<vmem_shared>>
      tpu.enqueue_dma source(%dma_start3A_700 : memref<128x128xf32, #tpu.memory_space<vmem_shared>>) target(%arg9 : memref<128x128xf32, #tpu.memory_space<vmem>>) target_semaphore(%run_scoped3A : memref<!tpu.dma_semaphore, #tpu.memory_space<semaphore_mem>>)
      %dma_wait3A_701 = arith.constant 0 : i32
      %dma_wait3A_702 = tpu.memref_slice %arg6[%add3A_644, %dma_wait3A_701] : memref<10240x128xf32, #tpu.memory_space<vmem_shared>> -> memref<128x128xf32, #tpu.memory_space<vmem_shared>>
      %dma_wait3A_703 = arith.constant 0 : i32
      %dma_wait3A_704 = tpu.memref_slice %arg6[%add3A_644, %dma_wait3A_703] : memref<10240x128xf32, #tpu.memory_space<vmem_shared>> -> memref<128x128xf32, #tpu.memory_space<vmem_shared>>
      tpu.wait_dma2 semaphore(%run_scoped3A : memref<!tpu.dma_semaphore, #tpu.memory_space<semaphore_mem>>) src(%dma_wait3A_704 : memref<128x128xf32, #tpu.memory_space<vmem_shared>>) dst(%arg9 : memref<128x128xf32, #tpu.memory_space<vmem>>)
      tpu.yield
    }) : () -> ()
    %add3A_645 = arith.constant 256 : i32
    %add3A_646 = arith.addi %mul3A_616, %add3A_645 : i32
    %dma_start3A_647 = arith.constant 0 : i32
    %dma_start3A_648 = tpu.memref_slice %arg5[%arg0, %add3A_646, %dma_start3A_647] : memref<2x10240x128xf32, #tpu.memory_space<hbm>> -> memref<1x128x128xf32, #tpu.memory_space<hbm>>
    %dma_start3A_649 = tpu.memref_squeeze %dma_start3A_648 : memref<1x128x128xf32, #tpu.memory_space<hbm>> -> memref<128x128xf32, #tpu.memory_space<hbm>>
    %dma_start3A_650 = arith.constant 0 : i32
    %dma_start3A_651 = tpu.memref_slice %arg5[%arg0, %add3A_646, %dma_start3A_650] : memref<2x10240x128xf32, #tpu.memory_space<hbm>> -> memref<1x128x128xf32, #tpu.memory_space<hbm>>
    %dma_start3A_652 = tpu.memref_squeeze %dma_start3A_651 : memref<1x128x128xf32, #tpu.memory_space<hbm>> -> memref<128x128xf32, #tpu.memory_space<hbm>>
    tpu.enqueue_dma source(%arg9 : memref<128x128xf32, #tpu.memory_space<vmem>>) target(%dma_start3A_652 : memref<128x128xf32, #tpu.memory_space<hbm>>) target_semaphore(%arg14 : memref<!tpu.dma_semaphore, #tpu.memory_space<semaphore_mem>>)
    %dma_wait3A_653 = arith.constant 0 : i32
    %dma_wait3A_654 = tpu.memref_slice %arg5[%arg0, %mul3A_616, %dma_wait3A_653] : memref<2x10240x128xf32, #tpu.memory_space<hbm>> -> memref<1x128x128xf32, #tpu.memory_space<hbm>>
    %dma_wait3A_655 = tpu.memref_squeeze %dma_wait3A_654 : memref<1x128x128xf32, #tpu.memory_space<hbm>> -> memref<128x128xf32, #tpu.memory_space<hbm>>
    %dma_wait3A_656 = arith.constant 0 : i32
    %dma_wait3A_657 = tpu.memref_slice %arg5[%arg0, %mul3A_616, %dma_wait3A_656] : memref<2x10240x128xf32, #tpu.memory_space<hbm>> -> memref<1x128x128xf32, #tpu.memory_space<hbm>>
    %dma_wait3A_658 = tpu.memref_squeeze %dma_wait3A_657 : memref<1x128x128xf32, #tpu.memory_space<hbm>> -> memref<128x128xf32, #tpu.memory_space<hbm>>
    tpu.wait_dma2 semaphore(%arg15 : memref<!tpu.dma_semaphore, #tpu.memory_space<semaphore_mem>>) src(%arg10 : memref<128x128xf32, #tpu.memory_space<vmem>>) dst(%dma_wait3A_658 : memref<128x128xf32, #tpu.memory_space<hbm>>)
    %add3A_659 = arith.constant 384 : i32
    %add3A_660 = arith.addi %mul3A_616, %add3A_659 : i32
    "tpu.region"() ({
      %run_scoped3A = tpu.sem_alloc : memref<!tpu.dma_semaphore, #tpu.memory_space<semaphore_mem>>
      %dma_start3A_697 = arith.constant 0 : i32
      %dma_start3A_698 = tpu.memref_slice %arg6[%add3A_660, %dma_start3A_697] : memref<10240x128xf32, #tpu.memory_space<vmem_shared>> -> memref<128x128xf32, #tpu.memory_space<vmem_shared>>
      %dma_start3A_699 = arith.constant 0 : i32
      %dma_start3A_700 = tpu.memref_slice %arg6[%add3A_660, %dma_start3A_699] : memref<10240x128xf32, #tpu.memory_space<vmem_shared>> -> memref<128x128xf32, #tpu.memory_space<vmem_shared>>
      tpu.enqueue_dma source(%dma_start3A_700 : memref<128x128xf32, #tpu.memory_space<vmem_shared>>) target(%arg10 : memref<128x128xf32, #tpu.memory_space<vmem>>) target_semaphore(%run_scoped3A : memref<!tpu.dma_semaphore, #tpu.memory_space<semaphore_mem>>)
      %dma_wait3A_701 = arith.constant 0 : i32
      %dma_wait3A_702 = tpu.memref_slice %arg6[%add3A_660, %dma_wait3A_701] : memref<10240x128xf32, #tpu.memory_space<vmem_shared>> -> memref<128x128xf32, #tpu.memory_space<vmem_shared>>
      %dma_wait3A_703 = arith.constant 0 : i32
      %dma_wait3A_704 = tpu.memref_slice %arg6[%add3A_660, %dma_wait3A_703] : memref<10240x128xf32, #tpu.memory_space<vmem_shared>> -> memref<128x128xf32, #tpu.memory_space<vmem_shared>>
      tpu.wait_dma2 semaphore(%run_scoped3A : memref<!tpu.dma_semaphore, #tpu.memory_space<semaphore_mem>>) src(%dma_wait3A_704 : memref<128x128xf32, #tpu.memory_space<vmem_shared>>) dst(%arg10 : memref<128x128xf32, #tpu.memory_space<vmem>>)
      tpu.yield
    }) : () -> ()
    %add3A_661 = arith.constant 384 : i32
    %add3A_662 = arith.addi %mul3A_616, %add3A_661 : i32
    %dma_start3A_663 = arith.constant 0 : i32
    %dma_start3A_664 = tpu.memref_slice %arg5[%arg0, %add3A_662, %dma_start3A_663] : memref<2x10240x128xf32, #tpu.memory_space<hbm>> -> memref<1x128x128xf32, #tpu.memory_space<hbm>>
    %dma_start3A_665 = tpu.memref_squeeze %dma_start3A_664 : memref<1x128x128xf32, #tpu.memory_space<hbm>> -> memref<128x128xf32, #tpu.memory_space<hbm>>
    %dma_start3A_666 = arith.constant 0 : i32
    %dma_start3A_667 = tpu.memref_slice %arg5[%arg0, %add3A_662, %dma_start3A_666] : memref<2x10240x128xf32, #tpu.memory_space<hbm>> -> memref<1x128x128xf32, #tpu.memory_space<hbm>>
    %dma_start3A_668 = tpu.memref_squeeze %dma_start3A_667 : memref<1x128x128xf32, #tpu.memory_space<hbm>> -> memref<128x128xf32, #tpu.memory_space<hbm>>
    tpu.enqueue_dma source(%arg10 : memref<128x128xf32, #tpu.memory_space<vmem>>) target(%dma_start3A_668 : memref<128x128xf32, #tpu.memory_space<hbm>>) target_semaphore(%arg15 : memref<!tpu.dma_semaphore, #tpu.memory_space<semaphore_mem>>)
    %dma_wait3A_669 = arith.constant 0 : i32
    %dma_wait3A_670 = tpu.memref_slice %arg5[%arg0, %mul3A_616, %dma_wait3A_669] : memref<2x10240x128xf32, #tpu.memory_space<hbm>> -> memref<1x128x128xf32, #tpu.memory_space<hbm>>
    %dma_wait3A_671 = tpu.memref_squeeze %dma_wait3A_670 : memref<1x128x128xf32, #tpu.memory_space<hbm>> -> memref<128x128xf32, #tpu.memory_space<hbm>>
    %dma_wait3A_672 = arith.constant 0 : i32
    %dma_wait3A_673 = tpu.memref_slice %arg5[%arg0, %mul3A_616, %dma_wait3A_672] : memref<2x10240x128xf32, #tpu.memory_space<hbm>> -> memref<1x128x128xf32, #tpu.memory_space<hbm>>
    %dma_wait3A_674 = tpu.memref_squeeze %dma_wait3A_673 : memref<1x128x128xf32, #tpu.memory_space<hbm>> -> memref<128x128xf32, #tpu.memory_space<hbm>>
    tpu.wait_dma2 semaphore(%arg14 : memref<!tpu.dma_semaphore, #tpu.memory_space<semaphore_mem>>) src(%arg9 : memref<128x128xf32, #tpu.memory_space<vmem>>) dst(%dma_wait3A_674 : memref<128x128xf32, #tpu.memory_space<hbm>>)
    %add3A_675 = arith.constant 512 : i32
    %add3A_676 = arith.addi %mul3A_616, %add3A_675 : i32
    "tpu.region"() ({
      %run_scoped3A = tpu.sem_alloc : memref<!tpu.dma_semaphore, #tpu.memory_space<semaphore_mem>>
      %dma_start3A_697 = arith.constant 0 : i32
      %dma_start3A_698 = tpu.memref_slice %arg6[%add3A_676, %dma_start3A_697] : memref<10240x128xf32, #tpu.memory_space<vmem_shared>> -> memref<128x128xf32, #tpu.memory_space<vmem_shared>>
      %dma_start3A_699 = arith.constant 0 : i32
      %dma_start3A_700 = tpu.memref_slice %arg6[%add3A_676, %dma_start3A_699] : memref<10240x128xf32, #tpu.memory_space<vmem_shared>> -> memref<128x128xf32, #tpu.memory_space<vmem_shared>>
      tpu.enqueue_dma source(%dma_start3A_700 : memref<128x128xf32, #tpu.memory_space<vmem_shared>>) target(%arg9 : memref<128x128xf32, #tpu.memory_space<vmem>>) target_semaphore(%run_scoped3A : memref<!tpu.dma_semaphore, #tpu.memory_space<semaphore_mem>>)
      %dma_wait3A_701 = arith.constant 0 : i32
      %dma_wait3A_702 = tpu.memref_slice %arg6[%add3A_676, %dma_wait3A_701] : memref<10240x128xf32, #tpu.memory_space<vmem_shared>> -> memref<128x128xf32, #tpu.memory_space<vmem_shared>>
      %dma_wait3A_703 = arith.constant 0 : i32
      %dma_wait3A_704 = tpu.memref_slice %arg6[%add3A_676, %dma_wait3A_703] : memref<10240x128xf32, #tpu.memory_space<vmem_shared>> -> memref<128x128xf32, #tpu.memory_space<vmem_shared>>
      tpu.wait_dma2 semaphore(%run_scoped3A : memref<!tpu.dma_semaphore, #tpu.memory_space<semaphore_mem>>) src(%dma_wait3A_704 : memref<128x128xf32, #tpu.memory_space<vmem_shared>>) dst(%arg9 : memref<128x128xf32, #tpu.memory_space<vmem>>)
      tpu.yield
    }) : () -> ()
    %add3A_677 = arith.constant 512 : i32
    %add3A_678 = arith.addi %mul3A_616, %add3A_677 : i32
    %dma_start3A_679 = arith.constant 0 : i32
    %dma_start3A_680 = tpu.memref_slice %arg5[%arg0, %add3A_678, %dma_start3A_679] : memref<2x10240x128xf32, #tpu.memory_space<hbm>> -> memref<1x128x128xf32, #tpu.memory_space<hbm>>
    %dma_start3A_681 = tpu.memref_squeeze %dma_start3A_680 : memref<1x128x128xf32, #tpu.memory_space<hbm>> -> memref<128x128xf32, #tpu.memory_space<hbm>>
    %dma_start3A_682 = arith.constant 0 : i32
    %dma_start3A_683 = tpu.memref_slice %arg5[%arg0, %add3A_678, %dma_start3A_682] : memref<2x10240x128xf32, #tpu.memory_space<hbm>> -> memref<1x128x128xf32, #tpu.memory_space<hbm>>
    %dma_start3A_684 = tpu.memref_squeeze %dma_start3A_683 : memref<1x128x128xf32, #tpu.memory_space<hbm>> -> memref<128x128xf32, #tpu.memory_space<hbm>>
    tpu.enqueue_dma source(%arg9 : memref<128x128xf32, #tpu.memory_space<vmem>>) target(%dma_start3A_684 : memref<128x128xf32, #tpu.memory_space<hbm>>) target_semaphore(%arg14 : memref<!tpu.dma_semaphore, #tpu.memory_space<semaphore_mem>>)
    %dma_wait3A_685 = arith.constant 0 : i32
    %dma_wait3A_686 = tpu.memref_slice %arg5[%arg0, %mul3A_616, %dma_wait3A_685] : memref<2x10240x128xf32, #tpu.memory_space<hbm>> -> memref<1x128x128xf32, #tpu.memory_space<hbm>>
    %dma_wait3A_687 = tpu.memref_squeeze %dma_wait3A_686 : memref<1x128x128xf32, #tpu.memory_space<hbm>> -> memref<128x128xf32, #tpu.memory_space<hbm>>
    %dma_wait3A_688 = arith.constant 0 : i32
    %dma_wait3A_689 = tpu.memref_slice %arg5[%arg0, %mul3A_616, %dma_wait3A_688] : memref<2x10240x128xf32, #tpu.memory_space<hbm>> -> memref<1x128x128xf32, #tpu.memory_space<hbm>>
    %dma_wait3A_690 = tpu.memref_squeeze %dma_wait3A_689 : memref<1x128x128xf32, #tpu.memory_space<hbm>> -> memref<128x128xf32, #tpu.memory_space<hbm>>
    tpu.wait_dma2 semaphore(%arg15 : memref<!tpu.dma_semaphore, #tpu.memory_space<semaphore_mem>>) src(%arg10 : memref<128x128xf32, #tpu.memory_space<vmem>>) dst(%dma_wait3A_690 : memref<128x128xf32, #tpu.memory_space<hbm>>)
    %dma_wait3A_691 = arith.constant 0 : i32
    %dma_wait3A_692 = tpu.memref_slice %arg5[%arg0, %mul3A_616, %dma_wait3A_691] : memref<2x10240x128xf32, #tpu.memory_space<hbm>> -> memref<1x128x128xf32, #tpu.memory_space<hbm>>
    %dma_wait3A_693 = tpu.memref_squeeze %dma_wait3A_692 : memref<1x128x128xf32, #tpu.memory_space<hbm>> -> memref<128x128xf32, #tpu.memory_space<hbm>>
    %dma_wait3A_694 = arith.constant 0 : i32
    %dma_wait3A_695 = tpu.memref_slice %arg5[%arg0, %mul3A_616, %dma_wait3A_694] : memref<2x10240x128xf32, #tpu.memory_space<hbm>> -> memref<1x128x128xf32, #tpu.memory_space<hbm>>
    %dma_wait3A_696 = tpu.memref_squeeze %dma_wait3A_695 : memref<1x128x128xf32, #tpu.memory_space<hbm>> -> memref<128x128xf32, #tpu.memory_space<hbm>>
    tpu.wait_dma2 semaphore(%arg14 : memref<!tpu.dma_semaphore, #tpu.memory_space<semaphore_mem>>) src(%arg9 : memref<128x128xf32, #tpu.memory_space<vmem>>) dst(%dma_wait3A_696 : memref<128x128xf32, #tpu.memory_space<hbm>>)
    return
  }
}

#map = affine_map<(d0, d1) -> (0, 0)>
module attributes {stable_mosaic.version = 14 : i64} {
  func.func @_hist_body(%arg0: i32, %arg1: i32, %arg2: memref<2560x128xi32, #tpu.memory_space<hbm>>, %arg3: memref<2x10240xf32, #tpu.memory_space<hbm>>, %arg4: memref<10240xf32, #tpu.memory_space<vmem_shared>>, %arg5: memref<80x128xi32, #tpu.memory_space<vmem>>, %arg6: memref<128xf32, #tpu.memory_space<vmem>>, %arg7: memref<640xf32, #tpu.memory_space<vmem>>, %arg8: memref<!tpu.dma_semaphore, #tpu.memory_space<semaphore_mem>>) attributes {dimension_semantics = [#tpu.dimension_semantics<core_parallel>, #tpu.dimension_semantics<subcore_parallel>], iteration_bounds = array<i64: 2, 16>, scalar_prefetch = 0 : i64, scratch_operands = 5 : i64, tpu.core_type = #tpu.core_type<sc_vector_subcore>, window_params = [{transform_indices = #map}, {transform_indices = #map}]} {
    %mul3A = arith.constant 16 : i32
    %mul3A_0 = arith.muli %arg0, %mul3A : i32
    %add3A = arith.addi %mul3A_0, %arg1 : i32
    %lt3A = arith.constant 24 : i32
    %lt3A_1 = arith.cmpi slt, %add3A, %lt3A : i32
    %eq3A = arith.constant 31 : i32
    %eq3A_2 = arith.cmpi eq, %add3A, %eq3A : i32
    %jit3A = arith.constant 76 : i32
    %jit3A_3 = arith.constant 72 : i32
    %select_n3A = arith.select %eq3A_2, %jit3A, %jit3A_3 : i32
    %jit3A_4 = arith.constant 80 : i32
    %select_n3A_5 = arith.select %lt3A_1, %jit3A_4, %select_n3A : i32
    %lt3A_6 = arith.constant 24 : i32
    %lt3A_7 = arith.cmpi slt, %add3A, %lt3A_6 : i32
    %mul3A_8 = arith.constant 80 : i32
    %mul3A_9 = arith.muli %add3A, %mul3A_8 : i32
    %sub3A = arith.constant 24 : i32
    %sub3A_10 = arith.subi %add3A, %sub3A : i32
    %mul3A_11 = arith.constant 72 : i32
    %mul3A_12 = arith.muli %sub3A_10, %mul3A_11 : i32
    %add3A_13 = arith.constant 1920 : i32
    %add3A_14 = arith.addi %add3A_13, %mul3A_12 : i32
    %select_n3A_15 = arith.select %lt3A_7, %mul3A_9, %add3A_14 : i32
    %dma_start3A = arith.constant 0 : i32
    %dma_start3A_16 = tpu.memref_slice %arg2[%select_n3A_15, %dma_start3A] : memref<2560x128xi32, #tpu.memory_space<hbm>> -> memref<80x128xi32, #tpu.memory_space<hbm>>
    %dma_start3A_17 = arith.constant 0 : i32
    %dma_start3A_18 = tpu.memref_slice %arg2[%select_n3A_15, %dma_start3A_17] : memref<2560x128xi32, #tpu.memory_space<hbm>> -> memref<80x128xi32, #tpu.memory_space<hbm>>
    tpu.enqueue_dma source(%dma_start3A_18 : memref<80x128xi32, #tpu.memory_space<hbm>>) target(%arg5 : memref<80x128xi32, #tpu.memory_space<vmem>>) target_semaphore(%arg8 : memref<!tpu.dma_semaphore, #tpu.memory_space<semaphore_mem>>)
    %broadcast_in_dim3A = arith.constant 1.000000e+00 : f32
    %broadcast_in_dim3A_19 = vector.broadcast %broadcast_in_dim3A : f32 to vector<16xf32>
    %broadcast_in_dim3A_20 = arith.constant 0.000000e+00 : f32
    %broadcast_in_dim3A_21 = vector.broadcast %broadcast_in_dim3A_20 : f32 to vector<16xf32>
    %swap3A = arith.constant 0 : index
    %swap3A_22 = tpu.vector_load %arg6[%swap3A] {strides = array<i32>} : memref<128xf32, #tpu.memory_space<vmem>>, vector<16xf32>,
    %swap3A_23 = vector.shape_cast %swap3A_22 : vector<16xf32> to vector<16xf32>
    %swap3A_24 = vector.shape_cast %broadcast_in_dim3A_19 : vector<16xf32> to vector<16xf32>
    tpu.vector_store %arg6[%swap3A], %swap3A_24 {strides = array<i32>} : memref<128xf32, #tpu.memory_space<vmem>>, vector<16xf32>,
    %swap3A_25 = arith.constant 16 : index
    %swap3A_26 = tpu.vector_load %arg6[%swap3A_25] {strides = array<i32>} : memref<128xf32, #tpu.memory_space<vmem>>, vector<16xf32>,
    %swap3A_27 = vector.shape_cast %swap3A_26 : vector<16xf32> to vector<16xf32>
    %swap3A_28 = vector.shape_cast %broadcast_in_dim3A_19 : vector<16xf32> to vector<16xf32>
    tpu.vector_store %arg6[%swap3A_25], %swap3A_28 {strides = array<i32>} : memref<128xf32, #tpu.memory_space<vmem>>, vector<16xf32>,
    %swap3A_29 = arith.constant 32 : index
    %swap3A_30 = tpu.vector_load %arg6[%swap3A_29] {strides = array<i32>} : memref<128xf32, #tpu.memory_space<vmem>>, vector<16xf32>,
    %swap3A_31 = vector.shape_cast %swap3A_30 : vector<16xf32> to vector<16xf32>
    %swap3A_32 = vector.shape_cast %broadcast_in_dim3A_19 : vector<16xf32> to vector<16xf32>
    tpu.vector_store %arg6[%swap3A_29], %swap3A_32 {strides = array<i32>} : memref<128xf32, #tpu.memory_space<vmem>>, vector<16xf32>,
    %swap3A_33 = arith.constant 48 : index
    %swap3A_34 = tpu.vector_load %arg6[%swap3A_33] {strides = array<i32>} : memref<128xf32, #tpu.memory_space<vmem>>, vector<16xf32>,
    %swap3A_35 = vector.shape_cast %swap3A_34 : vector<16xf32> to vector<16xf32>
    %swap3A_36 = vector.shape_cast %broadcast_in_dim3A_19 : vector<16xf32> to vector<16xf32>
    tpu.vector_store %arg6[%swap3A_33], %swap3A_36 {strides = array<i32>} : memref<128xf32, #tpu.memory_space<vmem>>, vector<16xf32>,
    %swap3A_37 = arith.constant 64 : index
    %swap3A_38 = tpu.vector_load %arg6[%swap3A_37] {strides = array<i32>} : memref<128xf32, #tpu.memory_space<vmem>>, vector<16xf32>,
    %swap3A_39 = vector.shape_cast %swap3A_38 : vector<16xf32> to vector<16xf32>
    %swap3A_40 = vector.shape_cast %broadcast_in_dim3A_19 : vector<16xf32> to vector<16xf32>
    tpu.vector_store %arg6[%swap3A_37], %swap3A_40 {strides = array<i32>} : memref<128xf32, #tpu.memory_space<vmem>>, vector<16xf32>,
    %swap3A_41 = arith.constant 80 : index
    %swap3A_42 = tpu.vector_load %arg6[%swap3A_41] {strides = array<i32>} : memref<128xf32, #tpu.memory_space<vmem>>, vector<16xf32>,
    %swap3A_43 = vector.shape_cast %swap3A_42 : vector<16xf32> to vector<16xf32>
    %swap3A_44 = vector.shape_cast %broadcast_in_dim3A_19 : vector<16xf32> to vector<16xf32>
    tpu.vector_store %arg6[%swap3A_41], %swap3A_44 {strides = array<i32>} : memref<128xf32, #tpu.memory_space<vmem>>, vector<16xf32>,
    %swap3A_45 = arith.constant 96 : index
    %swap3A_46 = tpu.vector_load %arg6[%swap3A_45] {strides = array<i32>} : memref<128xf32, #tpu.memory_space<vmem>>, vector<16xf32>,
    %swap3A_47 = vector.shape_cast %swap3A_46 : vector<16xf32> to vector<16xf32>
    %swap3A_48 = vector.shape_cast %broadcast_in_dim3A_19 : vector<16xf32> to vector<16xf32>
    tpu.vector_store %arg6[%swap3A_45], %swap3A_48 {strides = array<i32>} : memref<128xf32, #tpu.memory_space<vmem>>, vector<16xf32>,
    %swap3A_49 = arith.constant 112 : index
    %swap3A_50 = tpu.vector_load %arg6[%swap3A_49] {strides = array<i32>} : memref<128xf32, #tpu.memory_space<vmem>>, vector<16xf32>,
    %swap3A_51 = vector.shape_cast %swap3A_50 : vector<16xf32> to vector<16xf32>
    %swap3A_52 = vector.shape_cast %broadcast_in_dim3A_19 : vector<16xf32> to vector<16xf32>
    tpu.vector_store %arg6[%swap3A_49], %swap3A_52 {strides = array<i32>} : memref<128xf32, #tpu.memory_space<vmem>>, vector<16xf32>,
    %scan3A = arith.constant 0 : i32
    %scan3A_53 = arith.constant 0 : i32
    %scan3A_54 = arith.constant 40 : i32
    %scan3A_55 = arith.addi %scan3A_53, %scan3A_54 : i32
    %scan3A_56 = arith.constant 1 : i32
    %scan3A_57 = scf.for %scan3A_93 = %scan3A_53 to %scan3A_55 step %scan3A_56 iter_args(%scan3A_94 = %scan3A) -> (i32)  : i32 {
      %mul3A_95 = arith.constant 16 : i32
      %mul3A_96 = arith.muli %scan3A_93, %mul3A_95 : i32
      %swap3A_97 = arith.index_cast %mul3A_96 : i32 to index
      %swap3A_98 = tpu.vector_load %arg7[%swap3A_97] {strides = array<i32>} : memref<640xf32, #tpu.memory_space<vmem>>, vector<16xf32>,
      %swap3A_99 = vector.shape_cast %swap3A_98 : vector<16xf32> to vector<16xf32>
      %swap3A_100 = vector.shape_cast %broadcast_in_dim3A_21 : vector<16xf32> to vector<16xf32>
      tpu.vector_store %arg7[%swap3A_97], %swap3A_100 {strides = array<i32>} : memref<640xf32, #tpu.memory_space<vmem>>, vector<16xf32>,
      %scan3A_101 = arith.constant 0 : i32
      scf.yield %scan3A_101 : i32
    }
    %scan3A_58 = arith.constant 40 : i32
    %mul3A_59 = arith.constant 640 : i32
    %mul3A_60 = arith.muli %arg1, %mul3A_59 : i32
    "tpu.region"() ({
      %run_scoped3A = tpu.sem_alloc : memref<!tpu.dma_semaphore, #tpu.memory_space<semaphore_mem>>
      %dma_start3A_93 = tpu.memref_slice %arg4[%mul3A_60] : memref<10240xf32, #tpu.memory_space<vmem_shared>> -> memref<640xf32, #tpu.memory_space<vmem_shared>>
      %dma_start3A_94 = tpu.memref_slice %arg4[%mul3A_60] : memref<10240xf32, #tpu.memory_space<vmem_shared>> -> memref<640xf32, #tpu.memory_space<vmem_shared>>
      tpu.enqueue_dma source(%arg7 : memref<640xf32, #tpu.memory_space<vmem>>) target(%dma_start3A_94 : memref<640xf32, #tpu.memory_space<vmem_shared>>) target_semaphore(%run_scoped3A : memref<!tpu.dma_semaphore, #tpu.memory_space<semaphore_mem>>)
      %dma_wait3A_95 = tpu.memref_slice %arg4[%mul3A_60] : memref<10240xf32, #tpu.memory_space<vmem_shared>> -> memref<640xf32, #tpu.memory_space<vmem_shared>>
      %dma_wait3A_96 = tpu.memref_slice %arg4[%mul3A_60] : memref<10240xf32, #tpu.memory_space<vmem_shared>> -> memref<640xf32, #tpu.memory_space<vmem_shared>>
      tpu.wait_dma2 semaphore(%run_scoped3A : memref<!tpu.dma_semaphore, #tpu.memory_space<semaphore_mem>>) src(%arg7 : memref<640xf32, #tpu.memory_space<vmem>>) dst(%dma_wait3A_96 : memref<640xf32, #tpu.memory_space<vmem_shared>>)
      tpu.yield
    }) : () -> ()
    %dma_wait3A = arith.constant 0 : i32
    %dma_wait3A_61 = tpu.memref_slice %arg2[%select_n3A_15, %dma_wait3A] : memref<2560x128xi32, #tpu.memory_space<hbm>> -> memref<80x128xi32, #tpu.memory_space<hbm>>
    %dma_wait3A_62 = arith.constant 0 : i32
    %dma_wait3A_63 = tpu.memref_slice %arg2[%select_n3A_15, %dma_wait3A_62] : memref<2560x128xi32, #tpu.memory_space<hbm>> -> memref<80x128xi32, #tpu.memory_space<hbm>>
    tpu.wait_dma2 semaphore(%arg8 : memref<!tpu.dma_semaphore, #tpu.memory_space<semaphore_mem>>) src(%dma_wait3A_63 : memref<80x128xi32, #tpu.memory_space<hbm>>) dst(%arg5 : memref<80x128xi32, #tpu.memory_space<vmem>>)
    %barrier3A = arith.constant 0 : index
    tpu.barrier barrier_id(%barrier3A)
    %while3A = arith.constant 0 : i32
    %while3A_64 = arith.constant 0 : i32
    %while3A_65 = arith.subi %select_n3A_5, %while3A : i32
    %while3A_66 = arith.addi %while3A, %while3A_65 : i32
    %while3A_67 = arith.constant 1 : i32
    %while3A_68 = arith.divsi %while3A_65, %while3A_67 : i32
    %while3A_69 = arith.muli %while3A_68, %while3A_67 : i32
    %while3A_70 = arith.addi %while3A, %while3A_69 : i32
    %while3A_71 = arith.constant 1 : i32
    %while3A_72 = scf.for %while3A_93 = %while3A to %while3A_70 step %while3A_71 iter_args(%while3A_94 = %while3A_64) -> (i32)  : i32 {
      %dma_start3A_95 = arith.constant 0 : i32
      %dma_start3A_96 = tpu.memref_slice %arg5[%while3A_93, %dma_start3A_95] : memref<80x128xi32, #tpu.memory_space<vmem>> -> memref<1x128xi32, #tpu.memory_space<vmem>>
      %dma_start3A_97 = tpu.memref_squeeze %dma_start3A_96 : memref<1x128xi32, #tpu.memory_space<vmem>> -> memref<128xi32, #tpu.memory_space<vmem>>
      %dma_start3A_98 = arith.constant 0 : i32
      %dma_start3A_99 = tpu.memref_slice %arg4[%dma_start3A_98] : memref<10240xf32, #tpu.memory_space<vmem_shared>> -> memref<10240xf32, #tpu.memory_space<vmem_shared>>
      tpu.enqueue_indirect_dma source(%arg6 : memref<128xf32, #tpu.memory_space<vmem>>) target(%dma_start3A_99 : memref<10240xf32, #tpu.memory_space<vmem_shared>>) offsets(%dma_start3A_97 : memref<128xi32, #tpu.memory_space<vmem>>) semaphore(%arg8 : memref<!tpu.dma_semaphore, #tpu.memory_space<semaphore_mem>>) {add = true}
      %ge3A = arith.constant 8 : i32
      %ge3A_100 = arith.cmpi sge, %while3A_93, %ge3A : i32
      %convert_element_type3A = arith.extui %ge3A_100 : i1 to i32
      %cond3A = arith.constant 0 : i32
      %cond3A_101 = arith.cmpi ne, %convert_element_type3A, %cond3A : i32
      scf.if %cond3A_101 {
        %dma_wait3A_103 = arith.constant 0 : i32
        %dma_wait3A_104 = arith.constant 0 : i32
        %dma_wait3A_105 = tpu.memref_slice %arg5[%dma_wait3A_103, %dma_wait3A_104] : memref<80x128xi32, #tpu.memory_space<vmem>> -> memref<1x128xi32, #tpu.memory_space<vmem>>
        %dma_wait3A_106 = tpu.memref_squeeze %dma_wait3A_105 : memref<1x128xi32, #tpu.memory_space<vmem>> -> memref<128xi32, #tpu.memory_space<vmem>>
        %dma_wait3A_107 = arith.constant 0 : i32
        %dma_wait3A_108 = tpu.memref_slice %arg4[%dma_wait3A_107] : memref<10240xf32, #tpu.memory_space<vmem_shared>> -> memref<10240xf32, #tpu.memory_space<vmem_shared>>
        tpu.wait_indirect_dma semaphore(%arg8 : memref<!tpu.dma_semaphore, #tpu.memory_space<semaphore_mem>>) src(%arg6 : memref<128xf32, #tpu.memory_space<vmem>>) dst(%dma_wait3A_108 : memref<10240xf32, #tpu.memory_space<vmem_shared>>)
      } else {
      }
      %while3A_102 = arith.constant 0 : i32
      scf.yield %while3A_102 : i32
    }
    %while3A_73 = arith.constant 1 : i32
    %while3A_74 = scf.for %while3A_93 = %while3A_70 to %while3A_66 step %while3A_73 iter_args(%while3A_94 = %while3A_72) -> (i32)  : i32 {
      %dma_start3A_95 = arith.constant 0 : i32
      %dma_start3A_96 = tpu.memref_slice %arg5[%while3A_93, %dma_start3A_95] : memref<80x128xi32, #tpu.memory_space<vmem>> -> memref<1x128xi32, #tpu.memory_space<vmem>>
      %dma_start3A_97 = tpu.memref_squeeze %dma_start3A_96 : memref<1x128xi32, #tpu.memory_space<vmem>> -> memref<128xi32, #tpu.memory_space<vmem>>
      %dma_start3A_98 = arith.constant 0 : i32
      %dma_start3A_99 = tpu.memref_slice %arg4[%dma_start3A_98] : memref<10240xf32, #tpu.memory_space<vmem_shared>> -> memref<10240xf32, #tpu.memory_space<vmem_shared>>
      tpu.enqueue_indirect_dma source(%arg6 : memref<128xf32, #tpu.memory_space<vmem>>) target(%dma_start3A_99 : memref<10240xf32, #tpu.memory_space<vmem_shared>>) offsets(%dma_start3A_97 : memref<128xi32, #tpu.memory_space<vmem>>) semaphore(%arg8 : memref<!tpu.dma_semaphore, #tpu.memory_space<semaphore_mem>>) {add = true}
      %ge3A = arith.constant 8 : i32
      %ge3A_100 = arith.cmpi sge, %while3A_93, %ge3A : i32
      %convert_element_type3A = arith.extui %ge3A_100 : i1 to i32
      %cond3A = arith.constant 0 : i32
      %cond3A_101 = arith.cmpi ne, %convert_element_type3A, %cond3A : i32
      scf.if %cond3A_101 {
        %dma_wait3A_103 = arith.constant 0 : i32
        %dma_wait3A_104 = arith.constant 0 : i32
        %dma_wait3A_105 = tpu.memref_slice %arg5[%dma_wait3A_103, %dma_wait3A_104] : memref<80x128xi32, #tpu.memory_space<vmem>> -> memref<1x128xi32, #tpu.memory_space<vmem>>
        %dma_wait3A_106 = tpu.memref_squeeze %dma_wait3A_105 : memref<1x128xi32, #tpu.memory_space<vmem>> -> memref<128xi32, #tpu.memory_space<vmem>>
        %dma_wait3A_107 = arith.constant 0 : i32
        %dma_wait3A_108 = tpu.memref_slice %arg4[%dma_wait3A_107] : memref<10240xf32, #tpu.memory_space<vmem_shared>> -> memref<10240xf32, #tpu.memory_space<vmem_shared>>
        tpu.wait_indirect_dma semaphore(%arg8 : memref<!tpu.dma_semaphore, #tpu.memory_space<semaphore_mem>>) src(%arg6 : memref<128xf32, #tpu.memory_space<vmem>>) dst(%dma_wait3A_108 : memref<10240xf32, #tpu.memory_space<vmem_shared>>)
      } else {
      }
      %while3A_102 = arith.constant 0 : i32
      scf.yield %while3A_102 : i32
    }
    %min3A = arith.constant 8 : i32
    %min3A_75 = arith.minsi %select_n3A_5, %min3A : i32
    %while3A_76 = arith.constant 0 : i32
    %while3A_77 = arith.constant 0 : i32
    %while3A_78 = arith.subi %min3A_75, %while3A_76 : i32
    %while3A_79 = arith.addi %while3A_76, %while3A_78 : i32
    %while3A_80 = arith.constant 1 : i32
    %while3A_81 = arith.divsi %while3A_78, %while3A_80 : i32
    %while3A_82 = arith.muli %while3A_81, %while3A_80 : i32
    %while3A_83 = arith.addi %while3A_76, %while3A_82 : i32
    %while3A_84 = arith.constant 1 : i32
    %while3A_85 = scf.for %while3A_93 = %while3A_76 to %while3A_83 step %while3A_84 iter_args(%while3A_94 = %while3A_77) -> (i32)  : i32 {
      %dma_wait3A_95 = arith.constant 0 : i32
      %dma_wait3A_96 = arith.constant 0 : i32
      %dma_wait3A_97 = tpu.memref_slice %arg5[%dma_wait3A_95, %dma_wait3A_96] : memref<80x128xi32, #tpu.memory_space<vmem>> -> memref<1x128xi32, #tpu.memory_space<vmem>>
      %dma_wait3A_98 = tpu.memref_squeeze %dma_wait3A_97 : memref<1x128xi32, #tpu.memory_space<vmem>> -> memref<128xi32, #tpu.memory_space<vmem>>
      %dma_wait3A_99 = arith.constant 0 : i32
      %dma_wait3A_100 = tpu.memref_slice %arg4[%dma_wait3A_99] : memref<10240xf32, #tpu.memory_space<vmem_shared>> -> memref<10240xf32, #tpu.memory_space<vmem_shared>>
      tpu.wait_indirect_dma semaphore(%arg8 : memref<!tpu.dma_semaphore, #tpu.memory_space<semaphore_mem>>) src(%arg6 : memref<128xf32, #tpu.memory_space<vmem>>) dst(%dma_wait3A_100 : memref<10240xf32, #tpu.memory_space<vmem_shared>>)
      %while3A_101 = arith.constant 0 : i32
      scf.yield %while3A_101 : i32
    }
    %while3A_86 = arith.constant 1 : i32
    %while3A_87 = scf.for %while3A_93 = %while3A_83 to %while3A_79 step %while3A_86 iter_args(%while3A_94 = %while3A_85) -> (i32)  : i32 {
      %dma_wait3A_95 = arith.constant 0 : i32
      %dma_wait3A_96 = arith.constant 0 : i32
      %dma_wait3A_97 = tpu.memref_slice %arg5[%dma_wait3A_95, %dma_wait3A_96] : memref<80x128xi32, #tpu.memory_space<vmem>> -> memref<1x128xi32, #tpu.memory_space<vmem>>
      %dma_wait3A_98 = tpu.memref_squeeze %dma_wait3A_97 : memref<1x128xi32, #tpu.memory_space<vmem>> -> memref<128xi32, #tpu.memory_space<vmem>>
      %dma_wait3A_99 = arith.constant 0 : i32
      %dma_wait3A_100 = tpu.memref_slice %arg4[%dma_wait3A_99] : memref<10240xf32, #tpu.memory_space<vmem_shared>> -> memref<10240xf32, #tpu.memory_space<vmem_shared>>
      tpu.wait_indirect_dma semaphore(%arg8 : memref<!tpu.dma_semaphore, #tpu.memory_space<semaphore_mem>>) src(%arg6 : memref<128xf32, #tpu.memory_space<vmem>>) dst(%dma_wait3A_100 : memref<10240xf32, #tpu.memory_space<vmem_shared>>)
      %while3A_101 = arith.constant 0 : i32
      scf.yield %while3A_101 : i32
    }
    %barrier3A_88 = arith.constant 0 : index
    tpu.barrier barrier_id(%barrier3A_88)
    %mul3A_89 = arith.constant 640 : i32
    %mul3A_90 = arith.muli %arg1, %mul3A_89 : i32
    "tpu.region"() ({
      %run_scoped3A = tpu.sem_alloc : memref<!tpu.dma_semaphore, #tpu.memory_space<semaphore_mem>>
      %dma_start3A_93 = tpu.memref_slice %arg4[%mul3A_90] : memref<10240xf32, #tpu.memory_space<vmem_shared>> -> memref<640xf32, #tpu.memory_space<vmem_shared>>
      %dma_start3A_94 = tpu.memref_slice %arg4[%mul3A_90] : memref<10240xf32, #tpu.memory_space<vmem_shared>> -> memref<640xf32, #tpu.memory_space<vmem_shared>>
      tpu.enqueue_dma source(%dma_start3A_94 : memref<640xf32, #tpu.memory_space<vmem_shared>>) target(%arg7 : memref<640xf32, #tpu.memory_space<vmem>>) target_semaphore(%run_scoped3A : memref<!tpu.dma_semaphore, #tpu.memory_space<semaphore_mem>>)
      %dma_wait3A_95 = tpu.memref_slice %arg4[%mul3A_90] : memref<10240xf32, #tpu.memory_space<vmem_shared>> -> memref<640xf32, #tpu.memory_space<vmem_shared>>
      %dma_wait3A_96 = tpu.memref_slice %arg4[%mul3A_90] : memref<10240xf32, #tpu.memory_space<vmem_shared>> -> memref<640xf32, #tpu.memory_space<vmem_shared>>
      tpu.wait_dma2 semaphore(%run_scoped3A : memref<!tpu.dma_semaphore, #tpu.memory_space<semaphore_mem>>) src(%dma_wait3A_96 : memref<640xf32, #tpu.memory_space<vmem_shared>>) dst(%arg7 : memref<640xf32, #tpu.memory_space<vmem>>)
      tpu.yield
    }) : () -> ()
    %mul3A_91 = arith.constant 640 : i32
    %mul3A_92 = arith.muli %arg1, %mul3A_91 : i32
    "tpu.region"() ({
      %run_scoped3A = tpu.sem_alloc : memref<!tpu.dma_semaphore, #tpu.memory_space<semaphore_mem>>
      %dma_start3A_93 = tpu.memref_slice %arg3[%arg0, %mul3A_92] : memref<2x10240xf32, #tpu.memory_space<hbm>> -> memref<1x640xf32, #tpu.memory_space<hbm>>
      %dma_start3A_94 = tpu.memref_squeeze %dma_start3A_93 : memref<1x640xf32, #tpu.memory_space<hbm>> -> memref<640xf32, #tpu.memory_space<hbm>>
      %dma_start3A_95 = tpu.memref_slice %arg3[%arg0, %mul3A_92] : memref<2x10240xf32, #tpu.memory_space<hbm>> -> memref<1x640xf32, #tpu.memory_space<hbm>>
      %dma_start3A_96 = tpu.memref_squeeze %dma_start3A_95 : memref<1x640xf32, #tpu.memory_space<hbm>> -> memref<640xf32, #tpu.memory_space<hbm>>
      tpu.enqueue_dma source(%arg7 : memref<640xf32, #tpu.memory_space<vmem>>) target(%dma_start3A_96 : memref<640xf32, #tpu.memory_space<hbm>>) target_semaphore(%run_scoped3A : memref<!tpu.dma_semaphore, #tpu.memory_space<semaphore_mem>>)
      %dma_wait3A_97 = tpu.memref_slice %arg3[%arg0, %mul3A_92] : memref<2x10240xf32, #tpu.memory_space<hbm>> -> memref<1x640xf32, #tpu.memory_space<hbm>>
      %dma_wait3A_98 = tpu.memref_squeeze %dma_wait3A_97 : memref<1x640xf32, #tpu.memory_space<hbm>> -> memref<640xf32, #tpu.memory_space<hbm>>
      %dma_wait3A_99 = tpu.memref_slice %arg3[%arg0, %mul3A_92] : memref<2x10240xf32, #tpu.memory_space<hbm>> -> memref<1x640xf32, #tpu.memory_space<hbm>>
      %dma_wait3A_100 = tpu.memref_squeeze %dma_wait3A_99 : memref<1x640xf32, #tpu.memory_space<hbm>> -> memref<640xf32, #tpu.memory_space<hbm>>
      tpu.wait_dma2 semaphore(%run_scoped3A : memref<!tpu.dma_semaphore, #tpu.memory_space<semaphore_mem>>) src(%arg7 : memref<640xf32, #tpu.memory_space<vmem>>) dst(%dma_wait3A_100 : memref<640xf32, #tpu.memory_space<hbm>>)
      tpu.yield
    }) : () -> ()
    return
  }
}

#map = affine_map<(d0, d1) -> (0)>
module attributes {stable_mosaic.version = 14 : i64} {
  func.func @_link_body(%arg0: i32, %arg1: i32, %arg2: memref<10240xf32, #tpu.memory_space<hbm>>, %arg3: memref<10240xf32, #tpu.memory_space<hbm>>, %arg4: memref<100352xi32, #tpu.memory_space<hbm>>, %arg5: memref<100352xi32, #tpu.memory_space<hbm>>, %arg6: memref<100352xi32, #tpu.memory_space<hbm>>, %arg7: memref<100352xi32, #tpu.memory_space<hbm>>, %arg8: memref<100352xf32, #tpu.memory_space<hbm>>, %arg9: memref<100352xf32, #tpu.memory_space<hbm>>, %arg10: memref<10240xf32, #tpu.memory_space<vmem>>, %arg11: memref<10240xf32, #tpu.memory_space<vmem>>, %arg12: memref<3136xi32, #tpu.memory_space<vmem>>, %arg13: memref<3136xi32, #tpu.memory_space<vmem>>, %arg14: memref<3136xi32, #tpu.memory_space<vmem>>, %arg15: memref<3136xi32, #tpu.memory_space<vmem>>, %arg16: memref<3136xf32, #tpu.memory_space<vmem>>, %arg17: memref<3136xf32, #tpu.memory_space<vmem>>, %arg18: memref<!tpu.dma_semaphore, #tpu.memory_space<semaphore_mem>>) attributes {dimension_semantics = [#tpu.dimension_semantics<core_parallel>, #tpu.dimension_semantics<subcore_parallel>], iteration_bounds = array<i64: 2, 16>, scalar_prefetch = 0 : i64, scratch_operands = 9 : i64, tpu.core_type = #tpu.core_type<sc_vector_subcore>, window_params = [{transform_indices = #map}, {transform_indices = #map}, {transform_indices = #map}, {transform_indices = #map}, {transform_indices = #map}, {transform_indices = #map}, {transform_indices = #map}, {transform_indices = #map}]} {
    %mul3A = arith.constant 16 : i32
    %mul3A_0 = arith.muli %arg0, %mul3A : i32
    %add3A = arith.addi %mul3A_0, %arg1 : i32
    %mul3A_1 = arith.constant 3136 : i32
    %mul3A_2 = arith.muli %add3A, %mul3A_1 : i32
    tpu.enqueue_dma source(%arg2 : memref<10240xf32, #tpu.memory_space<hbm>>) target(%arg10 : memref<10240xf32, #tpu.memory_space<vmem>>) target_semaphore(%arg18 : memref<!tpu.dma_semaphore, #tpu.memory_space<semaphore_mem>>)
    tpu.enqueue_dma source(%arg3 : memref<10240xf32, #tpu.memory_space<hbm>>) target(%arg11 : memref<10240xf32, #tpu.memory_space<vmem>>) target_semaphore(%arg18 : memref<!tpu.dma_semaphore, #tpu.memory_space<semaphore_mem>>)
    %dma_start3A = tpu.memref_slice %arg4[%mul3A_2] : memref<100352xi32, #tpu.memory_space<hbm>> -> memref<3136xi32, #tpu.memory_space<hbm>>
    %dma_start3A_3 = tpu.memref_slice %arg4[%mul3A_2] : memref<100352xi32, #tpu.memory_space<hbm>> -> memref<3136xi32, #tpu.memory_space<hbm>>
    tpu.enqueue_dma source(%dma_start3A_3 : memref<3136xi32, #tpu.memory_space<hbm>>) target(%arg12 : memref<3136xi32, #tpu.memory_space<vmem>>) target_semaphore(%arg18 : memref<!tpu.dma_semaphore, #tpu.memory_space<semaphore_mem>>)
    %dma_start3A_4 = tpu.memref_slice %arg5[%mul3A_2] : memref<100352xi32, #tpu.memory_space<hbm>> -> memref<3136xi32, #tpu.memory_space<hbm>>
    %dma_start3A_5 = tpu.memref_slice %arg5[%mul3A_2] : memref<100352xi32, #tpu.memory_space<hbm>> -> memref<3136xi32, #tpu.memory_space<hbm>>
    tpu.enqueue_dma source(%dma_start3A_5 : memref<3136xi32, #tpu.memory_space<hbm>>) target(%arg13 : memref<3136xi32, #tpu.memory_space<vmem>>) target_semaphore(%arg18 : memref<!tpu.dma_semaphore, #tpu.memory_space<semaphore_mem>>)
    %dma_start3A_6 = tpu.memref_slice %arg6[%mul3A_2] : memref<100352xi32, #tpu.memory_space<hbm>> -> memref<3136xi32, #tpu.memory_space<hbm>>
    %dma_start3A_7 = tpu.memref_slice %arg6[%mul3A_2] : memref<100352xi32, #tpu.memory_space<hbm>> -> memref<3136xi32, #tpu.memory_space<hbm>>
    tpu.enqueue_dma source(%dma_start3A_7 : memref<3136xi32, #tpu.memory_space<hbm>>) target(%arg14 : memref<3136xi32, #tpu.memory_space<vmem>>) target_semaphore(%arg18 : memref<!tpu.dma_semaphore, #tpu.memory_space<semaphore_mem>>)
    %dma_start3A_8 = tpu.memref_slice %arg7[%mul3A_2] : memref<100352xi32, #tpu.memory_space<hbm>> -> memref<3136xi32, #tpu.memory_space<hbm>>
    %dma_start3A_9 = tpu.memref_slice %arg7[%mul3A_2] : memref<100352xi32, #tpu.memory_space<hbm>> -> memref<3136xi32, #tpu.memory_space<hbm>>
    tpu.enqueue_dma source(%dma_start3A_9 : memref<3136xi32, #tpu.memory_space<hbm>>) target(%arg15 : memref<3136xi32, #tpu.memory_space<vmem>>) target_semaphore(%arg18 : memref<!tpu.dma_semaphore, #tpu.memory_space<semaphore_mem>>)
    tpu.wait_dma2 semaphore(%arg18 : memref<!tpu.dma_semaphore, #tpu.memory_space<semaphore_mem>>) src(%arg2 : memref<10240xf32, #tpu.memory_space<hbm>>) dst(%arg10 : memref<10240xf32, #tpu.memory_space<vmem>>)
    tpu.wait_dma2 semaphore(%arg18 : memref<!tpu.dma_semaphore, #tpu.memory_space<semaphore_mem>>) src(%arg2 : memref<10240xf32, #tpu.memory_space<hbm>>) dst(%arg10 : memref<10240xf32, #tpu.memory_space<vmem>>)
    %dma_wait3A = tpu.memref_slice %arg4[%mul3A_2] : memref<100352xi32, #tpu.memory_space<hbm>> -> memref<3136xi32, #tpu.memory_space<hbm>>
    %dma_wait3A_10 = tpu.memref_slice %arg4[%mul3A_2] : memref<100352xi32, #tpu.memory_space<hbm>> -> memref<3136xi32, #tpu.memory_space<hbm>>
    tpu.wait_dma2 semaphore(%arg18 : memref<!tpu.dma_semaphore, #tpu.memory_space<semaphore_mem>>) src(%dma_wait3A_10 : memref<3136xi32, #tpu.memory_space<hbm>>) dst(%arg12 : memref<3136xi32, #tpu.memory_space<vmem>>)
    %dma_wait3A_11 = tpu.memref_slice %arg4[%mul3A_2] : memref<100352xi32, #tpu.memory_space<hbm>> -> memref<3136xi32, #tpu.memory_space<hbm>>
    %dma_wait3A_12 = tpu.memref_slice %arg4[%mul3A_2] : memref<100352xi32, #tpu.memory_space<hbm>> -> memref<3136xi32, #tpu.memory_space<hbm>>
    tpu.wait_dma2 semaphore(%arg18 : memref<!tpu.dma_semaphore, #tpu.memory_space<semaphore_mem>>) src(%dma_wait3A_12 : memref<3136xi32, #tpu.memory_space<hbm>>) dst(%arg12 : memref<3136xi32, #tpu.memory_space<vmem>>)
    %dma_wait3A_13 = tpu.memref_slice %arg4[%mul3A_2] : memref<100352xi32, #tpu.memory_space<hbm>> -> memref<3136xi32, #tpu.memory_space<hbm>>
    %dma_wait3A_14 = tpu.memref_slice %arg4[%mul3A_2] : memref<100352xi32, #tpu.memory_space<hbm>> -> memref<3136xi32, #tpu.memory_space<hbm>>
    tpu.wait_dma2 semaphore(%arg18 : memref<!tpu.dma_semaphore, #tpu.memory_space<semaphore_mem>>) src(%dma_wait3A_14 : memref<3136xi32, #tpu.memory_space<hbm>>) dst(%arg12 : memref<3136xi32, #tpu.memory_space<vmem>>)
    %dma_wait3A_15 = tpu.memref_slice %arg4[%mul3A_2] : memref<100352xi32, #tpu.memory_space<hbm>> -> memref<3136xi32, #tpu.memory_space<hbm>>
    %dma_wait3A_16 = tpu.memref_slice %arg4[%mul3A_2] : memref<100352xi32, #tpu.memory_space<hbm>> -> memref<3136xi32, #tpu.memory_space<hbm>>
    tpu.wait_dma2 semaphore(%arg18 : memref<!tpu.dma_semaphore, #tpu.memory_space<semaphore_mem>>) src(%dma_wait3A_16 : memref<3136xi32, #tpu.memory_space<hbm>>) dst(%arg12 : memref<3136xi32, #tpu.memory_space<vmem>>)
    %scan3A = arith.constant 0 : i32
    %scan3A_17 = arith.constant 0 : i32
    %scan3A_18 = arith.constant 49 : i32
    %scan3A_19 = arith.addi %scan3A_17, %scan3A_18 : i32
    %scan3A_20 = arith.constant 1 : i32
    %scan3A_21 = scf.for %scan3A_38 = %scan3A_17 to %scan3A_19 step %scan3A_20 iter_args(%scan3A_39 = %scan3A) -> (i32)  : i32 {
      %mul3A_40 = arith.constant 4 : i32
      %mul3A_41 = arith.muli %mul3A_40, %scan3A_38 : i32
      %add3A_42 = arith.constant 0 : i32
      %add3A_43 = arith.addi %mul3A_41, %add3A_42 : i32
      %mul3A_44 = arith.constant 16 : i32
      %mul3A_45 = arith.muli %add3A_43, %mul3A_44 : i32
      %get3A = arith.index_cast %mul3A_45 : i32 to index
      %get3A_46 = tpu.vector_load %arg12[%get3A] {strides = array<i32>} : memref<3136xi32, #tpu.memory_space<vmem>>, vector<16xi32>,
      %gather3A = tpu.vector_load_idx %arg10[%get3A_46] : memref<10240xf32, #tpu.memory_space<vmem>>[vector<16xi32>], vector<16xf32>,
      %get3A_47 = arith.index_cast %mul3A_45 : i32 to index
      %get3A_48 = tpu.vector_load %arg13[%get3A_47] {strides = array<i32>} : memref<3136xi32, #tpu.memory_space<vmem>>, vector<16xi32>,
      %gather3A_49 = tpu.vector_load_idx %arg11[%get3A_48] : memref<10240xf32, #tpu.memory_space<vmem>>[vector<16xi32>], vector<16xf32>,
      %add3A_50 = arith.addf %gather3A, %gather3A_49 : vector<16xf32>
      %swap3A = arith.index_cast %mul3A_45 : i32 to index
      %swap3A_51 = tpu.vector_load %arg16[%swap3A] {strides = array<i32>} : memref<3136xf32, #tpu.memory_space<vmem>>, vector<16xf32>,
      tpu.vector_store %arg16[%swap3A], %add3A_50 {strides = array<i32>} : memref<3136xf32, #tpu.memory_space<vmem>>, vector<16xf32>,
      %mul3A_52 = arith.constant 4 : i32
      %mul3A_53 = arith.muli %mul3A_52, %scan3A_38 : i32
      %add3A_54 = arith.constant 1 : i32
      %add3A_55 = arith.addi %mul3A_53, %add3A_54 : i32
      %mul3A_56 = arith.constant 16 : i32
      %mul3A_57 = arith.muli %add3A_55, %mul3A_56 : i32
      %get3A_58 = arith.index_cast %mul3A_57 : i32 to index
      %get3A_59 = tpu.vector_load %arg12[%get3A_58] {strides = array<i32>} : memref<3136xi32, #tpu.memory_space<vmem>>, vector<16xi32>,
      %gather3A_60 = tpu.vector_load_idx %arg10[%get3A_59] : memref<10240xf32, #tpu.memory_space<vmem>>[vector<16xi32>], vector<16xf32>,
      %get3A_61 = arith.index_cast %mul3A_57 : i32 to index
      %get3A_62 = tpu.vector_load %arg13[%get3A_61] {strides = array<i32>} : memref<3136xi32, #tpu.memory_space<vmem>>, vector<16xi32>,
      %gather3A_63 = tpu.vector_load_idx %arg11[%get3A_62] : memref<10240xf32, #tpu.memory_space<vmem>>[vector<16xi32>], vector<16xf32>,
      %add3A_64 = arith.addf %gather3A_60, %gather3A_63 : vector<16xf32>
      %swap3A_65 = arith.index_cast %mul3A_57 : i32 to index
      %swap3A_66 = tpu.vector_load %arg16[%swap3A_65] {strides = array<i32>} : memref<3136xf32, #tpu.memory_space<vmem>>, vector<16xf32>,
      tpu.vector_store %arg16[%swap3A_65], %add3A_64 {strides = array<i32>} : memref<3136xf32, #tpu.memory_space<vmem>>, vector<16xf32>,
      %mul3A_67 = arith.constant 4 : i32
      %mul3A_68 = arith.muli %mul3A_67, %scan3A_38 : i32
      %add3A_69 = arith.constant 2 : i32
      %add3A_70 = arith.addi %mul3A_68, %add3A_69 : i32
      %mul3A_71 = arith.constant 16 : i32
      %mul3A_72 = arith.muli %add3A_70, %mul3A_71 : i32
      %get3A_73 = arith.index_cast %mul3A_72 : i32 to index
      %get3A_74 = tpu.vector_load %arg12[%get3A_73] {strides = array<i32>} : memref<3136xi32, #tpu.memory_space<vmem>>, vector<16xi32>,
      %gather3A_75 = tpu.vector_load_idx %arg10[%get3A_74] : memref<10240xf32, #tpu.memory_space<vmem>>[vector<16xi32>], vector<16xf32>,
      %get3A_76 = arith.index_cast %mul3A_72 : i32 to index
      %get3A_77 = tpu.vector_load %arg13[%get3A_76] {strides = array<i32>} : memref<3136xi32, #tpu.memory_space<vmem>>, vector<16xi32>,
      %gather3A_78 = tpu.vector_load_idx %arg11[%get3A_77] : memref<10240xf32, #tpu.memory_space<vmem>>[vector<16xi32>], vector<16xf32>,
      %add3A_79 = arith.addf %gather3A_75, %gather3A_78 : vector<16xf32>
      %swap3A_80 = arith.index_cast %mul3A_72 : i32 to index
      %swap3A_81 = tpu.vector_load %arg16[%swap3A_80] {strides = array<i32>} : memref<3136xf32, #tpu.memory_space<vmem>>, vector<16xf32>,
      tpu.vector_store %arg16[%swap3A_80], %add3A_79 {strides = array<i32>} : memref<3136xf32, #tpu.memory_space<vmem>>, vector<16xf32>,
      %mul3A_82 = arith.constant 4 : i32
      %mul3A_83 = arith.muli %mul3A_82, %scan3A_38 : i32
      %add3A_84 = arith.constant 3 : i32
      %add3A_85 = arith.addi %mul3A_83, %add3A_84 : i32
      %mul3A_86 = arith.constant 16 : i32
      %mul3A_87 = arith.muli %add3A_85, %mul3A_86 : i32
      %get3A_88 = arith.index_cast %mul3A_87 : i32 to index
      %get3A_89 = tpu.vector_load %arg12[%get3A_88] {strides = array<i32>} : memref<3136xi32, #tpu.memory_space<vmem>>, vector<16xi32>,
      %gather3A_90 = tpu.vector_load_idx %arg10[%get3A_89] : memref<10240xf32, #tpu.memory_space<vmem>>[vector<16xi32>], vector<16xf32>,
      %get3A_91 = arith.index_cast %mul3A_87 : i32 to index
      %get3A_92 = tpu.vector_load %arg13[%get3A_91] {strides = array<i32>} : memref<3136xi32, #tpu.memory_space<vmem>>, vector<16xi32>,
      %gather3A_93 = tpu.vector_load_idx %arg11[%get3A_92] : memref<10240xf32, #tpu.memory_space<vmem>>[vector<16xi32>], vector<16xf32>,
      %add3A_94 = arith.addf %gather3A_90, %gather3A_93 : vector<16xf32>
      %swap3A_95 = arith.index_cast %mul3A_87 : i32 to index
      %swap3A_96 = tpu.vector_load %arg16[%swap3A_95] {strides = array<i32>} : memref<3136xf32, #tpu.memory_space<vmem>>, vector<16xf32>,
      tpu.vector_store %arg16[%swap3A_95], %add3A_94 {strides = array<i32>} : memref<3136xf32, #tpu.memory_space<vmem>>, vector<16xf32>,
      %scan3A_97 = arith.constant 0 : i32
      scf.yield %scan3A_97 : i32
    }
    %scan3A_22 = arith.constant 49 : i32
    %dma_start3A_23 = tpu.memref_slice %arg8[%mul3A_2] : memref<100352xf32, #tpu.memory_space<hbm>> -> memref<3136xf32, #tpu.memory_space<hbm>>
    %dma_start3A_24 = tpu.memref_slice %arg8[%mul3A_2] : memref<100352xf32, #tpu.memory_space<hbm>> -> memref<3136xf32, #tpu.memory_space<hbm>>
    tpu.enqueue_dma source(%arg16 : memref<3136xf32, #tpu.memory_space<vmem>>) target(%dma_start3A_24 : memref<3136xf32, #tpu.memory_space<hbm>>) target_semaphore(%arg18 : memref<!tpu.dma_semaphore, #tpu.memory_space<semaphore_mem>>)
    %scan3A_25 = arith.constant 0 : i32
    %scan3A_26 = arith.constant 0 : i32
    %scan3A_27 = arith.constant 49 : i32
    %scan3A_28 = arith.addi %scan3A_26, %scan3A_27 : i32
    %scan3A_29 = arith.constant 1 : i32
    %scan3A_30 = scf.for %scan3A_38 = %scan3A_26 to %scan3A_28 step %scan3A_29 iter_args(%scan3A_39 = %scan3A_25) -> (i32)  : i32 {
      %mul3A_40 = arith.constant 4 : i32
      %mul3A_41 = arith.muli %mul3A_40, %scan3A_38 : i32
      %add3A_42 = arith.constant 0 : i32
      %add3A_43 = arith.addi %mul3A_41, %add3A_42 : i32
      %mul3A_44 = arith.constant 16 : i32
      %mul3A_45 = arith.muli %add3A_43, %mul3A_44 : i32
      %get3A = arith.index_cast %mul3A_45 : i32 to index
      %get3A_46 = tpu.vector_load %arg14[%get3A] {strides = array<i32>} : memref<3136xi32, #tpu.memory_space<vmem>>, vector<16xi32>,
      %gather3A = tpu.vector_load_idx %arg10[%get3A_46] : memref<10240xf32, #tpu.memory_space<vmem>>[vector<16xi32>], vector<16xf32>,
      %get3A_47 = arith.index_cast %mul3A_45 : i32 to index
      %get3A_48 = tpu.vector_load %arg15[%get3A_47] {strides = array<i32>} : memref<3136xi32, #tpu.memory_space<vmem>>, vector<16xi32>,
      %gather3A_49 = tpu.vector_load_idx %arg11[%get3A_48] : memref<10240xf32, #tpu.memory_space<vmem>>[vector<16xi32>], vector<16xf32>,
      %add3A_50 = arith.addf %gather3A, %gather3A_49 : vector<16xf32>
      %swap3A = arith.index_cast %mul3A_45 : i32 to index
      %swap3A_51 = tpu.vector_load %arg17[%swap3A] {strides = array<i32>} : memref<3136xf32, #tpu.memory_space<vmem>>, vector<16xf32>,
      tpu.vector_store %arg17[%swap3A], %add3A_50 {strides = array<i32>} : memref<3136xf32, #tpu.memory_space<vmem>>, vector<16xf32>,
      %mul3A_52 = arith.constant 4 : i32
      %mul3A_53 = arith.muli %mul3A_52, %scan3A_38 : i32
      %add3A_54 = arith.constant 1 : i32
      %add3A_55 = arith.addi %mul3A_53, %add3A_54 : i32
      %mul3A_56 = arith.constant 16 : i32
      %mul3A_57 = arith.muli %add3A_55, %mul3A_56 : i32
      %get3A_58 = arith.index_cast %mul3A_57 : i32 to index
      %get3A_59 = tpu.vector_load %arg14[%get3A_58] {strides = array<i32>} : memref<3136xi32, #tpu.memory_space<vmem>>, vector<16xi32>,
      %gather3A_60 = tpu.vector_load_idx %arg10[%get3A_59] : memref<10240xf32, #tpu.memory_space<vmem>>[vector<16xi32>], vector<16xf32>,
      %get3A_61 = arith.index_cast %mul3A_57 : i32 to index
      %get3A_62 = tpu.vector_load %arg15[%get3A_61] {strides = array<i32>} : memref<3136xi32, #tpu.memory_space<vmem>>, vector<16xi32>,
      %gather3A_63 = tpu.vector_load_idx %arg11[%get3A_62] : memref<10240xf32, #tpu.memory_space<vmem>>[vector<16xi32>], vector<16xf32>,
      %add3A_64 = arith.addf %gather3A_60, %gather3A_63 : vector<16xf32>
      %swap3A_65 = arith.index_cast %mul3A_57 : i32 to index
      %swap3A_66 = tpu.vector_load %arg17[%swap3A_65] {strides = array<i32>} : memref<3136xf32, #tpu.memory_space<vmem>>, vector<16xf32>,
      tpu.vector_store %arg17[%swap3A_65], %add3A_64 {strides = array<i32>} : memref<3136xf32, #tpu.memory_space<vmem>>, vector<16xf32>,
      %mul3A_67 = arith.constant 4 : i32
      %mul3A_68 = arith.muli %mul3A_67, %scan3A_38 : i32
      %add3A_69 = arith.constant 2 : i32
      %add3A_70 = arith.addi %mul3A_68, %add3A_69 : i32
      %mul3A_71 = arith.constant 16 : i32
      %mul3A_72 = arith.muli %add3A_70, %mul3A_71 : i32
      %get3A_73 = arith.index_cast %mul3A_72 : i32 to index
      %get3A_74 = tpu.vector_load %arg14[%get3A_73] {strides = array<i32>} : memref<3136xi32, #tpu.memory_space<vmem>>, vector<16xi32>,
      %gather3A_75 = tpu.vector_load_idx %arg10[%get3A_74] : memref<10240xf32, #tpu.memory_space<vmem>>[vector<16xi32>], vector<16xf32>,
      %get3A_76 = arith.index_cast %mul3A_72 : i32 to index
      %get3A_77 = tpu.vector_load %arg15[%get3A_76] {strides = array<i32>} : memref<3136xi32, #tpu.memory_space<vmem>>, vector<16xi32>,
      %gather3A_78 = tpu.vector_load_idx %arg11[%get3A_77] : memref<10240xf32, #tpu.memory_space<vmem>>[vector<16xi32>], vector<16xf32>,
      %add3A_79 = arith.addf %gather3A_75, %gather3A_78 : vector<16xf32>
      %swap3A_80 = arith.index_cast %mul3A_72 : i32 to index
      %swap3A_81 = tpu.vector_load %arg17[%swap3A_80] {strides = array<i32>} : memref<3136xf32, #tpu.memory_space<vmem>>, vector<16xf32>,
      tpu.vector_store %arg17[%swap3A_80], %add3A_79 {strides = array<i32>} : memref<3136xf32, #tpu.memory_space<vmem>>, vector<16xf32>,
      %mul3A_82 = arith.constant 4 : i32
      %mul3A_83 = arith.muli %mul3A_82, %scan3A_38 : i32
      %add3A_84 = arith.constant 3 : i32
      %add3A_85 = arith.addi %mul3A_83, %add3A_84 : i32
      %mul3A_86 = arith.constant 16 : i32
      %mul3A_87 = arith.muli %add3A_85, %mul3A_86 : i32
      %get3A_88 = arith.index_cast %mul3A_87 : i32 to index
      %get3A_89 = tpu.vector_load %arg14[%get3A_88] {strides = array<i32>} : memref<3136xi32, #tpu.memory_space<vmem>>, vector<16xi32>,
      %gather3A_90 = tpu.vector_load_idx %arg10[%get3A_89] : memref<10240xf32, #tpu.memory_space<vmem>>[vector<16xi32>], vector<16xf32>,
      %get3A_91 = arith.index_cast %mul3A_87 : i32 to index
      %get3A_92 = tpu.vector_load %arg15[%get3A_91] {strides = array<i32>} : memref<3136xi32, #tpu.memory_space<vmem>>, vector<16xi32>,
      %gather3A_93 = tpu.vector_load_idx %arg11[%get3A_92] : memref<10240xf32, #tpu.memory_space<vmem>>[vector<16xi32>], vector<16xf32>,
      %add3A_94 = arith.addf %gather3A_90, %gather3A_93 : vector<16xf32>
      %swap3A_95 = arith.index_cast %mul3A_87 : i32 to index
      %swap3A_96 = tpu.vector_load %arg17[%swap3A_95] {strides = array<i32>} : memref<3136xf32, #tpu.memory_space<vmem>>, vector<16xf32>,
      tpu.vector_store %arg17[%swap3A_95], %add3A_94 {strides = array<i32>} : memref<3136xf32, #tpu.memory_space<vmem>>, vector<16xf32>,
      %scan3A_97 = arith.constant 0 : i32
      scf.yield %scan3A_97 : i32
    }
    %scan3A_31 = arith.constant 49 : i32
    %dma_start3A_32 = tpu.memref_slice %arg9[%mul3A_2] : memref<100352xf32, #tpu.memory_space<hbm>> -> memref<3136xf32, #tpu.memory_space<hbm>>
    %dma_start3A_33 = tpu.memref_slice %arg9[%mul3A_2] : memref<100352xf32, #tpu.memory_space<hbm>> -> memref<3136xf32, #tpu.memory_space<hbm>>
    tpu.enqueue_dma source(%arg17 : memref<3136xf32, #tpu.memory_space<vmem>>) target(%dma_start3A_33 : memref<3136xf32, #tpu.memory_space<hbm>>) target_semaphore(%arg18 : memref<!tpu.dma_semaphore, #tpu.memory_space<semaphore_mem>>)
    %dma_wait3A_34 = tpu.memref_slice %arg8[%mul3A_2] : memref<100352xf32, #tpu.memory_space<hbm>> -> memref<3136xf32, #tpu.memory_space<hbm>>
    %dma_wait3A_35 = tpu.memref_slice %arg8[%mul3A_2] : memref<100352xf32, #tpu.memory_space<hbm>> -> memref<3136xf32, #tpu.memory_space<hbm>>
    tpu.wait_dma2 semaphore(%arg18 : memref<!tpu.dma_semaphore, #tpu.memory_space<semaphore_mem>>) src(%arg16 : memref<3136xf32, #tpu.memory_space<vmem>>) dst(%dma_wait3A_35 : memref<3136xf32, #tpu.memory_space<hbm>>)
    %dma_wait3A_36 = tpu.memref_slice %arg8[%mul3A_2] : memref<100352xf32, #tpu.memory_space<hbm>> -> memref<3136xf32, #tpu.memory_space<hbm>>
    %dma_wait3A_37 = tpu.memref_slice %arg8[%mul3A_2] : memref<100352xf32, #tpu.memory_space<hbm>> -> memref<3136xf32, #tpu.memory_space<hbm>>
    tpu.wait_dma2 semaphore(%arg18 : memref<!tpu.dma_semaphore, #tpu.memory_space<semaphore_mem>>) src(%arg16 : memref<3136xf32, #tpu.memory_space<vmem>>) dst(%dma_wait3A_37 : memref<3136xf32, #tpu.memory_space<hbm>>)
    return
  }
}

module attributes {stable_mosaic.version = 14 : i64} {
  func.func @_tc1_body(%arg0: i32, %arg1: memref<1024x128xf32, #tpu.memory_space<vmem>>, %arg2: memref<128x128xf32, #tpu.memory_space<vmem>>, %arg3: memref<2x1024xf32, #tpu.memory_space<vmem>>, %arg4: memref<1024x128xf32, #tpu.memory_space<vmem>>) attributes {dimension_semantics = [#tpu.dimension_semantics<arbitrary>], iteration_bounds = array<i64: 10>, scalar_prefetch = 0 : i64, scratch_operands = 0 : i64, tpu.core_type = #tpu.core_type<tc>, window_params = [{transform_indices = @transform_0, window_bounds = array<i64: 1024, 128>}, {pipeline_mode = #tpu.pipeline_mode<synchronous>, transform_indices = @transform_1, window_bounds = array<i64: 128, 128>}, {transform_indices = @transform_2, window_bounds = array<i64: 2, 1024>}, {transform_indices = @transform_3, window_bounds = array<i64: 1024, 128>}]} {
    %get3A = arith.constant 0 : index
    %get3A_0 = arith.constant 0 : index
    %get3A_1 = vector.load %arg1[%get3A, %get3A_0] : memref<1024x128xf32, #tpu.memory_space<vmem>>, vector<1024x128xf32>
    %get3A_2 = arith.constant 0 : index
    %get3A_3 = arith.constant 0 : index
    %get3A_4 = vector.load %arg2[%get3A_2, %get3A_3] : memref<128x128xf32, #tpu.memory_space<vmem>>, vector<128x128xf32>
    %dot_general3A = arith.constant dense<0.000000e+00> : vector<1024x128xf32>
    %dot_general3A_5 = tpu.matmul %get3A_1, %get3A_4, %dot_general3A {dimension_numbers = #tpu.dot_dimension_numbers<[1], [0], [0], [1], [0, 0, 1, 1], [], []>, transpose_lhs_hint = false} : vector<1024x128xf32>, vector<128x128xf32>, vector<1024x128xf32> -> vector<1024x128xf32>
    %get3A_6 = arith.constant 0 : index
    %get3A_7 = arith.constant 0 : index
    %get3A_8 = vector.load %arg3[%get3A_6, %get3A_7] : memref<2x1024xf32, #tpu.memory_space<vmem>>, vector<1x1024xf32>
    %get3A_9 = vector.shape_cast %get3A_8 : vector<1x1024xf32> to vector<1024xf32>
    %add3A = arith.constant 1.000000e+00 : f32
    %add3A_10 = vector.broadcast %add3A : f32 to vector<1024xf32>
    %add3A_11 = arith.addf %add3A_10, %get3A_9 : vector<1024xf32>
    %get3A_12 = arith.constant 1 : index
    %get3A_13 = arith.constant 0 : index
    %get3A_14 = vector.load %arg3[%get3A_12, %get3A_13] : memref<2x1024xf32, #tpu.memory_space<vmem>>, vector<1x1024xf32>
    %get3A_15 = vector.shape_cast %get3A_14 : vector<1x1024xf32> to vector<1024xf32>
    %add3A_16 = arith.addf %add3A_11, %get3A_15 : vector<1024xf32>
    %rsqrt3A = math.rsqrt %add3A_16 : vector<1024xf32>
    %broadcast_in_dim3A = vector.shape_cast %rsqrt3A : vector<1024xf32> to vector<1024x1xf32>
    %mul3A = vector.broadcast %broadcast_in_dim3A : vector<1024x1xf32> to vector<1024x128xf32>
    %mul3A_17 = arith.mulf %dot_general3A_5, %mul3A : vector<1024x128xf32>
    %swap3A = arith.constant 0 : index
    %swap3A_18 = arith.constant 0 : index
    %swap3A_19 = vector.load %arg4[%swap3A, %swap3A_18] : memref<1024x128xf32, #tpu.memory_space<vmem>>, vector<1024x128xf32>
    tpu.vector_store %arg4[%swap3A, %swap3A_18], %mul3A_17 {strides = array<i32>} : memref<1024x128xf32, #tpu.memory_space<vmem>>, vector<1024x128xf32>,
    return
  }
  func.func @transform_0(%arg0: i32) -> (i32, i32) {
    %c0_i32 = arith.constant 0 : i32
    %c0_i32_0 = arith.constant 0 : i32
    return %arg0, %c0_i32 : i32, i32
  }
  func.func @transform_1(%arg0: i32) -> (i32, i32) {
    %c0_i32 = arith.constant 0 : i32
    %c0_i32_0 = arith.constant 0 : i32
    %c0_i32_1 = arith.constant 0 : i32
    return %c0_i32, %c0_i32_0 : i32, i32
  }
  func.func @transform_2(%arg0: i32) -> (i32, i32) {
    %c0_i32 = arith.constant 0 : i32
    %c0_i32_0 = arith.constant 0 : i32
    return %c0_i32, %arg0 : i32, i32
  }
  func.func @transform_3(%arg0: i32) -> (i32, i32) {
    %c0_i32 = arith.constant 0 : i32
    %c0_i32_0 = arith.constant 0 : i32
    return %arg0, %c0_i32 : i32, i32
  }
}

module attributes {stable_mosaic.version = 14 : i64} {
  func.func @_tc2_body(%arg0: i32, %arg1: memref<2x1024x128xf32, #tpu.memory_space<vmem>>, %arg2: memref<1024x128xf32, #tpu.memory_space<vmem>>, %arg3: memref<2x1024xf32, #tpu.memory_space<vmem>>, %arg4: memref<1x128xf32, #tpu.memory_space<vmem>>, %arg5: memref<128x128xf32, #tpu.memory_space<vmem>>, %arg6: memref<1024x128xf32, #tpu.memory_space<vmem>>) attributes {dimension_semantics = [#tpu.dimension_semantics<arbitrary>], iteration_bounds = array<i64: 10>, scalar_prefetch = 0 : i64, scratch_operands = 0 : i64, tpu.core_type = #tpu.core_type<tc>, window_params = [{transform_indices = @transform_0, window_bounds = array<i64: 2, 1024, 128>}, {transform_indices = @transform_1, window_bounds = array<i64: 1024, 128>}, {transform_indices = @transform_2, window_bounds = array<i64: 2, 1024>}, {pipeline_mode = #tpu.pipeline_mode<synchronous>, transform_indices = @transform_3, window_bounds = array<i64: 1, 128>}, {pipeline_mode = #tpu.pipeline_mode<synchronous>, transform_indices = @transform_4, window_bounds = array<i64: 128, 128>}, {transform_indices = @transform_5, window_bounds = array<i64: 1024, 128>}]} {
    %get3A = arith.constant 0 : index
    %get3A_0 = arith.constant 0 : index
    %get3A_1 = vector.load %arg3[%get3A, %get3A_0] : memref<2x1024xf32, #tpu.memory_space<vmem>>, vector<1x1024xf32>
    %get3A_2 = vector.shape_cast %get3A_1 : vector<1x1024xf32> to vector<1024xf32>
    %add3A = arith.constant 1.000000e+00 : f32
    %add3A_3 = vector.broadcast %add3A : f32 to vector<1024xf32>
    %add3A_4 = arith.addf %add3A_3, %get3A_2 : vector<1024xf32>
    %get3A_5 = arith.constant 1 : index
    %get3A_6 = arith.constant 0 : index
    %get3A_7 = vector.load %arg3[%get3A_5, %get3A_6] : memref<2x1024xf32, #tpu.memory_space<vmem>>, vector<1x1024xf32>
    %get3A_8 = vector.shape_cast %get3A_7 : vector<1x1024xf32> to vector<1024xf32>
    %add3A_9 = arith.addf %add3A_4, %get3A_8 : vector<1024xf32>
    %rsqrt3A = math.rsqrt %add3A_9 : vector<1024xf32>
    %broadcast_in_dim3A = vector.shape_cast %rsqrt3A : vector<1024xf32> to vector<1024x1xf32>
    %get3A_10 = arith.constant 0 : index
    %get3A_11 = arith.constant 0 : index
    %get3A_12 = arith.constant 0 : index
    %get3A_13 = vector.load %arg1[%get3A_10, %get3A_11, %get3A_12] : memref<2x1024x128xf32, #tpu.memory_space<vmem>>, vector<1x1024x128xf32>
    %get3A_14 = vector.shape_cast %get3A_13 : vector<1x1024x128xf32> to vector<1024x128xf32>
    %get3A_15 = arith.constant 1 : index
    %get3A_16 = arith.constant 0 : index
    %get3A_17 = arith.constant 0 : index
    %get3A_18 = vector.load %arg1[%get3A_15, %get3A_16, %get3A_17] : memref<2x1024x128xf32, #tpu.memory_space<vmem>>, vector<1x1024x128xf32>
    %get3A_19 = vector.shape_cast %get3A_18 : vector<1x1024x128xf32> to vector<1024x128xf32>
    %add3A_20 = arith.addf %get3A_14, %get3A_19 : vector<1024x128xf32>
    %get3A_21 = arith.constant 0 : index
    %get3A_22 = arith.constant 0 : index
    %get3A_23 = vector.load %arg2[%get3A_21, %get3A_22] : memref<1024x128xf32, #tpu.memory_space<vmem>>, vector<1024x128xf32>
    %add3A_24 = arith.addf %add3A_20, %get3A_23 : vector<1024x128xf32>
    %mul3A = vector.broadcast %broadcast_in_dim3A : vector<1024x1xf32> to vector<1024x128xf32>
    %mul3A_25 = arith.mulf %mul3A, %add3A_24 : vector<1024x128xf32>
    %get3A_26 = arith.constant 0 : index
    %get3A_27 = arith.constant 0 : index
    %get3A_28 = vector.load %arg4[%get3A_26, %get3A_27] : memref<1x128xf32, #tpu.memory_space<vmem>>, vector<1x128xf32>
    %add3A_29 = vector.broadcast %get3A_28 : vector<1x128xf32> to vector<1024x128xf32>
    %add3A_30 = arith.addf %mul3A_25, %add3A_29 : vector<1024x128xf32>
    %max3A = arith.constant 0.000000e+00 : f32
    %max3A_31 = vector.broadcast %max3A : f32 to vector<1024x128xf32>
    %max3A_32 = arith.maximumf %add3A_30, %max3A_31 : vector<1024x128xf32>
    %get3A_33 = arith.constant 0 : index
    %get3A_34 = arith.constant 0 : index
    %get3A_35 = vector.load %arg5[%get3A_33, %get3A_34] : memref<128x128xf32, #tpu.memory_space<vmem>>, vector<128x128xf32>
    %dot_general3A = arith.constant dense<0.000000e+00> : vector<1024x128xf32>
    %dot_general3A_36 = tpu.matmul %max3A_32, %get3A_35, %dot_general3A {dimension_numbers = #tpu.dot_dimension_numbers<[1], [0], [0], [1], [0, 0, 1, 1], [], []>, transpose_lhs_hint = false} : vector<1024x128xf32>, vector<128x128xf32>, vector<1024x128xf32> -> vector<1024x128xf32>
    %mul3A_37 = vector.broadcast %broadcast_in_dim3A : vector<1024x1xf32> to vector<1024x128xf32>
    %mul3A_38 = arith.mulf %dot_general3A_36, %mul3A_37 : vector<1024x128xf32>
    %swap3A = arith.constant 0 : index
    %swap3A_39 = arith.constant 0 : index
    %swap3A_40 = vector.load %arg6[%swap3A, %swap3A_39] : memref<1024x128xf32, #tpu.memory_space<vmem>>, vector<1024x128xf32>
    tpu.vector_store %arg6[%swap3A, %swap3A_39], %mul3A_38 {strides = array<i32>} : memref<1024x128xf32, #tpu.memory_space<vmem>>, vector<1024x128xf32>,
    return
  }
  func.func @transform_0(%arg0: i32) -> (i32, i32, i32) {
    %c0_i32 = arith.constant 0 : i32
    %c0_i32_0 = arith.constant 0 : i32
    %c0_i32_1 = arith.constant 0 : i32
    return %c0_i32, %arg0, %c0_i32_0 : i32, i32, i32
  }
  func.func @transform_1(%arg0: i32) -> (i32, i32) {
    %c0_i32 = arith.constant 0 : i32
    %c0_i32_0 = arith.constant 0 : i32
    return %arg0, %c0_i32 : i32, i32
  }
  func.func @transform_2(%arg0: i32) -> (i32, i32) {
    %c0_i32 = arith.constant 0 : i32
    %c0_i32_0 = arith.constant 0 : i32
    return %c0_i32, %arg0 : i32, i32
  }
  func.func @transform_3(%arg0: i32) -> (i32, i32) {
    %c0_i32 = arith.constant 0 : i32
    %c0_i32_0 = arith.constant 0 : i32
    %c0_i32_1 = arith.constant 0 : i32
    return %c0_i32, %c0_i32_0 : i32, i32
  }
  func.func @transform_4(%arg0: i32) -> (i32, i32) {
    %c0_i32 = arith.constant 0 : i32
    %c0_i32_0 = arith.constant 0 : i32
    %c0_i32_1 = arith.constant 0 : i32
    return %c0_i32, %c0_i32_0 : i32, i32
  }
  func.func @transform_5(%arg0: i32) -> (i32, i32) {
    %c0_i32 = arith.constant 0 : i32
    %c0_i32_0 = arith.constant 0 : i32
    return %arg0, %c0_i32 : i32, i32
  }
}

module attributes {stable_mosaic.version = 14 : i64} {
  func.func @_tc3_body(%arg0: i32, %arg1: memref<2x1024x128xf32, #tpu.memory_space<vmem>>, %arg2: memref<1024x128xf32, #tpu.memory_space<vmem>>, %arg3: memref<2x1024xf32, #tpu.memory_space<vmem>>, %arg4: memref<1x128xf32, #tpu.memory_space<vmem>>, %arg5: memref<128x10xf32, #tpu.memory_space<vmem>>, %arg6: memref<1x10xf32, #tpu.memory_space<vmem>>, %arg7: memref<128x2xf32, #tpu.memory_space<vmem>>, %arg8: memref<1x1xf32, #tpu.memory_space<vmem>>, %arg9: memref<1024x10xf32, #tpu.memory_space<vmem>>, %arg10: memref<1024x1xf32, #tpu.memory_space<vmem>>, %arg11: memref<1024x1xf32, #tpu.memory_space<vmem>>) attributes {dimension_semantics = [#tpu.dimension_semantics<arbitrary>], iteration_bounds = array<i64: 10>, scalar_prefetch = 0 : i64, scratch_operands = 0 : i64, tpu.core_type = #tpu.core_type<tc>, window_params = [{transform_indices = @transform_0, window_bounds = array<i64: 2, 1024, 128>}, {transform_indices = @transform_1, window_bounds = array<i64: 1024, 128>}, {transform_indices = @transform_2, window_bounds = array<i64: 2, 1024>}, {pipeline_mode = #tpu.pipeline_mode<synchronous>, transform_indices = @transform_3, window_bounds = array<i64: 1, 128>}, {pipeline_mode = #tpu.pipeline_mode<synchronous>, transform_indices = @transform_4, window_bounds = array<i64: 128, 10>}, {pipeline_mode = #tpu.pipeline_mode<synchronous>, transform_indices = @transform_5, window_bounds = array<i64: 1, 10>}, {pipeline_mode = #tpu.pipeline_mode<synchronous>, transform_indices = @transform_6, window_bounds = array<i64: 128, 2>}, {pipeline_mode = #tpu.pipeline_mode<synchronous>, transform_indices = @transform_7, window_bounds = array<i64: 1, 1>}, {transform_indices = @transform_8, window_bounds = array<i64: 1024, 10>}, {transform_indices = @transform_9, window_bounds = array<i64: 1024, 1>}, {transform_indices = @transform_10, window_bounds = array<i64: 1024, 1>}]} {
    %get3A = arith.constant 0 : index
    %get3A_0 = arith.constant 0 : index
    %get3A_1 = vector.load %arg3[%get3A, %get3A_0] : memref<2x1024xf32, #tpu.memory_space<vmem>>, vector<1x1024xf32>
    %get3A_2 = vector.shape_cast %get3A_1 : vector<1x1024xf32> to vector<1024xf32>
    %add3A = arith.constant 1.000000e+00 : f32
    %add3A_3 = vector.broadcast %add3A : f32 to vector<1024xf32>
    %add3A_4 = arith.addf %add3A_3, %get3A_2 : vector<1024xf32>
    %get3A_5 = arith.constant 1 : index
    %get3A_6 = arith.constant 0 : index
    %get3A_7 = vector.load %arg3[%get3A_5, %get3A_6] : memref<2x1024xf32, #tpu.memory_space<vmem>>, vector<1x1024xf32>
    %get3A_8 = vector.shape_cast %get3A_7 : vector<1x1024xf32> to vector<1024xf32>
    %add3A_9 = arith.addf %add3A_4, %get3A_8 : vector<1024xf32>
    %rsqrt3A = math.rsqrt %add3A_9 : vector<1024xf32>
    %broadcast_in_dim3A = vector.shape_cast %rsqrt3A : vector<1024xf32> to vector<1024x1xf32>
    %get3A_10 = arith.constant 0 : index
    %get3A_11 = arith.constant 0 : index
    %get3A_12 = arith.constant 0 : index
    %get3A_13 = vector.load %arg1[%get3A_10, %get3A_11, %get3A_12] : memref<2x1024x128xf32, #tpu.memory_space<vmem>>, vector<1x1024x128xf32>
    %get3A_14 = vector.shape_cast %get3A_13 : vector<1x1024x128xf32> to vector<1024x128xf32>
    %get3A_15 = arith.constant 1 : index
    %get3A_16 = arith.constant 0 : index
    %get3A_17 = arith.constant 0 : index
    %get3A_18 = vector.load %arg1[%get3A_15, %get3A_16, %get3A_17] : memref<2x1024x128xf32, #tpu.memory_space<vmem>>, vector<1x1024x128xf32>
    %get3A_19 = vector.shape_cast %get3A_18 : vector<1x1024x128xf32> to vector<1024x128xf32>
    %add3A_20 = arith.addf %get3A_14, %get3A_19 : vector<1024x128xf32>
    %get3A_21 = arith.constant 0 : index
    %get3A_22 = arith.constant 0 : index
    %get3A_23 = vector.load %arg2[%get3A_21, %get3A_22] : memref<1024x128xf32, #tpu.memory_space<vmem>>, vector<1024x128xf32>
    %add3A_24 = arith.addf %add3A_20, %get3A_23 : vector<1024x128xf32>
    %mul3A = vector.broadcast %broadcast_in_dim3A : vector<1024x1xf32> to vector<1024x128xf32>
    %mul3A_25 = arith.mulf %mul3A, %add3A_24 : vector<1024x128xf32>
    %get3A_26 = arith.constant 0 : index
    %get3A_27 = arith.constant 0 : index
    %get3A_28 = vector.load %arg4[%get3A_26, %get3A_27] : memref<1x128xf32, #tpu.memory_space<vmem>>, vector<1x128xf32>
    %add3A_29 = vector.broadcast %get3A_28 : vector<1x128xf32> to vector<1024x128xf32>
    %add3A_30 = arith.addf %mul3A_25, %add3A_29 : vector<1024x128xf32>
    %max3A = arith.constant 0.000000e+00 : f32
    %max3A_31 = vector.broadcast %max3A : f32 to vector<1024x128xf32>
    %max3A_32 = arith.maximumf %add3A_30, %max3A_31 : vector<1024x128xf32>
    %get3A_33 = arith.constant 0 : index
    %get3A_34 = arith.constant 0 : index
    %get3A_35 = vector.load %arg5[%get3A_33, %get3A_34] : memref<128x10xf32, #tpu.memory_space<vmem>>, vector<128x10xf32>
    %dot_general3A = arith.constant dense<0.000000e+00> : vector<1024x10xf32>
    %dot_general3A_36 = tpu.matmul %max3A_32, %get3A_35, %dot_general3A {dimension_numbers = #tpu.dot_dimension_numbers<[1], [0], [0], [1], [0, 0, 1, 1], [], []>, transpose_lhs_hint = false} : vector<1024x128xf32>, vector<128x10xf32>, vector<1024x10xf32> -> vector<1024x10xf32>
    %get3A_37 = arith.constant 0 : index
    %get3A_38 = arith.constant 0 : index
    %get3A_39 = vector.load %arg6[%get3A_37, %get3A_38] : memref<1x10xf32, #tpu.memory_space<vmem>>, vector<1x10xf32>
    %add3A_40 = vector.broadcast %get3A_39 : vector<1x10xf32> to vector<1024x10xf32>
    %add3A_41 = arith.addf %dot_general3A_36, %add3A_40 : vector<1024x10xf32>
    %reduce_max3A = arith.constant dense<0xFF800000> : vector<1024xf32>
    %reduce_max3A_42 = vector.multi_reduction <maximumf>, %add3A_41, %reduce_max3A [1] : vector<1024x10xf32> to vector<1024xf32>
    %broadcast_in_dim3A_43 = vector.shape_cast %reduce_max3A_42 : vector<1024xf32> to vector<1024x1xf32>
    %sub3A = vector.broadcast %broadcast_in_dim3A_43 : vector<1024x1xf32> to vector<1024x10xf32>
    %sub3A_44 = arith.subf %add3A_41, %sub3A : vector<1024x10xf32>
    %exp3A = math.exp %sub3A_44 : vector<1024x10xf32>
    %reduce_sum3A = arith.constant dense<0.000000e+00> : vector<1024xf32>
    %reduce_sum3A_45 = vector.multi_reduction <add>, %exp3A, %reduce_sum3A [1] : vector<1024x10xf32> to vector<1024xf32>
    %broadcast_in_dim3A_46 = vector.shape_cast %reduce_sum3A_45 : vector<1024xf32> to vector<1024x1xf32>
    %log3A = math.log %broadcast_in_dim3A_46 : vector<1024x1xf32>
    %add3A_47 = arith.addf %log3A, %broadcast_in_dim3A_43 : vector<1024x1xf32>
    %sub3A_48 = vector.broadcast %add3A_47 : vector<1024x1xf32> to vector<1024x10xf32>
    %sub3A_49 = arith.subf %add3A_41, %sub3A_48 : vector<1024x10xf32>
    %swap3A = arith.constant 0 : index
    %swap3A_50 = arith.constant 0 : index
    %swap3A_51 = vector.load %arg9[%swap3A, %swap3A_50] : memref<1024x10xf32, #tpu.memory_space<vmem>>, vector<1024x10xf32>
    tpu.vector_store %arg9[%swap3A, %swap3A_50], %sub3A_49 {strides = array<i32>} : memref<1024x10xf32, #tpu.memory_space<vmem>>, vector<1024x10xf32>,
    %get3A_52 = arith.constant 0 : index
    %get3A_53 = arith.constant 0 : index
    %get3A_54 = vector.load %arg7[%get3A_52, %get3A_53] : memref<128x2xf32, #tpu.memory_space<vmem>>, vector<128x2xf32>
    %dot_general3A_55 = arith.constant dense<0.000000e+00> : vector<1024x2xf32>
    %dot_general3A_56 = tpu.matmul %add3A_30, %get3A_54, %dot_general3A_55 {dimension_numbers = #tpu.dot_dimension_numbers<[1], [0], [0], [1], [0, 0, 1, 1], [], []>, transpose_lhs_hint = false} : vector<1024x128xf32>, vector<128x2xf32>, vector<1024x2xf32> -> vector<1024x2xf32>
    %slice3A = vector.extract_strided_slice %dot_general3A_56 {offsets = [0, 0], sizes = [1024, 1], strides = [1, 1]} : vector<1024x2xf32> to vector<1024x1xf32>
    %get3A_57 = arith.constant 0 : index
    %get3A_58 = arith.constant 0 : index
    %get3A_59 = vector.load %arg8[%get3A_57, %get3A_58] : memref<1x1xf32, #tpu.memory_space<vmem>>, vector<1x1xf32>
    %add3A_60 = vector.broadcast %get3A_59 : vector<1x1xf32> to vector<1024x1xf32>
    %add3A_61 = arith.addf %slice3A, %add3A_60 : vector<1024x1xf32>
    %swap3A_62 = arith.constant 0 : index
    %swap3A_63 = arith.constant 0 : index
    %swap3A_64 = vector.load %arg10[%swap3A_62, %swap3A_63] : memref<1024x1xf32, #tpu.memory_space<vmem>>, vector<1024x1xf32>
    tpu.vector_store %arg10[%swap3A_62, %swap3A_63], %add3A_61 {strides = array<i32>} : memref<1024x1xf32, #tpu.memory_space<vmem>>, vector<1024x1xf32>,
    %slice3A_65 = vector.extract_strided_slice %dot_general3A_56 {offsets = [0, 1], sizes = [1024, 1], strides = [1, 1]} : vector<1024x2xf32> to vector<1024x1xf32>
    %swap3A_66 = arith.constant 0 : index
    %swap3A_67 = arith.constant 0 : index
    %swap3A_68 = vector.load %arg11[%swap3A_66, %swap3A_67] : memref<1024x1xf32, #tpu.memory_space<vmem>>, vector<1024x1xf32>
    tpu.vector_store %arg11[%swap3A_66, %swap3A_67], %slice3A_65 {strides = array<i32>} : memref<1024x1xf32, #tpu.memory_space<vmem>>, vector<1024x1xf32>,
    return
  }
  func.func @transform_0(%arg0: i32) -> (i32, i32, i32) {
    %c0_i32 = arith.constant 0 : i32
    %c0_i32_0 = arith.constant 0 : i32
    %c0_i32_1 = arith.constant 0 : i32
    return %c0_i32, %arg0, %c0_i32_0 : i32, i32, i32
  }
  func.func @transform_1(%arg0: i32) -> (i32, i32) {
    %c0_i32 = arith.constant 0 : i32
    %c0_i32_0 = arith.constant 0 : i32
    return %arg0, %c0_i32 : i32, i32
  }
  func.func @transform_2(%arg0: i32) -> (i32, i32) {
    %c0_i32 = arith.constant 0 : i32
    %c0_i32_0 = arith.constant 0 : i32
    return %c0_i32, %arg0 : i32, i32
  }
  func.func @transform_3(%arg0: i32) -> (i32, i32) {
    %c0_i32 = arith.constant 0 : i32
    %c0_i32_0 = arith.constant 0 : i32
    %c0_i32_1 = arith.constant 0 : i32
    return %c0_i32, %c0_i32_0 : i32, i32
  }
  func.func @transform_4(%arg0: i32) -> (i32, i32) {
    %c0_i32 = arith.constant 0 : i32
    %c0_i32_0 = arith.constant 0 : i32
    %c0_i32_1 = arith.constant 0 : i32
    return %c0_i32, %c0_i32_0 : i32, i32
  }
  func.func @transform_5(%arg0: i32) -> (i32, i32) {
    %c0_i32 = arith.constant 0 : i32
    %c0_i32_0 = arith.constant 0 : i32
    %c0_i32_1 = arith.constant 0 : i32
    return %c0_i32, %c0_i32_0 : i32, i32
  }
  func.func @transform_6(%arg0: i32) -> (i32, i32) {
    %c0_i32 = arith.constant 0 : i32
    %c0_i32_0 = arith.constant 0 : i32
    %c0_i32_1 = arith.constant 0 : i32
    return %c0_i32, %c0_i32_0 : i32, i32
  }
  func.func @transform_7(%arg0: i32) -> (i32, i32) {
    %c0_i32 = arith.constant 0 : i32
    %c0_i32_0 = arith.constant 0 : i32
    %c0_i32_1 = arith.constant 0 : i32
    return %c0_i32, %c0_i32_0 : i32, i32
  }
  func.func @transform_8(%arg0: i32) -> (i32, i32) {
    %c0_i32 = arith.constant 0 : i32
    %c0_i32_0 = arith.constant 0 : i32
    return %arg0, %c0_i32 : i32, i32
  }
  func.func @transform_9(%arg0: i32) -> (i32, i32) {
    %c0_i32 = arith.constant 0 : i32
    %c0_i32_0 = arith.constant 0 : i32
    return %arg0, %c0_i32 : i32, i32
  }
  func.func @transform_10(%arg0: i32) -> (i32, i32) {
    %c0_i32 = arith.constant 0 : i32
    %c0_i32_0 = arith.constant 0 : i32
    return %arg0, %c0_i32 : i32, i32
  }
}

</mosaic_0001>

<sc_bundles>
// kernel: kernel.12.cloned.1.call-start
scs
__scs_entry_jumppad:
0x0: {  	(pc) =	sbr.rel $0x88, $3  }
0x1: {  	(tag) =	ssettag $0x0;
	lr =	simm.s32 $0x1  }
0x2: {  	[smem:$0x3F95] =	sst lr;
	_ =	strace $0xD0000000  }
0x3: {  	_ = 	snop  }
0x4: {  	_ = 	snop  }
0x5: {  	_ = 	snop  }
0x6: {  	_ = 	snop  }
0x7: {  	_ = 	snop  }
__scs_overlays_trampoline_lowered:
0x8: {  	[smem:$0x3FA4] =	sst s0  }
0x9: {  	[smem:$0x3FA5] =	sst s1  }
0xa: {  	[smem:$0x3FA6] =	sst s2  }
0xb: {  	[smem:$0x3FA7] =	sst s3  }
0xc: {  	[smem:$0x3FA8] =	sst s4  }
0xd: {  	[smem:$0x3FA9] =	sst s5  }
0xe: {  	[smem:$0x3FAA] =	sst s6  }
0xf: {  	[smem:$0x3FAB] =	sst s7  }
0x10: {  	[smem:$0x3FAC] =	sst s8  }
0x11: {  	[smem:$0x3FAD] =	sst s9;
	s0 =	simm.s32 @!p0 $0x0  }
0x12: {  	s1 =	sld [smem:$0x3F93];
	s0 =	simm.s32 @p0 $0x1  }
0x13: {  	[smem:$0x3FAE] =	sst s0;
	s0 =	simm.s32 @!p1 $0x0  }
0x14: {  	s2 =	sld [smem:$0x3F92];
	s0 =	simm.s32 @p1 $0x1  }
0x15: {  	[smem:$0x3FAF] =	sst s0;
	s0 =	simm.s32 @!p2 $0x0  }
0x16: {  	s3 =	sld [smem:$0x3FDB];
	s0 =	simm.s32 @p2 $0x1  }
0x17: {  	s4 =	simm.s32 $0x1BF5;
	[smem:$0x3FB1] =	sst s0  }
0x18: {  	s0 =	sld [smem:$0x3F94];
	_ =	swait.ge [sflag:s4], $0x0  }
0x19: {  	s7 =	sld [smem:$0x3F95]  }
0x1a: {  	s8 =	sadd.s32 $0xFFFFE003, lr  }
0x1b: {  	s9 =	sadd.s32 $0xFFFFFEF7, lr;
	s5 =	simm.s32 $0xFFFFFFFF;
	p2 =	slt.u32 s8, $0xFFFFF086  }
0x1c: {  	p1 =	slt.u32 s9, $0xF7A;
	s5 =	simm.s32 @!p2 $0x0  }
0x1d: {  	s5 =	simm.s32 @p1 $0x1;
	p0 =	seq.s32 s7, s2  }
0x1e: {  	s7 =	smul.u32 @!p0 $0xF7A, s2;
	p2 =	seq.s32 @!p0 s5, $0x0  }
0x1f: {  	s9 =	smul.u32 $0xF7A, s1;
	s8 =	simm.s32 @!p0 $0x1BF5;
	p2 =	por !p2, p0  }
0x20: {  	[sflag:s8] =	ssyncset.s32 @!p0 $0xFFFFF086;
	s6 =	sadd.s32 @!p0 s3, s7;
	s7 =	simm.s32 @!p0 $0x108  }
0x21: {  	s3 =	sadd.s32 s3, s9;
	s6 =	sadd.s32 @!p0 $0x88, s6;
	s7 =	simm.s32 @p2 $0x1082  }
0x22: {  	[simem:s7], [sflag:s8] =	dma.local @!p0 [hbm:s6], $0xF7A  }
0x23: {  	s9 =	sor.u32 $0xD0000000, s2;
	s6 =	simm.s32 $0x108;
	_ =	swait.ge @!p0 [sflag:s8], $0x0  }
0x24: {  	s3 =	sadd.s32 $0x88, s3;
	s6 =	simm.s32 @!p1 $0x1082;
	[sflag:s4] =	ssyncset.s32 $0xFFFFF086  }
0x25: {  	[simem:s6], [sflag:s4] =	dma.local [hbm:s3], $0xF7A  }
0x26: {  	[smem:$0x3F95] =	sst s1;
	(tag) =	ssettag s2;
	_ =	strace s9  }
0x27: {  	s1 =	sld [smem:$0x3FA5]  }
0x28: {  	s2 =	sld [smem:$0x3FA6]  }
0x29: {  	s4 =	sld [smem:$0x3FA8]  }
0x2a: {  	p0 =	seq.s32 s5, $0x0;
	s5 =	sld [smem:$0x3FA9]  }
0x2b: {  	s6 =	sld [smem:$0x3FAA]  }
0x2c: {  	s7 =	sld [smem:$0x3FAB]  }
0x2d: {  	s3 =	simm.s32 $0x108;
	s8 =	sld [smem:$0x3FAC]  }
0x2e: {  	s3 =	simm.s32 @!p0 $0x1082;
	s9 =	sld [smem:$0x3FAD]  }
0x2f: {  	lr =	sadd.s32 s0, s3;
	s0 =	sld [smem:$0x3FA4]  }
0x30: {  	s3 =	sld [smem:$0x3FA7]  }
0x31: {  	[smem:$0x3FB0] =	sst s10  }
0x32: {  	s10 =	sld [smem:$0x3FAE];
	_ =	sdelay $0x3  }
0x33: {  	p0 =	seq.s32 s10, $0x1;
	s10 =	sld [smem:$0x3FB0];
	_ =	sdelay $0x3  }
0x34: {  	[smem:$0x3FB0] =	sst s10  }
0x35: {  	s10 =	sld [smem:$0x3FAF];
	_ =	sdelay $0x3  }
0x36: {  	p1 =	seq.s32 s10, $0x1;
	s10 =	sld [smem:$0x3FB0];
	_ =	sdelay $0x3  }
0x37: {  	[smem:$0x3FB0] =	sst s10  }
0x38: {  	s10 =	sld [smem:$0x3FB1]  }
0x39: {  	_ = 	snop;
	(pc) =	sbr.ind lr, $3  }
0x3a: {  	_ = 	snop  }
0x3b: {  	_ = 	snop  }
0x3c: {  	p2 =	seq.s32 s10, $0x1;
	s10 =	sld [smem:$0x3FB0]  }
0x3d: {  	_ =	shalt  }
0x3e: {  	_ =	shalt  }
0x3f: {  	_ =	shalt  }
0x40: {  	_ =	shalt  }
0x41: {  	_ =	shalt  }
0x42: {  	_ =	shalt  }
0x43: {  	_ =	shalt  }
0x44: {  	_ =	shalt  }
0x45: {  	_ =	shalt  }
0x46: {  	_ =	shalt  }
0x47: {  	_ =	shalt  }
0x48: {  	_ =	shalt  }
0x49: {  	_ =	shalt  }
0x4a: {  	_ =	shalt  }
0x4b: {  	_ =	shalt  }
0x4c: {  	_ =	shalt  }
0x4d: {  	_ =	shalt  }
0x4e: {  	_ =	shalt  }
0x4f: {  	_ =	shalt  }
0x50: {  	_ =	shalt  }
0x51: {  	_ =	shalt  }
0x52: {  	_ =	shalt  }
0x53: {  	_ =	shalt  }
0x54: {  	_ =	shalt  }
0x55: {  	_ =	shalt  }
0x56: {  	_ =	shalt  }
0x57: {  	_ =	shalt  }
0x58: {  	_ =	shalt  }
0x59: {  	_ =	shalt  }
0x5a: {  	_ =	shalt  }
0x5b: {  	_ =	shalt  }
0x5c: {  	_ =	shalt  }
0x5d: {  	_ =	shalt  }
0x5e: {  	_ =	shalt  }
0x5f: {  	_ =	shalt  }
0x60: {  	_ =	shalt  }
0x61: {  	_ =	shalt  }
0x62: {  	_ =	shalt  }
0x63: {  	_ =	shalt  }
0x64: {  	_ =	shalt  }
0x65: {  	_ =	shalt  }
0x66: {  	_ =	shalt  }
0x67: {  	_ =	shalt  }
0x68: {  	_ =	shalt  }
0x69: {  	_ =	shalt  }
0x6a: {  	_ =	shalt  }
0x6b: {  	_ =	shalt  }
0x6c: {  	_ =	shalt  }
0x6d: {  	_ =	shalt  }
0x6e: {  	_ =	shalt  }
0x6f: {  	_ =	shalt  }
0x70: {  	_ =	shalt  }
0x71: {  	_ =	shalt  }
0x72: {  	_ =	shalt  }
0x73: {  	_ =	shalt  }
0x74: {  	_ =	shalt  }
0x75: {  	_ =	shalt  }
0x76: {  	_ =	shalt  }
0x77: {  	_ =	shalt  }
0x78: {  	_ =	shalt  }
0x79: {  	_ =	shalt  }
0x7a: {  	_ =	shalt  }
0x7b: {  	_ =	shalt  }
0x7c: {  	_ =	shalt  }
0x7d: {  	_ =	shalt  }
0x7e: {  	_ =	shalt  }
0x7f: {  	_ =	shalt  }
0x80: {  	_ =	shalt  }
0x81: {  	_ =	shalt  }
0x82: {  	_ =	shalt  }
0x83: {  	_ =	shalt  }
0x84: {  	_ =	shalt  }
0x85: {  	_ =	shalt  }
0x86: {  	_ =	shalt  }
0x87: {  	_ =	shalt  }
.Lfunc_end0:
.L_simem_size_0:
called_computation.1_lowered:
.L_overlay_start_0:
0x88: {  	s2 =	sld [smem:$0x3FD9]  }
0x89: {  	s3 =	sld [smem:$0x3FFE];
	_ =	sdelay $0x1  }
0x8a: {  	s1 =	srdreg.scid  }
0x8b: {  	s0 =	sand.u32 $0x1, s1  }
0x8c: {  	s16 =	sshll.u32 s0, $0xA;
	s2 =	sadd.s32 s3, s2  }
0x8d: {  	s2 =	sadd.s32 s2, s16  }
0x8e: {  	[smem:$0x3FBC] =	sst s2  }
0x8f: {  	_ = 	snop  }
0x90: {  	(tm) =	ssettm $0x1  }
0x91: {  	s17 =	sld [smem:$0x3FFB];
	_ =	sdelay $0x3  }
0x92: {  	_ =	strace s17  }
0x93: {  	s2 =	sld [smem:$0x3FFC];
	_ =	sdelay $0x3  }
0x94: {  	_ =	strace s2  }
0x95: {  	s2 =	sld [smem:$0x3FFD];
	_ =	sdelay $0x3  }
0x96: {  	_ =	strace s2  }
0x97: {  	_ =	strace $0x8FFFFFFF  }
0x98: {  	s18 =	sld [smem:$0x3FDB];
	_ =	sdelay $0x1  }
0x99: {  	s19 =	simm.s32 $_scs_section_size  }
0x9a: {  	s4 =	simm.s32 $_size__tile_overlayer_lowered;
	s5 =	simm.s32 $_tile_overlayer_lowered  }
0x9b: {  	s22 =	simm.s32 $0x1BFF;
	s21 =	sshll.u32 s5, $0x1;
	s2 =	sadd.s32 s19, s18  }
0x9c: {  	s6 =	simm.s32 $0x0;
	s20 =	sshll.u32 s4, $0x1;
	s4 =	sadd.s32 s21, s2  }
0x9d: {  	[timem:s6], [sflag:s22] =	dma.local [hbm:s4], s20  }
0x9e: {  	_ =	swait.ge [sflag:s22], s20  }
0x9f: {  	s3 =	ssub.s32 $0x0, s20;
	[sflag:s22] =	ssyncset.done $0x0  }
0xa0: {  	[sflag:s22] =	ssyncadd.s32 s3;
	_ =	sdelay $0x1  }
0xa1: {  	s23 =	simm.s32 $0x1B8B  }
0xa2: {  	_ =	swait.ge [sflag:s23], $0x1  }
0xa3: {  	[sflag:s23] =	ssyncset.done $0x0  }
0xa4: {  	s25 =	simm.s32 $0x1B8E;
	s24 =	sld [smem:$0x3FFE];
	[sflag:s23] =	ssyncadd.s32 $0xFFFFFFFF  }
0xa5: {  	s26 =	simm.s32 $execute0_lowered;
	[smem:$0x3FD2] =	sst s25  }
0xa6: {  	s4 =	sshll.u32 s26, $0x1;
	_ =	strace $0x80000049;
	[dreg:$0x1] =	wrdreg $0xFFFFFFFF  }
0xa7: {  	s28 =	simm.s32 $_size_execute0_lowered;
	s2 =	sadd.s32 s2, s4;
	[dreg:$0x0] =	wrdreg $0x0  }
0xa8: {  	s4 =	sshll.u32 s28, $0x1;
	[dreg:$0x2] =	wrdreg s2  }
0xa9: {  	[dreg:$0x3] =	wrdreg s4  }
0xaa: {  	[dreg:$0x4] =	wrdreg $0xC0  }
0xab: {  	_ =	task [dreg:s6], $0x5FFFF  }
0xac: {  	[dreg:$0x1] =	wrdreg $0xFFFFFFFF  }
0xad: {  	[dreg:$0x0] =	wrdreg $0x60  }
0xae: {  	[dreg:$0x2] =	wrdreg s24  }
0xaf: {  	[dreg:$0x3] =	wrdreg $0x0  }
0xb0: {  	[dreg:$0x4] =	wrdreg $0x9  }
0xb1: {  	_ =	task.clear_ibuf [dreg:s6], $0x5FFFF;
	_ =	strace $0x90000049  }
0xb2: {  	s29 =	simm.s32 $0x9;
	_ =	strace $0x8000004B  }
0xb3: {  	_ =	swait.ge [sflag:s29], $0x1  }
0xb4: {  	[sflag:s29] =	ssyncadd.s32 $0xFFFFFFFF  }
0xb5: {  	_ =	strace $0x9000004B  }
0xb6: {  	_ =	sfence  }
0xb7: {  	s30 =	sld [smem:$0x0];
	_ =	sdelay $0x2  }
0xb8: {  	s31 =	sshll.u32 s1, $0xD;
	s1 =	sshrl.u32 s1, $0x2  }
0xb9: {  	s3 =	sand.u32 $0x4000, s31;
	s1 =	sadd.s32 s1, s30  }
0xba: {  	s0 =	sor.u32 s3, s0;
	s1 =	sshll.u32 s1, $0x11  }
0xbb: {  	s0 =	sor.u32 s1, s0  }
0xbc: {  	s0 =	sadd.s32 $0x8F2B, s0  }
0xbd: {  	[sflag:s0] =	ssyncadd.remote.s32 $0x1  }
0xbe: {  	_ =	sfence.sel $0xFFFF  }
0xbf: {  	[dreg:$0x0] =	wrdreg $0xFFFFFFFF;
	(pc) =	sbr.abs _section_cstart, $3  }
0xc0: {  	[dreg:$0x1] =	wrdreg $0xFFFFFFFF  }
0xc1: {  	_ =	task.clear_ibuf [dreg:s6], $0x2FFFF;
	_ =	strace $0x9FFFFFFF  }
0xc2: {  	(tm) =	ssettm $0x7FFFFFFF  }
0xc3: {  	_ =	shalt  }
tec
execute0_lowered:
.L_overlay_start_1:
0x0: {  	(tag) =	ssettag $0x1  }
0x1: {  	s0 =	rddreg [dreg:$0x0]  }
0x2: {  	s1 =	rddreg [dreg:$0x1];
	s2 =	srdreg.scid;
	s3 =	simm.s32 $0x0  }
0x3: {  	s13 =	stileid.u32;
	s2 =	sand.u32 $0x1, s2;
	[smem:$0x7FF] =	sst s3  }
0x4: {  	s4 =	sadd.s32 $0x15600, s0;
	s7 =	sadd.s32 $0xB600, s0;
	s12 =	smul.u32 $0x50000, s13  }
0x5: {  	s9 =	sadd.s32 $0x1600, s0;
	s0 =	sadd.s32 $0x3D600, s0;
	s22 =	smul.u32 $0x14000, s13  }
0x6: {  	s5 =	sshll.u32 s2, $0x4;
	_ =	strace $0x8000004A;
	s6 =	ssub.s32 $0x2, s2  }
0x7: {  	s2 =	smul.u32 $0x140000, s2;
	s5 =	sor.u32 s13, s5;
	s10 =	sshrl.u32 s6, $0x1  }
0x8: {  	s21 =	sshrl.u32 s12, $0x2;
	s26 =	sadd.s32 $0x4000, s22;
	s31 =	sadd.s32 $0x8000, s22  }
0x9: {  	s14 =	sadd.s32 $0xC000, s22;
	s16 =	sadd.s32 $0x10000, s22;
	s8 =	smul.u32 $0x48, s5  }
0xa: {  	s12 =	simm.s32 $0x17000;
	s13 =	simm.s32 $0x1;
	s11 =	smul.u32 $0x50, s5  }
0xb: {  	p0 =	slt.u32 s5, $0x18;
	s10 =	ssub.s32 s6, s10;
	p1 =	seq.s32 s5, $0x1F  }
0xc: {  	s6 =	sadd.s32 s21, s1;
	s15 =	sadd.s32 s22, s2;
	s5 =	sadd.s32 s2, s26  }
0xd: {  	s17 =	sadd.s32 s2, s31;
	s18 =	sadd.s32 s2, s14;
	s25 =	sadd.s32 $0x1000, s6  }
0xe: {  	s2 =	sadd.s32 s2, s16;
	s28 =	sadd.s32 $0x2000, s6;
	[dreg:$0x5] =	wrdreg s25  }
0xf: {  	s22 =	sadd.s32 s31, s1;
	s29 =	sadd.s32 $0x3000, s6;
	[dreg:$0x6] =	wrdreg s28  }
0x10: {  	s30 =	sadd.s32 $0x5000, s6;
	s5 =	sshrl.u32 s5, $0x3;
	[dreg:$0x7] =	wrdreg s29  }
0x11: {  	s2 =	sshrl.u32 s2, $0x3;
	s20 =	sadd.s32 $0x6000, s6;
	[dreg:$0x8] =	wrdreg s30  }
0x12: {  	s21 =	smax.u32 s10, $0x1;
	s31 =	sadd.s32 $0xE000, s6;
	[dreg:$0x10] =	wrdreg s20  }
0x13: {  	s10 =	simm.s32 $0x14000;
	s8 =	sadd.s32 $0xC0, s8;
	[dreg:$0x11] =	wrdreg s21  }
0x14: {  	s5 =	sadd.s32 s0, s5;
	s25 =	sadd.s32 $0x7000, s6;
	[dreg:$0x17] =	wrdreg s31  }
0x15: {  	s28 =	sadd.s32 $0xA000, s6;
	s29 =	sadd.s32 $0xB000, s6;
	[dreg:$0xc] =	wrdreg s5  }
0x16: {  	s30 =	sadd.s32 $0xD000, s6;
	s20 =	simm.s32 $0x4;
	[dreg:$0x12] =	wrdreg s25  }
0x17: {  	s21 =	simm.s32 $0x5;
	s8 =	smov.u32 @p0 s11;
	[dreg:$0x14] =	wrdreg s28  }
0x18: {  	s11 =	sadd.s32 s26, s1;
	s5 =	sshrl.u32 s17, $0x3;
	[dreg:$0x15] =	wrdreg s29  }
0x19: {  	s26 =	sadd.s32 $0x9000, s6;
	[dreg:$0x16] =	wrdreg s30;
	s17 =	simm.s32 $0x2  }
0x1a: {  	s8 =	sshll.u32 s8, $0x4;
	s5 =	sadd.s32 s0, s5;
	[dreg:$0x13] =	wrdreg s26  }
0x1b: {  	s25 =	simm.s32 $0x0;
	s23 =	sadd.s32 s7, s8;
	[dreg:$0xd] =	wrdreg s5  }
0x1c: {  	s24 =	sadd.s32 s9, s8;
	s8 =	sadd.s32 $0x300, s8;
	[dreg:$0x3] =	wrdreg s23  }
0x1d: {  	s5 =	sadd.s32 $0x11000, s6;
	[dreg:$0x4] =	wrdreg s24;
	s7 =	sadd.s32 s7, s8  }
0x1e: {  	s8 =	sadd.s32 s9, s8;
	s23 =	sadd.s32 s14, s1;
	s24 =	sadd.s32 s16, s1  }
0x1f: {  	s14 =	simm.s32 $0x80;
	s16 =	simm.s32 $0x1B000;
	[dreg:$0x9] =	wrdreg s7  }
0x20: {  	[dreg:$0xa] =	wrdreg s8;
	s7 =	sshrl.u32 s15, $0x3;
	s15 =	simm.s32 $0xE  }
0x21: {  	s8 =	sadd.s32 $0x13000, s6;
	s7 =	sadd.s32 s0, s7;
	s15 =	simm.s32 @!p1 $0xC  }
0x22: {  	[dreg:$0xb] =	wrdreg s7;
	s7 =	sshrl.u32 s18, $0x3;
	s15 =	simm.s32 @p0 $0x10  }
0x23: {  	s18 =	simm.s32 $0x6;
	s19 =	sadd.s32 s0, s7;
	s0 =	sadd.s32 s0, s2  }
0x24: {  	s2 =	sadd.s32 $0xF000, s6;
	s7 =	sadd.s32 $0x12000, s6;
	[dreg:$0xe] =	wrdreg s19  }
0x25: {  	v0 =	vimm.f32 $0.0e+00;
	s9 =	sadd.s32 $0xFFFFFFFF, s15;
	[dreg:$0xf] =	wrdreg s0;
	s19 =	simm.s32 $0x3  }
.LBB2_1:
0x26: {  	s0 =	rddreg [dreg:$0x3]  }
0x27: {  	s30 =	rddreg [dreg:$0x4];
	s31 =	sand.u32 $0x3E00, s3  }
0x28: {  	[tilespmem:s10], [sflag:$0x1] =	stream.linear.gather [hbm4b:s0+s3], $0x1800, $0x38;
	[tilespmem:$0x1F000] =	vst v63  }
0x29: {  	s26 =	simm.s32 $0x15800;
	s28 =	sand.u32 $0x70, s3;
	s29 =	sshrl.u32 s31, $0x2  }
0x2a: {  	[tilespmem:s26], [sflag:$0x1] =	stream.linear.gather [hbm4b:s30+s3], $0x1800, $0x38;
	[tilespmem:$0x1F000] =	vst v63  }
0x2b: {  	s29 =	sor.u32 s28, s29;
	s28 =	simm.s32 $0x0;
	s26 =	simm.s32 $0x40  }
.LBB2_2:
0x2c: {  	p0 =	sne.s32 s26, $0x3FC0  }
0x2d: {  	[tilespmem:s29+$0x17000] =	vst v0;
	s28 =	sadd.s32 $0x10, s28;
	s29 =	smov.u32 s26;
	s26 =	sadd.s32 $0x40, s26  }
.Ltmp0:
0x2e: {  	(pc) =	sbr.rel @p0 .LBB2_2-.Ltmp0, $4  }
0x2f: {  	_ = 	snop  }
0x30: {  	s29 =	sand.u32 $0x3E00, s29  }
0x31: {  	s30 =	sand.u32 $0x70, s28;
	s29 =	sshrl.u32 s29, $0x2  }
0x32: {  	s29 =	sor.u32 s30, s29  }
0x33: {  	[tilespmem:s29+$0x17000] =	vst v0  }
0x34: {  	[spmem:s6] =	stream.linear.scatter [tilespmem:s12], [sflag:$0x1], $0x1000, $0x38;
	[tilespmem:$0x1F000] =	vst v63  }
0x35: {  	s0 =	rddreg [dreg:$0x5]  }
0x36: {  	[spmem:s0] =	stream.linear.scatter [tilespmem:s12], [sflag:$0x1], $0x1000, $0x38;
	[tilespmem:$0x1F000] =	vst v63  }
0x37: {  	s31 =	rddreg [dreg:$0x6]  }
0x38: {  	[spmem:s31] =	stream.linear.scatter [tilespmem:s12], [sflag:$0x1], $0x1000, $0x38;
	[tilespmem:$0x1F000] =	vst v63  }
0x39: {  	s26 =	rddreg [dreg:$0x7]  }
0x3a: {  	[spmem:s26] =	stream.linear.scatter [tilespmem:s12], [sflag:$0x1], $0x1000, $0x38;
	[tilespmem:$0x1F000] =	vst v63  }
0x3b: {  	_ = 	snop  }
0x3c: {  	[spmem:s11] =	stream.linear.scatter [tilespmem:s12], [sflag:$0x1], $0x1000, $0x38;
	[tilespmem:$0x1F000] =	vst v63  }
0x3d: {  	s29 =	rddreg [dreg:$0x8]  }
0x3e: {  	[spmem:s29] =	stream.linear.scatter [tilespmem:s12], [sflag:$0x1], $0x1000, $0x38;
	[tilespmem:$0x1F000] =	vst v63  }
0x3f: {  	s30 =	rddreg [dreg:$0x10]  }
0x40: {  	[spmem:s30] =	stream.linear.scatter [tilespmem:s12], [sflag:$0x1], $0x1000, $0x38;
	[tilespmem:$0x1F000] =	vst v63  }
0x41: {  	s31 =	rddreg [dreg:$0x12]  }
0x42: {  	[spmem:s31] =	stream.linear.scatter [tilespmem:s12], [sflag:$0x1], $0x1000, $0x38;
	[tilespmem:$0x1F000] =	vst v63  }
0x43: {  	_ = 	snop  }
0x44: {  	[spmem:s22] =	stream.linear.scatter [tilespmem:s12], [sflag:$0x1], $0x1000, $0x38;
	[tilespmem:$0x1F000] =	vst v63  }
0x45: {  	s26 =	rddreg [dreg:$0x13]  }
0x46: {  	[spmem:s26] =	stream.linear.scatter [tilespmem:s12], [sflag:$0x1], $0x1000, $0x38;
	[tilespmem:$0x1F000] =	vst v63  }
0x47: {  	s29 =	rddreg [dreg:$0x14]  }
0x48: {  	[spmem:s29] =	stream.linear.scatter [tilespmem:s12], [sflag:$0x1], $0x1000, $0x38;
	[tilespmem:$0x1F000] =	vst v63  }
0x49: {  	s30 =	rddreg [dreg:$0x15]  }
0x4a: {  	[spmem:s30] =	stream.linear.scatter [tilespmem:s12], [sflag:$0x1], $0x1000, $0x38;
	[tilespmem:$0x1F000] =	vst v63  }
0x4b: {  	_ = 	snop  }
0x4c: {  	[spmem:s23] =	stream.linear.scatter [tilespmem:s12], [sflag:$0x1], $0x1000, $0x38;
	[tilespmem:$0x1F000] =	vst v63  }
0x4d: {  	s31 =	rddreg [dreg:$0x16]  }
0x4e: {  	[spmem:s31] =	stream.linear.scatter [tilespmem:s12], [sflag:$0x1], $0x1000, $0x38;
	[tilespmem:$0x1F000] =	vst v63  }
0x4f: {  	s26 =	rddreg [dreg:$0x17]  }
0x50: {  	[spmem:s26] =	stream.linear.scatter [tilespmem:s12], [sflag:$0x1], $0x1000, $0x38;
	[tilespmem:$0x1F000] =	vst v63  }
0x51: {  	_ = 	snop  }
0x52: {  	[spmem:s2] =	stream.linear.scatter [tilespmem:s12], [sflag:$0x1], $0x1000, $0x38;
	[tilespmem:$0x1F000] =	vst v63  }
0x53: {  	_ = 	snop  }
0x54: {  	[spmem:s24] =	stream.linear.scatter [tilespmem:s12], [sflag:$0x1], $0x1000, $0x38;
	[tilespmem:$0x1F000] =	vst v63  }
0x55: {  	_ = 	snop  }
0x56: {  	[spmem:s5] =	stream.linear.scatter [tilespmem:s12], [sflag:$0x1], $0x1000, $0x38;
	[tilespmem:$0x1F000] =	vst v63  }
0x57: {  	_ = 	snop  }
0x58: {  	[spmem:s7] =	stream.linear.scatter [tilespmem:s12], [sflag:$0x1], $0x1000, $0x38;
	[tilespmem:$0x1F000] =	vst v63  }
0x59: {  	_ = 	snop  }
0x5a: {  	[spmem:s8] =	stream.linear.scatter [tilespmem:s12], [sflag:$0x1], $0x1000, $0x38;
	[tilespmem:$0x1F000] =	vst v63  }
0x5b: {  	_ =	swait.ge [sflag:s13], $0x1000  }
0x5c: {  	[sflag:s13] =	ssyncset.done $0x0  }
0x5d: {  	[sflag:s13] =	ssyncadd.s32 $0xFFFFF000  }
0x5e: {  	_ =	swait.ge [sflag:s13], $0x1000  }
0x5f: {  	[sflag:s13] =	ssyncset.done $0x0  }
0x60: {  	[sflag:s13] =	ssyncadd.s32 $0xFFFFF000  }
0x61: {  	_ =	swait.ge [sflag:s13], $0x1000  }
0x62: {  	[sflag:s13] =	ssyncset.done $0x0  }
0x63: {  	[sflag:s13] =	ssyncadd.s32 $0xFFFFF000  }
0x64: {  	_ =	swait.ge [sflag:s13], $0x1000  }
0x65: {  	[sflag:s13] =	ssyncset.done $0x0  }
0x66: {  	[sflag:s13] =	ssyncadd.s32 $0xFFFFF000  }
0x67: {  	_ =	swait.ge [sflag:s13], $0x1000  }
0x68: {  	[sflag:s13] =	ssyncset.done $0x0  }
0x69: {  	[sflag:s13] =	ssyncadd.s32 $0xFFFFF000  }
0x6a: {  	_ =	swait.ge [sflag:s13], $0x1000  }
0x6b: {  	[sflag:s13] =	ssyncset.done $0x0  }
0x6c: {  	[sflag:s13] =	ssyncadd.s32 $0xFFFFF000  }
0x6d: {  	_ =	swait.ge [sflag:s13], $0x1000  }
0x6e: {  	[sflag:s13] =	ssyncset.done $0x0  }
0x6f: {  	[sflag:s13] =	ssyncadd.s32 $0xFFFFF000  }
0x70: {  	_ =	swait.ge [sflag:s13], $0x1000  }
0x71: {  	[sflag:s13] =	ssyncset.done $0x0  }
0x72: {  	[sflag:s13] =	ssyncadd.s32 $0xFFFFF000  }
0x73: {  	_ =	swait.ge [sflag:s13], $0x1000  }
0x74: {  	[sflag:s13] =	ssyncset.done $0x0  }
0x75: {  	[sflag:s13] =	ssyncadd.s32 $0xFFFFF000  }
0x76: {  	_ =	swait.ge [sflag:s13], $0x1000  }
0x77: {  	[sflag:s13] =	ssyncset.done $0x0  }
0x78: {  	[sflag:s13] =	ssyncadd.s32 $0xFFFFF000  }
0x79: {  	_ =	swait.ge [sflag:s13], $0x1000  }
0x7a: {  	[sflag:s13] =	ssyncset.done $0x0  }
0x7b: {  	[sflag:s13] =	ssyncadd.s32 $0xFFFFF000  }
0x7c: {  	_ =	swait.ge [sflag:s13], $0x1000  }
0x7d: {  	[sflag:s13] =	ssyncset.done $0x0  }
0x7e: {  	[sflag:s13] =	ssyncadd.s32 $0xFFFFF000  }
0x7f: {  	_ =	swait.ge [sflag:s13], $0x1000  }
0x80: {  	[sflag:s13] =	ssyncset.done $0x0  }
0x81: {  	[sflag:s13] =	ssyncadd.s32 $0xFFFFF000  }
0x82: {  	_ =	swait.ge [sflag:s13], $0x1000  }
0x83: {  	[sflag:s13] =	ssyncset.done $0x0  }
0x84: {  	[sflag:s13] =	ssyncadd.s32 $0xFFFFF000  }
0x85: {  	_ =	swait.ge [sflag:s13], $0x1000  }
0x86: {  	[sflag:s13] =	ssyncset.done $0x0  }
0x87: {  	[sflag:s13] =	ssyncadd.s32 $0xFFFFF000  }
0x88: {  	_ =	swait.ge [sflag:s13], $0x1000  }
0x89: {  	[sflag:s13] =	ssyncset.done $0x0  }
0x8a: {  	[sflag:s13] =	ssyncadd.s32 $0xFFFFF000  }
0x8b: {  	_ =	swait.ge [sflag:s13], $0x1000  }
0x8c: {  	[sflag:s13] =	ssyncset.done $0x0  }
0x8d: {  	[sflag:s13] =	ssyncadd.s32 $0xFFFFF000  }
0x8e: {  	_ =	swait.ge [sflag:s13], $0x1000  }
0x8f: {  	[sflag:s13] =	ssyncset.done $0x0  }
0x90: {  	[sflag:s13] =	ssyncadd.s32 $0xFFFFF000  }
0x91: {  	_ =	swait.ge [sflag:s13], $0x1000  }
0x92: {  	[sflag:s13] =	ssyncset.done $0x0  }
0x93: {  	[sflag:s13] =	ssyncadd.s32 $0xFFFFF000  }
0x94: {  	_ =	swait.ge [sflag:s13], $0x1000  }
0x95: {  	[sflag:s13] =	ssyncset.done $0x0  }
0x96: {  	[sflag:s13] =	ssyncadd.s32 $0xFFFFF000  }
0x97: {  	_ =	swait.ge [sflag:s13], $0x1800  }
0x98: {  	[sflag:s13] =	ssyncset.done $0x0  }
0x99: {  	[sflag:s13] =	ssyncadd.s32 $0xFFFFE800  }
0x9a: {  	_ =	swait.ge [sflag:s13], $0x1800  }
0x9b: {  	[sflag:s13] =	ssyncset.done $0x0  }
0x9c: {  	[sflag:s13] =	ssyncadd.s32 $0xFFFFE800  }
0x9d: {  	[bflag:$0x0] =	sbarrier.arrive $0xFFFF  }
0x9e: {  	[tilespmem:s12], [sflag:$0x2] =	stream.indirect.gather [hbm4b:s4+s14], $0x80, s10, s14, $0xb8;
	[tilespmem:$0x1F000] =	vst v63  }
0x9f: {  	s26 =	simm.s32 $0x14080  }
0xa0: {  	[tilespmem:s16], [sflag:$0x3] =	stream.indirect.gather [hbm4b:s4+s14], $0x80, s26, s14, $0xb8;
	[tilespmem:$0x1F000] =	vst v63  }
0xa1: {  	_ =	swait.ge [sflag:s17], $0x4000  }
0xa2: {  	[sflag:s17] =	ssyncset.done $0x0  }
0xa3: {  	s29 =	simm.s32 $0x15800;
	[sflag:s17] =	ssyncadd.s32 $0xFFFFC000  }
0xa4: {  	[spmem:s1] =	stream.indirect.scatter.add.f32 [tilespmem:s12], [sflag:$0x6], $0x80, s29, s14, $0xb8;
	[tilespmem:$0x1F000] =	vst v63  }
0xa5: {  	_ =	swait.ge [sflag:s18], $0x4000  }
0xa6: {  	[sflag:s18] =	ssyncset.done $0x0  }
0xa7: {  	s30 =	simm.s32 $0x14100;
	[sflag:s18] =	ssyncadd.s32 $0xFFFFC000  }
0xa8: {  	[tilespmem:s12], [sflag:$0x2] =	stream.indirect.gather [hbm4b:s4+s14], $0x80, s30, s14, $0xb8;
	[tilespmem:$0x1F000] =	vst v63  }
0xa9: {  	_ =	swait.ge [sflag:s19], $0x4000  }
0xaa: {  	[sflag:s19] =	ssyncset.done $0x0  }
0xab: {  	s31 =	simm.s32 $0x15880;
	[sflag:s19] =	ssyncadd.s32 $0xFFFFC000  }
0xac: {  	[spmem:s1] =	stream.indirect.scatter.add.f32 [tilespmem:s16], [sflag:$0x6], $0x80, s31, s14, $0xb8;
	[tilespmem:$0x1F000] =	vst v63  }
0xad: {  	_ =	swait.ge [sflag:s18], $0x4000  }
0xae: {  	s28 =	simm.s32 $0x800;
	s26 =	simm.s32 $0x100;
	[sflag:s18] =	ssyncset.done $0x0  }
.LBB2_4:
0xaf: {  	s29 =	sadd.s32 $0x14080, s26  }
0xb0: {  	[sflag:s18] =	ssyncadd.s32 $0xFFFFC000;
	s30 =	smov.u32 s28;
	s31 =	sadd.s32 $0x400, s28  }
0xb1: {  	[tilespmem:s16], [sflag:$0x3] =	stream.indirect.gather [hbm4b:s4+s14], $0x80, s29, s14, $0xb8;
	[tilespmem:$0x1F000] =	vst v63  }
0xb2: {  	p0 =	sne.s32 s28, $0x5800;
	_ =	swait.ge [sflag:s17], $0x4000  }
0xb3: {  	[sflag:s17] =	ssyncset.done $0x0  }
0xb4: {  	s28 =	sadd.s32 $0x15800, s26;
	[sflag:s17] =	ssyncadd.s32 $0xFFFFC000  }
0xb5: {  	[spmem:s1] =	stream.indirect.scatter.add.f32 [tilespmem:s12], [sflag:$0x6], $0x80, s28, s14, $0xb8;
	[tilespmem:$0x1F000] =	vst v63  }
0xb6: {  	_ =	swait.ge [sflag:s18], $0x4000  }
0xb7: {  	[sflag:s18] =	ssyncset.done $0x0  }
0xb8: {  	s28 =	sadd.s32 $0x14100, s26;
	[sflag:s18] =	ssyncadd.s32 $0xFFFFC000  }
0xb9: {  	[tilespmem:s12], [sflag:$0x2] =	stream.indirect.gather [hbm4b:s4+s14], $0x80, s28, s14, $0xb8;
	[tilespmem:$0x1F000] =	vst v63  }
0xba: {  	_ =	swait.ge [sflag:s19], $0x4000  }
.Ltmp1:
0xbb: {  	[sflag:s19] =	ssyncset.done $0x0;
	(pc) =	sbr.rel @p0 .LBB2_4-.Ltmp1, $4  }
0xbc: {  	s26 =	sadd.s32 $0x15880, s26;
	[sflag:s19] =	ssyncadd.s32 $0xFFFFC000  }
0xbd: {  	[spmem:s1] =	stream.indirect.scatter.add.f32 [tilespmem:s16], [sflag:$0x6], $0x80, s26, s14, $0xb8;
	[tilespmem:$0x1F000] =	vst v63  }
0xbe: {  	_ =	swait.ge [sflag:s18], $0x4000  }
0xbf: {  	s28 =	smov.u32 s31;
	s26 =	sshra.s32 s30, $0x2;
	[sflag:s18] =	ssyncset.done $0x0  }
0xc0: {  	s28 =	sadd.s32 $0x14080, s26;
	[sflag:s18] =	ssyncadd.s32 $0xFFFFC000  }
0xc1: {  	[tilespmem:s16], [sflag:$0x3] =	stream.indirect.gather [hbm4b:s4+s14], $0x80, s28, s14, $0xb8;
	[tilespmem:$0x1F000] =	vst v63  }
0xc2: {  	_ =	swait.ge [sflag:s17], $0x4000  }
0xc3: {  	[sflag:s17] =	ssyncset.done $0x0  }
0xc4: {  	s28 =	sadd.s32 $0x15800, s26;
	[sflag:s17] =	ssyncadd.s32 $0xFFFFC000  }
0xc5: {  	[spmem:s1] =	stream.indirect.scatter.add.f32 [tilespmem:s12], [sflag:$0x6], $0x80, s28, s14, $0xb8;
	[tilespmem:$0x1F000] =	vst v63  }
0xc6: {  	_ =	swait.ge [sflag:s18], $0x4000  }
0xc7: {  	[sflag:s18] =	ssyncset.done $0x0  }
0xc8: {  	s28 =	sadd.s32 $0x14100, s26;
	[sflag:s18] =	ssyncadd.s32 $0xFFFFC000  }
0xc9: {  	[tilespmem:s12], [sflag:$0x2] =	stream.indirect.gather [hbm4b:s4+s14], $0x80, s28, s14, $0xb8;
	[tilespmem:$0x1F000] =	vst v63  }
0xca: {  	_ =	swait.ge [sflag:s19], $0x4000  }
0xcb: {  	[sflag:s19] =	ssyncset.done $0x0  }
0xcc: {  	s0 =	sadd.s32 $0x15880, s26;
	[sflag:s19] =	ssyncadd.s32 $0xFFFFC000  }
0xcd: {  	[spmem:s1] =	stream.indirect.scatter.add.f32 [tilespmem:s16], [sflag:$0x6], $0x80, s0, s14, $0xb8;
	[tilespmem:$0x1F000] =	vst v63  }
0xce: {  	_ =	swait.ge [sflag:s18], $0x4000  }
0xcf: {  	[sflag:s18] =	ssyncset.done $0x0  }
0xd0: {  	s0 =	simm.s32 $0x15780;
	[sflag:s18] =	ssyncadd.s32 $0xFFFFC000  }
0xd1: {  	[tilespmem:s16], [sflag:$0x3] =	stream.indirect.gather [hbm4b:s4+s14], $0x80, s0, s14, $0xb8;
	[tilespmem:$0x1F000] =	vst v63  }
0xd2: {  	_ =	swait.ge [sflag:s17], $0x4000  }
0xd3: {  	[sflag:s17] =	ssyncset.done $0x0  }
0xd4: {  	s26 =	simm.s32 $0x16F00;
	[sflag:s17] =	ssyncadd.s32 $0xFFFFC000  }
0xd5: {  	[spmem:s1] =	stream.indirect.scatter.add.f32 [tilespmem:s12], [sflag:$0x6], $0x80, s26, s14, $0xb8;
	[tilespmem:$0x1F000] =	vst v63  }
0xd6: {  	_ =	swait.ge [sflag:s18], $0x4000  }
0xd7: {  	[sflag:s18] =	ssyncset.done $0x0  }
0xd8: {  	[sflag:s18] =	ssyncadd.s32 $0xFFFFC000  }
0xd9: {  	_ =	swait.ge [sflag:s19], $0x4000  }
0xda: {  	[sflag:s19] =	ssyncset.done $0x0  }
0xdb: {  	s31 =	simm.s32 $0x16F80;
	[sflag:s19] =	ssyncadd.s32 $0xFFFFC000  }
0xdc: {  	[spmem:s1] =	stream.indirect.scatter.add.f32 [tilespmem:s16], [sflag:$0x6], $0x80, s31, s14, $0xb8;
	[tilespmem:$0x1F000] =	vst v63  }
0xdd: {  	_ =	swait.ge [sflag:s18], $0x4000  }
0xde: {  	[sflag:s18] =	ssyncset.done $0x0  }
0xdf: {  	s30 =	simm.s32 $0x0;
	s26 =	rddreg [dreg:$0x9];
	[sflag:s18] =	ssyncadd.s32 $0xFFFFC000  }
0xe0: {  	[tilespmem:s10], [sflag:$0x6] =	stream.linear.gather [hbm4b:s26+s30], $0x1800, $0x38;
	[tilespmem:$0x1F000] =	vst v63  }
0xe1: {  	_ =	swait.ge [sflag:s18], $0x1800  }
0xe2: {  	p1 =	sne.s32 s15, $0x1;
	[sflag:s18] =	ssyncset.done $0x0  }
0xe3: {  	s26 =	simm.s32 $0x15800;
	s31 =	rddreg [dreg:$0xa];
	[sflag:s18] =	ssyncadd.s32 $0xFFFFE800  }
0xe4: {  	[tilespmem:s26], [sflag:$0x6] =	stream.linear.gather [hbm4b:s31+s30], $0x1800, $0x38;
	[tilespmem:$0x1F000] =	vst v63  }
.Ltmp2:
0xe5: {  	_ = 	snop;
	(pc) =	sbr.rel @!p1 .LBB2_10-.Ltmp2, $4  }
0xe6: {  	_ =	swait.ge [sflag:s18], $0x1800  }
0xe7: {  	s29 =	simm.s32 $0x1;
	[sflag:s18] =	ssyncset.done $0x0  }
0xe8: {  	p0 =	por $0x0, $0x0;
	s28 =	simm.s32 $0x14100;
	[sflag:s18] =	ssyncadd.s32 $0xFFFFE800  }
0xe9: {  	[tilespmem:s12], [sflag:$0x2] =	stream.indirect.gather [hbm4b:s4+s14], $0x80, s10, s14, $0xb8;
	[tilespmem:$0x1F000] =	vst v63  }
0xea: {  	s30 =	simm.s32 $0x14080  }
0xeb: {  	[tilespmem:s16], [sflag:$0x3] =	stream.indirect.gather [hbm4b:s4+s14], $0x80, s30, s14, $0xb8;
	[tilespmem:$0x1F000] =	vst v63  }
0xec: {  	_ =	swait.ge [sflag:s17], $0x4000  }
0xed: {  	[sflag:s17] =	ssyncset.done $0x0  }
0xee: {  	[sflag:s17] =	ssyncadd.s32 $0xFFFFC000  }
0xef: {  	[spmem:s1] =	stream.indirect.scatter.add.f32 [tilespmem:s12], [sflag:$0x6], $0x80, s26, s14, $0xb8;
	[tilespmem:$0x1F000] =	vst v63  }
0xf0: {  	_ =	swait.ge [sflag:s18], $0x4000  }
0xf1: {  	p0 =	sle.s32 s9, $0x0;
	[sflag:s18] =	ssyncset.done $0x0  }
0xf2: {  	s30 =	simm.s32 @!p0 $0x17000;
	s26 =	simm.s32 @!p0 $0x80;
	[sflag:s18] =	ssyncadd.s32 $0xFFFFC000  }
0xf3: {  	[tilespmem:s30], [sflag:$0x2] =	stream.indirect.gather @!p0 [hbm4b:s4+s26], $0x80, s28, s26, $0xb8;
	[tilespmem:$0x1F000] =	vst v63  }
0xf4: {  	p1 =	sne.s32 s15, $0x2;
	_ =	swait.ge [sflag:s19], $0x4000  }
.Ltmp3:
0xf5: {  	[sflag:s19] =	ssyncset.done $0x0;
	(pc) =	sbr.rel @!p1 .LBB2_7-.Ltmp3, $4  }
0xf6: {  	s31 =	simm.s32 $0x15880;
	[sflag:s19] =	ssyncadd.s32 $0xFFFFC000  }
0xf7: {  	[spmem:s1] =	stream.indirect.scatter.add.f32 [tilespmem:s16], [sflag:$0x6], $0x80, s31, s14, $0xb8;
	[tilespmem:$0x1F000] =	vst v63  }
0xf8: {  	s30 =	simm.s32 $0x2;
	s28 =	simm.s32 $0x14200;
	_ =	swait.ge [sflag:s18], $0x4000  }
0xf9: {  	s26 =	simm.s32 $0x15900;
	p0 =	por $0x1, $0x1;
	[sflag:s18] =	ssyncset.done $0x0  }
.LBB2_8:
0xfa: {  	s31 =	sadd.s32 $0xFFFFFF80, s28  }
0xfb: {  	[sflag:s18] =	ssyncadd.s32 $0xFFFFC000;
	s0 =	smov.u32 s30;
	s30 =	sadd.s32 $0x1, s30  }
0xfc: {  	[tilespmem:s16], [sflag:$0x3] =	stream.indirect.gather [hbm4b:s4+s14], $0x80, s31, s14, $0xb8;
	[tilespmem:$0x1F000] =	vst v63  }
0xfd: {  	p1 =	sne.s32 s15, s30;
	_ =	swait.ge [sflag:s17], $0x4000  }
0xfe: {  	[sflag:s17] =	ssyncset.done $0x0  }
0xff: {  	[sflag:s17] =	ssyncadd.s32 $0xFFFFC000  }
0x100: {  	[spmem:s1] =	stream.indirect.scatter.add.f32 [tilespmem:s12], [sflag:$0x6], $0x80, s26, s14, $0xb8;
	[tilespmem:$0x1F000] =	vst v63  }
0x101: {  	_ =	swait.ge [sflag:s18], $0x4000  }
0x102: {  	p2 =	sge.s32 s29, s9;
	s29 =	smov.u32 s0;
	[sflag:s18] =	ssyncset.done $0x0  }
0x103: {  	s0 =	simm.s32 @!p2 $0x80;
	s31 =	simm.s32 @!p2 $0x17000;
	[sflag:s18] =	ssyncadd.s32 $0xFFFFC000  }
0x104: {  	[tilespmem:s31], [sflag:$0x2] =	stream.indirect.gather @!p2 [hbm4b:s4+s0], $0x80, s28, s0, $0xb8;
	[tilespmem:$0x1F000] =	vst v63  }
0x105: {  	_ =	swait.ge [sflag:s19], $0x4000  }
.Ltmp4:
0x106: {  	[sflag:s19] =	ssyncset.done $0x0;
	(pc) =	sbr.rel @p1 .LBB2_8-.Ltmp4, $4  }
0x107: {  	s0 =	sadd.s32 $0x80, s26;
	[sflag:s19] =	ssyncadd.s32 $0xFFFFC000  }
0x108: {  	[spmem:s1] =	stream.indirect.scatter.add.f32 [tilespmem:s16], [sflag:$0x6], $0x80, s0, s14, $0xb8;
	[tilespmem:$0x1F000] =	vst v63  }
0x109: {  	_ =	swait.ge [sflag:s18], $0x4000  }
0x10a: {  	s28 =	sadd.s32 $0x100, s28;
	s26 =	sadd.s32 $0x100, s26;
	[sflag:s18] =	ssyncset.done $0x0  }
0x10b: {  	s30 =	smov.u32 s29  }
.LBB2_10:
0x10c: {  	s0 =	sadd.s32 $0xFFFFFF80, s28;
	[sflag:s18] =	ssyncadd.s32 @p0 $0xFFFFC000  }
0x10d: {  	[tilespmem:s16], [sflag:$0x3] =	stream.indirect.gather [hbm4b:s4+s14], $0x80, s0, s14, $0xb8;
	[tilespmem:$0x1F000] =	vst v63  }
0x10e: {  	_ =	swait.ge [sflag:s17], $0x4000  }
0x10f: {  	[sflag:s17] =	ssyncset.done $0x0  }
0x110: {  	[sflag:s17] =	ssyncadd.s32 $0xFFFFC000  }
0x111: {  	[spmem:s1] =	stream.indirect.scatter.add.f32 [tilespmem:s12], [sflag:$0x6], $0x80, s26, s14, $0xb8;
	[tilespmem:$0x1F000] =	vst v63  }
0x112: {  	_ =	swait.ge [sflag:s18], $0x4000  }
0x113: {  	p0 =	sge.s32 s30, s9;
	[sflag:s18] =	ssyncset.done $0x0  }
0x114: {  	s0 =	simm.s32 @!p0 $0x80;
	s29 =	simm.s32 @!p0 $0x17000;
	[sflag:s18] =	ssyncadd.s32 $0xFFFFC000  }
0x115: {  	[tilespmem:s29], [sflag:$0x2] =	stream.indirect.gather @!p0 [hbm4b:s4+s0], $0x80, s28, s0, $0xb8;
	[tilespmem:$0x1F000] =	vst v63  }
0x116: {  	_ =	swait.ge [sflag:s19], $0x4000  }
0x117: {  	[sflag:s19] =	ssyncset.done $0x0  }
0x118: {  	s30 =	sadd.s32 $0x80, s26;
	[sflag:s19] =	ssyncadd.s32 $0xFFFFC000  }
0x119: {  	[spmem:s1] =	stream.indirect.scatter.add.f32 [tilespmem:s16], [sflag:$0x6], $0x80, s30, s14, $0xb8;
	[tilespmem:$0x1F000] =	vst v63  }
0x11a: {  	_ =	swait.ge [sflag:s18], $0x4000  }
0x11b: {  	[sflag:s18] =	ssyncset.done $0x0  }
0x11c: {  	[sflag:s18] =	ssyncadd.s32 $0xFFFFC000  }
0x11d: {  	[bflag:$0x0] =	sbarrier.arrive $0xFFFF  }
0x11e: {  	[tilespmem:s12], [sflag:$0x6] =	stream.linear.gather [spmem:s6], $0x4000, $0x38;
	[tilespmem:$0x1F000] =	vst v63  }
0x11f: {  	_ =	swait.ge [sflag:s18], $0x4000  }
0x120: {  	[sflag:s18] =	ssyncset.done $0x0  }
0x121: {  	s31 =	rddreg [dreg:$0xb];
	[sflag:s18] =	ssyncadd.s32 $0xFFFFC000  }
0x122: {  	[hbm4b:s31+s3] =	stream.linear.scatter [tilespmem:s12], [sflag:$0x4], $0x4000, $0x38;
	[tilespmem:$0x1F000] =	vst v63  }
0x123: {  	_ = 	snop  }
0x124: {  	[tilespmem:s16], [sflag:$0x6] =	stream.linear.gather [spmem:s11], $0x4000, $0x38;
	[tilespmem:$0x1F000] =	vst v63  }
0x125: {  	_ =	swait.ge [sflag:s18], $0x4000  }
0x126: {  	[sflag:s18] =	ssyncset.done $0x0  }
0x127: {  	s26 =	rddreg [dreg:$0xc];
	[sflag:s18] =	ssyncadd.s32 $0xFFFFC000  }
0x128: {  	[hbm4b:s26+s3] =	stream.linear.scatter [tilespmem:s16], [sflag:$0x5], $0x4000, $0x38;
	[tilespmem:$0x1F000] =	vst v63  }
0x129: {  	_ =	swait.ge [sflag:s20], $0x4000  }
0x12a: {  	[sflag:s20] =	ssyncset.done $0x0  }
0x12b: {  	[sflag:s20] =	ssyncadd.s32 $0xFFFFC000  }
0x12c: {  	[tilespmem:s12], [sflag:$0x6] =	stream.linear.gather [spmem:s22], $0x4000, $0x38;
	[tilespmem:$0x1F000] =	vst v63  }
0x12d: {  	_ =	swait.ge [sflag:s18], $0x4000  }
0x12e: {  	[sflag:s18] =	ssyncset.done $0x0  }
0x12f: {  	s28 =	rddreg [dreg:$0xd];
	[sflag:s18] =	ssyncadd.s32 $0xFFFFC000  }
0x130: {  	[hbm4b:s28+s3] =	stream.linear.scatter [tilespmem:s12], [sflag:$0x4], $0x4000, $0x38;
	[tilespmem:$0x1F000] =	vst v63  }
0x131: {  	_ =	swait.ge [sflag:s21], $0x4000  }
0x132: {  	[sflag:s21] =	ssyncset.done $0x0  }
0x133: {  	[sflag:s21] =	ssyncadd.s32 $0xFFFFC000  }
0x134: {  	[tilespmem:s16], [sflag:$0x6] =	stream.linear.gather [spmem:s23], $0x4000, $0x38;
	[tilespmem:$0x1F000] =	vst v63  }
0x135: {  	_ =	swait.ge [sflag:s18], $0x4000  }
0x136: {  	[sflag:s18] =	ssyncset.done $0x0  }
0x137: {  	s29 =	rddreg [dreg:$0xe];
	[sflag:s18] =	ssyncadd.s32 $0xFFFFC000  }
0x138: {  	[hbm4b:s29+s3] =	stream.linear.scatter [tilespmem:s16], [sflag:$0x5], $0x4000, $0x38;
	[tilespmem:$0x1F000] =	vst v63  }
0x139: {  	_ =	swait.ge [sflag:s20], $0x4000  }
0x13a: {  	[sflag:s20] =	ssyncset.done $0x0  }
0x13b: {  	[sflag:s20] =	ssyncadd.s32 $0xFFFFC000  }
0x13c: {  	[tilespmem:s12], [sflag:$0x6] =	stream.linear.gather [spmem:s24], $0x4000, $0x38;
	[tilespmem:$0x1F000] =	vst v63  }
0x13d: {  	_ =	swait.ge [sflag:s18], $0x4000  }
0x13e: {  	[sflag:s18] =	ssyncset.done $0x0  }
0x13f: {  	s30 =	rddreg [dreg:$0xf];
	[sflag:s18] =	ssyncadd.s32 $0xFFFFC000  }
0x140: {  	[hbm4b:s30+s3] =	stream.linear.scatter [tilespmem:s12], [sflag:$0x4], $0x4000, $0x38;
	[tilespmem:$0x1F000] =	vst v63  }
0x141: {  	_ =	swait.ge [sflag:s21], $0x4000  }
0x142: {  	[sflag:s21] =	ssyncset.done $0x0  }
0x143: {  	[sflag:s21] =	ssyncadd.s32 $0xFFFFC000  }
0x144: {  	_ =	swait.ge [sflag:s20], $0x4000  }
0x145: {  	s25 =	sadd.s32 $0x1, s25;
	s31 =	rddreg [dreg:$0x11]  }
0x146: {  	p0 =	sne.s32 s25, s31  }
.Ltmp5:
0x147: {  	_ = 	snop;
	(pc) =	sbr.rel @p0 .LBB2_1-.Ltmp5, $4  }
.Ltmp6:
0x148: {  	_ = 	snop;
	(pc) =	sbr.rel @!p0 .LBB2_11-.Ltmp6, $4  }
0x149: {  	_ = 	snop  }
0x14a: {  	[sflag:s20] =	ssyncset.done $0x0  }
0x14b: {  	[sflag:s20] =	ssyncadd.s32 $0xFFFFC000  }
0x14c: {  	_ = 	snop  }
.LBB2_7:
.Ltmp7:
0x14d: {  	(pc) =	sbr.rel .LBB2_10-.Ltmp7, $2  }
0x14e: {  	_ =	sdelay $0x2  }
0x14f: {  	s30 =	simm.s32 $0x1  }
.LBB2_11:
0x150: {  	_ =	sfence.sel $0x180000  }
0x151: {  	[bflag:$0x0] =	sbarrier.arrive $0xFFFF  }
0x152: {  	_ =	strace $0x9000004A  }
0x153: {  	s0 =	stileid.u32;
	[bflag:$0x2] =	sbarrier.arrive $0xFFFF  }
0x154: {  	p0 =	sne.s32 s0, $0x0;
	s0 =	rddreg [dreg:$0x2]  }
0x155: {  	s0 =	sadd.s32 @!p0 $0x100000, s0  }
0x156: {  	[sflag:s0] =	ssyncadd.tile.s32 @!p0 $0x1;
	_ =	shalt  }
.Lfunc_end2:
_tile_overlayer_lowered:
.L_overlay_start_2:
0x157: {  	(tag) =	ssettag $0x2  }
0x158: {  	s0 =	rddreg [dreg:$0x0];
	s2 =	stileid.u32  }
0x159: {  	s1 =	rddreg [dreg:$0x1];
	p0 =	sne.s32 s2, $0x0  }
0x15a: {  	s3 =	rddreg [dreg:$0x2];
	[bflag:$0x3] =	sbarrier.arrive $0xFFFF;
	s2 =	simm.s32 @!p0 $0x1C06  }
0x15b: {  	[timem:s3], [sflag:s2] =	dma.local @!p0 [hbm:s0], s1  }
0x15c: {  	s0 =	simm.s32 @!p0 $0x6  }
0x15d: {  	_ =	swait.ge @!p0 [sflag:s0], s1  }
0x15e: {  	s1 =	ssub.s32 @!p0 $0x0, s1;
	[sflag:s0] =	ssyncset.done @!p0 $0x0  }
0x15f: {  	[sflag:s0] =	ssyncadd.s32 @!p0 s1  }
0x160: {  	[bflag:$0x3] =	sbarrier.arrive $0xFFFF  }
0x161: {  	_ =	shalt  }

// kernel: kernel.15.cloned.1.call-start
scs
__scs_entry_jumppad:
0x0: {  	(pc) =	sbr.rel $0x88, $3  }
0x1: {  	(tag) =	ssettag $0x0;
	lr =	simm.s32 $0x1  }
0x2: {  	[smem:$0x3F95] =	sst lr;
	_ =	strace $0xD0000000  }
0x3: {  	_ = 	snop  }
0x4: {  	_ = 	snop  }
0x5: {  	_ = 	snop  }
0x6: {  	_ = 	snop  }
0x7: {  	_ = 	snop  }
__scs_overlays_trampoline_lowered:
0x8: {  	[smem:$0x3FA4] =	sst s0  }
0x9: {  	[smem:$0x3FA5] =	sst s1  }
0xa: {  	[smem:$0x3FA6] =	sst s2  }
0xb: {  	[smem:$0x3FA7] =	sst s3  }
0xc: {  	[smem:$0x3FA8] =	sst s4  }
0xd: {  	[smem:$0x3FA9] =	sst s5  }
0xe: {  	[smem:$0x3FAA] =	sst s6  }
0xf: {  	[smem:$0x3FAB] =	sst s7  }
0x10: {  	[smem:$0x3FAC] =	sst s8  }
0x11: {  	[smem:$0x3FAD] =	sst s9;
	s0 =	simm.s32 @!p0 $0x0  }
0x12: {  	s1 =	sld [smem:$0x3F93];
	s0 =	simm.s32 @p0 $0x1  }
0x13: {  	[smem:$0x3FAE] =	sst s0;
	s0 =	simm.s32 @!p1 $0x0  }
0x14: {  	s2 =	sld [smem:$0x3F92];
	s0 =	simm.s32 @p1 $0x1  }
0x15: {  	[smem:$0x3FAF] =	sst s0;
	s0 =	simm.s32 @!p2 $0x0  }
0x16: {  	s3 =	sld [smem:$0x3FDB];
	s0 =	simm.s32 @p2 $0x1  }
0x17: {  	s4 =	simm.s32 $0x1BF5;
	[smem:$0x3FB1] =	sst s0  }
0x18: {  	s0 =	sld [smem:$0x3F94];
	_ =	swait.ge [sflag:s4], $0x0  }
0x19: {  	s7 =	sld [smem:$0x3F95]  }
0x1a: {  	s8 =	sadd.s32 $0xFFFFE003, lr  }
0x1b: {  	s9 =	sadd.s32 $0xFFFFFEF7, lr;
	s5 =	simm.s32 $0xFFFFFFFF;
	p2 =	slt.u32 s8, $0xFFFFF086  }
0x1c: {  	p1 =	slt.u32 s9, $0xF7A;
	s5 =	simm.s32 @!p2 $0x0  }
0x1d: {  	s5 =	simm.s32 @p1 $0x1;
	p0 =	seq.s32 s7, s2  }
0x1e: {  	s7 =	smul.u32 @!p0 $0xF7A, s2;
	p2 =	seq.s32 @!p0 s5, $0x0  }
0x1f: {  	s9 =	smul.u32 $0xF7A, s1;
	s8 =	simm.s32 @!p0 $0x1BF5;
	p2 =	por !p2, p0  }
0x20: {  	[sflag:s8] =	ssyncset.s32 @!p0 $0xFFFFF086;
	s6 =	sadd.s32 @!p0 s3, s7;
	s7 =	simm.s32 @!p0 $0x108  }
0x21: {  	s3 =	sadd.s32 s3, s9;
	s6 =	sadd.s32 @!p0 $0x88, s6;
	s7 =	simm.s32 @p2 $0x1082  }
0x22: {  	[simem:s7], [sflag:s8] =	dma.local @!p0 [hbm:s6], $0xF7A  }
0x23: {  	s9 =	sor.u32 $0xD0000000, s2;
	s6 =	simm.s32 $0x108;
	_ =	swait.ge @!p0 [sflag:s8], $0x0  }
0x24: {  	s3 =	sadd.s32 $0x88, s3;
	s6 =	simm.s32 @!p1 $0x1082;
	[sflag:s4] =	ssyncset.s32 $0xFFFFF086  }
0x25: {  	[simem:s6], [sflag:s4] =	dma.local [hbm:s3], $0xF7A  }
0x26: {  	[smem:$0x3F95] =	sst s1;
	(tag) =	ssettag s2;
	_ =	strace s9  }
0x27: {  	s1 =	sld [smem:$0x3FA5]  }
0x28: {  	s2 =	sld [smem:$0x3FA6]  }
0x29: {  	s4 =	sld [smem:$0x3FA8]  }
0x2a: {  	p0 =	seq.s32 s5, $0x0;
	s5 =	sld [smem:$0x3FA9]  }
0x2b: {  	s6 =	sld [smem:$0x3FAA]  }
0x2c: {  	s7 =	sld [smem:$0x3FAB]  }
0x2d: {  	s3 =	simm.s32 $0x108;
	s8 =	sld [smem:$0x3FAC]  }
0x2e: {  	s3 =	simm.s32 @!p0 $0x1082;
	s9 =	sld [smem:$0x3FAD]  }
0x2f: {  	lr =	sadd.s32 s0, s3;
	s0 =	sld [smem:$0x3FA4]  }
0x30: {  	s3 =	sld [smem:$0x3FA7]  }
0x31: {  	[smem:$0x3FB0] =	sst s10  }
0x32: {  	s10 =	sld [smem:$0x3FAE];
	_ =	sdelay $0x3  }
0x33: {  	p0 =	seq.s32 s10, $0x1;
	s10 =	sld [smem:$0x3FB0];
	_ =	sdelay $0x3  }
0x34: {  	[smem:$0x3FB0] =	sst s10  }
0x35: {  	s10 =	sld [smem:$0x3FAF];
	_ =	sdelay $0x3  }
0x36: {  	p1 =	seq.s32 s10, $0x1;
	s10 =	sld [smem:$0x3FB0];
	_ =	sdelay $0x3  }
0x37: {  	[smem:$0x3FB0] =	sst s10  }
0x38: {  	s10 =	sld [smem:$0x3FB1]  }
0x39: {  	_ = 	snop;
	(pc) =	sbr.ind lr, $3  }
0x3a: {  	_ = 	snop  }
0x3b: {  	_ = 	snop  }
0x3c: {  	p2 =	seq.s32 s10, $0x1;
	s10 =	sld [smem:$0x3FB0]  }
0x3d: {  	_ =	shalt  }
0x3e: {  	_ =	shalt  }
0x3f: {  	_ =	shalt  }
0x40: {  	_ =	shalt  }
0x41: {  	_ =	shalt  }
0x42: {  	_ =	shalt  }
0x43: {  	_ =	shalt  }
0x44: {  	_ =	shalt  }
0x45: {  	_ =	shalt  }
0x46: {  	_ =	shalt  }
0x47: {  	_ =	shalt  }
0x48: {  	_ =	shalt  }
0x49: {  	_ =	shalt  }
0x4a: {  	_ =	shalt  }
0x4b: {  	_ =	shalt  }
0x4c: {  	_ =	shalt  }
0x4d: {  	_ =	shalt  }
0x4e: {  	_ =	shalt  }
0x4f: {  	_ =	shalt  }
0x50: {  	_ =	shalt  }
0x51: {  	_ =	shalt  }
0x52: {  	_ =	shalt  }
0x53: {  	_ =	shalt  }
0x54: {  	_ =	shalt  }
0x55: {  	_ =	shalt  }
0x56: {  	_ =	shalt  }
0x57: {  	_ =	shalt  }
0x58: {  	_ =	shalt  }
0x59: {  	_ =	shalt  }
0x5a: {  	_ =	shalt  }
0x5b: {  	_ =	shalt  }
0x5c: {  	_ =	shalt  }
0x5d: {  	_ =	shalt  }
0x5e: {  	_ =	shalt  }
0x5f: {  	_ =	shalt  }
0x60: {  	_ =	shalt  }
0x61: {  	_ =	shalt  }
0x62: {  	_ =	shalt  }
0x63: {  	_ =	shalt  }
0x64: {  	_ =	shalt  }
0x65: {  	_ =	shalt  }
0x66: {  	_ =	shalt  }
0x67: {  	_ =	shalt  }
0x68: {  	_ =	shalt  }
0x69: {  	_ =	shalt  }
0x6a: {  	_ =	shalt  }
0x6b: {  	_ =	shalt  }
0x6c: {  	_ =	shalt  }
0x6d: {  	_ =	shalt  }
0x6e: {  	_ =	shalt  }
0x6f: {  	_ =	shalt  }
0x70: {  	_ =	shalt  }
0x71: {  	_ =	shalt  }
0x72: {  	_ =	shalt  }
0x73: {  	_ =	shalt  }
0x74: {  	_ =	shalt  }
0x75: {  	_ =	shalt  }
0x76: {  	_ =	shalt  }
0x77: {  	_ =	shalt  }
0x78: {  	_ =	shalt  }
0x79: {  	_ =	shalt  }
0x7a: {  	_ =	shalt  }
0x7b: {  	_ =	shalt  }
0x7c: {  	_ =	shalt  }
0x7d: {  	_ =	shalt  }
0x7e: {  	_ =	shalt  }
0x7f: {  	_ =	shalt  }
0x80: {  	_ =	shalt  }
0x81: {  	_ =	shalt  }
0x82: {  	_ =	shalt  }
0x83: {  	_ =	shalt  }
0x84: {  	_ =	shalt  }
0x85: {  	_ =	shalt  }
0x86: {  	_ =	shalt  }
0x87: {  	_ =	shalt  }
.Lfunc_end0:
.L_simem_size_0:
called_computation.2_lowered:
.L_overlay_start_0:
0x88: {  	s2 =	sld [smem:$0x3FD9]  }
0x89: {  	s3 =	sld [smem:$0x3FFE];
	_ =	sdelay $0x1  }
0x8a: {  	s1 =	srdreg.scid  }
0x8b: {  	s0 =	sand.u32 $0x1, s1  }
0x8c: {  	s16 =	sshll.u32 s0, $0xA;
	s2 =	sadd.s32 s3, s2  }
0x8d: {  	s2 =	sadd.s32 s2, s16  }
0x8e: {  	[smem:$0x3FBC] =	sst s2  }
0x8f: {  	_ = 	snop  }
0x90: {  	(tm) =	ssettm $0x1  }
0x91: {  	s17 =	sld [smem:$0x3FFB];
	_ =	sdelay $0x3  }
0x92: {  	_ =	strace s17  }
0x93: {  	s2 =	sld [smem:$0x3FFC];
	_ =	sdelay $0x3  }
0x94: {  	_ =	strace s2  }
0x95: {  	s2 =	sld [smem:$0x3FFD];
	_ =	sdelay $0x3  }
0x96: {  	_ =	strace s2  }
0x97: {  	_ =	strace $0x8FFFFFFF  }
0x98: {  	s18 =	sld [smem:$0x3FDB];
	_ =	sdelay $0x1  }
0x99: {  	s19 =	simm.s32 $_scs_section_size  }
0x9a: {  	s4 =	simm.s32 $_size__tile_overlayer_lowered;
	s5 =	simm.s32 $_tile_overlayer_lowered  }
0x9b: {  	s22 =	simm.s32 $0x1BFF;
	s21 =	sshll.u32 s5, $0x1;
	s2 =	sadd.s32 s19, s18  }
0x9c: {  	s6 =	simm.s32 $0x0;
	s20 =	sshll.u32 s4, $0x1;
	s4 =	sadd.s32 s21, s2  }
0x9d: {  	[timem:s6], [sflag:s22] =	dma.local [hbm:s4], s20  }
0x9e: {  	_ =	swait.ge [sflag:s22], s20  }
0x9f: {  	s3 =	ssub.s32 $0x0, s20;
	[sflag:s22] =	ssyncset.done $0x0  }
0xa0: {  	[sflag:s22] =	ssyncadd.s32 s3;
	_ =	sdelay $0x1  }
0xa1: {  	s23 =	simm.s32 $0x1B8B  }
0xa2: {  	_ =	swait.ge [sflag:s23], $0x1  }
0xa3: {  	[sflag:s23] =	ssyncset.done $0x0  }
0xa4: {  	s25 =	simm.s32 $0x1B8E;
	s24 =	sld [smem:$0x3FFE];
	[sflag:s23] =	ssyncadd.s32 $0xFFFFFFFF  }
0xa5: {  	s26 =	simm.s32 $execute0_lowered;
	[smem:$0x3FD2] =	sst s25  }
0xa6: {  	s4 =	sshll.u32 s26, $0x1;
	_ =	strace $0x8000004C;
	[dreg:$0x1] =	wrdreg $0xFFFFFFFF  }
0xa7: {  	s28 =	simm.s32 $_size_execute0_lowered;
	s2 =	sadd.s32 s2, s4;
	[dreg:$0x0] =	wrdreg $0x0  }
0xa8: {  	s4 =	sshll.u32 s28, $0x1;
	[dreg:$0x2] =	wrdreg s2  }
0xa9: {  	[dreg:$0x3] =	wrdreg s4  }
0xaa: {  	[dreg:$0x4] =	wrdreg $0xC0  }
0xab: {  	_ =	task [dreg:s6], $0x5FFFF  }
0xac: {  	[dreg:$0x1] =	wrdreg $0xFFFFFFFF  }
0xad: {  	[dreg:$0x0] =	wrdreg $0x60  }
0xae: {  	[dreg:$0x2] =	wrdreg s24  }
0xaf: {  	[dreg:$0x3] =	wrdreg $0x0  }
0xb0: {  	[dreg:$0x4] =	wrdreg $0x9  }
0xb1: {  	_ =	task.clear_ibuf [dreg:s6], $0x5FFFF;
	_ =	strace $0x9000004C  }
0xb2: {  	s29 =	simm.s32 $0x9;
	_ =	strace $0x8000004E  }
0xb3: {  	_ =	swait.ge [sflag:s29], $0x1  }
0xb4: {  	[sflag:s29] =	ssyncadd.s32 $0xFFFFFFFF  }
0xb5: {  	_ =	strace $0x9000004E  }
0xb6: {  	_ =	sfence  }
0xb7: {  	s30 =	sld [smem:$0x0];
	_ =	sdelay $0x2  }
0xb8: {  	s31 =	sshll.u32 s1, $0xD;
	s1 =	sshrl.u32 s1, $0x2  }
0xb9: {  	s3 =	sand.u32 $0x4000, s31;
	s1 =	sadd.s32 s1, s30  }
0xba: {  	s0 =	sor.u32 s3, s0;
	s1 =	sshll.u32 s1, $0x11  }
0xbb: {  	s0 =	sor.u32 s1, s0  }
0xbc: {  	s0 =	sadd.s32 $0x8F2B, s0  }
0xbd: {  	[sflag:s0] =	ssyncadd.remote.s32 $0x1  }
0xbe: {  	_ =	sfence.sel $0xFFFF  }
0xbf: {  	[dreg:$0x0] =	wrdreg $0xFFFFFFFF;
	(pc) =	sbr.abs _section_cstart, $3  }
0xc0: {  	[dreg:$0x1] =	wrdreg $0xFFFFFFFF  }
0xc1: {  	_ =	task.clear_ibuf [dreg:s6], $0x2FFFF;
	_ =	strace $0x9FFFFFFF  }
0xc2: {  	(tm) =	ssettm $0x7FFFFFFF  }
0xc3: {  	_ =	shalt  }
tec
execute0_lowered:
.L_overlay_start_1:
0x0: {  	(tag) =	ssettag $0x1  }
0x1: {  	s0 =	rddreg [dreg:$0x0]  }
0x2: {  	s1 =	rddreg [dreg:$0x1];
	s2 =	srdreg.scid;
	s3 =	simm.s32 $0x0  }
0x3: {  	s13 =	stileid.u32;
	s2 =	sand.u32 $0x1, s2;
	[smem:$0x7FF] =	sst s3  }
0x4: {  	s4 =	sadd.s32 $0x15600, s0;
	s7 =	sadd.s32 $0xB600, s0;
	s12 =	smul.u32 $0x50000, s13  }
0x5: {  	s9 =	sadd.s32 $0x1600, s0;
	s0 =	sadd.s32 $0x3D600, s0;
	s22 =	smul.u32 $0x14000, s13  }
0x6: {  	s5 =	sshll.u32 s2, $0x4;
	_ =	strace $0x8000004D;
	s6 =	ssub.s32 $0x2, s2  }
0x7: {  	s2 =	smul.u32 $0x140000, s2;
	s5 =	sor.u32 s13, s5;
	s10 =	sshrl.u32 s6, $0x1  }
0x8: {  	s21 =	sshrl.u32 s12, $0x2;
	s26 =	sadd.s32 $0x4000, s22;
	s31 =	sadd.s32 $0x8000, s22  }
0x9: {  	s14 =	sadd.s32 $0xC000, s22;
	s16 =	sadd.s32 $0x10000, s22;
	s8 =	smul.u32 $0x48, s5  }
0xa: {  	s12 =	simm.s32 $0x17000;
	s13 =	simm.s32 $0x1;
	s11 =	smul.u32 $0x50, s5  }
0xb: {  	p0 =	slt.u32 s5, $0x18;
	s10 =	ssub.s32 s6, s10;
	p1 =	seq.s32 s5, $0x1F  }
0xc: {  	s6 =	sadd.s32 s21, s1;
	s15 =	sadd.s32 s22, s2;
	s5 =	sadd.s32 s2, s26  }
0xd: {  	s17 =	sadd.s32 s2, s31;
	s18 =	sadd.s32 s2, s14;
	s25 =	sadd.s32 $0x1000, s6  }
0xe: {  	s2 =	sadd.s32 s2, s16;
	s28 =	sadd.s32 $0x2000, s6;
	[dreg:$0x5] =	wrdreg s25  }
0xf: {  	s22 =	sadd.s32 s31, s1;
	s29 =	sadd.s32 $0x3000, s6;
	[dreg:$0x6] =	wrdreg s28  }
0x10: {  	s30 =	sadd.s32 $0x5000, s6;
	s5 =	sshrl.u32 s5, $0x3;
	[dreg:$0x7] =	wrdreg s29  }
0x11: {  	s2 =	sshrl.u32 s2, $0x3;
	s20 =	sadd.s32 $0x6000, s6;
	[dreg:$0x8] =	wrdreg s30  }
0x12: {  	s21 =	smax.u32 s10, $0x1;
	s31 =	sadd.s32 $0xE000, s6;
	[dreg:$0x10] =	wrdreg s20  }
0x13: {  	s10 =	simm.s32 $0x14000;
	s8 =	sadd.s32 $0xC0, s8;
	[dreg:$0x11] =	wrdreg s21  }
0x14: {  	s5 =	sadd.s32 s0, s5;
	s25 =	sadd.s32 $0x7000, s6;
	[dreg:$0x17] =	wrdreg s31  }
0x15: {  	s28 =	sadd.s32 $0xA000, s6;
	s29 =	sadd.s32 $0xB000, s6;
	[dreg:$0xc] =	wrdreg s5  }
0x16: {  	s30 =	sadd.s32 $0xD000, s6;
	s20 =	simm.s32 $0x4;
	[dreg:$0x12] =	wrdreg s25  }
0x17: {  	s21 =	simm.s32 $0x5;
	s8 =	smov.u32 @p0 s11;
	[dreg:$0x14] =	wrdreg s28  }
0x18: {  	s11 =	sadd.s32 s26, s1;
	s5 =	sshrl.u32 s17, $0x3;
	[dreg:$0x15] =	wrdreg s29  }
0x19: {  	s26 =	sadd.s32 $0x9000, s6;
	[dreg:$0x16] =	wrdreg s30;
	s17 =	simm.s32 $0x2  }
0x1a: {  	s8 =	sshll.u32 s8, $0x4;
	s5 =	sadd.s32 s0, s5;
	[dreg:$0x13] =	wrdreg s26  }
0x1b: {  	s25 =	simm.s32 $0x0;
	s23 =	sadd.s32 s7, s8;
	[dreg:$0xd] =	wrdreg s5  }
0x1c: {  	s24 =	sadd.s32 s9, s8;
	s8 =	sadd.s32 $0x300, s8;
	[dreg:$0x3] =	wrdreg s23  }
0x1d: {  	s5 =	sadd.s32 $0x11000, s6;
	[dreg:$0x4] =	wrdreg s24;
	s7 =	sadd.s32 s7, s8  }
0x1e: {  	s8 =	sadd.s32 s9, s8;
	s23 =	sadd.s32 s14, s1;
	s24 =	sadd.s32 s16, s1  }
0x1f: {  	s14 =	simm.s32 $0x80;
	s16 =	simm.s32 $0x1B000;
	[dreg:$0x9] =	wrdreg s7  }
0x20: {  	[dreg:$0xa] =	wrdreg s8;
	s7 =	sshrl.u32 s15, $0x3;
	s15 =	simm.s32 $0xE  }
0x21: {  	s8 =	sadd.s32 $0x13000, s6;
	s7 =	sadd.s32 s0, s7;
	s15 =	simm.s32 @!p1 $0xC  }
0x22: {  	[dreg:$0xb] =	wrdreg s7;
	s7 =	sshrl.u32 s18, $0x3;
	s15 =	simm.s32 @p0 $0x10  }
0x23: {  	s18 =	simm.s32 $0x6;
	s19 =	sadd.s32 s0, s7;
	s0 =	sadd.s32 s0, s2  }
0x24: {  	s2 =	sadd.s32 $0xF000, s6;
	s7 =	sadd.s32 $0x12000, s6;
	[dreg:$0xe] =	wrdreg s19  }
0x25: {  	v0 =	vimm.f32 $0.0e+00;
	s9 =	sadd.s32 $0xFFFFFFFF, s15;
	[dreg:$0xf] =	wrdreg s0;
	s19 =	simm.s32 $0x3  }
.LBB2_1:
0x26: {  	s0 =	rddreg [dreg:$0x3]  }
0x27: {  	s30 =	rddreg [dreg:$0x4];
	s31 =	sand.u32 $0x3E00, s3  }
0x28: {  	[tilespmem:s10], [sflag:$0x1] =	stream.linear.gather [hbm4b:s0+s3], $0x1800, $0x38;
	[tilespmem:$0x1F000] =	vst v63  }
0x29: {  	s26 =	simm.s32 $0x15800;
	s28 =	sand.u32 $0x70, s3;
	s29 =	sshrl.u32 s31, $0x2  }
0x2a: {  	[tilespmem:s26], [sflag:$0x1] =	stream.linear.gather [hbm4b:s30+s3], $0x1800, $0x38;
	[tilespmem:$0x1F000] =	vst v63  }
0x2b: {  	s29 =	sor.u32 s28, s29;
	s28 =	simm.s32 $0x0;
	s26 =	simm.s32 $0x40  }
.LBB2_2:
0x2c: {  	p0 =	sne.s32 s26, $0x3FC0  }
0x2d: {  	[tilespmem:s29+$0x17000] =	vst v0;
	s28 =	sadd.s32 $0x10, s28;
	s29 =	smov.u32 s26;
	s26 =	sadd.s32 $0x40, s26  }
.Ltmp0:
0x2e: {  	(pc) =	sbr.rel @p0 .LBB2_2-.Ltmp0, $4  }
0x2f: {  	_ = 	snop  }
0x30: {  	s29 =	sand.u32 $0x3E00, s29  }
0x31: {  	s30 =	sand.u32 $0x70, s28;
	s29 =	sshrl.u32 s29, $0x2  }
0x32: {  	s29 =	sor.u32 s30, s29  }
0x33: {  	[tilespmem:s29+$0x17000] =	vst v0  }
0x34: {  	[spmem:s6] =	stream.linear.scatter [tilespmem:s12], [sflag:$0x1], $0x1000, $0x38;
	[tilespmem:$0x1F000] =	vst v63  }
0x35: {  	s0 =	rddreg [dreg:$0x5]  }
0x36: {  	[spmem:s0] =	stream.linear.scatter [tilespmem:s12], [sflag:$0x1], $0x1000, $0x38;
	[tilespmem:$0x1F000] =	vst v63  }
0x37: {  	s31 =	rddreg [dreg:$0x6]  }
0x38: {  	[spmem:s31] =	stream.linear.scatter [tilespmem:s12], [sflag:$0x1], $0x1000, $0x38;
	[tilespmem:$0x1F000] =	vst v63  }
0x39: {  	s26 =	rddreg [dreg:$0x7]  }
0x3a: {  	[spmem:s26] =	stream.linear.scatter [tilespmem:s12], [sflag:$0x1], $0x1000, $0x38;
	[tilespmem:$0x1F000] =	vst v63  }
0x3b: {  	_ = 	snop  }
0x3c: {  	[spmem:s11] =	stream.linear.scatter [tilespmem:s12], [sflag:$0x1], $0x1000, $0x38;
	[tilespmem:$0x1F000] =	vst v63  }
0x3d: {  	s29 =	rddreg [dreg:$0x8]  }
0x3e: {  	[spmem:s29] =	stream.linear.scatter [tilespmem:s12], [sflag:$0x1], $0x1000, $0x38;
	[tilespmem:$0x1F000] =	vst v63  }
0x3f: {  	s30 =	rddreg [dreg:$0x10]  }
0x40: {  	[spmem:s30] =	stream.linear.scatter [tilespmem:s12], [sflag:$0x1], $0x1000, $0x38;
	[tilespmem:$0x1F000] =	vst v63  }
0x41: {  	s31 =	rddreg [dreg:$0x12]  }
0x42: {  	[spmem:s31] =	stream.linear.scatter [tilespmem:s12], [sflag:$0x1], $0x1000, $0x38;
	[tilespmem:$0x1F000] =	vst v63  }
0x43: {  	_ = 	snop  }
0x44: {  	[spmem:s22] =	stream.linear.scatter [tilespmem:s12], [sflag:$0x1], $0x1000, $0x38;
	[tilespmem:$0x1F000] =	vst v63  }
0x45: {  	s26 =	rddreg [dreg:$0x13]  }
0x46: {  	[spmem:s26] =	stream.linear.scatter [tilespmem:s12], [sflag:$0x1], $0x1000, $0x38;
	[tilespmem:$0x1F000] =	vst v63  }
0x47: {  	s29 =	rddreg [dreg:$0x14]  }
0x48: {  	[spmem:s29] =	stream.linear.scatter [tilespmem:s12], [sflag:$0x1], $0x1000, $0x38;
	[tilespmem:$0x1F000] =	vst v63  }
0x49: {  	s30 =	rddreg [dreg:$0x15]  }
0x4a: {  	[spmem:s30] =	stream.linear.scatter [tilespmem:s12], [sflag:$0x1], $0x1000, $0x38;
	[tilespmem:$0x1F000] =	vst v63  }
0x4b: {  	_ = 	snop  }
0x4c: {  	[spmem:s23] =	stream.linear.scatter [tilespmem:s12], [sflag:$0x1], $0x1000, $0x38;
	[tilespmem:$0x1F000] =	vst v63  }
0x4d: {  	s31 =	rddreg [dreg:$0x16]  }
0x4e: {  	[spmem:s31] =	stream.linear.scatter [tilespmem:s12], [sflag:$0x1], $0x1000, $0x38;
	[tilespmem:$0x1F000] =	vst v63  }
0x4f: {  	s26 =	rddreg [dreg:$0x17]  }
0x50: {  	[spmem:s26] =	stream.linear.scatter [tilespmem:s12], [sflag:$0x1], $0x1000, $0x38;
	[tilespmem:$0x1F000] =	vst v63  }
0x51: {  	_ = 	snop  }
0x52: {  	[spmem:s2] =	stream.linear.scatter [tilespmem:s12], [sflag:$0x1], $0x1000, $0x38;
	[tilespmem:$0x1F000] =	vst v63  }
0x53: {  	_ = 	snop  }
0x54: {  	[spmem:s24] =	stream.linear.scatter [tilespmem:s12], [sflag:$0x1], $0x1000, $0x38;
	[tilespmem:$0x1F000] =	vst v63  }
0x55: {  	_ = 	snop  }
0x56: {  	[spmem:s5] =	stream.linear.scatter [tilespmem:s12], [sflag:$0x1], $0x1000, $0x38;
	[tilespmem:$0x1F000] =	vst v63  }
0x57: {  	_ = 	snop  }
0x58: {  	[spmem:s7] =	stream.linear.scatter [tilespmem:s12], [sflag:$0x1], $0x1000, $0x38;
	[tilespmem:$0x1F000] =	vst v63  }
0x59: {  	_ = 	snop  }
0x5a: {  	[spmem:s8] =	stream.linear.scatter [tilespmem:s12], [sflag:$0x1], $0x1000, $0x38;
	[tilespmem:$0x1F000] =	vst v63  }
0x5b: {  	_ =	swait.ge [sflag:s13], $0x1000  }
0x5c: {  	[sflag:s13] =	ssyncset.done $0x0  }
0x5d: {  	[sflag:s13] =	ssyncadd.s32 $0xFFFFF000  }
0x5e: {  	_ =	swait.ge [sflag:s13], $0x1000  }
0x5f: {  	[sflag:s13] =	ssyncset.done $0x0  }
0x60: {  	[sflag:s13] =	ssyncadd.s32 $0xFFFFF000  }
0x61: {  	_ =	swait.ge [sflag:s13], $0x1000  }
0x62: {  	[sflag:s13] =	ssyncset.done $0x0  }
0x63: {  	[sflag:s13] =	ssyncadd.s32 $0xFFFFF000  }
0x64: {  	_ =	swait.ge [sflag:s13], $0x1000  }
0x65: {  	[sflag:s13] =	ssyncset.done $0x0  }
0x66: {  	[sflag:s13] =	ssyncadd.s32 $0xFFFFF000  }
0x67: {  	_ =	swait.ge [sflag:s13], $0x1000  }
0x68: {  	[sflag:s13] =	ssyncset.done $0x0  }
0x69: {  	[sflag:s13] =	ssyncadd.s32 $0xFFFFF000  }
0x6a: {  	_ =	swait.ge [sflag:s13], $0x1000  }
0x6b: {  	[sflag:s13] =	ssyncset.done $0x0  }
0x6c: {  	[sflag:s13] =	ssyncadd.s32 $0xFFFFF000  }
0x6d: {  	_ =	swait.ge [sflag:s13], $0x1000  }
0x6e: {  	[sflag:s13] =	ssyncset.done $0x0  }
0x6f: {  	[sflag:s13] =	ssyncadd.s32 $0xFFFFF000  }
0x70: {  	_ =	swait.ge [sflag:s13], $0x1000  }
0x71: {  	[sflag:s13] =	ssyncset.done $0x0  }
0x72: {  	[sflag:s13] =	ssyncadd.s32 $0xFFFFF000  }
0x73: {  	_ =	swait.ge [sflag:s13], $0x1000  }
0x74: {  	[sflag:s13] =	ssyncset.done $0x0  }
0x75: {  	[sflag:s13] =	ssyncadd.s32 $0xFFFFF000  }
0x76: {  	_ =	swait.ge [sflag:s13], $0x1000  }
0x77: {  	[sflag:s13] =	ssyncset.done $0x0  }
0x78: {  	[sflag:s13] =	ssyncadd.s32 $0xFFFFF000  }
0x79: {  	_ =	swait.ge [sflag:s13], $0x1000  }
0x7a: {  	[sflag:s13] =	ssyncset.done $0x0  }
0x7b: {  	[sflag:s13] =	ssyncadd.s32 $0xFFFFF000  }
0x7c: {  	_ =	swait.ge [sflag:s13], $0x1000  }
0x7d: {  	[sflag:s13] =	ssyncset.done $0x0  }
0x7e: {  	[sflag:s13] =	ssyncadd.s32 $0xFFFFF000  }
0x7f: {  	_ =	swait.ge [sflag:s13], $0x1000  }
0x80: {  	[sflag:s13] =	ssyncset.done $0x0  }
0x81: {  	[sflag:s13] =	ssyncadd.s32 $0xFFFFF000  }
0x82: {  	_ =	swait.ge [sflag:s13], $0x1000  }
0x83: {  	[sflag:s13] =	ssyncset.done $0x0  }
0x84: {  	[sflag:s13] =	ssyncadd.s32 $0xFFFFF000  }
0x85: {  	_ =	swait.ge [sflag:s13], $0x1000  }
0x86: {  	[sflag:s13] =	ssyncset.done $0x0  }
0x87: {  	[sflag:s13] =	ssyncadd.s32 $0xFFFFF000  }
0x88: {  	_ =	swait.ge [sflag:s13], $0x1000  }
0x89: {  	[sflag:s13] =	ssyncset.done $0x0  }
0x8a: {  	[sflag:s13] =	ssyncadd.s32 $0xFFFFF000  }
0x8b: {  	_ =	swait.ge [sflag:s13], $0x1000  }
0x8c: {  	[sflag:s13] =	ssyncset.done $0x0  }
0x8d: {  	[sflag:s13] =	ssyncadd.s32 $0xFFFFF000  }
0x8e: {  	_ =	swait.ge [sflag:s13], $0x1000  }
0x8f: {  	[sflag:s13] =	ssyncset.done $0x0  }
0x90: {  	[sflag:s13] =	ssyncadd.s32 $0xFFFFF000  }
0x91: {  	_ =	swait.ge [sflag:s13], $0x1000  }
0x92: {  	[sflag:s13] =	ssyncset.done $0x0  }
0x93: {  	[sflag:s13] =	ssyncadd.s32 $0xFFFFF000  }
0x94: {  	_ =	swait.ge [sflag:s13], $0x1000  }
0x95: {  	[sflag:s13] =	ssyncset.done $0x0  }
0x96: {  	[sflag:s13] =	ssyncadd.s32 $0xFFFFF000  }
0x97: {  	_ =	swait.ge [sflag:s13], $0x1800  }
0x98: {  	[sflag:s13] =	ssyncset.done $0x0  }
0x99: {  	[sflag:s13] =	ssyncadd.s32 $0xFFFFE800  }
0x9a: {  	_ =	swait.ge [sflag:s13], $0x1800  }
0x9b: {  	[sflag:s13] =	ssyncset.done $0x0  }
0x9c: {  	[sflag:s13] =	ssyncadd.s32 $0xFFFFE800  }
0x9d: {  	[bflag:$0x0] =	sbarrier.arrive $0xFFFF  }
0x9e: {  	[tilespmem:s12], [sflag:$0x2] =	stream.indirect.gather [hbm4b:s4+s14], $0x80, s10, s14, $0xb8;
	[tilespmem:$0x1F000] =	vst v63  }
0x9f: {  	s26 =	simm.s32 $0x14080  }
0xa0: {  	[tilespmem:s16], [sflag:$0x3] =	stream.indirect.gather [hbm4b:s4+s14], $0x80, s26, s14, $0xb8;
	[tilespmem:$0x1F000] =	vst v63  }
0xa1: {  	_ =	swait.ge [sflag:s17], $0x4000  }
0xa2: {  	[sflag:s17] =	ssyncset.done $0x0  }
0xa3: {  	s29 =	simm.s32 $0x15800;
	[sflag:s17] =	ssyncadd.s32 $0xFFFFC000  }
0xa4: {  	[spmem:s1] =	stream.indirect.scatter.add.f32 [tilespmem:s12], [sflag:$0x6], $0x80, s29, s14, $0xb8;
	[tilespmem:$0x1F000] =	vst v63  }
0xa5: {  	_ =	swait.ge [sflag:s18], $0x4000  }
0xa6: {  	[sflag:s18] =	ssyncset.done $0x0  }
0xa7: {  	s30 =	simm.s32 $0x14100;
	[sflag:s18] =	ssyncadd.s32 $0xFFFFC000  }
0xa8: {  	[tilespmem:s12], [sflag:$0x2] =	stream.indirect.gather [hbm4b:s4+s14], $0x80, s30, s14, $0xb8;
	[tilespmem:$0x1F000] =	vst v63  }
0xa9: {  	_ =	swait.ge [sflag:s19], $0x4000  }
0xaa: {  	[sflag:s19] =	ssyncset.done $0x0  }
0xab: {  	s31 =	simm.s32 $0x15880;
	[sflag:s19] =	ssyncadd.s32 $0xFFFFC000  }
0xac: {  	[spmem:s1] =	stream.indirect.scatter.add.f32 [tilespmem:s16], [sflag:$0x6], $0x80, s31, s14, $0xb8;
	[tilespmem:$0x1F000] =	vst v63  }
0xad: {  	_ =	swait.ge [sflag:s18], $0x4000  }
0xae: {  	s28 =	simm.s32 $0x800;
	s26 =	simm.s32 $0x100;
	[sflag:s18] =	ssyncset.done $0x0  }
.LBB2_4:
0xaf: {  	s29 =	sadd.s32 $0x14080, s26  }
0xb0: {  	[sflag:s18] =	ssyncadd.s32 $0xFFFFC000;
	s30 =	smov.u32 s28;
	s31 =	sadd.s32 $0x400, s28  }
0xb1: {  	[tilespmem:s16], [sflag:$0x3] =	stream.indirect.gather [hbm4b:s4+s14], $0x80, s29, s14, $0xb8;
	[tilespmem:$0x1F000] =	vst v63  }
0xb2: {  	p0 =	sne.s32 s28, $0x5800;
	_ =	swait.ge [sflag:s17], $0x4000  }
0xb3: {  	[sflag:s17] =	ssyncset.done $0x0  }
0xb4: {  	s28 =	sadd.s32 $0x15800, s26;
	[sflag:s17] =	ssyncadd.s32 $0xFFFFC000  }
0xb5: {  	[spmem:s1] =	stream.indirect.scatter.add.f32 [tilespmem:s12], [sflag:$0x6], $0x80, s28, s14, $0xb8;
	[tilespmem:$0x1F000] =	vst v63  }
0xb6: {  	_ =	swait.ge [sflag:s18], $0x4000  }
0xb7: {  	[sflag:s18] =	ssyncset.done $0x0  }
0xb8: {  	s28 =	sadd.s32 $0x14100, s26;
	[sflag:s18] =	ssyncadd.s32 $0xFFFFC000  }
0xb9: {  	[tilespmem:s12], [sflag:$0x2] =	stream.indirect.gather [hbm4b:s4+s14], $0x80, s28, s14, $0xb8;
	[tilespmem:$0x1F000] =	vst v63  }
0xba: {  	_ =	swait.ge [sflag:s19], $0x4000  }
.Ltmp1:
0xbb: {  	[sflag:s19] =	ssyncset.done $0x0;
	(pc) =	sbr.rel @p0 .LBB2_4-.Ltmp1, $4  }
0xbc: {  	s26 =	sadd.s32 $0x15880, s26;
	[sflag:s19] =	ssyncadd.s32 $0xFFFFC000  }
0xbd: {  	[spmem:s1] =	stream.indirect.scatter.add.f32 [tilespmem:s16], [sflag:$0x6], $0x80, s26, s14, $0xb8;
	[tilespmem:$0x1F000] =	vst v63  }
0xbe: {  	_ =	swait.ge [sflag:s18], $0x4000  }
0xbf: {  	s28 =	smov.u32 s31;
	s26 =	sshra.s32 s30, $0x2;
	[sflag:s18] =	ssyncset.done $0x0  }
0xc0: {  	s28 =	sadd.s32 $0x14080, s26;
	[sflag:s18] =	ssyncadd.s32 $0xFFFFC000  }
0xc1: {  	[tilespmem:s16], [sflag:$0x3] =	stream.indirect.gather [hbm4b:s4+s14], $0x80, s28, s14, $0xb8;
	[tilespmem:$0x1F000] =	vst v63  }
0xc2: {  	_ =	swait.ge [sflag:s17], $0x4000  }
0xc3: {  	[sflag:s17] =	ssyncset.done $0x0  }
0xc4: {  	s28 =	sadd.s32 $0x15800, s26;
	[sflag:s17] =	ssyncadd.s32 $0xFFFFC000  }
0xc5: {  	[spmem:s1] =	stream.indirect.scatter.add.f32 [tilespmem:s12], [sflag:$0x6], $0x80, s28, s14, $0xb8;
	[tilespmem:$0x1F000] =	vst v63  }
0xc6: {  	_ =	swait.ge [sflag:s18], $0x4000  }
0xc7: {  	[sflag:s18] =	ssyncset.done $0x0  }
0xc8: {  	s28 =	sadd.s32 $0x14100, s26;
	[sflag:s18] =	ssyncadd.s32 $0xFFFFC000  }
0xc9: {  	[tilespmem:s12], [sflag:$0x2] =	stream.indirect.gather [hbm4b:s4+s14], $0x80, s28, s14, $0xb8;
	[tilespmem:$0x1F000] =	vst v63  }
0xca: {  	_ =	swait.ge [sflag:s19], $0x4000  }
0xcb: {  	[sflag:s19] =	ssyncset.done $0x0  }
0xcc: {  	s0 =	sadd.s32 $0x15880, s26;
	[sflag:s19] =	ssyncadd.s32 $0xFFFFC000  }
0xcd: {  	[spmem:s1] =	stream.indirect.scatter.add.f32 [tilespmem:s16], [sflag:$0x6], $0x80, s0, s14, $0xb8;
	[tilespmem:$0x1F000] =	vst v63  }
0xce: {  	_ =	swait.ge [sflag:s18], $0x4000  }
0xcf: {  	[sflag:s18] =	ssyncset.done $0x0  }
0xd0: {  	s0 =	simm.s32 $0x15780;
	[sflag:s18] =	ssyncadd.s32 $0xFFFFC000  }
0xd1: {  	[tilespmem:s16], [sflag:$0x3] =	stream.indirect.gather [hbm4b:s4+s14], $0x80, s0, s14, $0xb8;
	[tilespmem:$0x1F000] =	vst v63  }
0xd2: {  	_ =	swait.ge [sflag:s17], $0x4000  }
0xd3: {  	[sflag:s17] =	ssyncset.done $0x0  }
0xd4: {  	s26 =	simm.s32 $0x16F00;
	[sflag:s17] =	ssyncadd.s32 $0xFFFFC000  }
0xd5: {  	[spmem:s1] =	stream.indirect.scatter.add.f32 [tilespmem:s12], [sflag:$0x6], $0x80, s26, s14, $0xb8;
	[tilespmem:$0x1F000] =	vst v63  }
0xd6: {  	_ =	swait.ge [sflag:s18], $0x4000  }
0xd7: {  	[sflag:s18] =	ssyncset.done $0x0  }
0xd8: {  	[sflag:s18] =	ssyncadd.s32 $0xFFFFC000  }
0xd9: {  	_ =	swait.ge [sflag:s19], $0x4000  }
0xda: {  	[sflag:s19] =	ssyncset.done $0x0  }
0xdb: {  	s31 =	simm.s32 $0x16F80;
	[sflag:s19] =	ssyncadd.s32 $0xFFFFC000  }
0xdc: {  	[spmem:s1] =	stream.indirect.scatter.add.f32 [tilespmem:s16], [sflag:$0x6], $0x80, s31, s14, $0xb8;
	[tilespmem:$0x1F000] =	vst v63  }
0xdd: {  	_ =	swait.ge [sflag:s18], $0x4000  }
0xde: {  	[sflag:s18] =	ssyncset.done $0x0  }
0xdf: {  	s30 =	simm.s32 $0x0;
	s26 =	rddreg [dreg:$0x9];
	[sflag:s18] =	ssyncadd.s32 $0xFFFFC000  }
0xe0: {  	[tilespmem:s10], [sflag:$0x6] =	stream.linear.gather [hbm4b:s26+s30], $0x1800, $0x38;
	[tilespmem:$0x1F000] =	vst v63  }
0xe1: {  	_ =	swait.ge [sflag:s18], $0x1800  }
0xe2: {  	p1 =	sne.s32 s15, $0x1;
	[sflag:s18] =	ssyncset.done $0x0  }
0xe3: {  	s26 =	simm.s32 $0x15800;
	s31 =	rddreg [dreg:$0xa];
	[sflag:s18] =	ssyncadd.s32 $0xFFFFE800  }
0xe4: {  	[tilespmem:s26], [sflag:$0x6] =	stream.linear.gather [hbm4b:s31+s30], $0x1800, $0x38;
	[tilespmem:$0x1F000] =	vst v63  }
.Ltmp2:
0xe5: {  	_ = 	snop;
	(pc) =	sbr.rel @!p1 .LBB2_10-.Ltmp2, $4  }
0xe6: {  	_ =	swait.ge [sflag:s18], $0x1800  }
0xe7: {  	s29 =	simm.s32 $0x1;
	[sflag:s18] =	ssyncset.done $0x0  }
0xe8: {  	p0 =	por $0x0, $0x0;
	s28 =	simm.s32 $0x14100;
	[sflag:s18] =	ssyncadd.s32 $0xFFFFE800  }
0xe9: {  	[tilespmem:s12], [sflag:$0x2] =	stream.indirect.gather [hbm4b:s4+s14], $0x80, s10, s14, $0xb8;
	[tilespmem:$0x1F000] =	vst v63  }
0xea: {  	s30 =	simm.s32 $0x14080  }
0xeb: {  	[tilespmem:s16], [sflag:$0x3] =	stream.indirect.gather [hbm4b:s4+s14], $0x80, s30, s14, $0xb8;
	[tilespmem:$0x1F000] =	vst v63  }
0xec: {  	_ =	swait.ge [sflag:s17], $0x4000  }
0xed: {  	[sflag:s17] =	ssyncset.done $0x0  }
0xee: {  	[sflag:s17] =	ssyncadd.s32 $0xFFFFC000  }
0xef: {  	[spmem:s1] =	stream.indirect.scatter.add.f32 [tilespmem:s12], [sflag:$0x6], $0x80, s26, s14, $0xb8;
	[tilespmem:$0x1F000] =	vst v63  }
0xf0: {  	_ =	swait.ge [sflag:s18], $0x4000  }
0xf1: {  	p0 =	sle.s32 s9, $0x0;
	[sflag:s18] =	ssyncset.done $0x0  }
0xf2: {  	s30 =	simm.s32 @!p0 $0x17000;
	s26 =	simm.s32 @!p0 $0x80;
	[sflag:s18] =	ssyncadd.s32 $0xFFFFC000  }
0xf3: {  	[tilespmem:s30], [sflag:$0x2] =	stream.indirect.gather @!p0 [hbm4b:s4+s26], $0x80, s28, s26, $0xb8;
	[tilespmem:$0x1F000] =	vst v63  }
0xf4: {  	p1 =	sne.s32 s15, $0x2;
	_ =	swait.ge [sflag:s19], $0x4000  }
.Ltmp3:
0xf5: {  	[sflag:s19] =	ssyncset.done $0x0;
	(pc) =	sbr.rel @!p1 .LBB2_7-.Ltmp3, $4  }
0xf6: {  	s31 =	simm.s32 $0x15880;
	[sflag:s19] =	ssyncadd.s32 $0xFFFFC000  }
0xf7: {  	[spmem:s1] =	stream.indirect.scatter.add.f32 [tilespmem:s16], [sflag:$0x6], $0x80, s31, s14, $0xb8;
	[tilespmem:$0x1F000] =	vst v63  }
0xf8: {  	s30 =	simm.s32 $0x2;
	s28 =	simm.s32 $0x14200;
	_ =	swait.ge [sflag:s18], $0x4000  }
0xf9: {  	s26 =	simm.s32 $0x15900;
	p0 =	por $0x1, $0x1;
	[sflag:s18] =	ssyncset.done $0x0  }
.LBB2_8:
0xfa: {  	s31 =	sadd.s32 $0xFFFFFF80, s28  }
0xfb: {  	[sflag:s18] =	ssyncadd.s32 $0xFFFFC000;
	s0 =	smov.u32 s30;
	s30 =	sadd.s32 $0x1, s30  }
0xfc: {  	[tilespmem:s16], [sflag:$0x3] =	stream.indirect.gather [hbm4b:s4+s14], $0x80, s31, s14, $0xb8;
	[tilespmem:$0x1F000] =	vst v63  }
0xfd: {  	p1 =	sne.s32 s15, s30;
	_ =	swait.ge [sflag:s17], $0x4000  }
0xfe: {  	[sflag:s17] =	ssyncset.done $0x0  }
0xff: {  	[sflag:s17] =	ssyncadd.s32 $0xFFFFC000  }
0x100: {  	[spmem:s1] =	stream.indirect.scatter.add.f32 [tilespmem:s12], [sflag:$0x6], $0x80, s26, s14, $0xb8;
	[tilespmem:$0x1F000] =	vst v63  }
0x101: {  	_ =	swait.ge [sflag:s18], $0x4000  }
0x102: {  	p2 =	sge.s32 s29, s9;
	s29 =	smov.u32 s0;
	[sflag:s18] =	ssyncset.done $0x0  }
0x103: {  	s0 =	simm.s32 @!p2 $0x80;
	s31 =	simm.s32 @!p2 $0x17000;
	[sflag:s18] =	ssyncadd.s32 $0xFFFFC000  }
0x104: {  	[tilespmem:s31], [sflag:$0x2] =	stream.indirect.gather @!p2 [hbm4b:s4+s0], $0x80, s28, s0, $0xb8;
	[tilespmem:$0x1F000] =	vst v63  }
0x105: {  	_ =	swait.ge [sflag:s19], $0x4000  }
.Ltmp4:
0x106: {  	[sflag:s19] =	ssyncset.done $0x0;
	(pc) =	sbr.rel @p1 .LBB2_8-.Ltmp4, $4  }
0x107: {  	s0 =	sadd.s32 $0x80, s26;
	[sflag:s19] =	ssyncadd.s32 $0xFFFFC000  }
0x108: {  	[spmem:s1] =	stream.indirect.scatter.add.f32 [tilespmem:s16], [sflag:$0x6], $0x80, s0, s14, $0xb8;
	[tilespmem:$0x1F000] =	vst v63  }
0x109: {  	_ =	swait.ge [sflag:s18], $0x4000  }
0x10a: {  	s28 =	sadd.s32 $0x100, s28;
	s26 =	sadd.s32 $0x100, s26;
	[sflag:s18] =	ssyncset.done $0x0  }
0x10b: {  	s30 =	smov.u32 s29  }
.LBB2_10:
0x10c: {  	s0 =	sadd.s32 $0xFFFFFF80, s28;
	[sflag:s18] =	ssyncadd.s32 @p0 $0xFFFFC000  }
0x10d: {  	[tilespmem:s16], [sflag:$0x3] =	stream.indirect.gather [hbm4b:s4+s14], $0x80, s0, s14, $0xb8;
	[tilespmem:$0x1F000] =	vst v63  }
0x10e: {  	_ =	swait.ge [sflag:s17], $0x4000  }
0x10f: {  	[sflag:s17] =	ssyncset.done $0x0  }
0x110: {  	[sflag:s17] =	ssyncadd.s32 $0xFFFFC000  }
0x111: {  	[spmem:s1] =	stream.indirect.scatter.add.f32 [tilespmem:s12], [sflag:$0x6], $0x80, s26, s14, $0xb8;
	[tilespmem:$0x1F000] =	vst v63  }
0x112: {  	_ =	swait.ge [sflag:s18], $0x4000  }
0x113: {  	p0 =	sge.s32 s30, s9;
	[sflag:s18] =	ssyncset.done $0x0  }
0x114: {  	s0 =	simm.s32 @!p0 $0x80;
	s29 =	simm.s32 @!p0 $0x17000;
	[sflag:s18] =	ssyncadd.s32 $0xFFFFC000  }
0x115: {  	[tilespmem:s29], [sflag:$0x2] =	stream.indirect.gather @!p0 [hbm4b:s4+s0], $0x80, s28, s0, $0xb8;
	[tilespmem:$0x1F000] =	vst v63  }
0x116: {  	_ =	swait.ge [sflag:s19], $0x4000  }
0x117: {  	[sflag:s19] =	ssyncset.done $0x0  }
0x118: {  	s30 =	sadd.s32 $0x80, s26;
	[sflag:s19] =	ssyncadd.s32 $0xFFFFC000  }
0x119: {  	[spmem:s1] =	stream.indirect.scatter.add.f32 [tilespmem:s16], [sflag:$0x6], $0x80, s30, s14, $0xb8;
	[tilespmem:$0x1F000] =	vst v63  }
0x11a: {  	_ =	swait.ge [sflag:s18], $0x4000  }
0x11b: {  	[sflag:s18] =	ssyncset.done $0x0  }
0x11c: {  	[sflag:s18] =	ssyncadd.s32 $0xFFFFC000  }
0x11d: {  	[bflag:$0x0] =	sbarrier.arrive $0xFFFF  }
0x11e: {  	[tilespmem:s12], [sflag:$0x6] =	stream.linear.gather [spmem:s6], $0x4000, $0x38;
	[tilespmem:$0x1F000] =	vst v63  }
0x11f: {  	_ =	swait.ge [sflag:s18], $0x4000  }
0x120: {  	[sflag:s18] =	ssyncset.done $0x0  }
0x121: {  	s31 =	rddreg [dreg:$0xb];
	[sflag:s18] =	ssyncadd.s32 $0xFFFFC000  }
0x122: {  	[hbm4b:s31+s3] =	stream.linear.scatter [tilespmem:s12], [sflag:$0x4], $0x4000, $0x38;
	[tilespmem:$0x1F000] =	vst v63  }
0x123: {  	_ = 	snop  }
0x124: {  	[tilespmem:s16], [sflag:$0x6] =	stream.linear.gather [spmem:s11], $0x4000, $0x38;
	[tilespmem:$0x1F000] =	vst v63  }
0x125: {  	_ =	swait.ge [sflag:s18], $0x4000  }
0x126: {  	[sflag:s18] =	ssyncset.done $0x0  }
0x127: {  	s26 =	rddreg [dreg:$0xc];
	[sflag:s18] =	ssyncadd.s32 $0xFFFFC000  }
0x128: {  	[hbm4b:s26+s3] =	stream.linear.scatter [tilespmem:s16], [sflag:$0x5], $0x4000, $0x38;
	[tilespmem:$0x1F000] =	vst v63  }
0x129: {  	_ =	swait.ge [sflag:s20], $0x4000  }
0x12a: {  	[sflag:s20] =	ssyncset.done $0x0  }
0x12b: {  	[sflag:s20] =	ssyncadd.s32 $0xFFFFC000  }
0x12c: {  	[tilespmem:s12], [sflag:$0x6] =	stream.linear.gather [spmem:s22], $0x4000, $0x38;
	[tilespmem:$0x1F000] =	vst v63  }
0x12d: {  	_ =	swait.ge [sflag:s18], $0x4000  }
0x12e: {  	[sflag:s18] =	ssyncset.done $0x0  }
0x12f: {  	s28 =	rddreg [dreg:$0xd];
	[sflag:s18] =	ssyncadd.s32 $0xFFFFC000  }
0x130: {  	[hbm4b:s28+s3] =	stream.linear.scatter [tilespmem:s12], [sflag:$0x4], $0x4000, $0x38;
	[tilespmem:$0x1F000] =	vst v63  }
0x131: {  	_ =	swait.ge [sflag:s21], $0x4000  }
0x132: {  	[sflag:s21] =	ssyncset.done $0x0  }
0x133: {  	[sflag:s21] =	ssyncadd.s32 $0xFFFFC000  }
0x134: {  	[tilespmem:s16], [sflag:$0x6] =	stream.linear.gather [spmem:s23], $0x4000, $0x38;
	[tilespmem:$0x1F000] =	vst v63  }
0x135: {  	_ =	swait.ge [sflag:s18], $0x4000  }
0x136: {  	[sflag:s18] =	ssyncset.done $0x0  }
0x137: {  	s29 =	rddreg [dreg:$0xe];
	[sflag:s18] =	ssyncadd.s32 $0xFFFFC000  }
0x138: {  	[hbm4b:s29+s3] =	stream.linear.scatter [tilespmem:s16], [sflag:$0x5], $0x4000, $0x38;
	[tilespmem:$0x1F000] =	vst v63  }
0x139: {  	_ =	swait.ge [sflag:s20], $0x4000  }
0x13a: {  	[sflag:s20] =	ssyncset.done $0x0  }
0x13b: {  	[sflag:s20] =	ssyncadd.s32 $0xFFFFC000  }
0x13c: {  	[tilespmem:s12], [sflag:$0x6] =	stream.linear.gather [spmem:s24], $0x4000, $0x38;
	[tilespmem:$0x1F000] =	vst v63  }
0x13d: {  	_ =	swait.ge [sflag:s18], $0x4000  }
0x13e: {  	[sflag:s18] =	ssyncset.done $0x0  }
0x13f: {  	s30 =	rddreg [dreg:$0xf];
	[sflag:s18] =	ssyncadd.s32 $0xFFFFC000  }
0x140: {  	[hbm4b:s30+s3] =	stream.linear.scatter [tilespmem:s12], [sflag:$0x4], $0x4000, $0x38;
	[tilespmem:$0x1F000] =	vst v63  }
0x141: {  	_ =	swait.ge [sflag:s21], $0x4000  }
0x142: {  	[sflag:s21] =	ssyncset.done $0x0  }
0x143: {  	[sflag:s21] =	ssyncadd.s32 $0xFFFFC000  }
0x144: {  	_ =	swait.ge [sflag:s20], $0x4000  }
0x145: {  	s25 =	sadd.s32 $0x1, s25;
	s31 =	rddreg [dreg:$0x11]  }
0x146: {  	p0 =	sne.s32 s25, s31  }
.Ltmp5:
0x147: {  	_ = 	snop;
	(pc) =	sbr.rel @p0 .LBB2_1-.Ltmp5, $4  }
.Ltmp6:
0x148: {  	_ = 	snop;
	(pc) =	sbr.rel @!p0 .LBB2_11-.Ltmp6, $4  }
0x149: {  	_ = 	snop  }
0x14a: {  	[sflag:s20] =	ssyncset.done $0x0  }
0x14b: {  	[sflag:s20] =	ssyncadd.s32 $0xFFFFC000  }
0x14c: {  	_ = 	snop  }
.LBB2_7:
.Ltmp7:
0x14d: {  	(pc) =	sbr.rel .LBB2_10-.Ltmp7, $2  }
0x14e: {  	_ =	sdelay $0x2  }
0x14f: {  	s30 =	simm.s32 $0x1  }
.LBB2_11:
0x150: {  	_ =	sfence.sel $0x180000  }
0x151: {  	[bflag:$0x0] =	sbarrier.arrive $0xFFFF  }
0x152: {  	_ =	strace $0x9000004D  }
0x153: {  	s0 =	stileid.u32;
	[bflag:$0x2] =	sbarrier.arrive $0xFFFF  }
0x154: {  	p0 =	sne.s32 s0, $0x0;
	s0 =	rddreg [dreg:$0x2]  }
0x155: {  	s0 =	sadd.s32 @!p0 $0x100000, s0  }
0x156: {  	[sflag:s0] =	ssyncadd.tile.s32 @!p0 $0x1;
	_ =	shalt  }
.Lfunc_end2:
_tile_overlayer_lowered:
.L_overlay_start_2:
0x157: {  	(tag) =	ssettag $0x2  }
0x158: {  	s0 =	rddreg [dreg:$0x0];
	s2 =	stileid.u32  }
0x159: {  	s1 =	rddreg [dreg:$0x1];
	p0 =	sne.s32 s2, $0x0  }
0x15a: {  	s3 =	rddreg [dreg:$0x2];
	[bflag:$0x3] =	sbarrier.arrive $0xFFFF;
	s2 =	simm.s32 @!p0 $0x1C06  }
0x15b: {  	[timem:s3], [sflag:s2] =	dma.local @!p0 [hbm:s0], s1  }
0x15c: {  	s0 =	simm.s32 @!p0 $0x6  }
0x15d: {  	_ =	swait.ge @!p0 [sflag:s0], s1  }
0x15e: {  	s1 =	ssub.s32 @!p0 $0x0, s1;
	[sflag:s0] =	ssyncset.done @!p0 $0x0  }
0x15f: {  	[sflag:s0] =	ssyncadd.s32 @!p0 s1  }
0x160: {  	[bflag:$0x3] =	sbarrier.arrive $0xFFFF  }
0x161: {  	_ =	shalt  }

// kernel: kernel.18.cloned.1.call-start
scs
__scs_entry_jumppad:
0x0: {  	(pc) =	sbr.rel $0x88, $3  }
0x1: {  	(tag) =	ssettag $0x0;
	lr =	simm.s32 $0x1  }
0x2: {  	[smem:$0x3F95] =	sst lr;
	_ =	strace $0xD0000000  }
0x3: {  	_ = 	snop  }
0x4: {  	_ = 	snop  }
0x5: {  	_ = 	snop  }
0x6: {  	_ = 	snop  }
0x7: {  	_ = 	snop  }
__scs_overlays_trampoline_lowered:
0x8: {  	[smem:$0x3FA4] =	sst s0  }
0x9: {  	[smem:$0x3FA5] =	sst s1  }
0xa: {  	[smem:$0x3FA6] =	sst s2  }
0xb: {  	[smem:$0x3FA7] =	sst s3  }
0xc: {  	[smem:$0x3FA8] =	sst s4  }
0xd: {  	[smem:$0x3FA9] =	sst s5  }
0xe: {  	[smem:$0x3FAA] =	sst s6  }
0xf: {  	[smem:$0x3FAB] =	sst s7  }
0x10: {  	[smem:$0x3FAC] =	sst s8  }
0x11: {  	[smem:$0x3FAD] =	sst s9;
	s0 =	simm.s32 @!p0 $0x0  }
0x12: {  	s1 =	sld [smem:$0x3F93];
	s0 =	simm.s32 @p0 $0x1  }
0x13: {  	[smem:$0x3FAE] =	sst s0;
	s0 =	simm.s32 @!p1 $0x0  }
0x14: {  	s2 =	sld [smem:$0x3F92];
	s0 =	simm.s32 @p1 $0x1  }
0x15: {  	[smem:$0x3FAF] =	sst s0;
	s0 =	simm.s32 @!p2 $0x0  }
0x16: {  	s3 =	sld [smem:$0x3FDB];
	s0 =	simm.s32 @p2 $0x1  }
0x17: {  	s4 =	simm.s32 $0x1BF5;
	[smem:$0x3FB1] =	sst s0  }
0x18: {  	s0 =	sld [smem:$0x3F94];
	_ =	swait.ge [sflag:s4], $0x0  }
0x19: {  	s7 =	sld [smem:$0x3F95]  }
0x1a: {  	s8 =	sadd.s32 $0xFFFFE003, lr  }
0x1b: {  	s9 =	sadd.s32 $0xFFFFFEF7, lr;
	s5 =	simm.s32 $0xFFFFFFFF;
	p2 =	slt.u32 s8, $0xFFFFF086  }
0x1c: {  	p1 =	slt.u32 s9, $0xF7A;
	s5 =	simm.s32 @!p2 $0x0  }
0x1d: {  	s5 =	simm.s32 @p1 $0x1;
	p0 =	seq.s32 s7, s2  }
0x1e: {  	s7 =	smul.u32 @!p0 $0xF7A, s2;
	p2 =	seq.s32 @!p0 s5, $0x0  }
0x1f: {  	s9 =	smul.u32 $0xF7A, s1;
	s8 =	simm.s32 @!p0 $0x1BF5;
	p2 =	por !p2, p0  }
0x20: {  	[sflag:s8] =	ssyncset.s32 @!p0 $0xFFFFF086;
	s6 =	sadd.s32 @!p0 s3, s7;
	s7 =	simm.s32 @!p0 $0x108  }
0x21: {  	s3 =	sadd.s32 s3, s9;
	s6 =	sadd.s32 @!p0 $0x88, s6;
	s7 =	simm.s32 @p2 $0x1082  }
0x22: {  	[simem:s7], [sflag:s8] =	dma.local @!p0 [hbm:s6], $0xF7A  }
0x23: {  	s9 =	sor.u32 $0xD0000000, s2;
	s6 =	simm.s32 $0x108;
	_ =	swait.ge @!p0 [sflag:s8], $0x0  }
0x24: {  	s3 =	sadd.s32 $0x88, s3;
	s6 =	simm.s32 @!p1 $0x1082;
	[sflag:s4] =	ssyncset.s32 $0xFFFFF086  }
0x25: {  	[simem:s6], [sflag:s4] =	dma.local [hbm:s3], $0xF7A  }
0x26: {  	[smem:$0x3F95] =	sst s1;
	(tag) =	ssettag s2;
	_ =	strace s9  }
0x27: {  	s1 =	sld [smem:$0x3FA5]  }
0x28: {  	s2 =	sld [smem:$0x3FA6]  }
0x29: {  	s4 =	sld [smem:$0x3FA8]  }
0x2a: {  	p0 =	seq.s32 s5, $0x0;
	s5 =	sld [smem:$0x3FA9]  }
0x2b: {  	s6 =	sld [smem:$0x3FAA]  }
0x2c: {  	s7 =	sld [smem:$0x3FAB]  }
0x2d: {  	s3 =	simm.s32 $0x108;
	s8 =	sld [smem:$0x3FAC]  }
0x2e: {  	s3 =	simm.s32 @!p0 $0x1082;
	s9 =	sld [smem:$0x3FAD]  }
0x2f: {  	lr =	sadd.s32 s0, s3;
	s0 =	sld [smem:$0x3FA4]  }
0x30: {  	s3 =	sld [smem:$0x3FA7]  }
0x31: {  	[smem:$0x3FB0] =	sst s10  }
0x32: {  	s10 =	sld [smem:$0x3FAE];
	_ =	sdelay $0x3  }
0x33: {  	p0 =	seq.s32 s10, $0x1;
	s10 =	sld [smem:$0x3FB0];
	_ =	sdelay $0x3  }
0x34: {  	[smem:$0x3FB0] =	sst s10  }
0x35: {  	s10 =	sld [smem:$0x3FAF];
	_ =	sdelay $0x3  }
0x36: {  	p1 =	seq.s32 s10, $0x1;
	s10 =	sld [smem:$0x3FB0];
	_ =	sdelay $0x3  }
0x37: {  	[smem:$0x3FB0] =	sst s10  }
0x38: {  	s10 =	sld [smem:$0x3FB1]  }
0x39: {  	_ = 	snop;
	(pc) =	sbr.ind lr, $3  }
0x3a: {  	_ = 	snop  }
0x3b: {  	_ = 	snop  }
0x3c: {  	p2 =	seq.s32 s10, $0x1;
	s10 =	sld [smem:$0x3FB0]  }
0x3d: {  	_ =	shalt  }
0x3e: {  	_ =	shalt  }
0x3f: {  	_ =	shalt  }
0x40: {  	_ =	shalt  }
0x41: {  	_ =	shalt  }
0x42: {  	_ =	shalt  }
0x43: {  	_ =	shalt  }
0x44: {  	_ =	shalt  }
0x45: {  	_ =	shalt  }
0x46: {  	_ =	shalt  }
0x47: {  	_ =	shalt  }
0x48: {  	_ =	shalt  }
0x49: {  	_ =	shalt  }
0x4a: {  	_ =	shalt  }
0x4b: {  	_ =	shalt  }
0x4c: {  	_ =	shalt  }
0x4d: {  	_ =	shalt  }
0x4e: {  	_ =	shalt  }
0x4f: {  	_ =	shalt  }
0x50: {  	_ =	shalt  }
0x51: {  	_ =	shalt  }
0x52: {  	_ =	shalt  }
0x53: {  	_ =	shalt  }
0x54: {  	_ =	shalt  }
0x55: {  	_ =	shalt  }
0x56: {  	_ =	shalt  }
0x57: {  	_ =	shalt  }
0x58: {  	_ =	shalt  }
0x59: {  	_ =	shalt  }
0x5a: {  	_ =	shalt  }
0x5b: {  	_ =	shalt  }
0x5c: {  	_ =	shalt  }
0x5d: {  	_ =	shalt  }
0x5e: {  	_ =	shalt  }
0x5f: {  	_ =	shalt  }
0x60: {  	_ =	shalt  }
0x61: {  	_ =	shalt  }
0x62: {  	_ =	shalt  }
0x63: {  	_ =	shalt  }
0x64: {  	_ =	shalt  }
0x65: {  	_ =	shalt  }
0x66: {  	_ =	shalt  }
0x67: {  	_ =	shalt  }
0x68: {  	_ =	shalt  }
0x69: {  	_ =	shalt  }
0x6a: {  	_ =	shalt  }
0x6b: {  	_ =	shalt  }
0x6c: {  	_ =	shalt  }
0x6d: {  	_ =	shalt  }
0x6e: {  	_ =	shalt  }
0x6f: {  	_ =	shalt  }
0x70: {  	_ =	shalt  }
0x71: {  	_ =	shalt  }
0x72: {  	_ =	shalt  }
0x73: {  	_ =	shalt  }
0x74: {  	_ =	shalt  }
0x75: {  	_ =	shalt  }
0x76: {  	_ =	shalt  }
0x77: {  	_ =	shalt  }
0x78: {  	_ =	shalt  }
0x79: {  	_ =	shalt  }
0x7a: {  	_ =	shalt  }
0x7b: {  	_ =	shalt  }
0x7c: {  	_ =	shalt  }
0x7d: {  	_ =	shalt  }
0x7e: {  	_ =	shalt  }
0x7f: {  	_ =	shalt  }
0x80: {  	_ =	shalt  }
0x81: {  	_ =	shalt  }
0x82: {  	_ =	shalt  }
0x83: {  	_ =	shalt  }
0x84: {  	_ =	shalt  }
0x85: {  	_ =	shalt  }
0x86: {  	_ =	shalt  }
0x87: {  	_ =	shalt  }
.Lfunc_end0:
.L_simem_size_0:
called_computation.3_lowered:
.L_overlay_start_0:
0x88: {  	s2 =	sld [smem:$0x3FD9]  }
0x89: {  	s3 =	sld [smem:$0x3FFE];
	_ =	sdelay $0x1  }
0x8a: {  	s1 =	srdreg.scid  }
0x8b: {  	s0 =	sand.u32 $0x1, s1  }
0x8c: {  	s14 =	sshll.u32 s0, $0xA;
	s2 =	sadd.s32 s3, s2  }
0x8d: {  	s2 =	sadd.s32 s2, s14  }
0x8e: {  	[smem:$0x3FBC] =	sst s2  }
0x8f: {  	_ = 	snop  }
0x90: {  	s2 =	sld [smem:$0x3FD0];
	_ =	sdelay $0x2  }
0x91: {  	s15 =	simm.s32 $0xA;
	s4 =	simm.s32 $0x10  }
0x92: {  	[smem:s4], [sflag:s15] =	dma.local [hbm:s2], $0x1  }
0x93: {  	_ =	swait.eq [sflag:s15], $0x1  }
0x94: {  	[sflag:s15] =	ssyncset.done $0x0  }
0x95: {  	s16 =	sld [smem:$0x11];
	[sflag:s15] =	ssyncadd.s32 $0xFFFFFFFF  }
0x96: {  	s17 =	sld [smem:$0x12];
	(tm) =	ssettm $0x1  }
0x97: {  	s18 =	sld [smem:$0x3FFB];
	_ =	sdelay $0x3  }
0x98: {  	_ =	strace s18  }
0x99: {  	s4 =	sld [smem:$0x3FFC];
	_ =	sdelay $0x3  }
0x9a: {  	_ =	strace s4  }
0x9b: {  	s4 =	sld [smem:$0x3FFD];
	_ =	sdelay $0x3  }
0x9c: {  	_ =	strace s4  }
0x9d: {  	_ =	strace $0x8FFFFFFF  }
0x9e: {  	s19 =	sld [smem:$0x3FDB];
	_ =	sdelay $0x1  }
0x9f: {  	s5 =	simm.s32 $_scs_section_size  }
0xa0: {  	s6 =	simm.s32 $_size__tile_overlayer_lowered;
	s7 =	simm.s32 $_tile_overlayer_lowered  }
0xa1: {  	s22 =	simm.s32 $0x1BFF;
	s21 =	sshll.u32 s7, $0x1;
	s4 =	sadd.s32 s5, s19  }
0xa2: {  	s8 =	simm.s32 $0x0;
	s20 =	sshll.u32 s6, $0x1;
	s6 =	sadd.s32 s21, s4  }
0xa3: {  	[timem:s8], [sflag:s22] =	dma.local [hbm:s6], s20  }
0xa4: {  	_ =	swait.ge [sflag:s22], s20  }
0xa5: {  	s5 =	ssub.s32 $0x0, s20;
	[sflag:s22] =	ssyncset.done $0x0  }
0xa6: {  	[sflag:s22] =	ssyncadd.s32 s5;
	_ =	sdelay $0x1  }
0xa7: {  	s23 =	simm.s32 $0x1B8B  }
0xa8: {  	_ =	swait.ge [sflag:s23], $0x1  }
0xa9: {  	[sflag:s23] =	ssyncset.done $0x0  }
0xaa: {  	s25 =	simm.s32 $0x1B8E;
	s24 =	sld [smem:$0x3FFE];
	[sflag:s23] =	ssyncadd.s32 $0xFFFFFFFF  }
0xab: {  	s26 =	simm.s32 $execute0_lowered;
	[smem:$0x3FD2] =	sst s25  }
0xac: {  	s6 =	sshll.u32 s26, $0x1;
	_ =	strace $0x8000004F;
	[dreg:$0x1] =	wrdreg $0xFFFFFFFF  }
0xad: {  	s28 =	simm.s32 $_size_execute0_lowered;
	s4 =	sadd.s32 s4, s6;
	[dreg:$0x0] =	wrdreg $0x0  }
0xae: {  	s6 =	sshll.u32 s28, $0x1;
	[dreg:$0x2] =	wrdreg s4  }
0xaf: {  	[dreg:$0x3] =	wrdreg s6  }
0xb0: {  	[dreg:$0x4] =	wrdreg $0xC0  }
0xb1: {  	_ =	task [dreg:s8], $0x5FFFF  }
0xb2: {  	[dreg:$0x1] =	wrdreg $0xFFFFFFFF  }
0xb3: {  	[dreg:$0x0] =	wrdreg $0x60  }
0xb4: {  	[dreg:$0x2] =	wrdreg s24  }
0xb5: {  	[dreg:$0x3] =	wrdreg s16  }
0xb6: {  	[dreg:$0x4] =	wrdreg s17  }
0xb7: {  	[dreg:$0x5] =	wrdreg $0x9  }
0xb8: {  	_ =	task.clear_ibuf [dreg:s8], $0x6FFFF;
	_ =	strace $0x9000004F  }
0xb9: {  	s29 =	simm.s32 $0x9;
	_ =	strace $0x80000051  }
0xba: {  	_ =	swait.ge [sflag:s29], $0x1  }
0xbb: {  	[sflag:s29] =	ssyncadd.s32 $0xFFFFFFFF  }
0xbc: {  	_ =	strace $0x90000051  }
0xbd: {  	_ =	sfence  }
0xbe: {  	s30 =	sld [smem:$0x0];
	_ =	sdelay $0x2  }
0xbf: {  	s31 =	sshll.u32 s1, $0xD;
	s1 =	sshrl.u32 s1, $0x2  }
0xc0: {  	s3 =	sand.u32 $0x4000, s31;
	s1 =	sadd.s32 s1, s30  }
0xc1: {  	s0 =	sor.u32 s3, s0;
	s1 =	sshll.u32 s1, $0x11  }
0xc2: {  	s0 =	sor.u32 s1, s0  }
0xc3: {  	s0 =	sadd.s32 $0x8F2B, s0  }
0xc4: {  	[sflag:s0] =	ssyncadd.remote.s32 $0x1  }
0xc5: {  	_ =	sfence.sel $0xFFFF  }
0xc6: {  	[dreg:$0x0] =	wrdreg $0xFFFFFFFF;
	(pc) =	sbr.abs _section_cstart, $3  }
0xc7: {  	[dreg:$0x1] =	wrdreg $0xFFFFFFFF  }
0xc8: {  	_ =	task.clear_ibuf [dreg:s8], $0x2FFFF;
	_ =	strace $0x9FFFFFFF  }
0xc9: {  	(tm) =	ssettm $0x7FFFFFFF  }
tec
execute0_lowered:
.L_overlay_start_1:
0x0: {  	(tag) =	ssettag $0x1  }
0x1: {  	s4 =	rddreg [dreg:$0x0]  }
0x2: {  	s0 =	srdreg.scid;
	s9 =	rddreg [dreg:$0x1]  }
0x3: {  	s10 =	rddreg [dreg:$0x2];
	s1 =	stileid.u32  }
0x4: {  	s2 =	simm.s32 $0x0;
	s13 =	simm.s32 $0x5000;
	s14 =	simm.s32 $0x5C80  }
0x5: {  	s15 =	simm.s32 $0x6900;
	s16 =	simm.s32 $0x7580;
	s3 =	sand.u32 $0x1, s0  }
0x6: {  	s17 =	simm.s32 $0x1;
	s18 =	simm.s32 $0x8200;
	s5 =	sshll.u32 s3, $0x4  }
0x7: {  	s19 =	simm.s32 $0x8E80;
	s20 =	simm.s32 $0x0;
	s5 =	sor.u32 s1, s5  }
0x8: {  	[smem:$0x7FF] =	sst s2;
	s31 =	ssub.s32 $0x2, s3;
	s11 =	smul.u32 $0x188, s5  }
0x9: {  	s0 =	rddreg [dreg:$0x3];
	_ =	strace $0x80000050;
	s6 =	sshrl.u32 s31, $0x1  }
0xa: {  	s3 =	sadd.s32 $0x1600, s4;
	s12 =	ssub.s32 s31, s6;
	s8 =	sadd.s32 s11, s4  }
0xb: {  	s4 =	sadd.s32 $0x1C00, s4;
	s9 =	sadd.s32 s9, s11;
	s10 =	sadd.s32 s10, s11  }
0xc: {  	s11 =	smax.u32 s12, $0x1;
	s12 =	simm.s32 $0x2800;
	s5 =	sadd.s32 $0x8D600, s8  }
0xd: {  	s6 =	sadd.s32 $0x90800, s8;
	s7 =	sadd.s32 $0x93A00, s8;
	s8 =	sadd.s32 $0x96C00, s8  }
.LBB2_1:
0xe: {  	[tilespmem:s2], [sflag:$0x1] =	stream.linear.gather [hbm4b:s3+s2], $0x2800, $0x38;
	[tilespmem:$0x9B00] =	vst v63  }
0xf: {  	_ = 	snop  }
0x10: {  	[tilespmem:s12], [sflag:$0x1] =	stream.linear.gather [hbm4b:s4+s2], $0x2800, $0x38;
	[tilespmem:$0x9B00] =	vst v63  }
0x11: {  	_ = 	snop  }
0x12: {  	[tilespmem:s13], [sflag:$0x1] =	stream.linear.gather [hbm4b:s5+s2], $0xC40, $0x38;
	[tilespmem:$0x9B00] =	vst v63  }
0x13: {  	_ = 	snop  }
0x14: {  	[tilespmem:s14], [sflag:$0x1] =	stream.linear.gather [hbm4b:s6+s2], $0xC40, $0x38;
	[tilespmem:$0x9B00] =	vst v63  }
0x15: {  	_ = 	snop  }
0x16: {  	[tilespmem:s15], [sflag:$0x1] =	stream.linear.gather [hbm4b:s7+s2], $0xC40, $0x38;
	[tilespmem:$0x9B00] =	vst v63  }
0x17: {  	_ = 	snop  }
0x18: {  	[tilespmem:s16], [sflag:$0x1] =	stream.linear.gather [hbm4b:s8+s2], $0xC40, $0x38;
	[tilespmem:$0x9B00] =	vst v63  }
0x19: {  	_ =	swait.ge [sflag:s17], $0x2800  }
0x1a: {  	[sflag:s17] =	ssyncset.done $0x0  }
0x1b: {  	[sflag:s17] =	ssyncadd.s32 $0xFFFFD800  }
0x1c: {  	_ =	swait.ge [sflag:s17], $0x2800  }
0x1d: {  	[sflag:s17] =	ssyncset.done $0x0  }
0x1e: {  	[sflag:s17] =	ssyncadd.s32 $0xFFFFD800  }
0x1f: {  	_ =	swait.ge [sflag:s17], $0xC40  }
0x20: {  	[sflag:s17] =	ssyncset.done $0x0  }
0x21: {  	[sflag:s17] =	ssyncadd.s32 $0xFFFFF3C0  }
0x22: {  	_ =	swait.ge [sflag:s17], $0xC40  }
0x23: {  	[sflag:s17] =	ssyncset.done $0x0  }
0x24: {  	[sflag:s17] =	ssyncadd.s32 $0xFFFFF3C0  }
0x25: {  	_ =	swait.ge [sflag:s17], $0xC40  }
0x26: {  	[sflag:s17] =	ssyncset.done $0x0  }
0x27: {  	[sflag:s17] =	ssyncadd.s32 $0xFFFFF3C0  }
0x28: {  	_ =	swait.ge [sflag:s17], $0xC40  }
0x29: {  	[sflag:s17] =	ssyncset.done $0x0  }
0x2a: {  	s21 =	simm.s32 $0x0;
	[sflag:s17] =	ssyncadd.s32 $0xFFFFF3C0  }
0x2b: {  	v0 =	vld [tilespmem:s21+$0x5000]  }
0x2c: {  	v1 =	vld [tilespmem:s21+$0x5C80];
	_ =	sdelay $0x5  }
0x2d: {  	v2 =	vld [tilespmem:s21+$0x5010]  }
0x2e: {  	v0 =	vld.idx.msk [tilespmem:v0+s2+$0x0], $0xffff  }
0x2f: {  	v1 =	vld.idx.msk [tilespmem:v1+s12+$0x0], $0xffff  }
0x30: {  	v3 =	vld [tilespmem:s21+$0x5C90];
	_ =	sdelay $0x3  }
0x31: {  	v0 =	vadd.f32 v1, v0;
	_ =	sdelay $0x1  }
0x32: {  	[tilespmem:s21+$0x8200] =	vst v0  }
0x33: {  	v0 =	vld.idx.msk [tilespmem:v2+s2+$0x0], $0xffff  }
0x34: {  	v1 =	vld.idx.msk [tilespmem:v3+s12+$0x0], $0xffff  }
0x35: {  	v2 =	vld [tilespmem:s21+$0x5020]  }
0x36: {  	v3 =	vld [tilespmem:s21+$0x5CA0];
	_ =	sdelay $0x3  }
0x37: {  	v0 =	vadd.f32 v1, v0;
	_ =	sdelay $0x1  }
0x38: {  	[tilespmem:s21+$0x8210] =	vst v0  }
0x39: {  	v0 =	vld.idx.msk [tilespmem:v2+s2+$0x0], $0xffff  }
0x3a: {  	v1 =	vld.idx.msk [tilespmem:v3+s12+$0x0], $0xffff  }
0x3b: {  	v2 =	vld [tilespmem:s21+$0x5030]  }
0x3c: {  	v3 =	vld [tilespmem:s21+$0x5CB0];
	_ =	sdelay $0x3  }
0x3d: {  	v0 =	vadd.f32 v1, v0;
	_ =	sdelay $0x1  }
0x3e: {  	[tilespmem:s21+$0x8220] =	vst v0  }
0x3f: {  	v2 =	vld.idx.msk [tilespmem:v2+s2+$0x0], $0xffff  }
0x40: {  	s23 =	simm.s32 $0x40;
	v3 =	vld.idx.msk [tilespmem:v3+s12+$0x0], $0xffff  }
0x41: {  	v0 =	vld [tilespmem:s23+$0x5000]  }
0x42: {  	s22 =	simm.s32 $0x200;
	v1 =	vld [tilespmem:s23+$0x5C80]  }
.LBB2_2:
0x43: {  	_ = 	snop  }
0x44: {  	p0 =	sne.s32 s22, $0x3000;
	s24 =	smov.u32 s22;
	s22 =	sadd.s32 $0x100, s22  }
0x45: {  	_ = 	snop  }
0x46: {  	v2 =	vadd.f32 v3, v2;
	_ =	sdelay $0x1  }
0x47: {  	v3 =	vld [tilespmem:s23+$0x5C90];
	[tilespmem:s21+$0x8230] =	vst v2;
	s21 =	smov.u32 s23  }
0x48: {  	v0 =	vld.idx.msk [tilespmem:v0+s2+$0x0], $0xffff  }
0x49: {  	v1 =	vld.idx.msk [tilespmem:v1+s12+$0x0], $0xffff  }
0x4a: {  	v2 =	vld [tilespmem:s21+$0x5010];
	_ =	sdelay $0x4  }
0x4b: {  	v0 =	vadd.f32 v1, v0;
	_ =	sdelay $0x1  }
0x4c: {  	[tilespmem:s21+$0x8200] =	vst v0;
	v0 =	vld [tilespmem:s21+$0x5CA0]  }
0x4d: {  	v1 =	vld.idx.msk [tilespmem:v2+s2+$0x0], $0xffff  }
0x4e: {  	v2 =	vld.idx.msk [tilespmem:v3+s12+$0x0], $0xffff  }
0x4f: {  	v3 =	vld [tilespmem:s21+$0x5020];
	_ =	sdelay $0x4  }
0x50: {  	v1 =	vadd.f32 v2, v1;
	_ =	sdelay $0x1  }
0x51: {  	[tilespmem:s21+$0x8210] =	vst v1;
	v1 =	vld [tilespmem:s21+$0x5CB0]  }
0x52: {  	v2 =	vld.idx.msk [tilespmem:v3+s2+$0x0], $0xffff  }
0x53: {  	v0 =	vld.idx.msk [tilespmem:v0+s12+$0x0], $0xffff  }
0x54: {  	v3 =	vld [tilespmem:s21+$0x5030];
	_ =	sdelay $0x4  }
0x55: {  	v0 =	vadd.f32 v0, v2;
	_ =	sdelay $0x1  }
.Ltmp0:
0x56: {  	[tilespmem:s21+$0x8220] =	vst v0;
	(pc) =	sbr.rel @p0 .LBB2_2-.Ltmp0, $4  }
0x57: {  	v2 =	vld.idx.msk [tilespmem:v3+s2+$0x0], $0xffff  }
0x58: {  	s23 =	sshra.s32 s24, $0x2;
	v3 =	vld.idx.msk [tilespmem:v1+s12+$0x0], $0xffff  }
0x59: {  	v0 =	vld [tilespmem:s23+$0x5000]  }
0x5a: {  	v1 =	vld [tilespmem:s23+$0x5C80]  }
0x5b: {  	_ =	sdelay $0x3  }
0x5c: {  	v2 =	vadd.f32 v3, v2;
	_ =	sdelay $0x1  }
0x5d: {  	v3 =	vld [tilespmem:s23+$0x5C90];
	[tilespmem:s21+$0x8230] =	vst v2  }
0x5e: {  	v0 =	vld.idx.msk [tilespmem:v0+s2+$0x0], $0xffff  }
0x5f: {  	v1 =	vld.idx.msk [tilespmem:v1+s12+$0x0], $0xffff  }
0x60: {  	v2 =	vld [tilespmem:s23+$0x5010];
	_ =	sdelay $0x4  }
0x61: {  	v0 =	vadd.f32 v1, v0;
	_ =	sdelay $0x1  }
0x62: {  	[tilespmem:s23+$0x8200] =	vst v0  }
0x63: {  	v0 =	vld.idx.msk [tilespmem:v2+s2+$0x0], $0xffff  }
0x64: {  	v1 =	vld.idx.msk [tilespmem:v3+s12+$0x0], $0xffff  }
0x65: {  	v2 =	vld [tilespmem:s23+$0x5020]  }
0x66: {  	v3 =	vld [tilespmem:s23+$0x5CA0];
	_ =	sdelay $0x3  }
0x67: {  	v0 =	vadd.f32 v1, v0;
	_ =	sdelay $0x1  }
0x68: {  	[tilespmem:s23+$0x8210] =	vst v0  }
0x69: {  	v0 =	vld.idx.msk [tilespmem:v2+s2+$0x0], $0xffff  }
0x6a: {  	v1 =	vld.idx.msk [tilespmem:v3+s12+$0x0], $0xffff  }
0x6b: {  	v2 =	vld [tilespmem:s23+$0x5030]  }
0x6c: {  	v3 =	vld [tilespmem:s23+$0x5CB0];
	_ =	sdelay $0x3  }
0x6d: {  	v0 =	vadd.f32 v1, v0;
	_ =	sdelay $0x1  }
0x6e: {  	[tilespmem:s23+$0x8220] =	vst v0  }
0x6f: {  	v0 =	vld.idx.msk [tilespmem:v2+s2+$0x0], $0xffff  }
0x70: {  	v1 =	vld.idx.msk [tilespmem:v3+s12+$0x0], $0xffff;
	_ =	sdelay $0x4  }
0x71: {  	v0 =	vadd.f32 v1, v0;
	_ =	sdelay $0x1  }
0x72: {  	s31 =	simm.s32 $0x0;
	s21 =	simm.s32 $0x0;
	[tilespmem:s23+$0x8230] =	vst v0  }
0x73: {  	[hbm4b:s9+s31] =	stream.linear.scatter [tilespmem:s18], [sflag:$0x1], $0xC40, $0x38;
	[tilespmem:$0x9B00] =	vst v63  }
0x74: {  	v0 =	vld [tilespmem:s21+$0x6900]  }
0x75: {  	v1 =	vld [tilespmem:s21+$0x7580];
	_ =	sdelay $0x5  }
0x76: {  	v2 =	vld [tilespmem:s21+$0x6910]  }
0x77: {  	v0 =	vld.idx.msk [tilespmem:v0+s2+$0x0], $0xffff  }
0x78: {  	v1 =	vld.idx.msk [tilespmem:v1+s12+$0x0], $0xffff  }
0x79: {  	v3 =	vld [tilespmem:s21+$0x7590];
	_ =	sdelay $0x3  }
0x7a: {  	v0 =	vadd.f32 v1, v0;
	_ =	sdelay $0x1  }
0x7b: {  	[tilespmem:s21+$0x8E80] =	vst v0  }
0x7c: {  	v0 =	vld.idx.msk [tilespmem:v2+s2+$0x0], $0xffff  }
0x7d: {  	v1 =	vld.idx.msk [tilespmem:v3+s12+$0x0], $0xffff  }
0x7e: {  	v2 =	vld [tilespmem:s21+$0x6920]  }
0x7f: {  	v3 =	vld [tilespmem:s21+$0x75A0];
	_ =	sdelay $0x3  }
0x80: {  	v0 =	vadd.f32 v1, v0;
	_ =	sdelay $0x1  }
0x81: {  	[tilespmem:s21+$0x8E90] =	vst v0  }
0x82: {  	v0 =	vld.idx.msk [tilespmem:v2+s2+$0x0], $0xffff  }
0x83: {  	v1 =	vld.idx.msk [tilespmem:v3+s12+$0x0], $0xffff  }
0x84: {  	v2 =	vld [tilespmem:s21+$0x6930]  }
0x85: {  	v3 =	vld [tilespmem:s21+$0x75B0];
	_ =	sdelay $0x3  }
0x86: {  	v0 =	vadd.f32 v1, v0;
	_ =	sdelay $0x1  }
0x87: {  	[tilespmem:s21+$0x8EA0] =	vst v0  }
0x88: {  	v2 =	vld.idx.msk [tilespmem:v2+s2+$0x0], $0xffff  }
0x89: {  	s23 =	simm.s32 $0x40;
	v3 =	vld.idx.msk [tilespmem:v3+s12+$0x0], $0xffff  }
0x8a: {  	v0 =	vld [tilespmem:s23+$0x6900]  }
0x8b: {  	s22 =	simm.s32 $0x200;
	v1 =	vld [tilespmem:s23+$0x7580]  }
.LBB2_4:
0x8c: {  	_ = 	snop  }
0x8d: {  	p0 =	sne.s32 s22, $0x3000;
	s24 =	smov.u32 s22;
	s22 =	sadd.s32 $0x100, s22  }
0x8e: {  	_ = 	snop  }
0x8f: {  	v2 =	vadd.f32 v3, v2;
	_ =	sdelay $0x1  }
0x90: {  	v3 =	vld [tilespmem:s23+$0x7590];
	[tilespmem:s21+$0x8EB0] =	vst v2;
	s21 =	smov.u32 s23  }
0x91: {  	v0 =	vld.idx.msk [tilespmem:v0+s2+$0x0], $0xffff  }
0x92: {  	v1 =	vld.idx.msk [tilespmem:v1+s12+$0x0], $0xffff  }
0x93: {  	v2 =	vld [tilespmem:s21+$0x6910];
	_ =	sdelay $0x4  }
0x94: {  	v0 =	vadd.f32 v1, v0;
	_ =	sdelay $0x1  }
0x95: {  	[tilespmem:s21+$0x8E80] =	vst v0;
	v0 =	vld [tilespmem:s21+$0x75A0]  }
0x96: {  	v1 =	vld.idx.msk [tilespmem:v2+s2+$0x0], $0xffff  }
0x97: {  	v2 =	vld.idx.msk [tilespmem:v3+s12+$0x0], $0xffff  }
0x98: {  	v3 =	vld [tilespmem:s21+$0x6920];
	_ =	sdelay $0x4  }
0x99: {  	v1 =	vadd.f32 v2, v1;
	_ =	sdelay $0x1  }
0x9a: {  	[tilespmem:s21+$0x8E90] =	vst v1;
	v1 =	vld [tilespmem:s21+$0x75B0]  }
0x9b: {  	v2 =	vld.idx.msk [tilespmem:v3+s2+$0x0], $0xffff  }
0x9c: {  	v0 =	vld.idx.msk [tilespmem:v0+s12+$0x0], $0xffff  }
0x9d: {  	v3 =	vld [tilespmem:s21+$0x6930];
	_ =	sdelay $0x4  }
0x9e: {  	v0 =	vadd.f32 v0, v2;
	_ =	sdelay $0x1  }
.Ltmp1:
0x9f: {  	[tilespmem:s21+$0x8EA0] =	vst v0;
	(pc) =	sbr.rel @p0 .LBB2_4-.Ltmp1, $4  }
0xa0: {  	v2 =	vld.idx.msk [tilespmem:v3+s2+$0x0], $0xffff  }
0xa1: {  	s23 =	sshra.s32 s24, $0x2;
	v3 =	vld.idx.msk [tilespmem:v1+s12+$0x0], $0xffff  }
0xa2: {  	v0 =	vld [tilespmem:s23+$0x6900]  }
0xa3: {  	v1 =	vld [tilespmem:s23+$0x7580]  }
0xa4: {  	_ =	sdelay $0x3  }
0xa5: {  	v2 =	vadd.f32 v3, v2;
	_ =	sdelay $0x1  }
0xa6: {  	v56 =	vld [tilespmem:s23+$0x7590];
	[tilespmem:s21+$0x8EB0] =	vst v2  }
0xa7: {  	v0 =	vld.idx.msk [tilespmem:v0+s2+$0x0], $0xffff  }
0xa8: {  	v1 =	vld.idx.msk [tilespmem:v1+s12+$0x0], $0xffff  }
0xa9: {  	v2 =	vld [tilespmem:s23+$0x6910];
	_ =	sdelay $0x4  }
0xaa: {  	v0 =	vadd.f32 v1, v0;
	_ =	sdelay $0x1  }
0xab: {  	v58 =	vld [tilespmem:s23+$0x6920];
	[tilespmem:s23+$0x8E80] =	vst v0  }
0xac: {  	v0 =	vld.idx.msk [tilespmem:v2+s2+$0x0], $0xffff  }
0xad: {  	v57 =	vld.idx.msk [tilespmem:v56+s12+$0x0], $0xffff  }
0xae: {  	v59 =	vld [tilespmem:s23+$0x75A0];
	_ =	sdelay $0x3  }
0xaf: {  	v0 =	vadd.f32 v57, v0;
	_ =	sdelay $0x1  }
0xb0: {  	v61 =	vld [tilespmem:s23+$0x6930];
	[tilespmem:s23+$0x8E90] =	vst v0  }
0xb1: {  	v0 =	vld.idx.msk [tilespmem:v58+s2+$0x0], $0xffff  }
0xb2: {  	v60 =	vld.idx.msk [tilespmem:v59+s12+$0x0], $0xffff  }
0xb3: {  	v62 =	vld [tilespmem:s23+$0x75B0];
	_ =	sdelay $0x3  }
0xb4: {  	v0 =	vadd.f32 v60, v0;
	_ =	sdelay $0x1  }
0xb5: {  	[tilespmem:s23+$0x8EA0] =	vst v0  }
0xb6: {  	v0 =	vld.idx.msk [tilespmem:v61+s2+$0x0], $0xffff  }
0xb7: {  	v63 =	vld.idx.msk [tilespmem:v62+s12+$0x0], $0xffff;
	_ =	sdelay $0x4  }
0xb8: {  	v0 =	vadd.f32 v63, v0;
	_ =	sdelay $0x1  }
0xb9: {  	s20 =	sadd.s32 $0x1, s20;
	[tilespmem:s23+$0x8EB0] =	vst v0  }
0xba: {  	[hbm4b:s10+s2] =	stream.linear.scatter [tilespmem:s19], [sflag:$0x1], $0xC40, $0x38;
	[tilespmem:$0x9B00] =	vst v63  }
0xbb: {  	p0 =	sne.s32 s20, s11;
	_ =	swait.ge [sflag:s17], $0xC40  }
.Ltmp2:
0xbc: {  	[sflag:s17] =	ssyncset.done $0x0;
	(pc) =	sbr.rel @p0 .LBB2_1-.Ltmp2, $4  }
0xbd: {  	[sflag:s17] =	ssyncadd.s32 $0xFFFFF3C0  }
0xbe: {  	_ =	swait.ge [sflag:s17], $0xC40  }
0xbf: {  	[sflag:s17] =	ssyncset.done $0x0  }
0xc0: {  	[sflag:s17] =	ssyncadd.s32 $0xFFFFF3C0  }
0xc1: {  	_ =	sfence.sel $0x180000  }
0xc2: {  	[bflag:$0x0] =	sbarrier.arrive $0xFFFF  }
0xc3: {  	p0 =	sne.s32 s1, $0x0;
	_ =	strace $0x90000050  }
0xc4: {  	s0 =	sadd.s32 @!p0 $0x100000, s0;
	[bflag:$0x2] =	sbarrier.arrive $0xFFFF  }
0xc5: {  	[sflag:s0] =	ssyncadd.tile.s32 @!p0 $0x1;
	_ =	shalt  }
.Lfunc_end2:
_tile_overlayer_lowered:
.L_overlay_start_2:
0xc6: {  	(tag) =	ssettag $0x2  }
0xc7: {  	s0 =	rddreg [dreg:$0x0];
	s2 =	stileid.u32  }
0xc8: {  	s1 =	rddreg [dreg:$0x1];
	p0 =	sne.s32 s2, $0x0  }
0xc9: {  	s3 =	rddreg [dreg:$0x2];
	[bflag:$0x3] =	sbarrier.arrive $0xFFFF;
	s2 =	simm.s32 @!p0 $0x1C02  }
0xca: {  	[timem:s3], [sflag:s2] =	dma.local @!p0 [hbm:s0], s1  }
0xcb: {  	s0 =	simm.s32 @!p0 $0x2  }
0xcc: {  	_ =	swait.ge @!p0 [sflag:s0], s1  }
0xcd: {  	s1 =	ssub.s32 @!p0 $0x0, s1;
	[sflag:s0] =	ssyncset.done @!p0 $0x0  }
0xce: {  	[sflag:s0] =	ssyncadd.s32 @!p0 s1  }
0xcf: {  	[bflag:$0x3] =	sbarrier.arrive $0xFFFF  }
0xd0: {  	_ =	shalt  }

// kernel: kernel.9.cloned.1.call-start
scs
__scs_entry_jumppad:
0x0: {  	(pc) =	sbr.rel $0x88, $3  }
0x1: {  	(tag) =	ssettag $0x0;
	lr =	simm.s32 $0x1  }
0x2: {  	[smem:$0x3F95] =	sst lr;
	_ =	strace $0xD0000000  }
0x3: {  	_ = 	snop  }
0x4: {  	_ = 	snop  }
0x5: {  	_ = 	snop  }
0x6: {  	_ = 	snop  }
0x7: {  	_ = 	snop  }
__scs_overlays_trampoline_lowered:
0x8: {  	[smem:$0x3FA4] =	sst s0  }
0x9: {  	[smem:$0x3FA5] =	sst s1  }
0xa: {  	[smem:$0x3FA6] =	sst s2  }
0xb: {  	[smem:$0x3FA7] =	sst s3  }
0xc: {  	[smem:$0x3FA8] =	sst s4  }
0xd: {  	[smem:$0x3FA9] =	sst s5  }
0xe: {  	[smem:$0x3FAA] =	sst s6  }
0xf: {  	[smem:$0x3FAB] =	sst s7  }
0x10: {  	[smem:$0x3FAC] =	sst s8  }
0x11: {  	[smem:$0x3FAD] =	sst s9;
	s0 =	simm.s32 @!p0 $0x0  }
0x12: {  	s1 =	sld [smem:$0x3F93];
	s0 =	simm.s32 @p0 $0x1  }
0x13: {  	[smem:$0x3FAE] =	sst s0;
	s0 =	simm.s32 @!p1 $0x0  }
0x14: {  	s2 =	sld [smem:$0x3F92];
	s0 =	simm.s32 @p1 $0x1  }
0x15: {  	[smem:$0x3FAF] =	sst s0;
	s0 =	simm.s32 @!p2 $0x0  }
0x16: {  	s3 =	sld [smem:$0x3FDB];
	s0 =	simm.s32 @p2 $0x1  }
0x17: {  	s4 =	simm.s32 $0x1BF5;
	[smem:$0x3FB1] =	sst s0  }
0x18: {  	s0 =	sld [smem:$0x3F94];
	_ =	swait.ge [sflag:s4], $0x0  }
0x19: {  	s7 =	sld [smem:$0x3F95]  }
0x1a: {  	s8 =	sadd.s32 $0xFFFFE003, lr  }
0x1b: {  	s9 =	sadd.s32 $0xFFFFFEF7, lr;
	s5 =	simm.s32 $0xFFFFFFFF;
	p2 =	slt.u32 s8, $0xFFFFF086  }
0x1c: {  	p1 =	slt.u32 s9, $0xF7A;
	s5 =	simm.s32 @!p2 $0x0  }
0x1d: {  	s5 =	simm.s32 @p1 $0x1;
	p0 =	seq.s32 s7, s2  }
0x1e: {  	s7 =	smul.u32 @!p0 $0xF7A, s2;
	p2 =	seq.s32 @!p0 s5, $0x0  }
0x1f: {  	s9 =	smul.u32 $0xF7A, s1;
	s8 =	simm.s32 @!p0 $0x1BF5;
	p2 =	por !p2, p0  }
0x20: {  	[sflag:s8] =	ssyncset.s32 @!p0 $0xFFFFF086;
	s6 =	sadd.s32 @!p0 s3, s7;
	s7 =	simm.s32 @!p0 $0x108  }
0x21: {  	s3 =	sadd.s32 s3, s9;
	s6 =	sadd.s32 @!p0 $0x88, s6;
	s7 =	simm.s32 @p2 $0x1082  }
0x22: {  	[simem:s7], [sflag:s8] =	dma.local @!p0 [hbm:s6], $0xF7A  }
0x23: {  	s9 =	sor.u32 $0xD0000000, s2;
	s6 =	simm.s32 $0x108;
	_ =	swait.ge @!p0 [sflag:s8], $0x0  }
0x24: {  	s3 =	sadd.s32 $0x88, s3;
	s6 =	simm.s32 @!p1 $0x1082;
	[sflag:s4] =	ssyncset.s32 $0xFFFFF086  }
0x25: {  	[simem:s6], [sflag:s4] =	dma.local [hbm:s3], $0xF7A  }
0x26: {  	[smem:$0x3F95] =	sst s1;
	(tag) =	ssettag s2;
	_ =	strace s9  }
0x27: {  	s1 =	sld [smem:$0x3FA5]  }
0x28: {  	s2 =	sld [smem:$0x3FA6]  }
0x29: {  	s4 =	sld [smem:$0x3FA8]  }
0x2a: {  	p0 =	seq.s32 s5, $0x0;
	s5 =	sld [smem:$0x3FA9]  }
0x2b: {  	s6 =	sld [smem:$0x3FAA]  }
0x2c: {  	s7 =	sld [smem:$0x3FAB]  }
0x2d: {  	s3 =	simm.s32 $0x108;
	s8 =	sld [smem:$0x3FAC]  }
0x2e: {  	s3 =	simm.s32 @!p0 $0x1082;
	s9 =	sld [smem:$0x3FAD]  }
0x2f: {  	lr =	sadd.s32 s0, s3;
	s0 =	sld [smem:$0x3FA4]  }
0x30: {  	s3 =	sld [smem:$0x3FA7]  }
0x31: {  	[smem:$0x3FB0] =	sst s10  }
0x32: {  	s10 =	sld [smem:$0x3FAE];
	_ =	sdelay $0x3  }
0x33: {  	p0 =	seq.s32 s10, $0x1;
	s10 =	sld [smem:$0x3FB0];
	_ =	sdelay $0x3  }
0x34: {  	[smem:$0x3FB0] =	sst s10  }
0x35: {  	s10 =	sld [smem:$0x3FAF];
	_ =	sdelay $0x3  }
0x36: {  	p1 =	seq.s32 s10, $0x1;
	s10 =	sld [smem:$0x3FB0];
	_ =	sdelay $0x3  }
0x37: {  	[smem:$0x3FB0] =	sst s10  }
0x38: {  	s10 =	sld [smem:$0x3FB1]  }
0x39: {  	_ = 	snop;
	(pc) =	sbr.ind lr, $3  }
0x3a: {  	_ = 	snop  }
0x3b: {  	_ = 	snop  }
0x3c: {  	p2 =	seq.s32 s10, $0x1;
	s10 =	sld [smem:$0x3FB0]  }
0x3d: {  	_ =	shalt  }
0x3e: {  	_ =	shalt  }
0x3f: {  	_ =	shalt  }
0x40: {  	_ =	shalt  }
0x41: {  	_ =	shalt  }
0x42: {  	_ =	shalt  }
0x43: {  	_ =	shalt  }
0x44: {  	_ =	shalt  }
0x45: {  	_ =	shalt  }
0x46: {  	_ =	shalt  }
0x47: {  	_ =	shalt  }
0x48: {  	_ =	shalt  }
0x49: {  	_ =	shalt  }
0x4a: {  	_ =	shalt  }
0x4b: {  	_ =	shalt  }
0x4c: {  	_ =	shalt  }
0x4d: {  	_ =	shalt  }
0x4e: {  	_ =	shalt  }
0x4f: {  	_ =	shalt  }
0x50: {  	_ =	shalt  }
0x51: {  	_ =	shalt  }
0x52: {  	_ =	shalt  }
0x53: {  	_ =	shalt  }
0x54: {  	_ =	shalt  }
0x55: {  	_ =	shalt  }
0x56: {  	_ =	shalt  }
0x57: {  	_ =	shalt  }
0x58: {  	_ =	shalt  }
0x59: {  	_ =	shalt  }
0x5a: {  	_ =	shalt  }
0x5b: {  	_ =	shalt  }
0x5c: {  	_ =	shalt  }
0x5d: {  	_ =	shalt  }
0x5e: {  	_ =	shalt  }
0x5f: {  	_ =	shalt  }
0x60: {  	_ =	shalt  }
0x61: {  	_ =	shalt  }
0x62: {  	_ =	shalt  }
0x63: {  	_ =	shalt  }
0x64: {  	_ =	shalt  }
0x65: {  	_ =	shalt  }
0x66: {  	_ =	shalt  }
0x67: {  	_ =	shalt  }
0x68: {  	_ =	shalt  }
0x69: {  	_ =	shalt  }
0x6a: {  	_ =	shalt  }
0x6b: {  	_ =	shalt  }
0x6c: {  	_ =	shalt  }
0x6d: {  	_ =	shalt  }
0x6e: {  	_ =	shalt  }
0x6f: {  	_ =	shalt  }
0x70: {  	_ =	shalt  }
0x71: {  	_ =	shalt  }
0x72: {  	_ =	shalt  }
0x73: {  	_ =	shalt  }
0x74: {  	_ =	shalt  }
0x75: {  	_ =	shalt  }
0x76: {  	_ =	shalt  }
0x77: {  	_ =	shalt  }
0x78: {  	_ =	shalt  }
0x79: {  	_ =	shalt  }
0x7a: {  	_ =	shalt  }
0x7b: {  	_ =	shalt  }
0x7c: {  	_ =	shalt  }
0x7d: {  	_ =	shalt  }
0x7e: {  	_ =	shalt  }
0x7f: {  	_ =	shalt  }
0x80: {  	_ =	shalt  }
0x81: {  	_ =	shalt  }
0x82: {  	_ =	shalt  }
0x83: {  	_ =	shalt  }
0x84: {  	_ =	shalt  }
0x85: {  	_ =	shalt  }
0x86: {  	_ =	shalt  }
0x87: {  	_ =	shalt  }
.Lfunc_end0:
.L_simem_size_0:
called_computation_lowered:
.L_overlay_start_0:
0x88: {  	s2 =	sld [smem:$0x3FD9]  }
0x89: {  	s3 =	sld [smem:$0x3FFE];
	_ =	sdelay $0x1  }
0x8a: {  	s1 =	srdreg.scid  }
0x8b: {  	s0 =	sand.u32 $0x1, s1  }
0x8c: {  	s14 =	sshll.u32 s0, $0xA;
	s2 =	sadd.s32 s3, s2  }
0x8d: {  	s2 =	sadd.s32 s2, s14  }
0x8e: {  	[smem:$0x3FBC] =	sst s2  }
0x8f: {  	_ = 	snop  }
0x90: {  	s2 =	sld [smem:$0x3FD0];
	_ =	sdelay $0x2  }
0x91: {  	s15 =	simm.s32 $0xA;
	s4 =	simm.s32 $0x10  }
0x92: {  	[smem:s4], [sflag:s15] =	dma.local [hbm:s2], $0x1  }
0x93: {  	_ =	swait.eq [sflag:s15], $0x1  }
0x94: {  	[sflag:s15] =	ssyncset.done $0x0  }
0x95: {  	[sflag:s15] =	ssyncadd.s32 $0xFFFFFFFF  }
0x96: {  	s16 =	sld [smem:$0x12];
	(tm) =	ssettm $0x1  }
0x97: {  	s17 =	sld [smem:$0x3FFB];
	_ =	sdelay $0x3  }
0x98: {  	_ =	strace s17  }
0x99: {  	s3 =	sld [smem:$0x3FFC];
	_ =	sdelay $0x3  }
0x9a: {  	_ =	strace s3  }
0x9b: {  	s3 =	sld [smem:$0x3FFD];
	_ =	sdelay $0x3  }
0x9c: {  	_ =	strace s3  }
0x9d: {  	_ =	strace $0x8FFFFFFF  }
0x9e: {  	s18 =	sld [smem:$0x3FDB];
	_ =	sdelay $0x1  }
0x9f: {  	s19 =	simm.s32 $_scs_section_size  }
0xa0: {  	s5 =	simm.s32 $_size__tile_overlayer_lowered;
	s6 =	simm.s32 $_tile_overlayer_lowered  }
0xa1: {  	s22 =	simm.s32 $0x1BFF;
	s21 =	sshll.u32 s6, $0x1;
	s3 =	sadd.s32 s19, s18  }
0xa2: {  	s7 =	simm.s32 $0x0;
	s20 =	sshll.u32 s5, $0x1;
	s5 =	sadd.s32 s21, s3  }
0xa3: {  	[timem:s7], [sflag:s22] =	dma.local [hbm:s5], s20  }
0xa4: {  	_ =	swait.ge [sflag:s22], s20  }
0xa5: {  	s4 =	ssub.s32 $0x0, s20;
	[sflag:s22] =	ssyncset.done $0x0  }
0xa6: {  	[sflag:s22] =	ssyncadd.s32 s4;
	_ =	sdelay $0x1  }
0xa7: {  	s23 =	simm.s32 $0x1B8B  }
0xa8: {  	_ =	swait.ge [sflag:s23], $0x1  }
0xa9: {  	[sflag:s23] =	ssyncset.done $0x0  }
0xaa: {  	s25 =	simm.s32 $0x1B8E;
	s24 =	sld [smem:$0x3FFE];
	[sflag:s23] =	ssyncadd.s32 $0xFFFFFFFF  }
0xab: {  	s26 =	simm.s32 $execute0_lowered;
	[smem:$0x3FD2] =	sst s25  }
0xac: {  	s5 =	sshll.u32 s26, $0x1;
	_ =	strace $0x80000046;
	[dreg:$0x1] =	wrdreg $0xFFFFFFFF  }
0xad: {  	s28 =	simm.s32 $_size_execute0_lowered;
	s3 =	sadd.s32 s3, s5;
	[dreg:$0x0] =	wrdreg $0x0  }
0xae: {  	s5 =	sshll.u32 s28, $0x1;
	[dreg:$0x2] =	wrdreg s3  }
0xaf: {  	[dreg:$0x3] =	wrdreg s5  }
0xb0: {  	[dreg:$0x4] =	wrdreg $0xC0  }
0xb1: {  	_ =	task [dreg:s7], $0x5FFFF  }
0xb2: {  	[dreg:$0x1] =	wrdreg $0xFFFFFFFF  }
0xb3: {  	[dreg:$0x0] =	wrdreg $0x60  }
0xb4: {  	[dreg:$0x2] =	wrdreg s24  }
0xb5: {  	[dreg:$0x3] =	wrdreg s16  }
0xb6: {  	[dreg:$0x4] =	wrdreg $0x0  }
0xb7: {  	[dreg:$0x5] =	wrdreg $0x9  }
0xb8: {  	_ =	task.clear_ibuf [dreg:s7], $0x6FFFF;
	_ =	strace $0x90000046  }
0xb9: {  	s29 =	simm.s32 $0x9;
	_ =	strace $0x80000048  }
0xba: {  	_ =	swait.ge [sflag:s29], $0x1  }
0xbb: {  	[sflag:s29] =	ssyncadd.s32 $0xFFFFFFFF  }
0xbc: {  	_ =	strace $0x90000048  }
0xbd: {  	_ =	sfence  }
0xbe: {  	s30 =	sld [smem:$0x0];
	_ =	sdelay $0x2  }
0xbf: {  	s31 =	sshll.u32 s1, $0xD;
	s1 =	sshrl.u32 s1, $0x2  }
0xc0: {  	s3 =	sand.u32 $0x4000, s31;
	s1 =	sadd.s32 s1, s30  }
0xc1: {  	s0 =	sor.u32 s3, s0;
	s1 =	sshll.u32 s1, $0x11  }
0xc2: {  	s0 =	sor.u32 s1, s0  }
0xc3: {  	s0 =	sadd.s32 $0x8F2B, s0  }
0xc4: {  	[sflag:s0] =	ssyncadd.remote.s32 $0x1  }
0xc5: {  	_ =	sfence.sel $0xFFFF  }
0xc6: {  	[dreg:$0x0] =	wrdreg $0xFFFFFFFF;
	(pc) =	sbr.abs _section_cstart, $3  }
0xc7: {  	[dreg:$0x1] =	wrdreg $0xFFFFFFFF  }
0xc8: {  	_ =	task.clear_ibuf [dreg:s7], $0x2FFFF;
	_ =	strace $0x9FFFFFFF  }
0xc9: {  	(tm) =	ssettm $0x7FFFFFFF  }
tec
execute0_lowered:
.L_overlay_start_1:
0x0: {  	(tag) =	ssettag $0x1  }
0x1: {  	s4 =	rddreg [dreg:$0x0]  }
0x2: {  	s7 =	rddreg [dreg:$0x1]  }
0x3: {  	s0 =	srdreg.scid;
	s2 =	rddreg [dreg:$0x2]  }
0x4: {  	s3 =	simm.s32 $0x0;
	s12 =	simm.s32 $0x80;
	s13 =	simm.s32 $0x2A80  }
0x5: {  	s14 =	simm.s32 $0x100;
	s5 =	sand.u32 $0x1, s0;
	s0 =	stileid.u32  }
0x6: {  	s15 =	simm.s32 $0x0;
	[smem:$0x7FF] =	sst s3;
	s11 =	smul.u32 $0xA00, s0  }
0x7: {  	s1 =	sshll.u32 s5, $0x4;
	s26 =	ssub.s32 $0x2, s5;
	s28 =	smul.u32 $0x500, s0  }
0x8: {  	s5 =	sshll.u32 s5, $0x7;
	s6 =	sor.u32 s0, s1;
	s1 =	rddreg [dreg:$0x3]  }
0x9: {  	_ =	strace $0x80000047;
	s10 =	sshrl.u32 s26, $0x1;
	s8 =	smul.u32 $0x48, s6  }
0xa: {  	s9 =	smul.u32 $0x50, s6;
	p0 =	slt.u32 s6, $0x18;
	p1 =	seq.s32 s6, $0x1F  }
0xb: {  	s29 =	sshrl.u32 s11, $0x2;
	s30 =	sor.u32 s5, s28;
	s8 =	sadd.s32 $0xC0, s8  }
0xc: {  	s11 =	simm.s32 $0x1;
	s31 =	sshrl.u32 s30, $0x3;
	s8 =	smov.u32 @p0 s9  }
0xd: {  	s6 =	sadd.s32 s29, s2;
	s7 =	sadd.s32 s7, s31;
	s8 =	sshll.u32 s8, $0x4  }
0xe: {  	s9 =	ssub.s32 s26, s10;
	s8 =	sadd.s32 s8, s4;
	s4 =	simm.s32 $0x4C  }
0xf: {  	s10 =	simm.s32 $0x2;
	s4 =	simm.s32 @!p1 $0x48;
	s5 =	sadd.s32 $0x1600, s8  }
0x10: {  	v0 =	vimm.f32 $1.000000000e+00;
	v1 =	vimm.f32 $0.0e+00;
	s8 =	smax.u32 s9, $0x1;
	s9 =	simm.s32 $0x2B00;
	s4 =	simm.s32 @p0 $0x50  }
.LBB2_1:
0x11: {  	s16 =	simm.s32 $0x280  }
0x12: {  	[tilespmem:s16], [sflag:$0x1] =	stream.linear.gather [hbm4b:s5+s3], $0x2800, $0x38;
	[tilespmem:$0x2D80] =	vst v63  }
0x13: {  	[tilespmem:$0x2A80] =	vst v0  }
0x14: {  	[tilespmem:$0x2A90] =	vst v0  }
0x15: {  	[tilespmem:$0x2AA0] =	vst v0  }
0x16: {  	[tilespmem:$0x2AB0] =	vst v0  }
0x17: {  	[tilespmem:$0x2AC0] =	vst v0  }
0x18: {  	[tilespmem:$0x2AD0] =	vst v0  }
0x19: {  	[tilespmem:$0x2AE0] =	vst v0  }
0x1a: {  	[tilespmem:$0x2AF0] =	vst v0  }
0x1b: {  	[tilespmem:$0x2B00] =	vst v1  }
0x1c: {  	[tilespmem:$0x2B10] =	vst v1  }
0x1d: {  	[tilespmem:$0x2B20] =	vst v1  }
0x1e: {  	[tilespmem:$0x2B30] =	vst v1  }
0x1f: {  	[tilespmem:$0x2B40] =	vst v1  }
0x20: {  	[tilespmem:$0x2B50] =	vst v1  }
0x21: {  	[tilespmem:$0x2B60] =	vst v1  }
0x22: {  	[tilespmem:$0x2B70] =	vst v1  }
0x23: {  	[tilespmem:$0x2B80] =	vst v1  }
0x24: {  	[tilespmem:$0x2B90] =	vst v1  }
0x25: {  	[tilespmem:$0x2BA0] =	vst v1  }
0x26: {  	[tilespmem:$0x2BB0] =	vst v1  }
0x27: {  	[tilespmem:$0x2BC0] =	vst v1  }
0x28: {  	[tilespmem:$0x2BD0] =	vst v1  }
0x29: {  	[tilespmem:$0x2BE0] =	vst v1  }
0x2a: {  	[tilespmem:$0x2BF0] =	vst v1  }
0x2b: {  	[tilespmem:$0x2C00] =	vst v1  }
0x2c: {  	[tilespmem:$0x2C10] =	vst v1  }
0x2d: {  	[tilespmem:$0x2C20] =	vst v1  }
0x2e: {  	[tilespmem:$0x2C30] =	vst v1  }
0x2f: {  	[tilespmem:$0x2C40] =	vst v1  }
0x30: {  	[tilespmem:$0x2C50] =	vst v1  }
0x31: {  	[tilespmem:$0x2C60] =	vst v1  }
0x32: {  	[tilespmem:$0x2C70] =	vst v1  }
0x33: {  	[tilespmem:$0x2C80] =	vst v1  }
0x34: {  	[tilespmem:$0x2C90] =	vst v1  }
0x35: {  	[tilespmem:$0x2CA0] =	vst v1  }
0x36: {  	[tilespmem:$0x2CB0] =	vst v1  }
0x37: {  	[tilespmem:$0x2CC0] =	vst v1  }
0x38: {  	[tilespmem:$0x2CD0] =	vst v1  }
0x39: {  	[tilespmem:$0x2CE0] =	vst v1  }
0x3a: {  	[tilespmem:$0x2CF0] =	vst v1  }
0x3b: {  	[tilespmem:$0x2D00] =	vst v1  }
0x3c: {  	[tilespmem:$0x2D10] =	vst v1  }
0x3d: {  	[tilespmem:$0x2D20] =	vst v1  }
0x3e: {  	[tilespmem:$0x2D30] =	vst v1  }
0x3f: {  	[tilespmem:$0x2D40] =	vst v1  }
0x40: {  	[tilespmem:$0x2D50] =	vst v1  }
0x41: {  	[tilespmem:$0x2D60] =	vst v1  }
0x42: {  	[tilespmem:$0x2D70] =	vst v1  }
0x43: {  	[spmem:s6] =	stream.linear.scatter [tilespmem:s9], [sflag:$0x2], $0x280, $0x38;
	[tilespmem:$0x2D80] =	vst v63  }
0x44: {  	_ =	swait.ge [sflag:s10], $0x280  }
0x45: {  	[sflag:s10] =	ssyncset.done $0x0  }
0x46: {  	[sflag:s10] =	ssyncadd.s32 $0xFFFFFD80  }
0x47: {  	_ =	swait.ge [sflag:s11], $0x2800  }
0x48: {  	p1 =	sne.s32 s4, $0x1;
	[sflag:s11] =	ssyncset.done $0x0  }
.Ltmp0:
0x49: {  	p0 =	por $0x1, $0x1;
	[sflag:s11] =	ssyncadd.s32 $0xFFFFD800;
	(pc) =	sbr.rel @!p1 .LBB2_3-.Ltmp0, $4  }
0x4a: {  	s18 =	simm.s32 @!p0 $0x1;
	[bflag:$0x0] =	sbarrier.arrive $0xFFFF  }
0x4b: {  	[spmem:s2] =	stream.indirect.scatter.add.f32 [tilespmem:s13], [sflag:$0x1], $0x1, s16, s12, $0xb8;
	[tilespmem:$0x2D80] =	vst v63  }
0x4c: {  	_ =	swait.ge @!p0 [sflag:s18], $0x80  }
0x4d: {  	s17 =	simm.s32 $0x1;
	[sflag:s18] =	ssyncset.done @!p0 $0x0  }
.LBB2_2:
0x4e: {  	[sflag:s18] =	ssyncadd.s32 @!p0 $0xFFFFFF80  }
0x4f: {  	s16 =	sadd.s32 $0x80, s16;
	s18 =	smov.u32 s17;
	s17 =	sadd.s32 $0x1, s17  }
0x50: {  	p1 =	sne.s32 s4, s17  }
0x51: {  	[spmem:s2] =	stream.indirect.scatter.add.f32 [tilespmem:s13], [sflag:$0x1], $0x1, s16, s12, $0xb8;
	[tilespmem:$0x2D80] =	vst v63  }
.Ltmp1:
0x52: {  	_ = 	snop;
	(pc) =	sbr.rel @p1 .LBB2_2-.Ltmp1, $4  }
0x53: {  	p0 =	slt.u32 s18, $0x8  }
0x54: {  	s18 =	simm.s32 @!p0 $0x1  }
0x55: {  	_ =	swait.ge @!p0 [sflag:s18], $0x80  }
0x56: {  	[sflag:s18] =	ssyncset.done @!p0 $0x0  }
.LBB2_3:
0x57: {  	[sflag:s18] =	ssyncadd.s32 @!p0 $0xFFFFFF80  }
0x58: {  	_ =	swait.ge [sflag:s11], $0x80  }
0x59: {  	[sflag:s11] =	ssyncset.done $0x0  }
0x5a: {  	[sflag:s11] =	ssyncadd.s32 $0xFFFFFF80  }
0x5b: {  	_ =	swait.ge [sflag:s11], $0x80  }
0x5c: {  	[sflag:s11] =	ssyncset.done $0x0  }
0x5d: {  	[sflag:s11] =	ssyncadd.s32 $0xFFFFFF80  }
0x5e: {  	_ =	swait.ge [sflag:s11], $0x80  }
0x5f: {  	[sflag:s11] =	ssyncset.done $0x0  }
0x60: {  	[sflag:s11] =	ssyncadd.s32 $0xFFFFFF80  }
0x61: {  	_ =	swait.ge [sflag:s11], $0x80  }
0x62: {  	[sflag:s11] =	ssyncset.done $0x0  }
0x63: {  	[sflag:s11] =	ssyncadd.s32 $0xFFFFFF80  }
0x64: {  	_ =	swait.ge [sflag:s11], $0x80  }
0x65: {  	[sflag:s11] =	ssyncset.done $0x0  }
0x66: {  	[sflag:s11] =	ssyncadd.s32 $0xFFFFFF80  }
0x67: {  	_ =	swait.ge [sflag:s11], $0x80  }
0x68: {  	[sflag:s11] =	ssyncset.done $0x0  }
0x69: {  	[sflag:s11] =	ssyncadd.s32 $0xFFFFFF80  }
0x6a: {  	_ =	swait.ge [sflag:s11], $0x80  }
0x6b: {  	[sflag:s11] =	ssyncset.done $0x0  }
0x6c: {  	[sflag:s11] =	ssyncadd.s32 $0xFFFFFF80  }
0x6d: {  	_ =	swait.ge [sflag:s11], $0x80  }
0x6e: {  	[sflag:s11] =	ssyncset.done $0x0  }
0x6f: {  	[sflag:s11] =	ssyncadd.s32 $0xFFFFFF80  }
0x70: {  	[bflag:$0x0] =	sbarrier.arrive $0xFFFF  }
0x71: {  	[tilespmem:s9], [sflag:$0x2] =	stream.linear.gather [spmem:s6], $0x280, $0x38;
	[tilespmem:$0x2D80] =	vst v63  }
0x72: {  	s15 =	sadd.s32 $0x1, s15;
	_ =	swait.ge [sflag:s10], $0x280  }
0x73: {  	p0 =	sne.s32 s15, s8;
	[sflag:s10] =	ssyncset.done $0x0  }
.Ltmp2:
0x74: {  	[sflag:s10] =	ssyncadd.s32 $0xFFFFFD80;
	(pc) =	sbr.rel @p0 .LBB2_1-.Ltmp2, $4  }
0x75: {  	[hbm4b:s7+s12] =	stream.strided.scatter [tilespmem:s9], [sflag:$0x2], $0x280, s14, s12, $0x38;
	[tilespmem:$0x2D80] =	vst v63  }
0x76: {  	_ =	swait.ge [sflag:s10], $0x280  }
0x77: {  	[sflag:s10] =	ssyncset.done $0x0  }
0x78: {  	[sflag:s10] =	ssyncadd.s32 $0xFFFFFD80  }
0x79: {  	_ =	sfence.sel $0x180000  }
0x7a: {  	[bflag:$0x0] =	sbarrier.arrive $0xFFFF  }
0x7b: {  	p0 =	sne.s32 s0, $0x0;
	_ =	strace $0x90000047  }
0x7c: {  	s0 =	sadd.s32 @!p0 $0x100000, s1;
	[bflag:$0x2] =	sbarrier.arrive $0xFFFF  }
0x7d: {  	[sflag:s0] =	ssyncadd.tile.s32 @!p0 $0x1;
	_ =	shalt  }
.Lfunc_end2:
_tile_overlayer_lowered:
.L_overlay_start_2:
0x7e: {  	(tag) =	ssettag $0x2  }
0x7f: {  	s0 =	rddreg [dreg:$0x0];
	s2 =	stileid.u32  }
0x80: {  	s1 =	rddreg [dreg:$0x1];
	p0 =	sne.s32 s2, $0x0  }
0x81: {  	s3 =	rddreg [dreg:$0x2];
	[bflag:$0x3] =	sbarrier.arrive $0xFFFF;
	s2 =	simm.s32 @!p0 $0x1C02  }
0x82: {  	[timem:s3], [sflag:s2] =	dma.local @!p0 [hbm:s0], s1  }
0x83: {  	s0 =	simm.s32 @!p0 $0x2  }
0x84: {  	_ =	swait.ge @!p0 [sflag:s0], s1  }
0x85: {  	s1 =	ssub.s32 @!p0 $0x0, s1;
	[sflag:s0] =	ssyncset.done @!p0 $0x0  }
0x86: {  	[sflag:s0] =	ssyncadd.s32 @!p0 s1  }
0x87: {  	[bflag:$0x3] =	sbarrier.arrive $0xFFFF  }
0x88: {  	_ =	shalt  }

</sc_bundles>
